<compile_context>
chip_gen: v7x
topology: tpu7x:2x2x1
jax: 0.10.2.dev20260603
libtpu: 0.0.44.dev20260713+nightly
codegen_flags: <defaults>
</compile_context>

<pallas_src>
import functools

import jax
import jax.numpy as jnp
from jax import lax
from jax.experimental import pallas as pl
from jax.experimental.pallas import tpu as pltpu
from jax.experimental.pallas import tpu_sc as plsc

B = 16384
C = 5
L = 50
D = 64
NITEM = 1000001

NC = 2
NS = 16
NW = NC * NS
BPW = B // NW
CH = 16
NCHUNK = BPW // CH

ICH = 128
NICHUNK = BPW // ICH


def _sc_a_body(cat_flat, text_flat, cat_tab, text_tab,
               cat_out, txt_out,
               cid_v, tid_v, cat_rows, txt_rows, cat_acc, txt_acc, sem):
    wid = lax.axis_index("s") * NC + lax.axis_index("c")

    def chunk_body(c, _):
        base = wid * BPW + c * CH
        pltpu.sync_copy(cat_flat.at[pl.ds(base * C, CH * C)], cid_v)
        pltpu.sync_copy(text_flat.at[pl.ds(base * L, CH * L)], tid_v)
        handles = [
            pltpu.async_copy(cat_tab.at[cid_v], cat_rows, sem),
            pltpu.async_copy(text_tab.at[tid_v], txt_rows, sem),
        ]
        for h in handles:
            h.wait()

        def row_body(i, _):
            for d in range(4):
                sl = pl.ds(16 * d, 16)
                a = txt_rows[i * L, sl]
                for t in range(1, L):
                    a = a + txt_rows[i * L + t, sl]
                txt_acc[i, sl] = a
                b = cat_rows[i * C, sl]
                for t in range(1, C):
                    b = b + cat_rows[i * C + t, sl]
                cat_acc[i, sl] = b
            return 0

        lax.fori_loop(0, CH, row_body, 0)
        pltpu.sync_copy(cat_acc, cat_out.at[pl.ds(base, CH)])
        pltpu.sync_copy(txt_acc, txt_out.at[pl.ds(base, CH)])
        return 0

    lax.fori_loop(0, NCHUNK, chunk_body, 0)


_sc_a = functools.partial(
    pl.kernel,
    out_type=(
        jax.ShapeDtypeStruct((B, D), jnp.float32),
        jax.ShapeDtypeStruct((B, D), jnp.float32),
    ),
    mesh=plsc.VectorSubcoreMesh(core_axis_name="c", subcore_axis_name="s"),
    compiler_params=pltpu.CompilerParams(use_tc_tiling_on_sc=False,
                                         needs_layout_passes=False),
    scratch_types=(
        pltpu.VMEM((CH * C,), jnp.int32),
        pltpu.VMEM((CH * L,), jnp.int32),
        pltpu.VMEM((CH * C, D), jnp.float32),
        pltpu.VMEM((CH * L, D), jnp.float32),
        pltpu.VMEM((CH, D), jnp.float32),
        pltpu.VMEM((CH, D), jnp.float32),
        pltpu.SemaphoreType.DMA,
    ),
)(_sc_a_body)


def _sc_b_body(item_ids, item_t2, item_out, iid_v, rows_v, sem):
    wid = lax.axis_index("s") * NC + lax.axis_index("c")

    def chunk_body(c, _):
        base = wid * BPW + c * ICH
        pltpu.sync_copy(item_ids.at[pl.ds(base, ICH)], iid_v)
        handles = [
            pltpu.async_copy(item_t2.at[d].at[iid_v], rows_v.at[d], sem)
            for d in range(D)
        ]
        for h in handles:
            h.wait()
        pltpu.sync_copy(rows_v, item_out.at[:, pl.ds(base, ICH)])
        return 0

    lax.fori_loop(0, NICHUNK, chunk_body, 0)


_sc_b = functools.partial(
    pl.kernel,
    out_type=jax.ShapeDtypeStruct((D, B), jnp.float32),
    mesh=plsc.VectorSubcoreMesh(core_axis_name="c", subcore_axis_name="s"),
    compiler_params=pltpu.CompilerParams(use_tc_tiling_on_sc=False,
                                         needs_layout_passes=False),
    scratch_types=(
        pltpu.VMEM((ICH,), jnp.int32),
        pltpu.VMEM((D, ICH), jnp.float32),
        pltpu.SemaphoreType.DMA,
    ),
)(_sc_b_body)


def _tc_body(item_et, cat_s, txt_s, cat_ids, text_ids, rating, cat0,
             W1, b1, W2, b2, W3i, W3c, W3r, W3t, b3, W4, b4, out):
    cnt_c = jnp.sum((cat_ids[...] != 0).astype(jnp.float32), axis=1,
                    keepdims=True)
    corr = cat_s[...] - (C - cnt_c) * cat0[...]
    cat_vec = jnp.where(cnt_c > 0.0, corr / (cnt_c + 1e-9), 0.0)
    cnt_t = jnp.sum((text_ids[...] != 0).astype(jnp.float32), axis=1,
                    keepdims=True)
    txt_vec = txt_s[...] / (cnt_t + 1e-9)
    r1 = jnp.maximum(
        jnp.dot(rating[...], W1[...], preferred_element_type=jnp.float32)
        + b1[...], 0.0)
    rate_e = jnp.dot(r1, W2[...], preferred_element_type=jnp.float32) + b2[...]
    acc = lax.dot_general(item_et[...], W3i[...], (((0,), (0,)), ((), ())),
                          preferred_element_type=jnp.float32)
    acc = acc + jnp.dot(cat_vec, W3c[...], preferred_element_type=jnp.float32)
    acc = acc + jnp.dot(rate_e, W3r[...], preferred_element_type=jnp.float32)
    acc = acc + jnp.dot(txt_vec, W3t[...], preferred_element_type=jnp.float32)
    h = jnp.maximum(acc + b3[...], 0.0)
    out[...] = jnp.dot(h, W4[...], preferred_element_type=jnp.float32) + b4[...]


def _tc_mlp(item_et, cat_s, txt_s, cat_ids, text_ids, rating, cat0,
            W1, b1, W2, b2, W3i, W3c, W3r, W3t, b3, W4, b4):
    BB = 2048
    grid = (B // BB,)

    def full(shape):
        return pl.BlockSpec(shape, lambda i: tuple(0 for _ in shape))

    return pl.pallas_call(
        _tc_body,
        grid=grid,
        in_specs=[
            pl.BlockSpec((D, BB), lambda i: (0, i)),
            pl.BlockSpec((BB, D), lambda i: (i, 0)),
            pl.BlockSpec((BB, D), lambda i: (i, 0)),
            pl.BlockSpec((BB, C), lambda i: (i, 0)),
            pl.BlockSpec((BB, L), lambda i: (i, 0)),
            pl.BlockSpec((BB, 2), lambda i: (i, 0)),
            full((1, D)),
            full((2, 16)), full((1, 16)),
            full((16, D)), full((1, D)),
            full((D, 128)), full((D, 128)), full((D, 128)), full((D, 128)),
            full((1, 128)),
            full((128, D)), full((1, D)),
        ],
        out_specs=pl.BlockSpec((BB, D), lambda i: (i, 0)),
        out_shape=jax.ShapeDtypeStruct((B, D), jnp.float32),
    )(item_et, cat_s, txt_s, cat_ids, text_ids, rating, cat0,
      W1, b1, W2, b2, W3i, W3c, W3r, W3t, b3, W4, b4)


def kernel(item_ids, cat_ids, rating_feats, text_ids, item_table, cat_table,
           text_table, W1, b1, W2, b2, W3, b3, W4, b4):
    iid = item_ids.astype(jnp.int32)
    cflat = cat_ids.astype(jnp.int32).reshape(-1)
    tflat = text_ids.astype(jnp.int32).reshape(-1)
    cat_s, txt_s = _sc_a(cflat, tflat, cat_table, text_table)
    item_et = _sc_b(iid, item_table.T)
    return _tc_mlp(
        item_et, cat_s, txt_s, cat_ids.astype(jnp.int32),
        text_ids.astype(jnp.int32), rating_feats, cat_table[0:1],
        W1, b1.reshape(1, -1), W2, b2.reshape(1, -1),
        W3[0:64], W3[64:128], W3[128:192], W3[192:256], b3.reshape(1, -1),
        W4, b4.reshape(1, -1))

# --- scband reference (transcript-rebuilt; emitter-appended) ---
"""Pipeline reference for scband-item-tower-20770461843614 (READ-ONLY COPY).

The authoritative reference and input builder live on the scoring server;
editing this copy changes nothing except your own understanding.
"""

import jax, jax.numpy as jnp
import numpy as np

NUM_ITEMS = 1000000
NUM_CATS = 1000
VOCAB_SIZE = 100000
EMBED_DIM = 64
TEXT_DIM = 64
B = 16384
C = 5
L = 50


def setup_inputs(seed: int = 0) -> dict:
    key = jax.random.key(seed)
    ks = jax.random.split(key, 16)
    item_ids = jax.random.randint(ks[0], (B,), 0, NUM_ITEMS + 1, dtype=jnp.int64 if jax.config.jax_enable_x64 else jnp.int32)
    cat_ids = jax.random.randint(ks[1], (B, C), 0, NUM_CATS + 1)
    rating_feats = jax.random.normal(ks[2], (B, 2), dtype=jnp.float32)
    text_ids = jax.random.randint(ks[3], (B, L), 0, VOCAB_SIZE + 1)
    item_table = jax.random.normal(ks[4], (NUM_ITEMS + 1, EMBED_DIM), dtype=jnp.float32) * 0.02
    cat_table = jax.random.normal(ks[5], (NUM_CATS + 1, EMBED_DIM), dtype=jnp.float32) * 0.02
    text_table = jax.random.normal(ks[6], (VOCAB_SIZE + 1, TEXT_DIM), dtype=jnp.float32) * 0.02
    text_table = text_table.at[0].set(0.0)  # padding_idx=0
    W1 = jax.random.normal(ks[7], (2, 16), dtype=jnp.float32) * (1.0 / np.sqrt(2))
    b1 = jnp.zeros((16,), dtype=jnp.float32)
    W2 = jax.random.normal(ks[8], (16, EMBED_DIM), dtype=jnp.float32) * (1.0 / np.sqrt(16))
    b2 = jnp.zeros((EMBED_DIM,), dtype=jnp.float32)
    in_dim = EMBED_DIM * 3 + TEXT_DIM
    W3 = jax.random.normal(ks[9], (in_dim, 128), dtype=jnp.float32) * (1.0 / np.sqrt(in_dim))
    b3 = jnp.zeros((128,), dtype=jnp.float32)
    W4 = jax.random.normal(ks[10], (128, EMBED_DIM), dtype=jnp.float32) * (1.0 / np.sqrt(128))
    b4 = jnp.zeros((EMBED_DIM,), dtype=jnp.float32)
    return {
        "item_ids": item_ids, "cat_ids": cat_ids, "rating_feats": rating_feats, "text_ids": text_ids,
        "item_table": item_table, "cat_table": cat_table, "text_table": text_table,
        "W1": W1, "b1": b1, "W2": W2, "b2": b2, "W3": W3, "b3": b3, "W4": W4, "b4": b4,
    }


def reference(item_ids, cat_ids, rating_feats, text_ids, item_table, cat_table, text_table,
              W1, b1, W2, b2, W3, b3, W4, b4):
    item_emb = jnp.take(item_table, item_ids, axis=0)            # [B, D]
    cat_emb = jnp.take(cat_table, cat_ids, axis=0)               # [B, C, D]
    cat_mask = (cat_ids != 0).astype(jnp.float32)[..., None]     # [B, C, 1]
    cat_sum = (cat_emb * cat_mask).sum(axis=1)
    cat_len = cat_mask.sum(axis=1) + 1e-09
    cat_vec = cat_sum / cat_len
    rating_emb = jnp.maximum(rating_feats @ W1 + b1, 0.0) @ W2 + b2
    txt_emb = jnp.take(text_table, text_ids, axis=0)             # [B, L, Dt]
    txt_mask = (text_ids != 0).astype(jnp.float32)[..., None]
    txt_sum = (txt_emb * txt_mask).sum(axis=1)
    txt_len = txt_mask.sum(axis=1) + 1e-09
    txt_vec = txt_sum / txt_len
    x = jnp.concatenate([item_emb, cat_vec, rating_emb, txt_vec], axis=-1)
    h = jnp.maximum(x @ W3 + b3, 0.0)
    item_vec = h @ W4 + b4
    return item_vec

if __name__ == "__main__":
    import jax
    _d = setup_inputs()
    print(jax.jit(kernel)(*tuple(_d.values())))

</pallas_src>

<mosaic_0001>
#map = affine_map<(d0, d1) -> (0)>
#map1 = affine_map<(d0, d1) -> (0, 0)>
module attributes {stable_mosaic.version = 14 : i64} {
  func.func @_sc_a_body(%arg0: i32, %arg1: i32, %arg2: memref<81920xi32, #tpu.memory_space<hbm>>, %arg3: memref<819200xi32, #tpu.memory_space<hbm>>, %arg4: memref<1001x64xf32, #tpu.memory_space<hbm>>, %arg5: memref<100001x64xf32, #tpu.memory_space<hbm>>, %arg6: memref<16384x64xf32, #tpu.memory_space<hbm>>, %arg7: memref<16384x64xf32, #tpu.memory_space<hbm>>, %arg8: memref<80xi32, #tpu.memory_space<vmem>>, %arg9: memref<800xi32, #tpu.memory_space<vmem>>, %arg10: memref<80x64xf32, #tpu.memory_space<vmem>>, %arg11: memref<800x64xf32, #tpu.memory_space<vmem>>, %arg12: memref<16x64xf32, #tpu.memory_space<vmem>>, %arg13: memref<16x64xf32, #tpu.memory_space<vmem>>, %arg14: memref<!tpu.dma_semaphore, #tpu.memory_space<semaphore_mem>>) attributes {dimension_semantics = [#tpu.dimension_semantics<core_parallel>, #tpu.dimension_semantics<subcore_parallel>], iteration_bounds = array<i64: 2, 16>, scalar_prefetch = 0 : i64, scratch_operands = 7 : i64, tpu.core_type = #tpu.core_type<sc_vector_subcore>, window_params = [{transform_indices = #map}, {transform_indices = #map}, {transform_indices = #map1}, {transform_indices = #map1}, {transform_indices = #map1}, {transform_indices = #map1}]} {
    %mul3A = arith.constant 2 : i32
    %mul3A_0 = arith.muli %arg1, %mul3A : i32
    %add3A = arith.addi %mul3A_0, %arg0 : i32
    %scan3A = arith.constant 0 : i32
    %scan3A_1 = arith.constant 0 : i32
    %scan3A_2 = arith.constant 32 : i32
    %scan3A_3 = arith.addi %scan3A_1, %scan3A_2 : i32
    %scan3A_4 = arith.constant 1 : i32
    %scan3A_5 = scf.for %scan3A_7 = %scan3A_1 to %scan3A_3 step %scan3A_4 iter_args(%scan3A_8 = %scan3A) -> (i32)  : i32 {
      %mul3A_9 = arith.constant 512 : i32
      %mul3A_10 = arith.muli %add3A, %mul3A_9 : i32
      %mul3A_11 = arith.constant 16 : i32
      %mul3A_12 = arith.muli %scan3A_7, %mul3A_11 : i32
      %add3A_13 = arith.addi %mul3A_10, %mul3A_12 : i32
      %mul3A_14 = arith.constant 5 : i32
      %mul3A_15 = arith.muli %add3A_13, %mul3A_14 : i32
      "tpu.region"() ({
        %run_scoped3A = tpu.sem_alloc : memref<!tpu.dma_semaphore, #tpu.memory_space<semaphore_mem>>
        %dma_start3A_36 = tpu.memref_slice %arg2[%mul3A_15] : memref<81920xi32, #tpu.memory_space<hbm>> -> memref<80xi32, #tpu.memory_space<hbm>>
        %dma_start3A_37 = tpu.memref_slice %arg2[%mul3A_15] : memref<81920xi32, #tpu.memory_space<hbm>> -> memref<80xi32, #tpu.memory_space<hbm>>
        tpu.enqueue_dma source(%dma_start3A_37 : memref<80xi32, #tpu.memory_space<hbm>>) target(%arg8 : memref<80xi32, #tpu.memory_space<vmem>>) target_semaphore(%run_scoped3A : memref<!tpu.dma_semaphore, #tpu.memory_space<semaphore_mem>>)
        %dma_wait3A_38 = tpu.memref_slice %arg2[%mul3A_15] : memref<81920xi32, #tpu.memory_space<hbm>> -> memref<80xi32, #tpu.memory_space<hbm>>
        %dma_wait3A_39 = tpu.memref_slice %arg2[%mul3A_15] : memref<81920xi32, #tpu.memory_space<hbm>> -> memref<80xi32, #tpu.memory_space<hbm>>
        tpu.wait_dma2 semaphore(%run_scoped3A : memref<!tpu.dma_semaphore, #tpu.memory_space<semaphore_mem>>) src(%dma_wait3A_39 : memref<80xi32, #tpu.memory_space<hbm>>) dst(%arg8 : memref<80xi32, #tpu.memory_space<vmem>>)
        tpu.yield
      }) : () -> ()
      %mul3A_16 = arith.constant 50 : i32
      %mul3A_17 = arith.muli %add3A_13, %mul3A_16 : i32
      "tpu.region"() ({
        %run_scoped3A = tpu.sem_alloc : memref<!tpu.dma_semaphore, #tpu.memory_space<semaphore_mem>>
        %dma_start3A_36 = tpu.memref_slice %arg3[%mul3A_17] : memref<819200xi32, #tpu.memory_space<hbm>> -> memref<800xi32, #tpu.memory_space<hbm>>
        %dma_start3A_37 = tpu.memref_slice %arg3[%mul3A_17] : memref<819200xi32, #tpu.memory_space<hbm>> -> memref<800xi32, #tpu.memory_space<hbm>>
        tpu.enqueue_dma source(%dma_start3A_37 : memref<800xi32, #tpu.memory_space<hbm>>) target(%arg9 : memref<800xi32, #tpu.memory_space<vmem>>) target_semaphore(%run_scoped3A : memref<!tpu.dma_semaphore, #tpu.memory_space<semaphore_mem>>)
        %dma_wait3A_38 = tpu.memref_slice %arg3[%mul3A_17] : memref<819200xi32, #tpu.memory_space<hbm>> -> memref<800xi32, #tpu.memory_space<hbm>>
        %dma_wait3A_39 = tpu.memref_slice %arg3[%mul3A_17] : memref<819200xi32, #tpu.memory_space<hbm>> -> memref<800xi32, #tpu.memory_space<hbm>>
        tpu.wait_dma2 semaphore(%run_scoped3A : memref<!tpu.dma_semaphore, #tpu.memory_space<semaphore_mem>>) src(%dma_wait3A_39 : memref<800xi32, #tpu.memory_space<hbm>>) dst(%arg9 : memref<800xi32, #tpu.memory_space<vmem>>)
        tpu.yield
      }) : () -> ()
      %dma_start3A = arith.constant 0 : i32
      %dma_start3A_18 = arith.constant 0 : i32
      %dma_start3A_19 = tpu.memref_slice %arg4[%dma_start3A, %dma_start3A_18] : memref<1001x64xf32, #tpu.memory_space<hbm>> -> memref<1001x64xf32, #tpu.memory_space<hbm>>
      tpu.enqueue_indirect_dma source(%dma_start3A_19 : memref<1001x64xf32, #tpu.memory_space<hbm>>) target(%arg10 : memref<80x64xf32, #tpu.memory_space<vmem>>) offsets(%arg8 : memref<80xi32, #tpu.memory_space<vmem>>) semaphore(%arg14 : memref<!tpu.dma_semaphore, #tpu.memory_space<semaphore_mem>>)
      %dma_start3A_20 = arith.constant 0 : i32
      %dma_start3A_21 = arith.constant 0 : i32
      %dma_start3A_22 = tpu.memref_slice %arg5[%dma_start3A_20, %dma_start3A_21] : memref<100001x64xf32, #tpu.memory_space<hbm>> -> memref<100001x64xf32, #tpu.memory_space<hbm>>
      tpu.enqueue_indirect_dma source(%dma_start3A_22 : memref<100001x64xf32, #tpu.memory_space<hbm>>) target(%arg11 : memref<800x64xf32, #tpu.memory_space<vmem>>) offsets(%arg9 : memref<800xi32, #tpu.memory_space<vmem>>) semaphore(%arg14 : memref<!tpu.dma_semaphore, #tpu.memory_space<semaphore_mem>>)
      %dma_wait3A = arith.constant 0 : i32
      %dma_wait3A_23 = arith.constant 0 : i32
      %dma_wait3A_24 = tpu.memref_slice %arg4[%dma_wait3A, %dma_wait3A_23] : memref<1001x64xf32, #tpu.memory_space<hbm>> -> memref<1001x64xf32, #tpu.memory_space<hbm>>
      tpu.wait_indirect_dma semaphore(%arg14 : memref<!tpu.dma_semaphore, #tpu.memory_space<semaphore_mem>>) src(%dma_wait3A_24 : memref<1001x64xf32, #tpu.memory_space<hbm>>) dst(%arg10 : memref<80x64xf32, #tpu.memory_space<vmem>>)
      %dma_wait3A_25 = arith.constant 0 : i32
      %dma_wait3A_26 = arith.constant 0 : i32
      %dma_wait3A_27 = tpu.memref_slice %arg5[%dma_wait3A_25, %dma_wait3A_26] : memref<100001x64xf32, #tpu.memory_space<hbm>> -> memref<100001x64xf32, #tpu.memory_space<hbm>>
      tpu.wait_indirect_dma semaphore(%arg14 : memref<!tpu.dma_semaphore, #tpu.memory_space<semaphore_mem>>) src(%dma_wait3A_27 : memref<100001x64xf32, #tpu.memory_space<hbm>>) dst(%arg11 : memref<800x64xf32, #tpu.memory_space<vmem>>)
      %scan3A_28 = arith.constant 0 : i32
      %scan3A_29 = arith.constant 0 : i32
      %scan3A_30 = arith.constant 16 : i32
      %scan3A_31 = arith.addi %scan3A_29, %scan3A_30 : i32
      %scan3A_32 = arith.constant 1 : i32
      %scan3A_33 = scf.for %scan3A_36 = %scan3A_29 to %scan3A_31 step %scan3A_32 iter_args(%scan3A_37 = %scan3A_28) -> (i32)  : i32 {
        %mul3A_38 = arith.constant 50 : i32
        %mul3A_39 = arith.muli %scan3A_36, %mul3A_38 : i32
        %get3A = arith.index_cast %mul3A_39 : i32 to index
        %get3A_40 = arith.constant 0 : index
        %get3A_41 = tpu.vector_load %arg11[%get3A, %get3A_40] {strides = array<i32>} : memref<800x64xf32, #tpu.memory_space<vmem>>, vector<16xf32>,
        %mul3A_42 = arith.constant 50 : i32
        %mul3A_43 = arith.muli %scan3A_36, %mul3A_42 : i32
        %add3A_44 = arith.constant 1 : i32
        %add3A_45 = arith.addi %mul3A_43, %add3A_44 : i32
        %get3A_46 = arith.index_cast %add3A_45 : i32 to index
        %get3A_47 = arith.constant 0 : index
        %get3A_48 = tpu.vector_load %arg11[%get3A_46, %get3A_47] {strides = array<i32>} : memref<800x64xf32, #tpu.memory_space<vmem>>, vector<16xf32>,
        %add3A_49 = arith.addf %get3A_41, %get3A_48 : vector<16xf32>
        %mul3A_50 = arith.constant 50 : i32
        %mul3A_51 = arith.muli %scan3A_36, %mul3A_50 : i32
        %add3A_52 = arith.constant 2 : i32
        %add3A_53 = arith.addi %mul3A_51, %add3A_52 : i32
        %get3A_54 = arith.index_cast %add3A_53 : i32 to index
        %get3A_55 = arith.constant 0 : index
        %get3A_56 = tpu.vector_load %arg11[%get3A_54, %get3A_55] {strides = array<i32>} : memref<800x64xf32, #tpu.memory_space<vmem>>, vector<16xf32>,
        %add3A_57 = arith.addf %add3A_49, %get3A_56 : vector<16xf32>
        %mul3A_58 = arith.constant 50 : i32
        %mul3A_59 = arith.muli %scan3A_36, %mul3A_58 : i32
        %add3A_60 = arith.constant 3 : i32
        %add3A_61 = arith.addi %mul3A_59, %add3A_60 : i32
        %get3A_62 = arith.index_cast %add3A_61 : i32 to index
        %get3A_63 = arith.constant 0 : index
        %get3A_64 = tpu.vector_load %arg11[%get3A_62, %get3A_63] {strides = array<i32>} : memref<800x64xf32, #tpu.memory_space<vmem>>, vector<16xf32>,
        %add3A_65 = arith.addf %add3A_57, %get3A_64 : vector<16xf32>
        %mul3A_66 = arith.constant 50 : i32
        %mul3A_67 = arith.muli %scan3A_36, %mul3A_66 : i32
        %add3A_68 = arith.constant 4 : i32
        %add3A_69 = arith.addi %mul3A_67, %add3A_68 : i32
        %get3A_70 = arith.index_cast %add3A_69 : i32 to index
        %get3A_71 = arith.constant 0 : index
        %get3A_72 = tpu.vector_load %arg11[%get3A_70, %get3A_71] {strides = array<i32>} : memref<800x64xf32, #tpu.memory_space<vmem>>, vector<16xf32>,
        %add3A_73 = arith.addf %add3A_65, %get3A_72 : vector<16xf32>
        %mul3A_74 = arith.constant 50 : i32
        %mul3A_75 = arith.muli %scan3A_36, %mul3A_74 : i32
        %add3A_76 = arith.constant 5 : i32
        %add3A_77 = arith.addi %mul3A_75, %add3A_76 : i32
        %get3A_78 = arith.index_cast %add3A_77 : i32 to index
        %get3A_79 = arith.constant 0 : index
        %get3A_80 = tpu.vector_load %arg11[%get3A_78, %get3A_79] {strides = array<i32>} : memref<800x64xf32, #tpu.memory_space<vmem>>, vector<16xf32>,
        %add3A_81 = arith.addf %add3A_73, %get3A_80 : vector<16xf32>
        %mul3A_82 = arith.constant 50 : i32
        %mul3A_83 = arith.muli %scan3A_36, %mul3A_82 : i32
        %add3A_84 = arith.constant 6 : i32
        %add3A_85 = arith.addi %mul3A_83, %add3A_84 : i32
        %get3A_86 = arith.index_cast %add3A_85 : i32 to index
        %get3A_87 = arith.constant 0 : index
        %get3A_88 = tpu.vector_load %arg11[%get3A_86, %get3A_87] {strides = array<i32>} : memref<800x64xf32, #tpu.memory_space<vmem>>, vector<16xf32>,
        %add3A_89 = arith.addf %add3A_81, %get3A_88 : vector<16xf32>
        %mul3A_90 = arith.constant 50 : i32
        %mul3A_91 = arith.muli %scan3A_36, %mul3A_90 : i32
        %add3A_92 = arith.constant 7 : i32
        %add3A_93 = arith.addi %mul3A_91, %add3A_92 : i32
        %get3A_94 = arith.index_cast %add3A_93 : i32 to index
        %get3A_95 = arith.constant 0 : index
        %get3A_96 = tpu.vector_load %arg11[%get3A_94, %get3A_95] {strides = array<i32>} : memref<800x64xf32, #tpu.memory_space<vmem>>, vector<16xf32>,
        %add3A_97 = arith.addf %add3A_89, %get3A_96 : vector<16xf32>
        %mul3A_98 = arith.constant 50 : i32
        %mul3A_99 = arith.muli %scan3A_36, %mul3A_98 : i32
        %add3A_100 = arith.constant 8 : i32
        %add3A_101 = arith.addi %mul3A_99, %add3A_100 : i32
        %get3A_102 = arith.index_cast %add3A_101 : i32 to index
        %get3A_103 = arith.constant 0 : index
        %get3A_104 = tpu.vector_load %arg11[%get3A_102, %get3A_103] {strides = array<i32>} : memref<800x64xf32, #tpu.memory_space<vmem>>, vector<16xf32>,
        %add3A_105 = arith.addf %add3A_97, %get3A_104 : vector<16xf32>
        %mul3A_106 = arith.constant 50 : i32
        %mul3A_107 = arith.muli %scan3A_36, %mul3A_106 : i32
        %add3A_108 = arith.constant 9 : i32
        %add3A_109 = arith.addi %mul3A_107, %add3A_108 : i32
        %get3A_110 = arith.index_cast %add3A_109 : i32 to index
        %get3A_111 = arith.constant 0 : index
        %get3A_112 = tpu.vector_load %arg11[%get3A_110, %get3A_111] {strides = array<i32>} : memref<800x64xf32, #tpu.memory_space<vmem>>, vector<16xf32>,
        %add3A_113 = arith.addf %add3A_105, %get3A_112 : vector<16xf32>
        %mul3A_114 = arith.constant 50 : i32
        %mul3A_115 = arith.muli %scan3A_36, %mul3A_114 : i32
        %add3A_116 = arith.constant 10 : i32
        %add3A_117 = arith.addi %mul3A_115, %add3A_116 : i32
        %get3A_118 = arith.index_cast %add3A_117 : i32 to index
        %get3A_119 = arith.constant 0 : index
        %get3A_120 = tpu.vector_load %arg11[%get3A_118, %get3A_119] {strides = array<i32>} : memref<800x64xf32, #tpu.memory_space<vmem>>, vector<16xf32>,
        %add3A_121 = arith.addf %add3A_113, %get3A_120 : vector<16xf32>
        %mul3A_122 = arith.constant 50 : i32
        %mul3A_123 = arith.muli %scan3A_36, %mul3A_122 : i32
        %add3A_124 = arith.constant 11 : i32
        %add3A_125 = arith.addi %mul3A_123, %add3A_124 : i32
        %get3A_126 = arith.index_cast %add3A_125 : i32 to index
        %get3A_127 = arith.constant 0 : index
        %get3A_128 = tpu.vector_load %arg11[%get3A_126, %get3A_127] {strides = array<i32>} : memref<800x64xf32, #tpu.memory_space<vmem>>, vector<16xf32>,
        %add3A_129 = arith.addf %add3A_121, %get3A_128 : vector<16xf32>
        %mul3A_130 = arith.constant 50 : i32
        %mul3A_131 = arith.muli %scan3A_36, %mul3A_130 : i32
        %add3A_132 = arith.constant 12 : i32
        %add3A_133 = arith.addi %mul3A_131, %add3A_132 : i32
        %get3A_134 = arith.index_cast %add3A_133 : i32 to index
        %get3A_135 = arith.constant 0 : index
        %get3A_136 = tpu.vector_load %arg11[%get3A_134, %get3A_135] {strides = array<i32>} : memref<800x64xf32, #tpu.memory_space<vmem>>, vector<16xf32>,
        %add3A_137 = arith.addf %add3A_129, %get3A_136 : vector<16xf32>
        %mul3A_138 = arith.constant 50 : i32
        %mul3A_139 = arith.muli %scan3A_36, %mul3A_138 : i32
        %add3A_140 = arith.constant 13 : i32
        %add3A_141 = arith.addi %mul3A_139, %add3A_140 : i32
        %get3A_142 = arith.index_cast %add3A_141 : i32 to index
        %get3A_143 = arith.constant 0 : index
        %get3A_144 = tpu.vector_load %arg11[%get3A_142, %get3A_143] {strides = array<i32>} : memref<800x64xf32, #tpu.memory_space<vmem>>, vector<16xf32>,
        %add3A_145 = arith.addf %add3A_137, %get3A_144 : vector<16xf32>
        %mul3A_146 = arith.constant 50 : i32
        %mul3A_147 = arith.muli %scan3A_36, %mul3A_146 : i32
        %add3A_148 = arith.constant 14 : i32
        %add3A_149 = arith.addi %mul3A_147, %add3A_148 : i32
        %get3A_150 = arith.index_cast %add3A_149 : i32 to index
        %get3A_151 = arith.constant 0 : index
        %get3A_152 = tpu.vector_load %arg11[%get3A_150, %get3A_151] {strides = array<i32>} : memref<800x64xf32, #tpu.memory_space<vmem>>, vector<16xf32>,
        %add3A_153 = arith.addf %add3A_145, %get3A_152 : vector<16xf32>
        %mul3A_154 = arith.constant 50 : i32
        %mul3A_155 = arith.muli %scan3A_36, %mul3A_154 : i32
        %add3A_156 = arith.constant 15 : i32
        %add3A_157 = arith.addi %mul3A_155, %add3A_156 : i32
        %get3A_158 = arith.index_cast %add3A_157 : i32 to index
        %get3A_159 = arith.constant 0 : index
        %get3A_160 = tpu.vector_load %arg11[%get3A_158, %get3A_159] {strides = array<i32>} : memref<800x64xf32, #tpu.memory_space<vmem>>, vector<16xf32>,
        %add3A_161 = arith.addf %add3A_153, %get3A_160 : vector<16xf32>
        %mul3A_162 = arith.constant 50 : i32
        %mul3A_163 = arith.muli %scan3A_36, %mul3A_162 : i32
        %add3A_164 = arith.constant 16 : i32
        %add3A_165 = arith.addi %mul3A_163, %add3A_164 : i32
        %get3A_166 = arith.index_cast %add3A_165 : i32 to index
        %get3A_167 = arith.constant 0 : index
        %get3A_168 = tpu.vector_load %arg11[%get3A_166, %get3A_167] {strides = array<i32>} : memref<800x64xf32, #tpu.memory_space<vmem>>, vector<16xf32>,
        %add3A_169 = arith.addf %add3A_161, %get3A_168 : vector<16xf32>
        %mul3A_170 = arith.constant 50 : i32
        %mul3A_171 = arith.muli %scan3A_36, %mul3A_170 : i32
        %add3A_172 = arith.constant 17 : i32
        %add3A_173 = arith.addi %mul3A_171, %add3A_172 : i32
        %get3A_174 = arith.index_cast %add3A_173 : i32 to index
        %get3A_175 = arith.constant 0 : index
        %get3A_176 = tpu.vector_load %arg11[%get3A_174, %get3A_175] {strides = array<i32>} : memref<800x64xf32, #tpu.memory_space<vmem>>, vector<16xf32>,
        %add3A_177 = arith.addf %add3A_169, %get3A_176 : vector<16xf32>
        %mul3A_178 = arith.constant 50 : i32
        %mul3A_179 = arith.muli %scan3A_36, %mul3A_178 : i32
        %add3A_180 = arith.constant 18 : i32
        %add3A_181 = arith.addi %mul3A_179, %add3A_180 : i32
        %get3A_182 = arith.index_cast %add3A_181 : i32 to index
        %get3A_183 = arith.constant 0 : index
        %get3A_184 = tpu.vector_load %arg11[%get3A_182, %get3A_183] {strides = array<i32>} : memref<800x64xf32, #tpu.memory_space<vmem>>, vector<16xf32>,
        %add3A_185 = arith.addf %add3A_177, %get3A_184 : vector<16xf32>
        %mul3A_186 = arith.constant 50 : i32
        %mul3A_187 = arith.muli %scan3A_36, %mul3A_186 : i32
        %add3A_188 = arith.constant 19 : i32
        %add3A_189 = arith.addi %mul3A_187, %add3A_188 : i32
        %get3A_190 = arith.index_cast %add3A_189 : i32 to index
        %get3A_191 = arith.constant 0 : index
        %get3A_192 = tpu.vector_load %arg11[%get3A_190, %get3A_191] {strides = array<i32>} : memref<800x64xf32, #tpu.memory_space<vmem>>, vector<16xf32>,
        %add3A_193 = arith.addf %add3A_185, %get3A_192 : vector<16xf32>
        %mul3A_194 = arith.constant 50 : i32
        %mul3A_195 = arith.muli %scan3A_36, %mul3A_194 : i32
        %add3A_196 = arith.constant 20 : i32
        %add3A_197 = arith.addi %mul3A_195, %add3A_196 : i32
        %get3A_198 = arith.index_cast %add3A_197 : i32 to index
        %get3A_199 = arith.constant 0 : index
        %get3A_200 = tpu.vector_load %arg11[%get3A_198, %get3A_199] {strides = array<i32>} : memref<800x64xf32, #tpu.memory_space<vmem>>, vector<16xf32>,
        %add3A_201 = arith.addf %add3A_193, %get3A_200 : vector<16xf32>
        %mul3A_202 = arith.constant 50 : i32
        %mul3A_203 = arith.muli %scan3A_36, %mul3A_202 : i32
        %add3A_204 = arith.constant 21 : i32
        %add3A_205 = arith.addi %mul3A_203, %add3A_204 : i32
        %get3A_206 = arith.index_cast %add3A_205 : i32 to index
        %get3A_207 = arith.constant 0 : index
        %get3A_208 = tpu.vector_load %arg11[%get3A_206, %get3A_207] {strides = array<i32>} : memref<800x64xf32, #tpu.memory_space<vmem>>, vector<16xf32>,
        %add3A_209 = arith.addf %add3A_201, %get3A_208 : vector<16xf32>
        %mul3A_210 = arith.constant 50 : i32
        %mul3A_211 = arith.muli %scan3A_36, %mul3A_210 : i32
        %add3A_212 = arith.constant 22 : i32
        %add3A_213 = arith.addi %mul3A_211, %add3A_212 : i32
        %get3A_214 = arith.index_cast %add3A_213 : i32 to index
        %get3A_215 = arith.constant 0 : index
        %get3A_216 = tpu.vector_load %arg11[%get3A_214, %get3A_215] {strides = array<i32>} : memref<800x64xf32, #tpu.memory_space<vmem>>, vector<16xf32>,
        %add3A_217 = arith.addf %add3A_209, %get3A_216 : vector<16xf32>
        %mul3A_218 = arith.constant 50 : i32
        %mul3A_219 = arith.muli %scan3A_36, %mul3A_218 : i32
        %add3A_220 = arith.constant 23 : i32
        %add3A_221 = arith.addi %mul3A_219, %add3A_220 : i32
        %get3A_222 = arith.index_cast %add3A_221 : i32 to index
        %get3A_223 = arith.constant 0 : index
        %get3A_224 = tpu.vector_load %arg11[%get3A_222, %get3A_223] {strides = array<i32>} : memref<800x64xf32, #tpu.memory_space<vmem>>, vector<16xf32>,
        %add3A_225 = arith.addf %add3A_217, %get3A_224 : vector<16xf32>
        %mul3A_226 = arith.constant 50 : i32
        %mul3A_227 = arith.muli %scan3A_36, %mul3A_226 : i32
        %add3A_228 = arith.constant 24 : i32
        %add3A_229 = arith.addi %mul3A_227, %add3A_228 : i32
        %get3A_230 = arith.index_cast %add3A_229 : i32 to index
        %get3A_231 = arith.constant 0 : index
        %get3A_232 = tpu.vector_load %arg11[%get3A_230, %get3A_231] {strides = array<i32>} : memref<800x64xf32, #tpu.memory_space<vmem>>, vector<16xf32>,
        %add3A_233 = arith.addf %add3A_225, %get3A_232 : vector<16xf32>
        %mul3A_234 = arith.constant 50 : i32
        %mul3A_235 = arith.muli %scan3A_36, %mul3A_234 : i32
        %add3A_236 = arith.constant 25 : i32
        %add3A_237 = arith.addi %mul3A_235, %add3A_236 : i32
        %get3A_238 = arith.index_cast %add3A_237 : i32 to index
        %get3A_239 = arith.constant 0 : index
        %get3A_240 = tpu.vector_load %arg11[%get3A_238, %get3A_239] {strides = array<i32>} : memref<800x64xf32, #tpu.memory_space<vmem>>, vector<16xf32>,
        %add3A_241 = arith.addf %add3A_233, %get3A_240 : vector<16xf32>
        %mul3A_242 = arith.constant 50 : i32
        %mul3A_243 = arith.muli %scan3A_36, %mul3A_242 : i32
        %add3A_244 = arith.constant 26 : i32
        %add3A_245 = arith.addi %mul3A_243, %add3A_244 : i32
        %get3A_246 = arith.index_cast %add3A_245 : i32 to index
        %get3A_247 = arith.constant 0 : index
        %get3A_248 = tpu.vector_load %arg11[%get3A_246, %get3A_247] {strides = array<i32>} : memref<800x64xf32, #tpu.memory_space<vmem>>, vector<16xf32>,
        %add3A_249 = arith.addf %add3A_241, %get3A_248 : vector<16xf32>
        %mul3A_250 = arith.constant 50 : i32
        %mul3A_251 = arith.muli %scan3A_36, %mul3A_250 : i32
        %add3A_252 = arith.constant 27 : i32
        %add3A_253 = arith.addi %mul3A_251, %add3A_252 : i32
        %get3A_254 = arith.index_cast %add3A_253 : i32 to index
        %get3A_255 = arith.constant 0 : index
        %get3A_256 = tpu.vector_load %arg11[%get3A_254, %get3A_255] {strides = array<i32>} : memref<800x64xf32, #tpu.memory_space<vmem>>, vector<16xf32>,
        %add3A_257 = arith.addf %add3A_249, %get3A_256 : vector<16xf32>
        %mul3A_258 = arith.constant 50 : i32
        %mul3A_259 = arith.muli %scan3A_36, %mul3A_258 : i32
        %add3A_260 = arith.constant 28 : i32
        %add3A_261 = arith.addi %mul3A_259, %add3A_260 : i32
        %get3A_262 = arith.index_cast %add3A_261 : i32 to index
        %get3A_263 = arith.constant 0 : index
        %get3A_264 = tpu.vector_load %arg11[%get3A_262, %get3A_263] {strides = array<i32>} : memref<800x64xf32, #tpu.memory_space<vmem>>, vector<16xf32>,
        %add3A_265 = arith.addf %add3A_257, %get3A_264 : vector<16xf32>
        %mul3A_266 = arith.constant 50 : i32
        %mul3A_267 = arith.muli %scan3A_36, %mul3A_266 : i32
        %add3A_268 = arith.constant 29 : i32
        %add3A_269 = arith.addi %mul3A_267, %add3A_268 : i32
        %get3A_270 = arith.index_cast %add3A_269 : i32 to index
        %get3A_271 = arith.constant 0 : index
        %get3A_272 = tpu.vector_load %arg11[%get3A_270, %get3A_271] {strides = array<i32>} : memref<800x64xf32, #tpu.memory_space<vmem>>, vector<16xf32>,
        %add3A_273 = arith.addf %add3A_265, %get3A_272 : vector<16xf32>
        %mul3A_274 = arith.constant 50 : i32
        %mul3A_275 = arith.muli %scan3A_36, %mul3A_274 : i32
        %add3A_276 = arith.constant 30 : i32
        %add3A_277 = arith.addi %mul3A_275, %add3A_276 : i32
        %get3A_278 = arith.index_cast %add3A_277 : i32 to index
        %get3A_279 = arith.constant 0 : index
        %get3A_280 = tpu.vector_load %arg11[%get3A_278, %get3A_279] {strides = array<i32>} : memref<800x64xf32, #tpu.memory_space<vmem>>, vector<16xf32>,
        %add3A_281 = arith.addf %add3A_273, %get3A_280 : vector<16xf32>
        %mul3A_282 = arith.constant 50 : i32
        %mul3A_283 = arith.muli %scan3A_36, %mul3A_282 : i32
        %add3A_284 = arith.constant 31 : i32
        %add3A_285 = arith.addi %mul3A_283, %add3A_284 : i32
        %get3A_286 = arith.index_cast %add3A_285 : i32 to index
        %get3A_287 = arith.constant 0 : index
        %get3A_288 = tpu.vector_load %arg11[%get3A_286, %get3A_287] {strides = array<i32>} : memref<800x64xf32, #tpu.memory_space<vmem>>, vector<16xf32>,
        %add3A_289 = arith.addf %add3A_281, %get3A_288 : vector<16xf32>
        %mul3A_290 = arith.constant 50 : i32
        %mul3A_291 = arith.muli %scan3A_36, %mul3A_290 : i32
        %add3A_292 = arith.constant 32 : i32
        %add3A_293 = arith.addi %mul3A_291, %add3A_292 : i32
        %get3A_294 = arith.index_cast %add3A_293 : i32 to index
        %get3A_295 = arith.constant 0 : index
        %get3A_296 = tpu.vector_load %arg11[%get3A_294, %get3A_295] {strides = array<i32>} : memref<800x64xf32, #tpu.memory_space<vmem>>, vector<16xf32>,
        %add3A_297 = arith.addf %add3A_289, %get3A_296 : vector<16xf32>
        %mul3A_298 = arith.constant 50 : i32
        %mul3A_299 = arith.muli %scan3A_36, %mul3A_298 : i32
        %add3A_300 = arith.constant 33 : i32
        %add3A_301 = arith.addi %mul3A_299, %add3A_300 : i32
        %get3A_302 = arith.index_cast %add3A_301 : i32 to index
        %get3A_303 = arith.constant 0 : index
        %get3A_304 = tpu.vector_load %arg11[%get3A_302, %get3A_303] {strides = array<i32>} : memref<800x64xf32, #tpu.memory_space<vmem>>, vector<16xf32>,
        %add3A_305 = arith.addf %add3A_297, %get3A_304 : vector<16xf32>
        %mul3A_306 = arith.constant 50 : i32
        %mul3A_307 = arith.muli %scan3A_36, %mul3A_306 : i32
        %add3A_308 = arith.constant 34 : i32
        %add3A_309 = arith.addi %mul3A_307, %add3A_308 : i32
        %get3A_310 = arith.index_cast %add3A_309 : i32 to index
        %get3A_311 = arith.constant 0 : index
        %get3A_312 = tpu.vector_load %arg11[%get3A_310, %get3A_311] {strides = array<i32>} : memref<800x64xf32, #tpu.memory_space<vmem>>, vector<16xf32>,
        %add3A_313 = arith.addf %add3A_305, %get3A_312 : vector<16xf32>
        %mul3A_314 = arith.constant 50 : i32
        %mul3A_315 = arith.muli %scan3A_36, %mul3A_314 : i32
        %add3A_316 = arith.constant 35 : i32
        %add3A_317 = arith.addi %mul3A_315, %add3A_316 : i32
        %get3A_318 = arith.index_cast %add3A_317 : i32 to index
        %get3A_319 = arith.constant 0 : index
        %get3A_320 = tpu.vector_load %arg11[%get3A_318, %get3A_319] {strides = array<i32>} : memref<800x64xf32, #tpu.memory_space<vmem>>, vector<16xf32>,
        %add3A_321 = arith.addf %add3A_313, %get3A_320 : vector<16xf32>
        %mul3A_322 = arith.constant 50 : i32
        %mul3A_323 = arith.muli %scan3A_36, %mul3A_322 : i32
        %add3A_324 = arith.constant 36 : i32
        %add3A_325 = arith.addi %mul3A_323, %add3A_324 : i32
        %get3A_326 = arith.index_cast %add3A_325 : i32 to index
        %get3A_327 = arith.constant 0 : index
        %get3A_328 = tpu.vector_load %arg11[%get3A_326, %get3A_327] {strides = array<i32>} : memref<800x64xf32, #tpu.memory_space<vmem>>, vector<16xf32>,
        %add3A_329 = arith.addf %add3A_321, %get3A_328 : vector<16xf32>
        %mul3A_330 = arith.constant 50 : i32
        %mul3A_331 = arith.muli %scan3A_36, %mul3A_330 : i32
        %add3A_332 = arith.constant 37 : i32
        %add3A_333 = arith.addi %mul3A_331, %add3A_332 : i32
        %get3A_334 = arith.index_cast %add3A_333 : i32 to index
        %get3A_335 = arith.constant 0 : index
        %get3A_336 = tpu.vector_load %arg11[%get3A_334, %get3A_335] {strides = array<i32>} : memref<800x64xf32, #tpu.memory_space<vmem>>, vector<16xf32>,
        %add3A_337 = arith.addf %add3A_329, %get3A_336 : vector<16xf32>
        %mul3A_338 = arith.constant 50 : i32
        %mul3A_339 = arith.muli %scan3A_36, %mul3A_338 : i32
        %add3A_340 = arith.constant 38 : i32
        %add3A_341 = arith.addi %mul3A_339, %add3A_340 : i32
        %get3A_342 = arith.index_cast %add3A_341 : i32 to index
        %get3A_343 = arith.constant 0 : index
        %get3A_344 = tpu.vector_load %arg11[%get3A_342, %get3A_343] {strides = array<i32>} : memref<800x64xf32, #tpu.memory_space<vmem>>, vector<16xf32>,
        %add3A_345 = arith.addf %add3A_337, %get3A_344 : vector<16xf32>
        %mul3A_346 = arith.constant 50 : i32
        %mul3A_347 = arith.muli %scan3A_36, %mul3A_346 : i32
        %add3A_348 = arith.constant 39 : i32
        %add3A_349 = arith.addi %mul3A_347, %add3A_348 : i32
        %get3A_350 = arith.index_cast %add3A_349 : i32 to index
        %get3A_351 = arith.constant 0 : index
        %get3A_352 = tpu.vector_load %arg11[%get3A_350, %get3A_351] {strides = array<i32>} : memref<800x64xf32, #tpu.memory_space<vmem>>, vector<16xf32>,
        %add3A_353 = arith.addf %add3A_345, %get3A_352 : vector<16xf32>
        %mul3A_354 = arith.constant 50 : i32
        %mul3A_355 = arith.muli %scan3A_36, %mul3A_354 : i32
        %add3A_356 = arith.constant 40 : i32
        %add3A_357 = arith.addi %mul3A_355, %add3A_356 : i32
        %get3A_358 = arith.index_cast %add3A_357 : i32 to index
        %get3A_359 = arith.constant 0 : index
        %get3A_360 = tpu.vector_load %arg11[%get3A_358, %get3A_359] {strides = array<i32>} : memref<800x64xf32, #tpu.memory_space<vmem>>, vector<16xf32>,
        %add3A_361 = arith.addf %add3A_353, %get3A_360 : vector<16xf32>
        %mul3A_362 = arith.constant 50 : i32
        %mul3A_363 = arith.muli %scan3A_36, %mul3A_362 : i32
        %add3A_364 = arith.constant 41 : i32
        %add3A_365 = arith.addi %mul3A_363, %add3A_364 : i32
        %get3A_366 = arith.index_cast %add3A_365 : i32 to index
        %get3A_367 = arith.constant 0 : index
        %get3A_368 = tpu.vector_load %arg11[%get3A_366, %get3A_367] {strides = array<i32>} : memref<800x64xf32, #tpu.memory_space<vmem>>, vector<16xf32>,
        %add3A_369 = arith.addf %add3A_361, %get3A_368 : vector<16xf32>
        %mul3A_370 = arith.constant 50 : i32
        %mul3A_371 = arith.muli %scan3A_36, %mul3A_370 : i32
        %add3A_372 = arith.constant 42 : i32
        %add3A_373 = arith.addi %mul3A_371, %add3A_372 : i32
        %get3A_374 = arith.index_cast %add3A_373 : i32 to index
        %get3A_375 = arith.constant 0 : index
        %get3A_376 = tpu.vector_load %arg11[%get3A_374, %get3A_375] {strides = array<i32>} : memref<800x64xf32, #tpu.memory_space<vmem>>, vector<16xf32>,
        %add3A_377 = arith.addf %add3A_369, %get3A_376 : vector<16xf32>
        %mul3A_378 = arith.constant 50 : i32
        %mul3A_379 = arith.muli %scan3A_36, %mul3A_378 : i32
        %add3A_380 = arith.constant 43 : i32
        %add3A_381 = arith.addi %mul3A_379, %add3A_380 : i32
        %get3A_382 = arith.index_cast %add3A_381 : i32 to index
        %get3A_383 = arith.constant 0 : index
        %get3A_384 = tpu.vector_load %arg11[%get3A_382, %get3A_383] {strides = array<i32>} : memref<800x64xf32, #tpu.memory_space<vmem>>, vector<16xf32>,
        %add3A_385 = arith.addf %add3A_377, %get3A_384 : vector<16xf32>
        %mul3A_386 = arith.constant 50 : i32
        %mul3A_387 = arith.muli %scan3A_36, %mul3A_386 : i32
        %add3A_388 = arith.constant 44 : i32
        %add3A_389 = arith.addi %mul3A_387, %add3A_388 : i32
        %get3A_390 = arith.index_cast %add3A_389 : i32 to index
        %get3A_391 = arith.constant 0 : index
        %get3A_392 = tpu.vector_load %arg11[%get3A_390, %get3A_391] {strides = array<i32>} : memref<800x64xf32, #tpu.memory_space<vmem>>, vector<16xf32>,
        %add3A_393 = arith.addf %add3A_385, %get3A_392 : vector<16xf32>
        %mul3A_394 = arith.constant 50 : i32
        %mul3A_395 = arith.muli %scan3A_36, %mul3A_394 : i32
        %add3A_396 = arith.constant 45 : i32
        %add3A_397 = arith.addi %mul3A_395, %add3A_396 : i32
        %get3A_398 = arith.index_cast %add3A_397 : i32 to index
        %get3A_399 = arith.constant 0 : index
        %get3A_400 = tpu.vector_load %arg11[%get3A_398, %get3A_399] {strides = array<i32>} : memref<800x64xf32, #tpu.memory_space<vmem>>, vector<16xf32>,
        %add3A_401 = arith.addf %add3A_393, %get3A_400 : vector<16xf32>
        %mul3A_402 = arith.constant 50 : i32
        %mul3A_403 = arith.muli %scan3A_36, %mul3A_402 : i32
        %add3A_404 = arith.constant 46 : i32
        %add3A_405 = arith.addi %mul3A_403, %add3A_404 : i32
        %get3A_406 = arith.index_cast %add3A_405 : i32 to index
        %get3A_407 = arith.constant 0 : index
        %get3A_408 = tpu.vector_load %arg11[%get3A_406, %get3A_407] {strides = array<i32>} : memref<800x64xf32, #tpu.memory_space<vmem>>, vector<16xf32>,
        %add3A_409 = arith.addf %add3A_401, %get3A_408 : vector<16xf32>
        %mul3A_410 = arith.constant 50 : i32
        %mul3A_411 = arith.muli %scan3A_36, %mul3A_410 : i32
        %add3A_412 = arith.constant 47 : i32
        %add3A_413 = arith.addi %mul3A_411, %add3A_412 : i32
        %get3A_414 = arith.index_cast %add3A_413 : i32 to index
        %get3A_415 = arith.constant 0 : index
        %get3A_416 = tpu.vector_load %arg11[%get3A_414, %get3A_415] {strides = array<i32>} : memref<800x64xf32, #tpu.memory_space<vmem>>, vector<16xf32>,
        %add3A_417 = arith.addf %add3A_409, %get3A_416 : vector<16xf32>
        %mul3A_418 = arith.constant 50 : i32
        %mul3A_419 = arith.muli %scan3A_36, %mul3A_418 : i32
        %add3A_420 = arith.constant 48 : i32
        %add3A_421 = arith.addi %mul3A_419, %add3A_420 : i32
        %get3A_422 = arith.index_cast %add3A_421 : i32 to index
        %get3A_423 = arith.constant 0 : index
        %get3A_424 = tpu.vector_load %arg11[%get3A_422, %get3A_423] {strides = array<i32>} : memref<800x64xf32, #tpu.memory_space<vmem>>, vector<16xf32>,
        %add3A_425 = arith.addf %add3A_417, %get3A_424 : vector<16xf32>
        %mul3A_426 = arith.constant 50 : i32
        %mul3A_427 = arith.muli %scan3A_36, %mul3A_426 : i32
        %add3A_428 = arith.constant 49 : i32
        %add3A_429 = arith.addi %mul3A_427, %add3A_428 : i32
        %get3A_430 = arith.index_cast %add3A_429 : i32 to index
        %get3A_431 = arith.constant 0 : index
        %get3A_432 = tpu.vector_load %arg11[%get3A_430, %get3A_431] {strides = array<i32>} : memref<800x64xf32, #tpu.memory_space<vmem>>, vector<16xf32>,
        %add3A_433 = arith.addf %add3A_425, %get3A_432 : vector<16xf32>
        %swap3A = arith.index_cast %scan3A_36 : i32 to index
        %swap3A_434 = arith.constant 0 : index
        %swap3A_435 = tpu.vector_load %arg13[%swap3A, %swap3A_434] {strides = array<i32>} : memref<16x64xf32, #tpu.memory_space<vmem>>, vector<16xf32>,
        tpu.vector_store %arg13[%swap3A, %swap3A_434], %add3A_433 {strides = array<i32>} : memref<16x64xf32, #tpu.memory_space<vmem>>, vector<16xf32>,
        %mul3A_436 = arith.constant 5 : i32
        %mul3A_437 = arith.muli %scan3A_36, %mul3A_436 : i32
        %get3A_438 = arith.index_cast %mul3A_437 : i32 to index
        %get3A_439 = arith.constant 0 : index
        %get3A_440 = tpu.vector_load %arg10[%get3A_438, %get3A_439] {strides = array<i32>} : memref<80x64xf32, #tpu.memory_space<vmem>>, vector<16xf32>,
        %mul3A_441 = arith.constant 5 : i32
        %mul3A_442 = arith.muli %scan3A_36, %mul3A_441 : i32
        %add3A_443 = arith.constant 1 : i32
        %add3A_444 = arith.addi %mul3A_442, %add3A_443 : i32
        %get3A_445 = arith.index_cast %add3A_444 : i32 to index
        %get3A_446 = arith.constant 0 : index
        %get3A_447 = tpu.vector_load %arg10[%get3A_445, %get3A_446] {strides = array<i32>} : memref<80x64xf32, #tpu.memory_space<vmem>>, vector<16xf32>,
        %add3A_448 = arith.addf %get3A_440, %get3A_447 : vector<16xf32>
        %mul3A_449 = arith.constant 5 : i32
        %mul3A_450 = arith.muli %scan3A_36, %mul3A_449 : i32
        %add3A_451 = arith.constant 2 : i32
        %add3A_452 = arith.addi %mul3A_450, %add3A_451 : i32
        %get3A_453 = arith.index_cast %add3A_452 : i32 to index
        %get3A_454 = arith.constant 0 : index
        %get3A_455 = tpu.vector_load %arg10[%get3A_453, %get3A_454] {strides = array<i32>} : memref<80x64xf32, #tpu.memory_space<vmem>>, vector<16xf32>,
        %add3A_456 = arith.addf %add3A_448, %get3A_455 : vector<16xf32>
        %mul3A_457 = arith.constant 5 : i32
        %mul3A_458 = arith.muli %scan3A_36, %mul3A_457 : i32
        %add3A_459 = arith.constant 3 : i32
        %add3A_460 = arith.addi %mul3A_458, %add3A_459 : i32
        %get3A_461 = arith.index_cast %add3A_460 : i32 to index
        %get3A_462 = arith.constant 0 : index
        %get3A_463 = tpu.vector_load %arg10[%get3A_461, %get3A_462] {strides = array<i32>} : memref<80x64xf32, #tpu.memory_space<vmem>>, vector<16xf32>,
        %add3A_464 = arith.addf %add3A_456, %get3A_463 : vector<16xf32>
        %mul3A_465 = arith.constant 5 : i32
        %mul3A_466 = arith.muli %scan3A_36, %mul3A_465 : i32
        %add3A_467 = arith.constant 4 : i32
        %add3A_468 = arith.addi %mul3A_466, %add3A_467 : i32
        %get3A_469 = arith.index_cast %add3A_468 : i32 to index
        %get3A_470 = arith.constant 0 : index
        %get3A_471 = tpu.vector_load %arg10[%get3A_469, %get3A_470] {strides = array<i32>} : memref<80x64xf32, #tpu.memory_space<vmem>>, vector<16xf32>,
        %add3A_472 = arith.addf %add3A_464, %get3A_471 : vector<16xf32>
        %swap3A_473 = arith.index_cast %scan3A_36 : i32 to index
        %swap3A_474 = arith.constant 0 : index
        %swap3A_475 = tpu.vector_load %arg12[%swap3A_473, %swap3A_474] {strides = array<i32>} : memref<16x64xf32, #tpu.memory_space<vmem>>, vector<16xf32>,
        tpu.vector_store %arg12[%swap3A_473, %swap3A_474], %add3A_472 {strides = array<i32>} : memref<16x64xf32, #tpu.memory_space<vmem>>, vector<16xf32>,
        %mul3A_476 = arith.constant 50 : i32
        %mul3A_477 = arith.muli %scan3A_36, %mul3A_476 : i32
        %get3A_478 = arith.index_cast %mul3A_477 : i32 to index
        %get3A_479 = arith.constant 16 : index
        %get3A_480 = tpu.vector_load %arg11[%get3A_478, %get3A_479] {strides = array<i32>} : memref<800x64xf32, #tpu.memory_space<vmem>>, vector<16xf32>,
        %mul3A_481 = arith.constant 50 : i32
        %mul3A_482 = arith.muli %scan3A_36, %mul3A_481 : i32
        %add3A_483 = arith.constant 1 : i32
        %add3A_484 = arith.addi %mul3A_482, %add3A_483 : i32
        %get3A_485 = arith.index_cast %add3A_484 : i32 to index
        %get3A_486 = arith.constant 16 : index
        %get3A_487 = tpu.vector_load %arg11[%get3A_485, %get3A_486] {strides = array<i32>} : memref<800x64xf32, #tpu.memory_space<vmem>>, vector<16xf32>,
        %add3A_488 = arith.addf %get3A_480, %get3A_487 : vector<16xf32>
        %mul3A_489 = arith.constant 50 : i32
        %mul3A_490 = arith.muli %scan3A_36, %mul3A_489 : i32
        %add3A_491 = arith.constant 2 : i32
        %add3A_492 = arith.addi %mul3A_490, %add3A_491 : i32
        %get3A_493 = arith.index_cast %add3A_492 : i32 to index
        %get3A_494 = arith.constant 16 : index
        %get3A_495 = tpu.vector_load %arg11[%get3A_493, %get3A_494] {strides = array<i32>} : memref<800x64xf32, #tpu.memory_space<vmem>>, vector<16xf32>,
        %add3A_496 = arith.addf %add3A_488, %get3A_495 : vector<16xf32>
        %mul3A_497 = arith.constant 50 : i32
        %mul3A_498 = arith.muli %scan3A_36, %mul3A_497 : i32
        %add3A_499 = arith.constant 3 : i32
        %add3A_500 = arith.addi %mul3A_498, %add3A_499 : i32
        %get3A_501 = arith.index_cast %add3A_500 : i32 to index
        %get3A_502 = arith.constant 16 : index
        %get3A_503 = tpu.vector_load %arg11[%get3A_501, %get3A_502] {strides = array<i32>} : memref<800x64xf32, #tpu.memory_space<vmem>>, vector<16xf32>,
        %add3A_504 = arith.addf %add3A_496, %get3A_503 : vector<16xf32>
        %mul3A_505 = arith.constant 50 : i32
        %mul3A_506 = arith.muli %scan3A_36, %mul3A_505 : i32
        %add3A_507 = arith.constant 4 : i32
        %add3A_508 = arith.addi %mul3A_506, %add3A_507 : i32
        %get3A_509 = arith.index_cast %add3A_508 : i32 to index
        %get3A_510 = arith.constant 16 : index
        %get3A_511 = tpu.vector_load %arg11[%get3A_509, %get3A_510] {strides = array<i32>} : memref<800x64xf32, #tpu.memory_space<vmem>>, vector<16xf32>,
        %add3A_512 = arith.addf %add3A_504, %get3A_511 : vector<16xf32>
        %mul3A_513 = arith.constant 50 : i32
        %mul3A_514 = arith.muli %scan3A_36, %mul3A_513 : i32
        %add3A_515 = arith.constant 5 : i32
        %add3A_516 = arith.addi %mul3A_514, %add3A_515 : i32
        %get3A_517 = arith.index_cast %add3A_516 : i32 to index
        %get3A_518 = arith.constant 16 : index
        %get3A_519 = tpu.vector_load %arg11[%get3A_517, %get3A_518] {strides = array<i32>} : memref<800x64xf32, #tpu.memory_space<vmem>>, vector<16xf32>,
        %add3A_520 = arith.addf %add3A_512, %get3A_519 : vector<16xf32>
        %mul3A_521 = arith.constant 50 : i32
        %mul3A_522 = arith.muli %scan3A_36, %mul3A_521 : i32
        %add3A_523 = arith.constant 6 : i32
        %add3A_524 = arith.addi %mul3A_522, %add3A_523 : i32
        %get3A_525 = arith.index_cast %add3A_524 : i32 to index
        %get3A_526 = arith.constant 16 : index
        %get3A_527 = tpu.vector_load %arg11[%get3A_525, %get3A_526] {strides = array<i32>} : memref<800x64xf32, #tpu.memory_space<vmem>>, vector<16xf32>,
        %add3A_528 = arith.addf %add3A_520, %get3A_527 : vector<16xf32>
        %mul3A_529 = arith.constant 50 : i32
        %mul3A_530 = arith.muli %scan3A_36, %mul3A_529 : i32
        %add3A_531 = arith.constant 7 : i32
        %add3A_532 = arith.addi %mul3A_530, %add3A_531 : i32
        %get3A_533 = arith.index_cast %add3A_532 : i32 to index
        %get3A_534 = arith.constant 16 : index
        %get3A_535 = tpu.vector_load %arg11[%get3A_533, %get3A_534] {strides = array<i32>} : memref<800x64xf32, #tpu.memory_space<vmem>>, vector<16xf32>,
        %add3A_536 = arith.addf %add3A_528, %get3A_535 : vector<16xf32>
        %mul3A_537 = arith.constant 50 : i32
        %mul3A_538 = arith.muli %scan3A_36, %mul3A_537 : i32
        %add3A_539 = arith.constant 8 : i32
        %add3A_540 = arith.addi %mul3A_538, %add3A_539 : i32
        %get3A_541 = arith.index_cast %add3A_540 : i32 to index
        %get3A_542 = arith.constant 16 : index
        %get3A_543 = tpu.vector_load %arg11[%get3A_541, %get3A_542] {strides = array<i32>} : memref<800x64xf32, #tpu.memory_space<vmem>>, vector<16xf32>,
        %add3A_544 = arith.addf %add3A_536, %get3A_543 : vector<16xf32>
        %mul3A_545 = arith.constant 50 : i32
        %mul3A_546 = arith.muli %scan3A_36, %mul3A_545 : i32
        %add3A_547 = arith.constant 9 : i32
        %add3A_548 = arith.addi %mul3A_546, %add3A_547 : i32
        %get3A_549 = arith.index_cast %add3A_548 : i32 to index
        %get3A_550 = arith.constant 16 : index
        %get3A_551 = tpu.vector_load %arg11[%get3A_549, %get3A_550] {strides = array<i32>} : memref<800x64xf32, #tpu.memory_space<vmem>>, vector<16xf32>,
        %add3A_552 = arith.addf %add3A_544, %get3A_551 : vector<16xf32>
        %mul3A_553 = arith.constant 50 : i32
        %mul3A_554 = arith.muli %scan3A_36, %mul3A_553 : i32
        %add3A_555 = arith.constant 10 : i32
        %add3A_556 = arith.addi %mul3A_554, %add3A_555 : i32
        %get3A_557 = arith.index_cast %add3A_556 : i32 to index
        %get3A_558 = arith.constant 16 : index
        %get3A_559 = tpu.vector_load %arg11[%get3A_557, %get3A_558] {strides = array<i32>} : memref<800x64xf32, #tpu.memory_space<vmem>>, vector<16xf32>,
        %add3A_560 = arith.addf %add3A_552, %get3A_559 : vector<16xf32>
        %mul3A_561 = arith.constant 50 : i32
        %mul3A_562 = arith.muli %scan3A_36, %mul3A_561 : i32
        %add3A_563 = arith.constant 11 : i32
        %add3A_564 = arith.addi %mul3A_562, %add3A_563 : i32
        %get3A_565 = arith.index_cast %add3A_564 : i32 to index
        %get3A_566 = arith.constant 16 : index
        %get3A_567 = tpu.vector_load %arg11[%get3A_565, %get3A_566] {strides = array<i32>} : memref<800x64xf32, #tpu.memory_space<vmem>>, vector<16xf32>,
        %add3A_568 = arith.addf %add3A_560, %get3A_567 : vector<16xf32>
        %mul3A_569 = arith.constant 50 : i32
        %mul3A_570 = arith.muli %scan3A_36, %mul3A_569 : i32
        %add3A_571 = arith.constant 12 : i32
        %add3A_572 = arith.addi %mul3A_570, %add3A_571 : i32
        %get3A_573 = arith.index_cast %add3A_572 : i32 to index
        %get3A_574 = arith.constant 16 : index
        %get3A_575 = tpu.vector_load %arg11[%get3A_573, %get3A_574] {strides = array<i32>} : memref<800x64xf32, #tpu.memory_space<vmem>>, vector<16xf32>,
        %add3A_576 = arith.addf %add3A_568, %get3A_575 : vector<16xf32>
        %mul3A_577 = arith.constant 50 : i32
        %mul3A_578 = arith.muli %scan3A_36, %mul3A_577 : i32
        %add3A_579 = arith.constant 13 : i32
        %add3A_580 = arith.addi %mul3A_578, %add3A_579 : i32
        %get3A_581 = arith.index_cast %add3A_580 : i32 to index
        %get3A_582 = arith.constant 16 : index
        %get3A_583 = tpu.vector_load %arg11[%get3A_581, %get3A_582] {strides = array<i32>} : memref<800x64xf32, #tpu.memory_space<vmem>>, vector<16xf32>,
        %add3A_584 = arith.addf %add3A_576, %get3A_583 : vector<16xf32>
        %mul3A_585 = arith.constant 50 : i32
        %mul3A_586 = arith.muli %scan3A_36, %mul3A_585 : i32
        %add3A_587 = arith.constant 14 : i32
        %add3A_588 = arith.addi %mul3A_586, %add3A_587 : i32
        %get3A_589 = arith.index_cast %add3A_588 : i32 to index
        %get3A_590 = arith.constant 16 : index
        %get3A_591 = tpu.vector_load %arg11[%get3A_589, %get3A_590] {strides = array<i32>} : memref<800x64xf32, #tpu.memory_space<vmem>>, vector<16xf32>,
        %add3A_592 = arith.addf %add3A_584, %get3A_591 : vector<16xf32>
        %mul3A_593 = arith.constant 50 : i32
        %mul3A_594 = arith.muli %scan3A_36, %mul3A_593 : i32
        %add3A_595 = arith.constant 15 : i32
        %add3A_596 = arith.addi %mul3A_594, %add3A_595 : i32
        %get3A_597 = arith.index_cast %add3A_596 : i32 to index
        %get3A_598 = arith.constant 16 : index
        %get3A_599 = tpu.vector_load %arg11[%get3A_597, %get3A_598] {strides = array<i32>} : memref<800x64xf32, #tpu.memory_space<vmem>>, vector<16xf32>,
        %add3A_600 = arith.addf %add3A_592, %get3A_599 : vector<16xf32>
        %mul3A_601 = arith.constant 50 : i32
        %mul3A_602 = arith.muli %scan3A_36, %mul3A_601 : i32
        %add3A_603 = arith.constant 16 : i32
        %add3A_604 = arith.addi %mul3A_602, %add3A_603 : i32
        %get3A_605 = arith.index_cast %add3A_604 : i32 to index
        %get3A_606 = arith.constant 16 : index
        %get3A_607 = tpu.vector_load %arg11[%get3A_605, %get3A_606] {strides = array<i32>} : memref<800x64xf32, #tpu.memory_space<vmem>>, vector<16xf32>,
        %add3A_608 = arith.addf %add3A_600, %get3A_607 : vector<16xf32>
        %mul3A_609 = arith.constant 50 : i32
        %mul3A_610 = arith.muli %scan3A_36, %mul3A_609 : i32
        %add3A_611 = arith.constant 17 : i32
        %add3A_612 = arith.addi %mul3A_610, %add3A_611 : i32
        %get3A_613 = arith.index_cast %add3A_612 : i32 to index
        %get3A_614 = arith.constant 16 : index
        %get3A_615 = tpu.vector_load %arg11[%get3A_613, %get3A_614] {strides = array<i32>} : memref<800x64xf32, #tpu.memory_space<vmem>>, vector<16xf32>,
        %add3A_616 = arith.addf %add3A_608, %get3A_615 : vector<16xf32>
        %mul3A_617 = arith.constant 50 : i32
        %mul3A_618 = arith.muli %scan3A_36, %mul3A_617 : i32
        %add3A_619 = arith.constant 18 : i32
        %add3A_620 = arith.addi %mul3A_618, %add3A_619 : i32
        %get3A_621 = arith.index_cast %add3A_620 : i32 to index
        %get3A_622 = arith.constant 16 : index
        %get3A_623 = tpu.vector_load %arg11[%get3A_621, %get3A_622] {strides = array<i32>} : memref<800x64xf32, #tpu.memory_space<vmem>>, vector<16xf32>,
        %add3A_624 = arith.addf %add3A_616, %get3A_623 : vector<16xf32>
        %mul3A_625 = arith.constant 50 : i32
        %mul3A_626 = arith.muli %scan3A_36, %mul3A_625 : i32
        %add3A_627 = arith.constant 19 : i32
        %add3A_628 = arith.addi %mul3A_626, %add3A_627 : i32
        %get3A_629 = arith.index_cast %add3A_628 : i32 to index
        %get3A_630 = arith.constant 16 : index
        %get3A_631 = tpu.vector_load %arg11[%get3A_629, %get3A_630] {strides = array<i32>} : memref<800x64xf32, #tpu.memory_space<vmem>>, vector<16xf32>,
        %add3A_632 = arith.addf %add3A_624, %get3A_631 : vector<16xf32>
        %mul3A_633 = arith.constant 50 : i32
        %mul3A_634 = arith.muli %scan3A_36, %mul3A_633 : i32
        %add3A_635 = arith.constant 20 : i32
        %add3A_636 = arith.addi %mul3A_634, %add3A_635 : i32
        %get3A_637 = arith.index_cast %add3A_636 : i32 to index
        %get3A_638 = arith.constant 16 : index
        %get3A_639 = tpu.vector_load %arg11[%get3A_637, %get3A_638] {strides = array<i32>} : memref<800x64xf32, #tpu.memory_space<vmem>>, vector<16xf32>,
        %add3A_640 = arith.addf %add3A_632, %get3A_639 : vector<16xf32>
        %mul3A_641 = arith.constant 50 : i32
        %mul3A_642 = arith.muli %scan3A_36, %mul3A_641 : i32
        %add3A_643 = arith.constant 21 : i32
        %add3A_644 = arith.addi %mul3A_642, %add3A_643 : i32
        %get3A_645 = arith.index_cast %add3A_644 : i32 to index
        %get3A_646 = arith.constant 16 : index
        %get3A_647 = tpu.vector_load %arg11[%get3A_645, %get3A_646] {strides = array<i32>} : memref<800x64xf32, #tpu.memory_space<vmem>>, vector<16xf32>,
        %add3A_648 = arith.addf %add3A_640, %get3A_647 : vector<16xf32>
        %mul3A_649 = arith.constant 50 : i32
        %mul3A_650 = arith.muli %scan3A_36, %mul3A_649 : i32
        %add3A_651 = arith.constant 22 : i32
        %add3A_652 = arith.addi %mul3A_650, %add3A_651 : i32
        %get3A_653 = arith.index_cast %add3A_652 : i32 to index
        %get3A_654 = arith.constant 16 : index
        %get3A_655 = tpu.vector_load %arg11[%get3A_653, %get3A_654] {strides = array<i32>} : memref<800x64xf32, #tpu.memory_space<vmem>>, vector<16xf32>,
        %add3A_656 = arith.addf %add3A_648, %get3A_655 : vector<16xf32>
        %mul3A_657 = arith.constant 50 : i32
        %mul3A_658 = arith.muli %scan3A_36, %mul3A_657 : i32
        %add3A_659 = arith.constant 23 : i32
        %add3A_660 = arith.addi %mul3A_658, %add3A_659 : i32
        %get3A_661 = arith.index_cast %add3A_660 : i32 to index
        %get3A_662 = arith.constant 16 : index
        %get3A_663 = tpu.vector_load %arg11[%get3A_661, %get3A_662] {strides = array<i32>} : memref<800x64xf32, #tpu.memory_space<vmem>>, vector<16xf32>,
        %add3A_664 = arith.addf %add3A_656, %get3A_663 : vector<16xf32>
        %mul3A_665 = arith.constant 50 : i32
        %mul3A_666 = arith.muli %scan3A_36, %mul3A_665 : i32
        %add3A_667 = arith.constant 24 : i32
        %add3A_668 = arith.addi %mul3A_666, %add3A_667 : i32
        %get3A_669 = arith.index_cast %add3A_668 : i32 to index
        %get3A_670 = arith.constant 16 : index
        %get3A_671 = tpu.vector_load %arg11[%get3A_669, %get3A_670] {strides = array<i32>} : memref<800x64xf32, #tpu.memory_space<vmem>>, vector<16xf32>,
        %add3A_672 = arith.addf %add3A_664, %get3A_671 : vector<16xf32>
        %mul3A_673 = arith.constant 50 : i32
        %mul3A_674 = arith.muli %scan3A_36, %mul3A_673 : i32
        %add3A_675 = arith.constant 25 : i32
        %add3A_676 = arith.addi %mul3A_674, %add3A_675 : i32
        %get3A_677 = arith.index_cast %add3A_676 : i32 to index
        %get3A_678 = arith.constant 16 : index
        %get3A_679 = tpu.vector_load %arg11[%get3A_677, %get3A_678] {strides = array<i32>} : memref<800x64xf32, #tpu.memory_space<vmem>>, vector<16xf32>,
        %add3A_680 = arith.addf %add3A_672, %get3A_679 : vector<16xf32>
        %mul3A_681 = arith.constant 50 : i32
        %mul3A_682 = arith.muli %scan3A_36, %mul3A_681 : i32
        %add3A_683 = arith.constant 26 : i32
        %add3A_684 = arith.addi %mul3A_682, %add3A_683 : i32
        %get3A_685 = arith.index_cast %add3A_684 : i32 to index
        %get3A_686 = arith.constant 16 : index
        %get3A_687 = tpu.vector_load %arg11[%get3A_685, %get3A_686] {strides = array<i32>} : memref<800x64xf32, #tpu.memory_space<vmem>>, vector<16xf32>,
        %add3A_688 = arith.addf %add3A_680, %get3A_687 : vector<16xf32>
        %mul3A_689 = arith.constant 50 : i32
        %mul3A_690 = arith.muli %scan3A_36, %mul3A_689 : i32
        %add3A_691 = arith.constant 27 : i32
        %add3A_692 = arith.addi %mul3A_690, %add3A_691 : i32
        %get3A_693 = arith.index_cast %add3A_692 : i32 to index
        %get3A_694 = arith.constant 16 : index
        %get3A_695 = tpu.vector_load %arg11[%get3A_693, %get3A_694] {strides = array<i32>} : memref<800x64xf32, #tpu.memory_space<vmem>>, vector<16xf32>,
        %add3A_696 = arith.addf %add3A_688, %get3A_695 : vector<16xf32>
        %mul3A_697 = arith.constant 50 : i32
        %mul3A_698 = arith.muli %scan3A_36, %mul3A_697 : i32
        %add3A_699 = arith.constant 28 : i32
        %add3A_700 = arith.addi %mul3A_698, %add3A_699 : i32
        %get3A_701 = arith.index_cast %add3A_700 : i32 to index
        %get3A_702 = arith.constant 16 : index
        %get3A_703 = tpu.vector_load %arg11[%get3A_701, %get3A_702] {strides = array<i32>} : memref<800x64xf32, #tpu.memory_space<vmem>>, vector<16xf32>,
        %add3A_704 = arith.addf %add3A_696, %get3A_703 : vector<16xf32>
        %mul3A_705 = arith.constant 50 : i32
        %mul3A_706 = arith.muli %scan3A_36, %mul3A_705 : i32
        %add3A_707 = arith.constant 29 : i32
        %add3A_708 = arith.addi %mul3A_706, %add3A_707 : i32
        %get3A_709 = arith.index_cast %add3A_708 : i32 to index
        %get3A_710 = arith.constant 16 : index
        %get3A_711 = tpu.vector_load %arg11[%get3A_709, %get3A_710] {strides = array<i32>} : memref<800x64xf32, #tpu.memory_space<vmem>>, vector<16xf32>,
        %add3A_712 = arith.addf %add3A_704, %get3A_711 : vector<16xf32>
        %mul3A_713 = arith.constant 50 : i32
        %mul3A_714 = arith.muli %scan3A_36, %mul3A_713 : i32
        %add3A_715 = arith.constant 30 : i32
        %add3A_716 = arith.addi %mul3A_714, %add3A_715 : i32
        %get3A_717 = arith.index_cast %add3A_716 : i32 to index
        %get3A_718 = arith.constant 16 : index
        %get3A_719 = tpu.vector_load %arg11[%get3A_717, %get3A_718] {strides = array<i32>} : memref<800x64xf32, #tpu.memory_space<vmem>>, vector<16xf32>,
        %add3A_720 = arith.addf %add3A_712, %get3A_719 : vector<16xf32>
        %mul3A_721 = arith.constant 50 : i32
        %mul3A_722 = arith.muli %scan3A_36, %mul3A_721 : i32
        %add3A_723 = arith.constant 31 : i32
        %add3A_724 = arith.addi %mul3A_722, %add3A_723 : i32
        %get3A_725 = arith.index_cast %add3A_724 : i32 to index
        %get3A_726 = arith.constant 16 : index
        %get3A_727 = tpu.vector_load %arg11[%get3A_725, %get3A_726] {strides = array<i32>} : memref<800x64xf32, #tpu.memory_space<vmem>>, vector<16xf32>,
        %add3A_728 = arith.addf %add3A_720, %get3A_727 : vector<16xf32>
        %mul3A_729 = arith.constant 50 : i32
        %mul3A_730 = arith.muli %scan3A_36, %mul3A_729 : i32
        %add3A_731 = arith.constant 32 : i32
        %add3A_732 = arith.addi %mul3A_730, %add3A_731 : i32
        %get3A_733 = arith.index_cast %add3A_732 : i32 to index
        %get3A_734 = arith.constant 16 : index
        %get3A_735 = tpu.vector_load %arg11[%get3A_733, %get3A_734] {strides = array<i32>} : memref<800x64xf32, #tpu.memory_space<vmem>>, vector<16xf32>,
        %add3A_736 = arith.addf %add3A_728, %get3A_735 : vector<16xf32>
        %mul3A_737 = arith.constant 50 : i32
        %mul3A_738 = arith.muli %scan3A_36, %mul3A_737 : i32
        %add3A_739 = arith.constant 33 : i32
        %add3A_740 = arith.addi %mul3A_738, %add3A_739 : i32
        %get3A_741 = arith.index_cast %add3A_740 : i32 to index
        %get3A_742 = arith.constant 16 : index
        %get3A_743 = tpu.vector_load %arg11[%get3A_741, %get3A_742] {strides = array<i32>} : memref<800x64xf32, #tpu.memory_space<vmem>>, vector<16xf32>,
        %add3A_744 = arith.addf %add3A_736, %get3A_743 : vector<16xf32>
        %mul3A_745 = arith.constant 50 : i32
        %mul3A_746 = arith.muli %scan3A_36, %mul3A_745 : i32
        %add3A_747 = arith.constant 34 : i32
        %add3A_748 = arith.addi %mul3A_746, %add3A_747 : i32
        %get3A_749 = arith.index_cast %add3A_748 : i32 to index
        %get3A_750 = arith.constant 16 : index
        %get3A_751 = tpu.vector_load %arg11[%get3A_749, %get3A_750] {strides = array<i32>} : memref<800x64xf32, #tpu.memory_space<vmem>>, vector<16xf32>,
        %add3A_752 = arith.addf %add3A_744, %get3A_751 : vector<16xf32>
        %mul3A_753 = arith.constant 50 : i32
        %mul3A_754 = arith.muli %scan3A_36, %mul3A_753 : i32
        %add3A_755 = arith.constant 35 : i32
        %add3A_756 = arith.addi %mul3A_754, %add3A_755 : i32
        %get3A_757 = arith.index_cast %add3A_756 : i32 to index
        %get3A_758 = arith.constant 16 : index
        %get3A_759 = tpu.vector_load %arg11[%get3A_757, %get3A_758] {strides = array<i32>} : memref<800x64xf32, #tpu.memory_space<vmem>>, vector<16xf32>,
        %add3A_760 = arith.addf %add3A_752, %get3A_759 : vector<16xf32>
        %mul3A_761 = arith.constant 50 : i32
        %mul3A_762 = arith.muli %scan3A_36, %mul3A_761 : i32
        %add3A_763 = arith.constant 36 : i32
        %add3A_764 = arith.addi %mul3A_762, %add3A_763 : i32
        %get3A_765 = arith.index_cast %add3A_764 : i32 to index
        %get3A_766 = arith.constant 16 : index
        %get3A_767 = tpu.vector_load %arg11[%get3A_765, %get3A_766] {strides = array<i32>} : memref<800x64xf32, #tpu.memory_space<vmem>>, vector<16xf32>,
        %add3A_768 = arith.addf %add3A_760, %get3A_767 : vector<16xf32>
        %mul3A_769 = arith.constant 50 : i32
        %mul3A_770 = arith.muli %scan3A_36, %mul3A_769 : i32
        %add3A_771 = arith.constant 37 : i32
        %add3A_772 = arith.addi %mul3A_770, %add3A_771 : i32
        %get3A_773 = arith.index_cast %add3A_772 : i32 to index
        %get3A_774 = arith.constant 16 : index
        %get3A_775 = tpu.vector_load %arg11[%get3A_773, %get3A_774] {strides = array<i32>} : memref<800x64xf32, #tpu.memory_space<vmem>>, vector<16xf32>,
        %add3A_776 = arith.addf %add3A_768, %get3A_775 : vector<16xf32>
        %mul3A_777 = arith.constant 50 : i32
        %mul3A_778 = arith.muli %scan3A_36, %mul3A_777 : i32
        %add3A_779 = arith.constant 38 : i32
        %add3A_780 = arith.addi %mul3A_778, %add3A_779 : i32
        %get3A_781 = arith.index_cast %add3A_780 : i32 to index
        %get3A_782 = arith.constant 16 : index
        %get3A_783 = tpu.vector_load %arg11[%get3A_781, %get3A_782] {strides = array<i32>} : memref<800x64xf32, #tpu.memory_space<vmem>>, vector<16xf32>,
        %add3A_784 = arith.addf %add3A_776, %get3A_783 : vector<16xf32>
        %mul3A_785 = arith.constant 50 : i32
        %mul3A_786 = arith.muli %scan3A_36, %mul3A_785 : i32
        %add3A_787 = arith.constant 39 : i32
        %add3A_788 = arith.addi %mul3A_786, %add3A_787 : i32
        %get3A_789 = arith.index_cast %add3A_788 : i32 to index
        %get3A_790 = arith.constant 16 : index
        %get3A_791 = tpu.vector_load %arg11[%get3A_789, %get3A_790] {strides = array<i32>} : memref<800x64xf32, #tpu.memory_space<vmem>>, vector<16xf32>,
        %add3A_792 = arith.addf %add3A_784, %get3A_791 : vector<16xf32>
        %mul3A_793 = arith.constant 50 : i32
        %mul3A_794 = arith.muli %scan3A_36, %mul3A_793 : i32
        %add3A_795 = arith.constant 40 : i32
        %add3A_796 = arith.addi %mul3A_794, %add3A_795 : i32
        %get3A_797 = arith.index_cast %add3A_796 : i32 to index
        %get3A_798 = arith.constant 16 : index
        %get3A_799 = tpu.vector_load %arg11[%get3A_797, %get3A_798] {strides = array<i32>} : memref<800x64xf32, #tpu.memory_space<vmem>>, vector<16xf32>,
        %add3A_800 = arith.addf %add3A_792, %get3A_799 : vector<16xf32>
        %mul3A_801 = arith.constant 50 : i32
        %mul3A_802 = arith.muli %scan3A_36, %mul3A_801 : i32
        %add3A_803 = arith.constant 41 : i32
        %add3A_804 = arith.addi %mul3A_802, %add3A_803 : i32
        %get3A_805 = arith.index_cast %add3A_804 : i32 to index
        %get3A_806 = arith.constant 16 : index
        %get3A_807 = tpu.vector_load %arg11[%get3A_805, %get3A_806] {strides = array<i32>} : memref<800x64xf32, #tpu.memory_space<vmem>>, vector<16xf32>,
        %add3A_808 = arith.addf %add3A_800, %get3A_807 : vector<16xf32>
        %mul3A_809 = arith.constant 50 : i32
        %mul3A_810 = arith.muli %scan3A_36, %mul3A_809 : i32
        %add3A_811 = arith.constant 42 : i32
        %add3A_812 = arith.addi %mul3A_810, %add3A_811 : i32
        %get3A_813 = arith.index_cast %add3A_812 : i32 to index
        %get3A_814 = arith.constant 16 : index
        %get3A_815 = tpu.vector_load %arg11[%get3A_813, %get3A_814] {strides = array<i32>} : memref<800x64xf32, #tpu.memory_space<vmem>>, vector<16xf32>,
        %add3A_816 = arith.addf %add3A_808, %get3A_815 : vector<16xf32>
        %mul3A_817 = arith.constant 50 : i32
        %mul3A_818 = arith.muli %scan3A_36, %mul3A_817 : i32
        %add3A_819 = arith.constant 43 : i32
        %add3A_820 = arith.addi %mul3A_818, %add3A_819 : i32
        %get3A_821 = arith.index_cast %add3A_820 : i32 to index
        %get3A_822 = arith.constant 16 : index
        %get3A_823 = tpu.vector_load %arg11[%get3A_821, %get3A_822] {strides = array<i32>} : memref<800x64xf32, #tpu.memory_space<vmem>>, vector<16xf32>,
        %add3A_824 = arith.addf %add3A_816, %get3A_823 : vector<16xf32>
        %mul3A_825 = arith.constant 50 : i32
        %mul3A_826 = arith.muli %scan3A_36, %mul3A_825 : i32
        %add3A_827 = arith.constant 44 : i32
        %add3A_828 = arith.addi %mul3A_826, %add3A_827 : i32
        %get3A_829 = arith.index_cast %add3A_828 : i32 to index
        %get3A_830 = arith.constant 16 : index
        %get3A_831 = tpu.vector_load %arg11[%get3A_829, %get3A_830] {strides = array<i32>} : memref<800x64xf32, #tpu.memory_space<vmem>>, vector<16xf32>,
        %add3A_832 = arith.addf %add3A_824, %get3A_831 : vector<16xf32>
        %mul3A_833 = arith.constant 50 : i32
        %mul3A_834 = arith.muli %scan3A_36, %mul3A_833 : i32
        %add3A_835 = arith.constant 45 : i32
        %add3A_836 = arith.addi %mul3A_834, %add3A_835 : i32
        %get3A_837 = arith.index_cast %add3A_836 : i32 to index
        %get3A_838 = arith.constant 16 : index
        %get3A_839 = tpu.vector_load %arg11[%get3A_837, %get3A_838] {strides = array<i32>} : memref<800x64xf32, #tpu.memory_space<vmem>>, vector<16xf32>,
        %add3A_840 = arith.addf %add3A_832, %get3A_839 : vector<16xf32>
        %mul3A_841 = arith.constant 50 : i32
        %mul3A_842 = arith.muli %scan3A_36, %mul3A_841 : i32
        %add3A_843 = arith.constant 46 : i32
        %add3A_844 = arith.addi %mul3A_842, %add3A_843 : i32
        %get3A_845 = arith.index_cast %add3A_844 : i32 to index
        %get3A_846 = arith.constant 16 : index
        %get3A_847 = tpu.vector_load %arg11[%get3A_845, %get3A_846] {strides = array<i32>} : memref<800x64xf32, #tpu.memory_space<vmem>>, vector<16xf32>,
        %add3A_848 = arith.addf %add3A_840, %get3A_847 : vector<16xf32>
        %mul3A_849 = arith.constant 50 : i32
        %mul3A_850 = arith.muli %scan3A_36, %mul3A_849 : i32
        %add3A_851 = arith.constant 47 : i32
        %add3A_852 = arith.addi %mul3A_850, %add3A_851 : i32
        %get3A_853 = arith.index_cast %add3A_852 : i32 to index
        %get3A_854 = arith.constant 16 : index
        %get3A_855 = tpu.vector_load %arg11[%get3A_853, %get3A_854] {strides = array<i32>} : memref<800x64xf32, #tpu.memory_space<vmem>>, vector<16xf32>,
        %add3A_856 = arith.addf %add3A_848, %get3A_855 : vector<16xf32>
        %mul3A_857 = arith.constant 50 : i32
        %mul3A_858 = arith.muli %scan3A_36, %mul3A_857 : i32
        %add3A_859 = arith.constant 48 : i32
        %add3A_860 = arith.addi %mul3A_858, %add3A_859 : i32
        %get3A_861 = arith.index_cast %add3A_860 : i32 to index
        %get3A_862 = arith.constant 16 : index
        %get3A_863 = tpu.vector_load %arg11[%get3A_861, %get3A_862] {strides = array<i32>} : memref<800x64xf32, #tpu.memory_space<vmem>>, vector<16xf32>,
        %add3A_864 = arith.addf %add3A_856, %get3A_863 : vector<16xf32>
        %mul3A_865 = arith.constant 50 : i32
        %mul3A_866 = arith.muli %scan3A_36, %mul3A_865 : i32
        %add3A_867 = arith.constant 49 : i32
        %add3A_868 = arith.addi %mul3A_866, %add3A_867 : i32
        %get3A_869 = arith.index_cast %add3A_868 : i32 to index
        %get3A_870 = arith.constant 16 : index
        %get3A_871 = tpu.vector_load %arg11[%get3A_869, %get3A_870] {strides = array<i32>} : memref<800x64xf32, #tpu.memory_space<vmem>>, vector<16xf32>,
        %add3A_872 = arith.addf %add3A_864, %get3A_871 : vector<16xf32>
        %swap3A_873 = arith.index_cast %scan3A_36 : i32 to index
        %swap3A_874 = arith.constant 16 : index
        %swap3A_875 = tpu.vector_load %arg13[%swap3A_873, %swap3A_874] {strides = array<i32>} : memref<16x64xf32, #tpu.memory_space<vmem>>, vector<16xf32>,
        tpu.vector_store %arg13[%swap3A_873, %swap3A_874], %add3A_872 {strides = array<i32>} : memref<16x64xf32, #tpu.memory_space<vmem>>, vector<16xf32>,
        %mul3A_876 = arith.constant 5 : i32
        %mul3A_877 = arith.muli %scan3A_36, %mul3A_876 : i32
        %get3A_878 = arith.index_cast %mul3A_877 : i32 to index
        %get3A_879 = arith.constant 16 : index
        %get3A_880 = tpu.vector_load %arg10[%get3A_878, %get3A_879] {strides = array<i32>} : memref<80x64xf32, #tpu.memory_space<vmem>>, vector<16xf32>,
        %mul3A_881 = arith.constant 5 : i32
        %mul3A_882 = arith.muli %scan3A_36, %mul3A_881 : i32
        %add3A_883 = arith.constant 1 : i32
        %add3A_884 = arith.addi %mul3A_882, %add3A_883 : i32
        %get3A_885 = arith.index_cast %add3A_884 : i32 to index
        %get3A_886 = arith.constant 16 : index
        %get3A_887 = tpu.vector_load %arg10[%get3A_885, %get3A_886] {strides = array<i32>} : memref<80x64xf32, #tpu.memory_space<vmem>>, vector<16xf32>,
        %add3A_888 = arith.addf %get3A_880, %get3A_887 : vector<16xf32>
        %mul3A_889 = arith.constant 5 : i32
        %mul3A_890 = arith.muli %scan3A_36, %mul3A_889 : i32
        %add3A_891 = arith.constant 2 : i32
        %add3A_892 = arith.addi %mul3A_890, %add3A_891 : i32
        %get3A_893 = arith.index_cast %add3A_892 : i32 to index
        %get3A_894 = arith.constant 16 : index
        %get3A_895 = tpu.vector_load %arg10[%get3A_893, %get3A_894] {strides = array<i32>} : memref<80x64xf32, #tpu.memory_space<vmem>>, vector<16xf32>,
        %add3A_896 = arith.addf %add3A_888, %get3A_895 : vector<16xf32>
        %mul3A_897 = arith.constant 5 : i32
        %mul3A_898 = arith.muli %scan3A_36, %mul3A_897 : i32
        %add3A_899 = arith.constant 3 : i32
        %add3A_900 = arith.addi %mul3A_898, %add3A_899 : i32
        %get3A_901 = arith.index_cast %add3A_900 : i32 to index
        %get3A_902 = arith.constant 16 : index
        %get3A_903 = tpu.vector_load %arg10[%get3A_901, %get3A_902] {strides = array<i32>} : memref<80x64xf32, #tpu.memory_space<vmem>>, vector<16xf32>,
        %add3A_904 = arith.addf %add3A_896, %get3A_903 : vector<16xf32>
        %mul3A_905 = arith.constant 5 : i32
        %mul3A_906 = arith.muli %scan3A_36, %mul3A_905 : i32
        %add3A_907 = arith.constant 4 : i32
        %add3A_908 = arith.addi %mul3A_906, %add3A_907 : i32
        %get3A_909 = arith.index_cast %add3A_908 : i32 to index
        %get3A_910 = arith.constant 16 : index
        %get3A_911 = tpu.vector_load %arg10[%get3A_909, %get3A_910] {strides = array<i32>} : memref<80x64xf32, #tpu.memory_space<vmem>>, vector<16xf32>,
        %add3A_912 = arith.addf %add3A_904, %get3A_911 : vector<16xf32>
        %swap3A_913 = arith.index_cast %scan3A_36 : i32 to index
        %swap3A_914 = arith.constant 16 : index
        %swap3A_915 = tpu.vector_load %arg12[%swap3A_913, %swap3A_914] {strides = array<i32>} : memref<16x64xf32, #tpu.memory_space<vmem>>, vector<16xf32>,
        tpu.vector_store %arg12[%swap3A_913, %swap3A_914], %add3A_912 {strides = array<i32>} : memref<16x64xf32, #tpu.memory_space<vmem>>, vector<16xf32>,
        %mul3A_916 = arith.constant 50 : i32
        %mul3A_917 = arith.muli %scan3A_36, %mul3A_916 : i32
        %get3A_918 = arith.index_cast %mul3A_917 : i32 to index
        %get3A_919 = arith.constant 32 : index
        %get3A_920 = tpu.vector_load %arg11[%get3A_918, %get3A_919] {strides = array<i32>} : memref<800x64xf32, #tpu.memory_space<vmem>>, vector<16xf32>,
        %mul3A_921 = arith.constant 50 : i32
        %mul3A_922 = arith.muli %scan3A_36, %mul3A_921 : i32
        %add3A_923 = arith.constant 1 : i32
        %add3A_924 = arith.addi %mul3A_922, %add3A_923 : i32
        %get3A_925 = arith.index_cast %add3A_924 : i32 to index
        %get3A_926 = arith.constant 32 : index
        %get3A_927 = tpu.vector_load %arg11[%get3A_925, %get3A_926] {strides = array<i32>} : memref<800x64xf32, #tpu.memory_space<vmem>>, vector<16xf32>,
        %add3A_928 = arith.addf %get3A_920, %get3A_927 : vector<16xf32>
        %mul3A_929 = arith.constant 50 : i32
        %mul3A_930 = arith.muli %scan3A_36, %mul3A_929 : i32
        %add3A_931 = arith.constant 2 : i32
        %add3A_932 = arith.addi %mul3A_930, %add3A_931 : i32
        %get3A_933 = arith.index_cast %add3A_932 : i32 to index
        %get3A_934 = arith.constant 32 : index
        %get3A_935 = tpu.vector_load %arg11[%get3A_933, %get3A_934] {strides = array<i32>} : memref<800x64xf32, #tpu.memory_space<vmem>>, vector<16xf32>,
        %add3A_936 = arith.addf %add3A_928, %get3A_935 : vector<16xf32>
        %mul3A_937 = arith.constant 50 : i32
        %mul3A_938 = arith.muli %scan3A_36, %mul3A_937 : i32
        %add3A_939 = arith.constant 3 : i32
        %add3A_940 = arith.addi %mul3A_938, %add3A_939 : i32
        %get3A_941 = arith.index_cast %add3A_940 : i32 to index
        %get3A_942 = arith.constant 32 : index
        %get3A_943 = tpu.vector_load %arg11[%get3A_941, %get3A_942] {strides = array<i32>} : memref<800x64xf32, #tpu.memory_space<vmem>>, vector<16xf32>,
        %add3A_944 = arith.addf %add3A_936, %get3A_943 : vector<16xf32>
        %mul3A_945 = arith.constant 50 : i32
        %mul3A_946 = arith.muli %scan3A_36, %mul3A_945 : i32
        %add3A_947 = arith.constant 4 : i32
        %add3A_948 = arith.addi %mul3A_946, %add3A_947 : i32
        %get3A_949 = arith.index_cast %add3A_948 : i32 to index
        %get3A_950 = arith.constant 32 : index
        %get3A_951 = tpu.vector_load %arg11[%get3A_949, %get3A_950] {strides = array<i32>} : memref<800x64xf32, #tpu.memory_space<vmem>>, vector<16xf32>,
        %add3A_952 = arith.addf %add3A_944, %get3A_951 : vector<16xf32>
        %mul3A_953 = arith.constant 50 : i32
        %mul3A_954 = arith.muli %scan3A_36, %mul3A_953 : i32
        %add3A_955 = arith.constant 5 : i32
        %add3A_956 = arith.addi %mul3A_954, %add3A_955 : i32
        %get3A_957 = arith.index_cast %add3A_956 : i32 to index
        %get3A_958 = arith.constant 32 : index
        %get3A_959 = tpu.vector_load %arg11[%get3A_957, %get3A_958] {strides = array<i32>} : memref<800x64xf32, #tpu.memory_space<vmem>>, vector<16xf32>,
        %add3A_960 = arith.addf %add3A_952, %get3A_959 : vector<16xf32>
        %mul3A_961 = arith.constant 50 : i32
        %mul3A_962 = arith.muli %scan3A_36, %mul3A_961 : i32
        %add3A_963 = arith.constant 6 : i32
        %add3A_964 = arith.addi %mul3A_962, %add3A_963 : i32
        %get3A_965 = arith.index_cast %add3A_964 : i32 to index
        %get3A_966 = arith.constant 32 : index
        %get3A_967 = tpu.vector_load %arg11[%get3A_965, %get3A_966] {strides = array<i32>} : memref<800x64xf32, #tpu.memory_space<vmem>>, vector<16xf32>,
        %add3A_968 = arith.addf %add3A_960, %get3A_967 : vector<16xf32>
        %mul3A_969 = arith.constant 50 : i32
        %mul3A_970 = arith.muli %scan3A_36, %mul3A_969 : i32
        %add3A_971 = arith.constant 7 : i32
        %add3A_972 = arith.addi %mul3A_970, %add3A_971 : i32
        %get3A_973 = arith.index_cast %add3A_972 : i32 to index
        %get3A_974 = arith.constant 32 : index
        %get3A_975 = tpu.vector_load %arg11[%get3A_973, %get3A_974] {strides = array<i32>} : memref<800x64xf32, #tpu.memory_space<vmem>>, vector<16xf32>,
        %add3A_976 = arith.addf %add3A_968, %get3A_975 : vector<16xf32>
        %mul3A_977 = arith.constant 50 : i32
        %mul3A_978 = arith.muli %scan3A_36, %mul3A_977 : i32
        %add3A_979 = arith.constant 8 : i32
        %add3A_980 = arith.addi %mul3A_978, %add3A_979 : i32
        %get3A_981 = arith.index_cast %add3A_980 : i32 to index
        %get3A_982 = arith.constant 32 : index
        %get3A_983 = tpu.vector_load %arg11[%get3A_981, %get3A_982] {strides = array<i32>} : memref<800x64xf32, #tpu.memory_space<vmem>>, vector<16xf32>,
        %add3A_984 = arith.addf %add3A_976, %get3A_983 : vector<16xf32>
        %mul3A_985 = arith.constant 50 : i32
        %mul3A_986 = arith.muli %scan3A_36, %mul3A_985 : i32
        %add3A_987 = arith.constant 9 : i32
        %add3A_988 = arith.addi %mul3A_986, %add3A_987 : i32
        %get3A_989 = arith.index_cast %add3A_988 : i32 to index
        %get3A_990 = arith.constant 32 : index
        %get3A_991 = tpu.vector_load %arg11[%get3A_989, %get3A_990] {strides = array<i32>} : memref<800x64xf32, #tpu.memory_space<vmem>>, vector<16xf32>,
        %add3A_992 = arith.addf %add3A_984, %get3A_991 : vector<16xf32>
        %mul3A_993 = arith.constant 50 : i32
        %mul3A_994 = arith.muli %scan3A_36, %mul3A_993 : i32
        %add3A_995 = arith.constant 10 : i32
        %add3A_996 = arith.addi %mul3A_994, %add3A_995 : i32
        %get3A_997 = arith.index_cast %add3A_996 : i32 to index
        %get3A_998 = arith.constant 32 : index
        %get3A_999 = tpu.vector_load %arg11[%get3A_997, %get3A_998] {strides = array<i32>} : memref<800x64xf32, #tpu.memory_space<vmem>>, vector<16xf32>,
        %add3A_1000 = arith.addf %add3A_992, %get3A_999 : vector<16xf32>
        %mul3A_1001 = arith.constant 50 : i32
        %mul3A_1002 = arith.muli %scan3A_36, %mul3A_1001 : i32
        %add3A_1003 = arith.constant 11 : i32
        %add3A_1004 = arith.addi %mul3A_1002, %add3A_1003 : i32
        %get3A_1005 = arith.index_cast %add3A_1004 : i32 to index
        %get3A_1006 = arith.constant 32 : index
        %get3A_1007 = tpu.vector_load %arg11[%get3A_1005, %get3A_1006] {strides = array<i32>} : memref<800x64xf32, #tpu.memory_space<vmem>>, vector<16xf32>,
        %add3A_1008 = arith.addf %add3A_1000, %get3A_1007 : vector<16xf32>
        %mul3A_1009 = arith.constant 50 : i32
        %mul3A_1010 = arith.muli %scan3A_36, %mul3A_1009 : i32
        %add3A_1011 = arith.constant 12 : i32
        %add3A_1012 = arith.addi %mul3A_1010, %add3A_1011 : i32
        %get3A_1013 = arith.index_cast %add3A_1012 : i32 to index
        %get3A_1014 = arith.constant 32 : index
        %get3A_1015 = tpu.vector_load %arg11[%get3A_1013, %get3A_1014] {strides = array<i32>} : memref<800x64xf32, #tpu.memory_space<vmem>>, vector<16xf32>,
        %add3A_1016 = arith.addf %add3A_1008, %get3A_1015 : vector<16xf32>
        %mul3A_1017 = arith.constant 50 : i32
        %mul3A_1018 = arith.muli %scan3A_36, %mul3A_1017 : i32
        %add3A_1019 = arith.constant 13 : i32
        %add3A_1020 = arith.addi %mul3A_1018, %add3A_1019 : i32
        %get3A_1021 = arith.index_cast %add3A_1020 : i32 to index
        %get3A_1022 = arith.constant 32 : index
        %get3A_1023 = tpu.vector_load %arg11[%get3A_1021, %get3A_1022] {strides = array<i32>} : memref<800x64xf32, #tpu.memory_space<vmem>>, vector<16xf32>,
        %add3A_1024 = arith.addf %add3A_1016, %get3A_1023 : vector<16xf32>
        %mul3A_1025 = arith.constant 50 : i32
        %mul3A_1026 = arith.muli %scan3A_36, %mul3A_1025 : i32
        %add3A_1027 = arith.constant 14 : i32
        %add3A_1028 = arith.addi %mul3A_1026, %add3A_1027 : i32
        %get3A_1029 = arith.index_cast %add3A_1028 : i32 to index
        %get3A_1030 = arith.constant 32 : index
        %get3A_1031 = tpu.vector_load %arg11[%get3A_1029, %get3A_1030] {strides = array<i32>} : memref<800x64xf32, #tpu.memory_space<vmem>>, vector<16xf32>,
        %add3A_1032 = arith.addf %add3A_1024, %get3A_1031 : vector<16xf32>
        %mul3A_1033 = arith.constant 50 : i32
        %mul3A_1034 = arith.muli %scan3A_36, %mul3A_1033 : i32
        %add3A_1035 = arith.constant 15 : i32
        %add3A_1036 = arith.addi %mul3A_1034, %add3A_1035 : i32
        %get3A_1037 = arith.index_cast %add3A_1036 : i32 to index
        %get3A_1038 = arith.constant 32 : index
        %get3A_1039 = tpu.vector_load %arg11[%get3A_1037, %get3A_1038] {strides = array<i32>} : memref<800x64xf32, #tpu.memory_space<vmem>>, vector<16xf32>,
        %add3A_1040 = arith.addf %add3A_1032, %get3A_1039 : vector<16xf32>
        %mul3A_1041 = arith.constant 50 : i32
        %mul3A_1042 = arith.muli %scan3A_36, %mul3A_1041 : i32
        %add3A_1043 = arith.constant 16 : i32
        %add3A_1044 = arith.addi %mul3A_1042, %add3A_1043 : i32
        %get3A_1045 = arith.index_cast %add3A_1044 : i32 to index
        %get3A_1046 = arith.constant 32 : index
        %get3A_1047 = tpu.vector_load %arg11[%get3A_1045, %get3A_1046] {strides = array<i32>} : memref<800x64xf32, #tpu.memory_space<vmem>>, vector<16xf32>,
        %add3A_1048 = arith.addf %add3A_1040, %get3A_1047 : vector<16xf32>
        %mul3A_1049 = arith.constant 50 : i32
        %mul3A_1050 = arith.muli %scan3A_36, %mul3A_1049 : i32
        %add3A_1051 = arith.constant 17 : i32
        %add3A_1052 = arith.addi %mul3A_1050, %add3A_1051 : i32
        %get3A_1053 = arith.index_cast %add3A_1052 : i32 to index
        %get3A_1054 = arith.constant 32 : index
        %get3A_1055 = tpu.vector_load %arg11[%get3A_1053, %get3A_1054] {strides = array<i32>} : memref<800x64xf32, #tpu.memory_space<vmem>>, vector<16xf32>,
        %add3A_1056 = arith.addf %add3A_1048, %get3A_1055 : vector<16xf32>
        %mul3A_1057 = arith.constant 50 : i32
        %mul3A_1058 = arith.muli %scan3A_36, %mul3A_1057 : i32
        %add3A_1059 = arith.constant 18 : i32
        %add3A_1060 = arith.addi %mul3A_1058, %add3A_1059 : i32
        %get3A_1061 = arith.index_cast %add3A_1060 : i32 to index
        %get3A_1062 = arith.constant 32 : index
        %get3A_1063 = tpu.vector_load %arg11[%get3A_1061, %get3A_1062] {strides = array<i32>} : memref<800x64xf32, #tpu.memory_space<vmem>>, vector<16xf32>,
        %add3A_1064 = arith.addf %add3A_1056, %get3A_1063 : vector<16xf32>
        %mul3A_1065 = arith.constant 50 : i32
        %mul3A_1066 = arith.muli %scan3A_36, %mul3A_1065 : i32
        %add3A_1067 = arith.constant 19 : i32
        %add3A_1068 = arith.addi %mul3A_1066, %add3A_1067 : i32
        %get3A_1069 = arith.index_cast %add3A_1068 : i32 to index
        %get3A_1070 = arith.constant 32 : index
        %get3A_1071 = tpu.vector_load %arg11[%get3A_1069, %get3A_1070] {strides = array<i32>} : memref<800x64xf32, #tpu.memory_space<vmem>>, vector<16xf32>,
        %add3A_1072 = arith.addf %add3A_1064, %get3A_1071 : vector<16xf32>
        %mul3A_1073 = arith.constant 50 : i32
        %mul3A_1074 = arith.muli %scan3A_36, %mul3A_1073 : i32
        %add3A_1075 = arith.constant 20 : i32
        %add3A_1076 = arith.addi %mul3A_1074, %add3A_1075 : i32
        %get3A_1077 = arith.index_cast %add3A_1076 : i32 to index
        %get3A_1078 = arith.constant 32 : index
        %get3A_1079 = tpu.vector_load %arg11[%get3A_1077, %get3A_1078] {strides = array<i32>} : memref<800x64xf32, #tpu.memory_space<vmem>>, vector<16xf32>,
        %add3A_1080 = arith.addf %add3A_1072, %get3A_1079 : vector<16xf32>
        %mul3A_1081 = arith.constant 50 : i32
        %mul3A_1082 = arith.muli %scan3A_36, %mul3A_1081 : i32
        %add3A_1083 = arith.constant 21 : i32
        %add3A_1084 = arith.addi %mul3A_1082, %add3A_1083 : i32
        %get3A_1085 = arith.index_cast %add3A_1084 : i32 to index
        %get3A_1086 = arith.constant 32 : index
        %get3A_1087 = tpu.vector_load %arg11[%get3A_1085, %get3A_1086] {strides = array<i32>} : memref<800x64xf32, #tpu.memory_space<vmem>>, vector<16xf32>,
        %add3A_1088 = arith.addf %add3A_1080, %get3A_1087 : vector<16xf32>
        %mul3A_1089 = arith.constant 50 : i32
        %mul3A_1090 = arith.muli %scan3A_36, %mul3A_1089 : i32
        %add3A_1091 = arith.constant 22 : i32
        %add3A_1092 = arith.addi %mul3A_1090, %add3A_1091 : i32
        %get3A_1093 = arith.index_cast %add3A_1092 : i32 to index
        %get3A_1094 = arith.constant 32 : index
        %get3A_1095 = tpu.vector_load %arg11[%get3A_1093, %get3A_1094] {strides = array<i32>} : memref<800x64xf32, #tpu.memory_space<vmem>>, vector<16xf32>,
        %add3A_1096 = arith.addf %add3A_1088, %get3A_1095 : vector<16xf32>
        %mul3A_1097 = arith.constant 50 : i32
        %mul3A_1098 = arith.muli %scan3A_36, %mul3A_1097 : i32
        %add3A_1099 = arith.constant 23 : i32
        %add3A_1100 = arith.addi %mul3A_1098, %add3A_1099 : i32
        %get3A_1101 = arith.index_cast %add3A_1100 : i32 to index
        %get3A_1102 = arith.constant 32 : index
        %get3A_1103 = tpu.vector_load %arg11[%get3A_1101, %get3A_1102] {strides = array<i32>} : memref<800x64xf32, #tpu.memory_space<vmem>>, vector<16xf32>,
        %add3A_1104 = arith.addf %add3A_1096, %get3A_1103 : vector<16xf32>
        %mul3A_1105 = arith.constant 50 : i32
        %mul3A_1106 = arith.muli %scan3A_36, %mul3A_1105 : i32
        %add3A_1107 = arith.constant 24 : i32
        %add3A_1108 = arith.addi %mul3A_1106, %add3A_1107 : i32
        %get3A_1109 = arith.index_cast %add3A_1108 : i32 to index
        %get3A_1110 = arith.constant 32 : index
        %get3A_1111 = tpu.vector_load %arg11[%get3A_1109, %get3A_1110] {strides = array<i32>} : memref<800x64xf32, #tpu.memory_space<vmem>>, vector<16xf32>,
        %add3A_1112 = arith.addf %add3A_1104, %get3A_1111 : vector<16xf32>
        %mul3A_1113 = arith.constant 50 : i32
        %mul3A_1114 = arith.muli %scan3A_36, %mul3A_1113 : i32
        %add3A_1115 = arith.constant 25 : i32
        %add3A_1116 = arith.addi %mul3A_1114, %add3A_1115 : i32
        %get3A_1117 = arith.index_cast %add3A_1116 : i32 to index
        %get3A_1118 = arith.constant 32 : index
        %get3A_1119 = tpu.vector_load %arg11[%get3A_1117, %get3A_1118] {strides = array<i32>} : memref<800x64xf32, #tpu.memory_space<vmem>>, vector<16xf32>,
        %add3A_1120 = arith.addf %add3A_1112, %get3A_1119 : vector<16xf32>
        %mul3A_1121 = arith.constant 50 : i32
        %mul3A_1122 = arith.muli %scan3A_36, %mul3A_1121 : i32
        %add3A_1123 = arith.constant 26 : i32
        %add3A_1124 = arith.addi %mul3A_1122, %add3A_1123 : i32
        %get3A_1125 = arith.index_cast %add3A_1124 : i32 to index
        %get3A_1126 = arith.constant 32 : index
        %get3A_1127 = tpu.vector_load %arg11[%get3A_1125, %get3A_1126] {strides = array<i32>} : memref<800x64xf32, #tpu.memory_space<vmem>>, vector<16xf32>,
        %add3A_1128 = arith.addf %add3A_1120, %get3A_1127 : vector<16xf32>
        %mul3A_1129 = arith.constant 50 : i32
        %mul3A_1130 = arith.muli %scan3A_36, %mul3A_1129 : i32
        %add3A_1131 = arith.constant 27 : i32
        %add3A_1132 = arith.addi %mul3A_1130, %add3A_1131 : i32
        %get3A_1133 = arith.index_cast %add3A_1132 : i32 to index
        %get3A_1134 = arith.constant 32 : index
        %get3A_1135 = tpu.vector_load %arg11[%get3A_1133, %get3A_1134] {strides = array<i32>} : memref<800x64xf32, #tpu.memory_space<vmem>>, vector<16xf32>,
        %add3A_1136 = arith.addf %add3A_1128, %get3A_1135 : vector<16xf32>
        %mul3A_1137 = arith.constant 50 : i32
        %mul3A_1138 = arith.muli %scan3A_36, %mul3A_1137 : i32
        %add3A_1139 = arith.constant 28 : i32
        %add3A_1140 = arith.addi %mul3A_1138, %add3A_1139 : i32
        %get3A_1141 = arith.index_cast %add3A_1140 : i32 to index
        %get3A_1142 = arith.constant 32 : index
        %get3A_1143 = tpu.vector_load %arg11[%get3A_1141, %get3A_1142] {strides = array<i32>} : memref<800x64xf32, #tpu.memory_space<vmem>>, vector<16xf32>,
        %add3A_1144 = arith.addf %add3A_1136, %get3A_1143 : vector<16xf32>
        %mul3A_1145 = arith.constant 50 : i32
        %mul3A_1146 = arith.muli %scan3A_36, %mul3A_1145 : i32
        %add3A_1147 = arith.constant 29 : i32
        %add3A_1148 = arith.addi %mul3A_1146, %add3A_1147 : i32
        %get3A_1149 = arith.index_cast %add3A_1148 : i32 to index
        %get3A_1150 = arith.constant 32 : index
        %get3A_1151 = tpu.vector_load %arg11[%get3A_1149, %get3A_1150] {strides = array<i32>} : memref<800x64xf32, #tpu.memory_space<vmem>>, vector<16xf32>,
        %add3A_1152 = arith.addf %add3A_1144, %get3A_1151 : vector<16xf32>
        %mul3A_1153 = arith.constant 50 : i32
        %mul3A_1154 = arith.muli %scan3A_36, %mul3A_1153 : i32
        %add3A_1155 = arith.constant 30 : i32
        %add3A_1156 = arith.addi %mul3A_1154, %add3A_1155 : i32
        %get3A_1157 = arith.index_cast %add3A_1156 : i32 to index
        %get3A_1158 = arith.constant 32 : index
        %get3A_1159 = tpu.vector_load %arg11[%get3A_1157, %get3A_1158] {strides = array<i32>} : memref<800x64xf32, #tpu.memory_space<vmem>>, vector<16xf32>,
        %add3A_1160 = arith.addf %add3A_1152, %get3A_1159 : vector<16xf32>
        %mul3A_1161 = arith.constant 50 : i32
        %mul3A_1162 = arith.muli %scan3A_36, %mul3A_1161 : i32
        %add3A_1163 = arith.constant 31 : i32
        %add3A_1164 = arith.addi %mul3A_1162, %add3A_1163 : i32
        %get3A_1165 = arith.index_cast %add3A_1164 : i32 to index
        %get3A_1166 = arith.constant 32 : index
        %get3A_1167 = tpu.vector_load %arg11[%get3A_1165, %get3A_1166] {strides = array<i32>} : memref<800x64xf32, #tpu.memory_space<vmem>>, vector<16xf32>,
        %add3A_1168 = arith.addf %add3A_1160, %get3A_1167 : vector<16xf32>
        %mul3A_1169 = arith.constant 50 : i32
        %mul3A_1170 = arith.muli %scan3A_36, %mul3A_1169 : i32
        %add3A_1171 = arith.constant 32 : i32
        %add3A_1172 = arith.addi %mul3A_1170, %add3A_1171 : i32
        %get3A_1173 = arith.index_cast %add3A_1172 : i32 to index
        %get3A_1174 = arith.constant 32 : index
        %get3A_1175 = tpu.vector_load %arg11[%get3A_1173, %get3A_1174] {strides = array<i32>} : memref<800x64xf32, #tpu.memory_space<vmem>>, vector<16xf32>,
        %add3A_1176 = arith.addf %add3A_1168, %get3A_1175 : vector<16xf32>
        %mul3A_1177 = arith.constant 50 : i32
        %mul3A_1178 = arith.muli %scan3A_36, %mul3A_1177 : i32
        %add3A_1179 = arith.constant 33 : i32
        %add3A_1180 = arith.addi %mul3A_1178, %add3A_1179 : i32
        %get3A_1181 = arith.index_cast %add3A_1180 : i32 to index
        %get3A_1182 = arith.constant 32 : index
        %get3A_1183 = tpu.vector_load %arg11[%get3A_1181, %get3A_1182] {strides = array<i32>} : memref<800x64xf32, #tpu.memory_space<vmem>>, vector<16xf32>,
        %add3A_1184 = arith.addf %add3A_1176, %get3A_1183 : vector<16xf32>
        %mul3A_1185 = arith.constant 50 : i32
        %mul3A_1186 = arith.muli %scan3A_36, %mul3A_1185 : i32
        %add3A_1187 = arith.constant 34 : i32
        %add3A_1188 = arith.addi %mul3A_1186, %add3A_1187 : i32
        %get3A_1189 = arith.index_cast %add3A_1188 : i32 to index
        %get3A_1190 = arith.constant 32 : index
        %get3A_1191 = tpu.vector_load %arg11[%get3A_1189, %get3A_1190] {strides = array<i32>} : memref<800x64xf32, #tpu.memory_space<vmem>>, vector<16xf32>,
        %add3A_1192 = arith.addf %add3A_1184, %get3A_1191 : vector<16xf32>
        %mul3A_1193 = arith.constant 50 : i32
        %mul3A_1194 = arith.muli %scan3A_36, %mul3A_1193 : i32
        %add3A_1195 = arith.constant 35 : i32
        %add3A_1196 = arith.addi %mul3A_1194, %add3A_1195 : i32
        %get3A_1197 = arith.index_cast %add3A_1196 : i32 to index
        %get3A_1198 = arith.constant 32 : index
        %get3A_1199 = tpu.vector_load %arg11[%get3A_1197, %get3A_1198] {strides = array<i32>} : memref<800x64xf32, #tpu.memory_space<vmem>>, vector<16xf32>,
        %add3A_1200 = arith.addf %add3A_1192, %get3A_1199 : vector<16xf32>
        %mul3A_1201 = arith.constant 50 : i32
        %mul3A_1202 = arith.muli %scan3A_36, %mul3A_1201 : i32
        %add3A_1203 = arith.constant 36 : i32
        %add3A_1204 = arith.addi %mul3A_1202, %add3A_1203 : i32
        %get3A_1205 = arith.index_cast %add3A_1204 : i32 to index
        %get3A_1206 = arith.constant 32 : index
        %get3A_1207 = tpu.vector_load %arg11[%get3A_1205, %get3A_1206] {strides = array<i32>} : memref<800x64xf32, #tpu.memory_space<vmem>>, vector<16xf32>,
        %add3A_1208 = arith.addf %add3A_1200, %get3A_1207 : vector<16xf32>
        %mul3A_1209 = arith.constant 50 : i32
        %mul3A_1210 = arith.muli %scan3A_36, %mul3A_1209 : i32
        %add3A_1211 = arith.constant 37 : i32
        %add3A_1212 = arith.addi %mul3A_1210, %add3A_1211 : i32
        %get3A_1213 = arith.index_cast %add3A_1212 : i32 to index
        %get3A_1214 = arith.constant 32 : index
        %get3A_1215 = tpu.vector_load %arg11[%get3A_1213, %get3A_1214] {strides = array<i32>} : memref<800x64xf32, #tpu.memory_space<vmem>>, vector<16xf32>,
        %add3A_1216 = arith.addf %add3A_1208, %get3A_1215 : vector<16xf32>
        %mul3A_1217 = arith.constant 50 : i32
        %mul3A_1218 = arith.muli %scan3A_36, %mul3A_1217 : i32
        %add3A_1219 = arith.constant 38 : i32
        %add3A_1220 = arith.addi %mul3A_1218, %add3A_1219 : i32
        %get3A_1221 = arith.index_cast %add3A_1220 : i32 to index
        %get3A_1222 = arith.constant 32 : index
        %get3A_1223 = tpu.vector_load %arg11[%get3A_1221, %get3A_1222] {strides = array<i32>} : memref<800x64xf32, #tpu.memory_space<vmem>>, vector<16xf32>,
        %add3A_1224 = arith.addf %add3A_1216, %get3A_1223 : vector<16xf32>
        %mul3A_1225 = arith.constant 50 : i32
        %mul3A_1226 = arith.muli %scan3A_36, %mul3A_1225 : i32
        %add3A_1227 = arith.constant 39 : i32
        %add3A_1228 = arith.addi %mul3A_1226, %add3A_1227 : i32
        %get3A_1229 = arith.index_cast %add3A_1228 : i32 to index
        %get3A_1230 = arith.constant 32 : index
        %get3A_1231 = tpu.vector_load %arg11[%get3A_1229, %get3A_1230] {strides = array<i32>} : memref<800x64xf32, #tpu.memory_space<vmem>>, vector<16xf32>,
        %add3A_1232 = arith.addf %add3A_1224, %get3A_1231 : vector<16xf32>
        %mul3A_1233 = arith.constant 50 : i32
        %mul3A_1234 = arith.muli %scan3A_36, %mul3A_1233 : i32
        %add3A_1235 = arith.constant 40 : i32
        %add3A_1236 = arith.addi %mul3A_1234, %add3A_1235 : i32
        %get3A_1237 = arith.index_cast %add3A_1236 : i32 to index
        %get3A_1238 = arith.constant 32 : index
        %get3A_1239 = tpu.vector_load %arg11[%get3A_1237, %get3A_1238] {strides = array<i32>} : memref<800x64xf32, #tpu.memory_space<vmem>>, vector<16xf32>,
        %add3A_1240 = arith.addf %add3A_1232, %get3A_1239 : vector<16xf32>
        %mul3A_1241 = arith.constant 50 : i32
        %mul3A_1242 = arith.muli %scan3A_36, %mul3A_1241 : i32
        %add3A_1243 = arith.constant 41 : i32
        %add3A_1244 = arith.addi %mul3A_1242, %add3A_1243 : i32
        %get3A_1245 = arith.index_cast %add3A_1244 : i32 to index
        %get3A_1246 = arith.constant 32 : index
        %get3A_1247 = tpu.vector_load %arg11[%get3A_1245, %get3A_1246] {strides = array<i32>} : memref<800x64xf32, #tpu.memory_space<vmem>>, vector<16xf32>,
        %add3A_1248 = arith.addf %add3A_1240, %get3A_1247 : vector<16xf32>
        %mul3A_1249 = arith.constant 50 : i32
        %mul3A_1250 = arith.muli %scan3A_36, %mul3A_1249 : i32
        %add3A_1251 = arith.constant 42 : i32
        %add3A_1252 = arith.addi %mul3A_1250, %add3A_1251 : i32
        %get3A_1253 = arith.index_cast %add3A_1252 : i32 to index
        %get3A_1254 = arith.constant 32 : index
        %get3A_1255 = tpu.vector_load %arg11[%get3A_1253, %get3A_1254] {strides = array<i32>} : memref<800x64xf32, #tpu.memory_space<vmem>>, vector<16xf32>,
        %add3A_1256 = arith.addf %add3A_1248, %get3A_1255 : vector<16xf32>
        %mul3A_1257 = arith.constant 50 : i32
        %mul3A_1258 = arith.muli %scan3A_36, %mul3A_1257 : i32
        %add3A_1259 = arith.constant 43 : i32
        %add3A_1260 = arith.addi %mul3A_1258, %add3A_1259 : i32
        %get3A_1261 = arith.index_cast %add3A_1260 : i32 to index
        %get3A_1262 = arith.constant 32 : index
        %get3A_1263 = tpu.vector_load %arg11[%get3A_1261, %get3A_1262] {strides = array<i32>} : memref<800x64xf32, #tpu.memory_space<vmem>>, vector<16xf32>,
        %add3A_1264 = arith.addf %add3A_1256, %get3A_1263 : vector<16xf32>
        %mul3A_1265 = arith.constant 50 : i32
        %mul3A_1266 = arith.muli %scan3A_36, %mul3A_1265 : i32
        %add3A_1267 = arith.constant 44 : i32
        %add3A_1268 = arith.addi %mul3A_1266, %add3A_1267 : i32
        %get3A_1269 = arith.index_cast %add3A_1268 : i32 to index
        %get3A_1270 = arith.constant 32 : index
        %get3A_1271 = tpu.vector_load %arg11[%get3A_1269, %get3A_1270] {strides = array<i32>} : memref<800x64xf32, #tpu.memory_space<vmem>>, vector<16xf32>,
        %add3A_1272 = arith.addf %add3A_1264, %get3A_1271 : vector<16xf32>
        %mul3A_1273 = arith.constant 50 : i32
        %mul3A_1274 = arith.muli %scan3A_36, %mul3A_1273 : i32
        %add3A_1275 = arith.constant 45 : i32
        %add3A_1276 = arith.addi %mul3A_1274, %add3A_1275 : i32
        %get3A_1277 = arith.index_cast %add3A_1276 : i32 to index
        %get3A_1278 = arith.constant 32 : index
        %get3A_1279 = tpu.vector_load %arg11[%get3A_1277, %get3A_1278] {strides = array<i32>} : memref<800x64xf32, #tpu.memory_space<vmem>>, vector<16xf32>,
        %add3A_1280 = arith.addf %add3A_1272, %get3A_1279 : vector<16xf32>
        %mul3A_1281 = arith.constant 50 : i32
        %mul3A_1282 = arith.muli %scan3A_36, %mul3A_1281 : i32
        %add3A_1283 = arith.constant 46 : i32
        %add3A_1284 = arith.addi %mul3A_1282, %add3A_1283 : i32
        %get3A_1285 = arith.index_cast %add3A_1284 : i32 to index
        %get3A_1286 = arith.constant 32 : index
        %get3A_1287 = tpu.vector_load %arg11[%get3A_1285, %get3A_1286] {strides = array<i32>} : memref<800x64xf32, #tpu.memory_space<vmem>>, vector<16xf32>,
        %add3A_1288 = arith.addf %add3A_1280, %get3A_1287 : vector<16xf32>
        %mul3A_1289 = arith.constant 50 : i32
        %mul3A_1290 = arith.muli %scan3A_36, %mul3A_1289 : i32
        %add3A_1291 = arith.constant 47 : i32
        %add3A_1292 = arith.addi %mul3A_1290, %add3A_1291 : i32
        %get3A_1293 = arith.index_cast %add3A_1292 : i32 to index
        %get3A_1294 = arith.constant 32 : index
        %get3A_1295 = tpu.vector_load %arg11[%get3A_1293, %get3A_1294] {strides = array<i32>} : memref<800x64xf32, #tpu.memory_space<vmem>>, vector<16xf32>,
        %add3A_1296 = arith.addf %add3A_1288, %get3A_1295 : vector<16xf32>
        %mul3A_1297 = arith.constant 50 : i32
        %mul3A_1298 = arith.muli %scan3A_36, %mul3A_1297 : i32
        %add3A_1299 = arith.constant 48 : i32
        %add3A_1300 = arith.addi %mul3A_1298, %add3A_1299 : i32
        %get3A_1301 = arith.index_cast %add3A_1300 : i32 to index
        %get3A_1302 = arith.constant 32 : index
        %get3A_1303 = tpu.vector_load %arg11[%get3A_1301, %get3A_1302] {strides = array<i32>} : memref<800x64xf32, #tpu.memory_space<vmem>>, vector<16xf32>,
        %add3A_1304 = arith.addf %add3A_1296, %get3A_1303 : vector<16xf32>
        %mul3A_1305 = arith.constant 50 : i32
        %mul3A_1306 = arith.muli %scan3A_36, %mul3A_1305 : i32
        %add3A_1307 = arith.constant 49 : i32
        %add3A_1308 = arith.addi %mul3A_1306, %add3A_1307 : i32
        %get3A_1309 = arith.index_cast %add3A_1308 : i32 to index
        %get3A_1310 = arith.constant 32 : index
        %get3A_1311 = tpu.vector_load %arg11[%get3A_1309, %get3A_1310] {strides = array<i32>} : memref<800x64xf32, #tpu.memory_space<vmem>>, vector<16xf32>,
        %add3A_1312 = arith.addf %add3A_1304, %get3A_1311 : vector<16xf32>
        %swap3A_1313 = arith.index_cast %scan3A_36 : i32 to index
        %swap3A_1314 = arith.constant 32 : index
        %swap3A_1315 = tpu.vector_load %arg13[%swap3A_1313, %swap3A_1314] {strides = array<i32>} : memref<16x64xf32, #tpu.memory_space<vmem>>, vector<16xf32>,
        tpu.vector_store %arg13[%swap3A_1313, %swap3A_1314], %add3A_1312 {strides = array<i32>} : memref<16x64xf32, #tpu.memory_space<vmem>>, vector<16xf32>,
        %mul3A_1316 = arith.constant 5 : i32
        %mul3A_1317 = arith.muli %scan3A_36, %mul3A_1316 : i32
        %get3A_1318 = arith.index_cast %mul3A_1317 : i32 to index
        %get3A_1319 = arith.constant 32 : index
        %get3A_1320 = tpu.vector_load %arg10[%get3A_1318, %get3A_1319] {strides = array<i32>} : memref<80x64xf32, #tpu.memory_space<vmem>>, vector<16xf32>,
        %mul3A_1321 = arith.constant 5 : i32
        %mul3A_1322 = arith.muli %scan3A_36, %mul3A_1321 : i32
        %add3A_1323 = arith.constant 1 : i32
        %add3A_1324 = arith.addi %mul3A_1322, %add3A_1323 : i32
        %get3A_1325 = arith.index_cast %add3A_1324 : i32 to index
        %get3A_1326 = arith.constant 32 : index
        %get3A_1327 = tpu.vector_load %arg10[%get3A_1325, %get3A_1326] {strides = array<i32>} : memref<80x64xf32, #tpu.memory_space<vmem>>, vector<16xf32>,
        %add3A_1328 = arith.addf %get3A_1320, %get3A_1327 : vector<16xf32>
        %mul3A_1329 = arith.constant 5 : i32
        %mul3A_1330 = arith.muli %scan3A_36, %mul3A_1329 : i32
        %add3A_1331 = arith.constant 2 : i32
        %add3A_1332 = arith.addi %mul3A_1330, %add3A_1331 : i32
        %get3A_1333 = arith.index_cast %add3A_1332 : i32 to index
        %get3A_1334 = arith.constant 32 : index
        %get3A_1335 = tpu.vector_load %arg10[%get3A_1333, %get3A_1334] {strides = array<i32>} : memref<80x64xf32, #tpu.memory_space<vmem>>, vector<16xf32>,
        %add3A_1336 = arith.addf %add3A_1328, %get3A_1335 : vector<16xf32>
        %mul3A_1337 = arith.constant 5 : i32
        %mul3A_1338 = arith.muli %scan3A_36, %mul3A_1337 : i32
        %add3A_1339 = arith.constant 3 : i32
        %add3A_1340 = arith.addi %mul3A_1338, %add3A_1339 : i32
        %get3A_1341 = arith.index_cast %add3A_1340 : i32 to index
        %get3A_1342 = arith.constant 32 : index
        %get3A_1343 = tpu.vector_load %arg10[%get3A_1341, %get3A_1342] {strides = array<i32>} : memref<80x64xf32, #tpu.memory_space<vmem>>, vector<16xf32>,
        %add3A_1344 = arith.addf %add3A_1336, %get3A_1343 : vector<16xf32>
        %mul3A_1345 = arith.constant 5 : i32
        %mul3A_1346 = arith.muli %scan3A_36, %mul3A_1345 : i32
        %add3A_1347 = arith.constant 4 : i32
        %add3A_1348 = arith.addi %mul3A_1346, %add3A_1347 : i32
        %get3A_1349 = arith.index_cast %add3A_1348 : i32 to index
        %get3A_1350 = arith.constant 32 : index
        %get3A_1351 = tpu.vector_load %arg10[%get3A_1349, %get3A_1350] {strides = array<i32>} : memref<80x64xf32, #tpu.memory_space<vmem>>, vector<16xf32>,
        %add3A_1352 = arith.addf %add3A_1344, %get3A_1351 : vector<16xf32>
        %swap3A_1353 = arith.index_cast %scan3A_36 : i32 to index
        %swap3A_1354 = arith.constant 32 : index
        %swap3A_1355 = tpu.vector_load %arg12[%swap3A_1353, %swap3A_1354] {strides = array<i32>} : memref<16x64xf32, #tpu.memory_space<vmem>>, vector<16xf32>,
        tpu.vector_store %arg12[%swap3A_1353, %swap3A_1354], %add3A_1352 {strides = array<i32>} : memref<16x64xf32, #tpu.memory_space<vmem>>, vector<16xf32>,
        %mul3A_1356 = arith.constant 50 : i32
        %mul3A_1357 = arith.muli %scan3A_36, %mul3A_1356 : i32
        %get3A_1358 = arith.index_cast %mul3A_1357 : i32 to index
        %get3A_1359 = arith.constant 48 : index
        %get3A_1360 = tpu.vector_load %arg11[%get3A_1358, %get3A_1359] {strides = array<i32>} : memref<800x64xf32, #tpu.memory_space<vmem>>, vector<16xf32>,
        %mul3A_1361 = arith.constant 50 : i32
        %mul3A_1362 = arith.muli %scan3A_36, %mul3A_1361 : i32
        %add3A_1363 = arith.constant 1 : i32
        %add3A_1364 = arith.addi %mul3A_1362, %add3A_1363 : i32
        %get3A_1365 = arith.index_cast %add3A_1364 : i32 to index
        %get3A_1366 = arith.constant 48 : index
        %get3A_1367 = tpu.vector_load %arg11[%get3A_1365, %get3A_1366] {strides = array<i32>} : memref<800x64xf32, #tpu.memory_space<vmem>>, vector<16xf32>,
        %add3A_1368 = arith.addf %get3A_1360, %get3A_1367 : vector<16xf32>
        %mul3A_1369 = arith.constant 50 : i32
        %mul3A_1370 = arith.muli %scan3A_36, %mul3A_1369 : i32
        %add3A_1371 = arith.constant 2 : i32
        %add3A_1372 = arith.addi %mul3A_1370, %add3A_1371 : i32
        %get3A_1373 = arith.index_cast %add3A_1372 : i32 to index
        %get3A_1374 = arith.constant 48 : index
        %get3A_1375 = tpu.vector_load %arg11[%get3A_1373, %get3A_1374] {strides = array<i32>} : memref<800x64xf32, #tpu.memory_space<vmem>>, vector<16xf32>,
        %add3A_1376 = arith.addf %add3A_1368, %get3A_1375 : vector<16xf32>
        %mul3A_1377 = arith.constant 50 : i32
        %mul3A_1378 = arith.muli %scan3A_36, %mul3A_1377 : i32
        %add3A_1379 = arith.constant 3 : i32
        %add3A_1380 = arith.addi %mul3A_1378, %add3A_1379 : i32
        %get3A_1381 = arith.index_cast %add3A_1380 : i32 to index
        %get3A_1382 = arith.constant 48 : index
        %get3A_1383 = tpu.vector_load %arg11[%get3A_1381, %get3A_1382] {strides = array<i32>} : memref<800x64xf32, #tpu.memory_space<vmem>>, vector<16xf32>,
        %add3A_1384 = arith.addf %add3A_1376, %get3A_1383 : vector<16xf32>
        %mul3A_1385 = arith.constant 50 : i32
        %mul3A_1386 = arith.muli %scan3A_36, %mul3A_1385 : i32
        %add3A_1387 = arith.constant 4 : i32
        %add3A_1388 = arith.addi %mul3A_1386, %add3A_1387 : i32
        %get3A_1389 = arith.index_cast %add3A_1388 : i32 to index
        %get3A_1390 = arith.constant 48 : index
        %get3A_1391 = tpu.vector_load %arg11[%get3A_1389, %get3A_1390] {strides = array<i32>} : memref<800x64xf32, #tpu.memory_space<vmem>>, vector<16xf32>,
        %add3A_1392 = arith.addf %add3A_1384, %get3A_1391 : vector<16xf32>
        %mul3A_1393 = arith.constant 50 : i32
        %mul3A_1394 = arith.muli %scan3A_36, %mul3A_1393 : i32
        %add3A_1395 = arith.constant 5 : i32
        %add3A_1396 = arith.addi %mul3A_1394, %add3A_1395 : i32
        %get3A_1397 = arith.index_cast %add3A_1396 : i32 to index
        %get3A_1398 = arith.constant 48 : index
        %get3A_1399 = tpu.vector_load %arg11[%get3A_1397, %get3A_1398] {strides = array<i32>} : memref<800x64xf32, #tpu.memory_space<vmem>>, vector<16xf32>,
        %add3A_1400 = arith.addf %add3A_1392, %get3A_1399 : vector<16xf32>
        %mul3A_1401 = arith.constant 50 : i32
        %mul3A_1402 = arith.muli %scan3A_36, %mul3A_1401 : i32
        %add3A_1403 = arith.constant 6 : i32
        %add3A_1404 = arith.addi %mul3A_1402, %add3A_1403 : i32
        %get3A_1405 = arith.index_cast %add3A_1404 : i32 to index
        %get3A_1406 = arith.constant 48 : index
        %get3A_1407 = tpu.vector_load %arg11[%get3A_1405, %get3A_1406] {strides = array<i32>} : memref<800x64xf32, #tpu.memory_space<vmem>>, vector<16xf32>,
        %add3A_1408 = arith.addf %add3A_1400, %get3A_1407 : vector<16xf32>
        %mul3A_1409 = arith.constant 50 : i32
        %mul3A_1410 = arith.muli %scan3A_36, %mul3A_1409 : i32
        %add3A_1411 = arith.constant 7 : i32
        %add3A_1412 = arith.addi %mul3A_1410, %add3A_1411 : i32
        %get3A_1413 = arith.index_cast %add3A_1412 : i32 to index
        %get3A_1414 = arith.constant 48 : index
        %get3A_1415 = tpu.vector_load %arg11[%get3A_1413, %get3A_1414] {strides = array<i32>} : memref<800x64xf32, #tpu.memory_space<vmem>>, vector<16xf32>,
        %add3A_1416 = arith.addf %add3A_1408, %get3A_1415 : vector<16xf32>
        %mul3A_1417 = arith.constant 50 : i32
        %mul3A_1418 = arith.muli %scan3A_36, %mul3A_1417 : i32
        %add3A_1419 = arith.constant 8 : i32
        %add3A_1420 = arith.addi %mul3A_1418, %add3A_1419 : i32
        %get3A_1421 = arith.index_cast %add3A_1420 : i32 to index
        %get3A_1422 = arith.constant 48 : index
        %get3A_1423 = tpu.vector_load %arg11[%get3A_1421, %get3A_1422] {strides = array<i32>} : memref<800x64xf32, #tpu.memory_space<vmem>>, vector<16xf32>,
        %add3A_1424 = arith.addf %add3A_1416, %get3A_1423 : vector<16xf32>
        %mul3A_1425 = arith.constant 50 : i32
        %mul3A_1426 = arith.muli %scan3A_36, %mul3A_1425 : i32
        %add3A_1427 = arith.constant 9 : i32
        %add3A_1428 = arith.addi %mul3A_1426, %add3A_1427 : i32
        %get3A_1429 = arith.index_cast %add3A_1428 : i32 to index
        %get3A_1430 = arith.constant 48 : index
        %get3A_1431 = tpu.vector_load %arg11[%get3A_1429, %get3A_1430] {strides = array<i32>} : memref<800x64xf32, #tpu.memory_space<vmem>>, vector<16xf32>,
        %add3A_1432 = arith.addf %add3A_1424, %get3A_1431 : vector<16xf32>
        %mul3A_1433 = arith.constant 50 : i32
        %mul3A_1434 = arith.muli %scan3A_36, %mul3A_1433 : i32
        %add3A_1435 = arith.constant 10 : i32
        %add3A_1436 = arith.addi %mul3A_1434, %add3A_1435 : i32
        %get3A_1437 = arith.index_cast %add3A_1436 : i32 to index
        %get3A_1438 = arith.constant 48 : index
        %get3A_1439 = tpu.vector_load %arg11[%get3A_1437, %get3A_1438] {strides = array<i32>} : memref<800x64xf32, #tpu.memory_space<vmem>>, vector<16xf32>,
        %add3A_1440 = arith.addf %add3A_1432, %get3A_1439 : vector<16xf32>
        %mul3A_1441 = arith.constant 50 : i32
        %mul3A_1442 = arith.muli %scan3A_36, %mul3A_1441 : i32
        %add3A_1443 = arith.constant 11 : i32
        %add3A_1444 = arith.addi %mul3A_1442, %add3A_1443 : i32
        %get3A_1445 = arith.index_cast %add3A_1444 : i32 to index
        %get3A_1446 = arith.constant 48 : index
        %get3A_1447 = tpu.vector_load %arg11[%get3A_1445, %get3A_1446] {strides = array<i32>} : memref<800x64xf32, #tpu.memory_space<vmem>>, vector<16xf32>,
        %add3A_1448 = arith.addf %add3A_1440, %get3A_1447 : vector<16xf32>
        %mul3A_1449 = arith.constant 50 : i32
        %mul3A_1450 = arith.muli %scan3A_36, %mul3A_1449 : i32
        %add3A_1451 = arith.constant 12 : i32
        %add3A_1452 = arith.addi %mul3A_1450, %add3A_1451 : i32
        %get3A_1453 = arith.index_cast %add3A_1452 : i32 to index
        %get3A_1454 = arith.constant 48 : index
        %get3A_1455 = tpu.vector_load %arg11[%get3A_1453, %get3A_1454] {strides = array<i32>} : memref<800x64xf32, #tpu.memory_space<vmem>>, vector<16xf32>,
        %add3A_1456 = arith.addf %add3A_1448, %get3A_1455 : vector<16xf32>
        %mul3A_1457 = arith.constant 50 : i32
        %mul3A_1458 = arith.muli %scan3A_36, %mul3A_1457 : i32
        %add3A_1459 = arith.constant 13 : i32
        %add3A_1460 = arith.addi %mul3A_1458, %add3A_1459 : i32
        %get3A_1461 = arith.index_cast %add3A_1460 : i32 to index
        %get3A_1462 = arith.constant 48 : index
        %get3A_1463 = tpu.vector_load %arg11[%get3A_1461, %get3A_1462] {strides = array<i32>} : memref<800x64xf32, #tpu.memory_space<vmem>>, vector<16xf32>,
        %add3A_1464 = arith.addf %add3A_1456, %get3A_1463 : vector<16xf32>
        %mul3A_1465 = arith.constant 50 : i32
        %mul3A_1466 = arith.muli %scan3A_36, %mul3A_1465 : i32
        %add3A_1467 = arith.constant 14 : i32
        %add3A_1468 = arith.addi %mul3A_1466, %add3A_1467 : i32
        %get3A_1469 = arith.index_cast %add3A_1468 : i32 to index
        %get3A_1470 = arith.constant 48 : index
        %get3A_1471 = tpu.vector_load %arg11[%get3A_1469, %get3A_1470] {strides = array<i32>} : memref<800x64xf32, #tpu.memory_space<vmem>>, vector<16xf32>,
        %add3A_1472 = arith.addf %add3A_1464, %get3A_1471 : vector<16xf32>
        %mul3A_1473 = arith.constant 50 : i32
        %mul3A_1474 = arith.muli %scan3A_36, %mul3A_1473 : i32
        %add3A_1475 = arith.constant 15 : i32
        %add3A_1476 = arith.addi %mul3A_1474, %add3A_1475 : i32
        %get3A_1477 = arith.index_cast %add3A_1476 : i32 to index
        %get3A_1478 = arith.constant 48 : index
        %get3A_1479 = tpu.vector_load %arg11[%get3A_1477, %get3A_1478] {strides = array<i32>} : memref<800x64xf32, #tpu.memory_space<vmem>>, vector<16xf32>,
        %add3A_1480 = arith.addf %add3A_1472, %get3A_1479 : vector<16xf32>
        %mul3A_1481 = arith.constant 50 : i32
        %mul3A_1482 = arith.muli %scan3A_36, %mul3A_1481 : i32
        %add3A_1483 = arith.constant 16 : i32
        %add3A_1484 = arith.addi %mul3A_1482, %add3A_1483 : i32
        %get3A_1485 = arith.index_cast %add3A_1484 : i32 to index
        %get3A_1486 = arith.constant 48 : index
        %get3A_1487 = tpu.vector_load %arg11[%get3A_1485, %get3A_1486] {strides = array<i32>} : memref<800x64xf32, #tpu.memory_space<vmem>>, vector<16xf32>,
        %add3A_1488 = arith.addf %add3A_1480, %get3A_1487 : vector<16xf32>
        %mul3A_1489 = arith.constant 50 : i32
        %mul3A_1490 = arith.muli %scan3A_36, %mul3A_1489 : i32
        %add3A_1491 = arith.constant 17 : i32
        %add3A_1492 = arith.addi %mul3A_1490, %add3A_1491 : i32
        %get3A_1493 = arith.index_cast %add3A_1492 : i32 to index
        %get3A_1494 = arith.constant 48 : index
        %get3A_1495 = tpu.vector_load %arg11[%get3A_1493, %get3A_1494] {strides = array<i32>} : memref<800x64xf32, #tpu.memory_space<vmem>>, vector<16xf32>,
        %add3A_1496 = arith.addf %add3A_1488, %get3A_1495 : vector<16xf32>
        %mul3A_1497 = arith.constant 50 : i32
        %mul3A_1498 = arith.muli %scan3A_36, %mul3A_1497 : i32
        %add3A_1499 = arith.constant 18 : i32
        %add3A_1500 = arith.addi %mul3A_1498, %add3A_1499 : i32
        %get3A_1501 = arith.index_cast %add3A_1500 : i32 to index
        %get3A_1502 = arith.constant 48 : index
        %get3A_1503 = tpu.vector_load %arg11[%get3A_1501, %get3A_1502] {strides = array<i32>} : memref<800x64xf32, #tpu.memory_space<vmem>>, vector<16xf32>,
        %add3A_1504 = arith.addf %add3A_1496, %get3A_1503 : vector<16xf32>
        %mul3A_1505 = arith.constant 50 : i32
        %mul3A_1506 = arith.muli %scan3A_36, %mul3A_1505 : i32
        %add3A_1507 = arith.constant 19 : i32
        %add3A_1508 = arith.addi %mul3A_1506, %add3A_1507 : i32
        %get3A_1509 = arith.index_cast %add3A_1508 : i32 to index
        %get3A_1510 = arith.constant 48 : index
        %get3A_1511 = tpu.vector_load %arg11[%get3A_1509, %get3A_1510] {strides = array<i32>} : memref<800x64xf32, #tpu.memory_space<vmem>>, vector<16xf32>,
        %add3A_1512 = arith.addf %add3A_1504, %get3A_1511 : vector<16xf32>
        %mul3A_1513 = arith.constant 50 : i32
        %mul3A_1514 = arith.muli %scan3A_36, %mul3A_1513 : i32
        %add3A_1515 = arith.constant 20 : i32
        %add3A_1516 = arith.addi %mul3A_1514, %add3A_1515 : i32
        %get3A_1517 = arith.index_cast %add3A_1516 : i32 to index
        %get3A_1518 = arith.constant 48 : index
        %get3A_1519 = tpu.vector_load %arg11[%get3A_1517, %get3A_1518] {strides = array<i32>} : memref<800x64xf32, #tpu.memory_space<vmem>>, vector<16xf32>,
        %add3A_1520 = arith.addf %add3A_1512, %get3A_1519 : vector<16xf32>
        %mul3A_1521 = arith.constant 50 : i32
        %mul3A_1522 = arith.muli %scan3A_36, %mul3A_1521 : i32
        %add3A_1523 = arith.constant 21 : i32
        %add3A_1524 = arith.addi %mul3A_1522, %add3A_1523 : i32
        %get3A_1525 = arith.index_cast %add3A_1524 : i32 to index
        %get3A_1526 = arith.constant 48 : index
        %get3A_1527 = tpu.vector_load %arg11[%get3A_1525, %get3A_1526] {strides = array<i32>} : memref<800x64xf32, #tpu.memory_space<vmem>>, vector<16xf32>,
        %add3A_1528 = arith.addf %add3A_1520, %get3A_1527 : vector<16xf32>
        %mul3A_1529 = arith.constant 50 : i32
        %mul3A_1530 = arith.muli %scan3A_36, %mul3A_1529 : i32
        %add3A_1531 = arith.constant 22 : i32
        %add3A_1532 = arith.addi %mul3A_1530, %add3A_1531 : i32
        %get3A_1533 = arith.index_cast %add3A_1532 : i32 to index
        %get3A_1534 = arith.constant 48 : index
        %get3A_1535 = tpu.vector_load %arg11[%get3A_1533, %get3A_1534] {strides = array<i32>} : memref<800x64xf32, #tpu.memory_space<vmem>>, vector<16xf32>,
        %add3A_1536 = arith.addf %add3A_1528, %get3A_1535 : vector<16xf32>
        %mul3A_1537 = arith.constant 50 : i32
        %mul3A_1538 = arith.muli %scan3A_36, %mul3A_1537 : i32
        %add3A_1539 = arith.constant 23 : i32
        %add3A_1540 = arith.addi %mul3A_1538, %add3A_1539 : i32
        %get3A_1541 = arith.index_cast %add3A_1540 : i32 to index
        %get3A_1542 = arith.constant 48 : index
        %get3A_1543 = tpu.vector_load %arg11[%get3A_1541, %get3A_1542] {strides = array<i32>} : memref<800x64xf32, #tpu.memory_space<vmem>>, vector<16xf32>,
        %add3A_1544 = arith.addf %add3A_1536, %get3A_1543 : vector<16xf32>
        %mul3A_1545 = arith.constant 50 : i32
        %mul3A_1546 = arith.muli %scan3A_36, %mul3A_1545 : i32
        %add3A_1547 = arith.constant 24 : i32
        %add3A_1548 = arith.addi %mul3A_1546, %add3A_1547 : i32
        %get3A_1549 = arith.index_cast %add3A_1548 : i32 to index
        %get3A_1550 = arith.constant 48 : index
        %get3A_1551 = tpu.vector_load %arg11[%get3A_1549, %get3A_1550] {strides = array<i32>} : memref<800x64xf32, #tpu.memory_space<vmem>>, vector<16xf32>,
        %add3A_1552 = arith.addf %add3A_1544, %get3A_1551 : vector<16xf32>
        %mul3A_1553 = arith.constant 50 : i32
        %mul3A_1554 = arith.muli %scan3A_36, %mul3A_1553 : i32
        %add3A_1555 = arith.constant 25 : i32
        %add3A_1556 = arith.addi %mul3A_1554, %add3A_1555 : i32
        %get3A_1557 = arith.index_cast %add3A_1556 : i32 to index
        %get3A_1558 = arith.constant 48 : index
        %get3A_1559 = tpu.vector_load %arg11[%get3A_1557, %get3A_1558] {strides = array<i32>} : memref<800x64xf32, #tpu.memory_space<vmem>>, vector<16xf32>,
        %add3A_1560 = arith.addf %add3A_1552, %get3A_1559 : vector<16xf32>
        %mul3A_1561 = arith.constant 50 : i32
        %mul3A_1562 = arith.muli %scan3A_36, %mul3A_1561 : i32
        %add3A_1563 = arith.constant 26 : i32
        %add3A_1564 = arith.addi %mul3A_1562, %add3A_1563 : i32
        %get3A_1565 = arith.index_cast %add3A_1564 : i32 to index
        %get3A_1566 = arith.constant 48 : index
        %get3A_1567 = tpu.vector_load %arg11[%get3A_1565, %get3A_1566] {strides = array<i32>} : memref<800x64xf32, #tpu.memory_space<vmem>>, vector<16xf32>,
        %add3A_1568 = arith.addf %add3A_1560, %get3A_1567 : vector<16xf32>
        %mul3A_1569 = arith.constant 50 : i32
        %mul3A_1570 = arith.muli %scan3A_36, %mul3A_1569 : i32
        %add3A_1571 = arith.constant 27 : i32
        %add3A_1572 = arith.addi %mul3A_1570, %add3A_1571 : i32
        %get3A_1573 = arith.index_cast %add3A_1572 : i32 to index
        %get3A_1574 = arith.constant 48 : index
        %get3A_1575 = tpu.vector_load %arg11[%get3A_1573, %get3A_1574] {strides = array<i32>} : memref<800x64xf32, #tpu.memory_space<vmem>>, vector<16xf32>,
        %add3A_1576 = arith.addf %add3A_1568, %get3A_1575 : vector<16xf32>
        %mul3A_1577 = arith.constant 50 : i32
        %mul3A_1578 = arith.muli %scan3A_36, %mul3A_1577 : i32
        %add3A_1579 = arith.constant 28 : i32
        %add3A_1580 = arith.addi %mul3A_1578, %add3A_1579 : i32
        %get3A_1581 = arith.index_cast %add3A_1580 : i32 to index
        %get3A_1582 = arith.constant 48 : index
        %get3A_1583 = tpu.vector_load %arg11[%get3A_1581, %get3A_1582] {strides = array<i32>} : memref<800x64xf32, #tpu.memory_space<vmem>>, vector<16xf32>,
        %add3A_1584 = arith.addf %add3A_1576, %get3A_1583 : vector<16xf32>
        %mul3A_1585 = arith.constant 50 : i32
        %mul3A_1586 = arith.muli %scan3A_36, %mul3A_1585 : i32
        %add3A_1587 = arith.constant 29 : i32
        %add3A_1588 = arith.addi %mul3A_1586, %add3A_1587 : i32
        %get3A_1589 = arith.index_cast %add3A_1588 : i32 to index
        %get3A_1590 = arith.constant 48 : index
        %get3A_1591 = tpu.vector_load %arg11[%get3A_1589, %get3A_1590] {strides = array<i32>} : memref<800x64xf32, #tpu.memory_space<vmem>>, vector<16xf32>,
        %add3A_1592 = arith.addf %add3A_1584, %get3A_1591 : vector<16xf32>
        %mul3A_1593 = arith.constant 50 : i32
        %mul3A_1594 = arith.muli %scan3A_36, %mul3A_1593 : i32
        %add3A_1595 = arith.constant 30 : i32
        %add3A_1596 = arith.addi %mul3A_1594, %add3A_1595 : i32
        %get3A_1597 = arith.index_cast %add3A_1596 : i32 to index
        %get3A_1598 = arith.constant 48 : index
        %get3A_1599 = tpu.vector_load %arg11[%get3A_1597, %get3A_1598] {strides = array<i32>} : memref<800x64xf32, #tpu.memory_space<vmem>>, vector<16xf32>,
        %add3A_1600 = arith.addf %add3A_1592, %get3A_1599 : vector<16xf32>
        %mul3A_1601 = arith.constant 50 : i32
        %mul3A_1602 = arith.muli %scan3A_36, %mul3A_1601 : i32
        %add3A_1603 = arith.constant 31 : i32
        %add3A_1604 = arith.addi %mul3A_1602, %add3A_1603 : i32
        %get3A_1605 = arith.index_cast %add3A_1604 : i32 to index
        %get3A_1606 = arith.constant 48 : index
        %get3A_1607 = tpu.vector_load %arg11[%get3A_1605, %get3A_1606] {strides = array<i32>} : memref<800x64xf32, #tpu.memory_space<vmem>>, vector<16xf32>,
        %add3A_1608 = arith.addf %add3A_1600, %get3A_1607 : vector<16xf32>
        %mul3A_1609 = arith.constant 50 : i32
        %mul3A_1610 = arith.muli %scan3A_36, %mul3A_1609 : i32
        %add3A_1611 = arith.constant 32 : i32
        %add3A_1612 = arith.addi %mul3A_1610, %add3A_1611 : i32
        %get3A_1613 = arith.index_cast %add3A_1612 : i32 to index
        %get3A_1614 = arith.constant 48 : index
        %get3A_1615 = tpu.vector_load %arg11[%get3A_1613, %get3A_1614] {strides = array<i32>} : memref<800x64xf32, #tpu.memory_space<vmem>>, vector<16xf32>,
        %add3A_1616 = arith.addf %add3A_1608, %get3A_1615 : vector<16xf32>
        %mul3A_1617 = arith.constant 50 : i32
        %mul3A_1618 = arith.muli %scan3A_36, %mul3A_1617 : i32
        %add3A_1619 = arith.constant 33 : i32
        %add3A_1620 = arith.addi %mul3A_1618, %add3A_1619 : i32
        %get3A_1621 = arith.index_cast %add3A_1620 : i32 to index
        %get3A_1622 = arith.constant 48 : index
        %get3A_1623 = tpu.vector_load %arg11[%get3A_1621, %get3A_1622] {strides = array<i32>} : memref<800x64xf32, #tpu.memory_space<vmem>>, vector<16xf32>,
        %add3A_1624 = arith.addf %add3A_1616, %get3A_1623 : vector<16xf32>
        %mul3A_1625 = arith.constant 50 : i32
        %mul3A_1626 = arith.muli %scan3A_36, %mul3A_1625 : i32
        %add3A_1627 = arith.constant 34 : i32
        %add3A_1628 = arith.addi %mul3A_1626, %add3A_1627 : i32
        %get3A_1629 = arith.index_cast %add3A_1628 : i32 to index
        %get3A_1630 = arith.constant 48 : index
        %get3A_1631 = tpu.vector_load %arg11[%get3A_1629, %get3A_1630] {strides = array<i32>} : memref<800x64xf32, #tpu.memory_space<vmem>>, vector<16xf32>,
        %add3A_1632 = arith.addf %add3A_1624, %get3A_1631 : vector<16xf32>
        %mul3A_1633 = arith.constant 50 : i32
        %mul3A_1634 = arith.muli %scan3A_36, %mul3A_1633 : i32
        %add3A_1635 = arith.constant 35 : i32
        %add3A_1636 = arith.addi %mul3A_1634, %add3A_1635 : i32
        %get3A_1637 = arith.index_cast %add3A_1636 : i32 to index
        %get3A_1638 = arith.constant 48 : index
        %get3A_1639 = tpu.vector_load %arg11[%get3A_1637, %get3A_1638] {strides = array<i32>} : memref<800x64xf32, #tpu.memory_space<vmem>>, vector<16xf32>,
        %add3A_1640 = arith.addf %add3A_1632, %get3A_1639 : vector<16xf32>
        %mul3A_1641 = arith.constant 50 : i32
        %mul3A_1642 = arith.muli %scan3A_36, %mul3A_1641 : i32
        %add3A_1643 = arith.constant 36 : i32
        %add3A_1644 = arith.addi %mul3A_1642, %add3A_1643 : i32
        %get3A_1645 = arith.index_cast %add3A_1644 : i32 to index
        %get3A_1646 = arith.constant 48 : index
        %get3A_1647 = tpu.vector_load %arg11[%get3A_1645, %get3A_1646] {strides = array<i32>} : memref<800x64xf32, #tpu.memory_space<vmem>>, vector<16xf32>,
        %add3A_1648 = arith.addf %add3A_1640, %get3A_1647 : vector<16xf32>
        %mul3A_1649 = arith.constant 50 : i32
        %mul3A_1650 = arith.muli %scan3A_36, %mul3A_1649 : i32
        %add3A_1651 = arith.constant 37 : i32
        %add3A_1652 = arith.addi %mul3A_1650, %add3A_1651 : i32
        %get3A_1653 = arith.index_cast %add3A_1652 : i32 to index
        %get3A_1654 = arith.constant 48 : index
        %get3A_1655 = tpu.vector_load %arg11[%get3A_1653, %get3A_1654] {strides = array<i32>} : memref<800x64xf32, #tpu.memory_space<vmem>>, vector<16xf32>,
        %add3A_1656 = arith.addf %add3A_1648, %get3A_1655 : vector<16xf32>
        %mul3A_1657 = arith.constant 50 : i32
        %mul3A_1658 = arith.muli %scan3A_36, %mul3A_1657 : i32
        %add3A_1659 = arith.constant 38 : i32
        %add3A_1660 = arith.addi %mul3A_1658, %add3A_1659 : i32
        %get3A_1661 = arith.index_cast %add3A_1660 : i32 to index
        %get3A_1662 = arith.constant 48 : index
        %get3A_1663 = tpu.vector_load %arg11[%get3A_1661, %get3A_1662] {strides = array<i32>} : memref<800x64xf32, #tpu.memory_space<vmem>>, vector<16xf32>,
        %add3A_1664 = arith.addf %add3A_1656, %get3A_1663 : vector<16xf32>
        %mul3A_1665 = arith.constant 50 : i32
        %mul3A_1666 = arith.muli %scan3A_36, %mul3A_1665 : i32
        %add3A_1667 = arith.constant 39 : i32
        %add3A_1668 = arith.addi %mul3A_1666, %add3A_1667 : i32
        %get3A_1669 = arith.index_cast %add3A_1668 : i32 to index
        %get3A_1670 = arith.constant 48 : index
        %get3A_1671 = tpu.vector_load %arg11[%get3A_1669, %get3A_1670] {strides = array<i32>} : memref<800x64xf32, #tpu.memory_space<vmem>>, vector<16xf32>,
        %add3A_1672 = arith.addf %add3A_1664, %get3A_1671 : vector<16xf32>
        %mul3A_1673 = arith.constant 50 : i32
        %mul3A_1674 = arith.muli %scan3A_36, %mul3A_1673 : i32
        %add3A_1675 = arith.constant 40 : i32
        %add3A_1676 = arith.addi %mul3A_1674, %add3A_1675 : i32
        %get3A_1677 = arith.index_cast %add3A_1676 : i32 to index
        %get3A_1678 = arith.constant 48 : index
        %get3A_1679 = tpu.vector_load %arg11[%get3A_1677, %get3A_1678] {strides = array<i32>} : memref<800x64xf32, #tpu.memory_space<vmem>>, vector<16xf32>,
        %add3A_1680 = arith.addf %add3A_1672, %get3A_1679 : vector<16xf32>
        %mul3A_1681 = arith.constant 50 : i32
        %mul3A_1682 = arith.muli %scan3A_36, %mul3A_1681 : i32
        %add3A_1683 = arith.constant 41 : i32
        %add3A_1684 = arith.addi %mul3A_1682, %add3A_1683 : i32
        %get3A_1685 = arith.index_cast %add3A_1684 : i32 to index
        %get3A_1686 = arith.constant 48 : index
        %get3A_1687 = tpu.vector_load %arg11[%get3A_1685, %get3A_1686] {strides = array<i32>} : memref<800x64xf32, #tpu.memory_space<vmem>>, vector<16xf32>,
        %add3A_1688 = arith.addf %add3A_1680, %get3A_1687 : vector<16xf32>
        %mul3A_1689 = arith.constant 50 : i32
        %mul3A_1690 = arith.muli %scan3A_36, %mul3A_1689 : i32
        %add3A_1691 = arith.constant 42 : i32
        %add3A_1692 = arith.addi %mul3A_1690, %add3A_1691 : i32
        %get3A_1693 = arith.index_cast %add3A_1692 : i32 to index
        %get3A_1694 = arith.constant 48 : index
        %get3A_1695 = tpu.vector_load %arg11[%get3A_1693, %get3A_1694] {strides = array<i32>} : memref<800x64xf32, #tpu.memory_space<vmem>>, vector<16xf32>,
        %add3A_1696 = arith.addf %add3A_1688, %get3A_1695 : vector<16xf32>
        %mul3A_1697 = arith.constant 50 : i32
        %mul3A_1698 = arith.muli %scan3A_36, %mul3A_1697 : i32
        %add3A_1699 = arith.constant 43 : i32
        %add3A_1700 = arith.addi %mul3A_1698, %add3A_1699 : i32
        %get3A_1701 = arith.index_cast %add3A_1700 : i32 to index
        %get3A_1702 = arith.constant 48 : index
        %get3A_1703 = tpu.vector_load %arg11[%get3A_1701, %get3A_1702] {strides = array<i32>} : memref<800x64xf32, #tpu.memory_space<vmem>>, vector<16xf32>,
        %add3A_1704 = arith.addf %add3A_1696, %get3A_1703 : vector<16xf32>
        %mul3A_1705 = arith.constant 50 : i32
        %mul3A_1706 = arith.muli %scan3A_36, %mul3A_1705 : i32
        %add3A_1707 = arith.constant 44 : i32
        %add3A_1708 = arith.addi %mul3A_1706, %add3A_1707 : i32
        %get3A_1709 = arith.index_cast %add3A_1708 : i32 to index
        %get3A_1710 = arith.constant 48 : index
        %get3A_1711 = tpu.vector_load %arg11[%get3A_1709, %get3A_1710] {strides = array<i32>} : memref<800x64xf32, #tpu.memory_space<vmem>>, vector<16xf32>,
        %add3A_1712 = arith.addf %add3A_1704, %get3A_1711 : vector<16xf32>
        %mul3A_1713 = arith.constant 50 : i32
        %mul3A_1714 = arith.muli %scan3A_36, %mul3A_1713 : i32
        %add3A_1715 = arith.constant 45 : i32
        %add3A_1716 = arith.addi %mul3A_1714, %add3A_1715 : i32
        %get3A_1717 = arith.index_cast %add3A_1716 : i32 to index
        %get3A_1718 = arith.constant 48 : index
        %get3A_1719 = tpu.vector_load %arg11[%get3A_1717, %get3A_1718] {strides = array<i32>} : memref<800x64xf32, #tpu.memory_space<vmem>>, vector<16xf32>,
        %add3A_1720 = arith.addf %add3A_1712, %get3A_1719 : vector<16xf32>
        %mul3A_1721 = arith.constant 50 : i32
        %mul3A_1722 = arith.muli %scan3A_36, %mul3A_1721 : i32
        %add3A_1723 = arith.constant 46 : i32
        %add3A_1724 = arith.addi %mul3A_1722, %add3A_1723 : i32
        %get3A_1725 = arith.index_cast %add3A_1724 : i32 to index
        %get3A_1726 = arith.constant 48 : index
        %get3A_1727 = tpu.vector_load %arg11[%get3A_1725, %get3A_1726] {strides = array<i32>} : memref<800x64xf32, #tpu.memory_space<vmem>>, vector<16xf32>,
        %add3A_1728 = arith.addf %add3A_1720, %get3A_1727 : vector<16xf32>
        %mul3A_1729 = arith.constant 50 : i32
        %mul3A_1730 = arith.muli %scan3A_36, %mul3A_1729 : i32
        %add3A_1731 = arith.constant 47 : i32
        %add3A_1732 = arith.addi %mul3A_1730, %add3A_1731 : i32
        %get3A_1733 = arith.index_cast %add3A_1732 : i32 to index
        %get3A_1734 = arith.constant 48 : index
        %get3A_1735 = tpu.vector_load %arg11[%get3A_1733, %get3A_1734] {strides = array<i32>} : memref<800x64xf32, #tpu.memory_space<vmem>>, vector<16xf32>,
        %add3A_1736 = arith.addf %add3A_1728, %get3A_1735 : vector<16xf32>
        %mul3A_1737 = arith.constant 50 : i32
        %mul3A_1738 = arith.muli %scan3A_36, %mul3A_1737 : i32
        %add3A_1739 = arith.constant 48 : i32
        %add3A_1740 = arith.addi %mul3A_1738, %add3A_1739 : i32
        %get3A_1741 = arith.index_cast %add3A_1740 : i32 to index
        %get3A_1742 = arith.constant 48 : index
        %get3A_1743 = tpu.vector_load %arg11[%get3A_1741, %get3A_1742] {strides = array<i32>} : memref<800x64xf32, #tpu.memory_space<vmem>>, vector<16xf32>,
        %add3A_1744 = arith.addf %add3A_1736, %get3A_1743 : vector<16xf32>
        %mul3A_1745 = arith.constant 50 : i32
        %mul3A_1746 = arith.muli %scan3A_36, %mul3A_1745 : i32
        %add3A_1747 = arith.constant 49 : i32
        %add3A_1748 = arith.addi %mul3A_1746, %add3A_1747 : i32
        %get3A_1749 = arith.index_cast %add3A_1748 : i32 to index
        %get3A_1750 = arith.constant 48 : index
        %get3A_1751 = tpu.vector_load %arg11[%get3A_1749, %get3A_1750] {strides = array<i32>} : memref<800x64xf32, #tpu.memory_space<vmem>>, vector<16xf32>,
        %add3A_1752 = arith.addf %add3A_1744, %get3A_1751 : vector<16xf32>
        %swap3A_1753 = arith.index_cast %scan3A_36 : i32 to index
        %swap3A_1754 = arith.constant 48 : index
        %swap3A_1755 = tpu.vector_load %arg13[%swap3A_1753, %swap3A_1754] {strides = array<i32>} : memref<16x64xf32, #tpu.memory_space<vmem>>, vector<16xf32>,
        tpu.vector_store %arg13[%swap3A_1753, %swap3A_1754], %add3A_1752 {strides = array<i32>} : memref<16x64xf32, #tpu.memory_space<vmem>>, vector<16xf32>,
        %mul3A_1756 = arith.constant 5 : i32
        %mul3A_1757 = arith.muli %scan3A_36, %mul3A_1756 : i32
        %get3A_1758 = arith.index_cast %mul3A_1757 : i32 to index
        %get3A_1759 = arith.constant 48 : index
        %get3A_1760 = tpu.vector_load %arg10[%get3A_1758, %get3A_1759] {strides = array<i32>} : memref<80x64xf32, #tpu.memory_space<vmem>>, vector<16xf32>,
        %mul3A_1761 = arith.constant 5 : i32
        %mul3A_1762 = arith.muli %scan3A_36, %mul3A_1761 : i32
        %add3A_1763 = arith.constant 1 : i32
        %add3A_1764 = arith.addi %mul3A_1762, %add3A_1763 : i32
        %get3A_1765 = arith.index_cast %add3A_1764 : i32 to index
        %get3A_1766 = arith.constant 48 : index
        %get3A_1767 = tpu.vector_load %arg10[%get3A_1765, %get3A_1766] {strides = array<i32>} : memref<80x64xf32, #tpu.memory_space<vmem>>, vector<16xf32>,
        %add3A_1768 = arith.addf %get3A_1760, %get3A_1767 : vector<16xf32>
        %mul3A_1769 = arith.constant 5 : i32
        %mul3A_1770 = arith.muli %scan3A_36, %mul3A_1769 : i32
        %add3A_1771 = arith.constant 2 : i32
        %add3A_1772 = arith.addi %mul3A_1770, %add3A_1771 : i32
        %get3A_1773 = arith.index_cast %add3A_1772 : i32 to index
        %get3A_1774 = arith.constant 48 : index
        %get3A_1775 = tpu.vector_load %arg10[%get3A_1773, %get3A_1774] {strides = array<i32>} : memref<80x64xf32, #tpu.memory_space<vmem>>, vector<16xf32>,
        %add3A_1776 = arith.addf %add3A_1768, %get3A_1775 : vector<16xf32>
        %mul3A_1777 = arith.constant 5 : i32
        %mul3A_1778 = arith.muli %scan3A_36, %mul3A_1777 : i32
        %add3A_1779 = arith.constant 3 : i32
        %add3A_1780 = arith.addi %mul3A_1778, %add3A_1779 : i32
        %get3A_1781 = arith.index_cast %add3A_1780 : i32 to index
        %get3A_1782 = arith.constant 48 : index
        %get3A_1783 = tpu.vector_load %arg10[%get3A_1781, %get3A_1782] {strides = array<i32>} : memref<80x64xf32, #tpu.memory_space<vmem>>, vector<16xf32>,
        %add3A_1784 = arith.addf %add3A_1776, %get3A_1783 : vector<16xf32>
        %mul3A_1785 = arith.constant 5 : i32
        %mul3A_1786 = arith.muli %scan3A_36, %mul3A_1785 : i32
        %add3A_1787 = arith.constant 4 : i32
        %add3A_1788 = arith.addi %mul3A_1786, %add3A_1787 : i32
        %get3A_1789 = arith.index_cast %add3A_1788 : i32 to index
        %get3A_1790 = arith.constant 48 : index
        %get3A_1791 = tpu.vector_load %arg10[%get3A_1789, %get3A_1790] {strides = array<i32>} : memref<80x64xf32, #tpu.memory_space<vmem>>, vector<16xf32>,
        %add3A_1792 = arith.addf %add3A_1784, %get3A_1791 : vector<16xf32>
        %swap3A_1793 = arith.index_cast %scan3A_36 : i32 to index
        %swap3A_1794 = arith.constant 48 : index
        %swap3A_1795 = tpu.vector_load %arg12[%swap3A_1793, %swap3A_1794] {strides = array<i32>} : memref<16x64xf32, #tpu.memory_space<vmem>>, vector<16xf32>,
        tpu.vector_store %arg12[%swap3A_1793, %swap3A_1794], %add3A_1792 {strides = array<i32>} : memref<16x64xf32, #tpu.memory_space<vmem>>, vector<16xf32>,
        %scan3A_1796 = arith.constant 0 : i32
        scf.yield %scan3A_1796 : i32
      }
      %scan3A_34 = arith.constant 16 : i32
      "tpu.region"() ({
        %run_scoped3A = tpu.sem_alloc : memref<!tpu.dma_semaphore, #tpu.memory_space<semaphore_mem>>
        %dma_start3A_36 = arith.constant 0 : i32
        %dma_start3A_37 = tpu.memref_slice %arg6[%add3A_13, %dma_start3A_36] : memref<16384x64xf32, #tpu.memory_space<hbm>> -> memref<16x64xf32, #tpu.memory_space<hbm>>
        %dma_start3A_38 = arith.constant 0 : i32
        %dma_start3A_39 = tpu.memref_slice %arg6[%add3A_13, %dma_start3A_38] : memref<16384x64xf32, #tpu.memory_space<hbm>> -> memref<16x64xf32, #tpu.memory_space<hbm>>
        tpu.enqueue_dma source(%arg12 : memref<16x64xf32, #tpu.memory_space<vmem>>) target(%dma_start3A_39 : memref<16x64xf32, #tpu.memory_space<hbm>>) target_semaphore(%run_scoped3A : memref<!tpu.dma_semaphore, #tpu.memory_space<semaphore_mem>>)
        %dma_wait3A_40 = arith.constant 0 : i32
        %dma_wait3A_41 = tpu.memref_slice %arg6[%add3A_13, %dma_wait3A_40] : memref<16384x64xf32, #tpu.memory_space<hbm>> -> memref<16x64xf32, #tpu.memory_space<hbm>>
        %dma_wait3A_42 = arith.constant 0 : i32
        %dma_wait3A_43 = tpu.memref_slice %arg6[%add3A_13, %dma_wait3A_42] : memref<16384x64xf32, #tpu.memory_space<hbm>> -> memref<16x64xf32, #tpu.memory_space<hbm>>
        tpu.wait_dma2 semaphore(%run_scoped3A : memref<!tpu.dma_semaphore, #tpu.memory_space<semaphore_mem>>) src(%arg12 : memref<16x64xf32, #tpu.memory_space<vmem>>) dst(%dma_wait3A_43 : memref<16x64xf32, #tpu.memory_space<hbm>>)
        tpu.yield
      }) : () -> ()
      "tpu.region"() ({
        %run_scoped3A = tpu.sem_alloc : memref<!tpu.dma_semaphore, #tpu.memory_space<semaphore_mem>>
        %dma_start3A_36 = arith.constant 0 : i32
        %dma_start3A_37 = tpu.memref_slice %arg7[%add3A_13, %dma_start3A_36] : memref<16384x64xf32, #tpu.memory_space<hbm>> -> memref<16x64xf32, #tpu.memory_space<hbm>>
        %dma_start3A_38 = arith.constant 0 : i32
        %dma_start3A_39 = tpu.memref_slice %arg7[%add3A_13, %dma_start3A_38] : memref<16384x64xf32, #tpu.memory_space<hbm>> -> memref<16x64xf32, #tpu.memory_space<hbm>>
        tpu.enqueue_dma source(%arg13 : memref<16x64xf32, #tpu.memory_space<vmem>>) target(%dma_start3A_39 : memref<16x64xf32, #tpu.memory_space<hbm>>) target_semaphore(%run_scoped3A : memref<!tpu.dma_semaphore, #tpu.memory_space<semaphore_mem>>)
        %dma_wait3A_40 = arith.constant 0 : i32
        %dma_wait3A_41 = tpu.memref_slice %arg7[%add3A_13, %dma_wait3A_40] : memref<16384x64xf32, #tpu.memory_space<hbm>> -> memref<16x64xf32, #tpu.memory_space<hbm>>
        %dma_wait3A_42 = arith.constant 0 : i32
        %dma_wait3A_43 = tpu.memref_slice %arg7[%add3A_13, %dma_wait3A_42] : memref<16384x64xf32, #tpu.memory_space<hbm>> -> memref<16x64xf32, #tpu.memory_space<hbm>>
        tpu.wait_dma2 semaphore(%run_scoped3A : memref<!tpu.dma_semaphore, #tpu.memory_space<semaphore_mem>>) src(%arg13 : memref<16x64xf32, #tpu.memory_space<vmem>>) dst(%dma_wait3A_43 : memref<16x64xf32, #tpu.memory_space<hbm>>)
        tpu.yield
      }) : () -> ()
      %scan3A_35 = arith.constant 0 : i32
      scf.yield %scan3A_35 : i32
    }
    %scan3A_6 = arith.constant 32 : i32
    return
  }
}

#map = affine_map<(d0, d1) -> (0)>
#map1 = affine_map<(d0, d1) -> (0, 0)>
module attributes {stable_mosaic.version = 14 : i64} {
  func.func @_sc_b_body(%arg0: i32, %arg1: i32, %arg2: memref<16384xi32, #tpu.memory_space<hbm>>, %arg3: memref<64x1000001xf32, #tpu.memory_space<hbm>>, %arg4: memref<64x16384xf32, #tpu.memory_space<hbm>>, %arg5: memref<128xi32, #tpu.memory_space<vmem>>, %arg6: memref<64x128xf32, #tpu.memory_space<vmem>>, %arg7: memref<!tpu.dma_semaphore, #tpu.memory_space<semaphore_mem>>) attributes {dimension_semantics = [#tpu.dimension_semantics<core_parallel>, #tpu.dimension_semantics<subcore_parallel>], iteration_bounds = array<i64: 2, 16>, scalar_prefetch = 0 : i64, scratch_operands = 3 : i64, tpu.core_type = #tpu.core_type<sc_vector_subcore>, window_params = [{transform_indices = #map}, {transform_indices = #map1}, {transform_indices = #map1}]} {
    %mul3A = arith.constant 2 : i32
    %mul3A_0 = arith.muli %arg1, %mul3A : i32
    %add3A = arith.addi %mul3A_0, %arg0 : i32
    %scan3A = arith.constant 0 : i32
    %scan3A_1 = arith.constant 0 : i32
    %scan3A_2 = arith.constant 4 : i32
    %scan3A_3 = arith.addi %scan3A_1, %scan3A_2 : i32
    %scan3A_4 = arith.constant 1 : i32
    %scan3A_5 = scf.for %scan3A_7 = %scan3A_1 to %scan3A_3 step %scan3A_4 iter_args(%scan3A_8 = %scan3A) -> (i32)  : i32 {
      %mul3A_9 = arith.constant 512 : i32
      %mul3A_10 = arith.muli %add3A, %mul3A_9 : i32
      %mul3A_11 = arith.constant 128 : i32
      %mul3A_12 = arith.muli %scan3A_7, %mul3A_11 : i32
      %add3A_13 = arith.addi %mul3A_10, %mul3A_12 : i32
      "tpu.region"() ({
        %run_scoped3A = tpu.sem_alloc : memref<!tpu.dma_semaphore, #tpu.memory_space<semaphore_mem>>
        %dma_start3A_1293 = tpu.memref_slice %arg2[%add3A_13] : memref<16384xi32, #tpu.memory_space<hbm>> -> memref<128xi32, #tpu.memory_space<hbm>>
        %dma_start3A_1294 = tpu.memref_slice %arg2[%add3A_13] : memref<16384xi32, #tpu.memory_space<hbm>> -> memref<128xi32, #tpu.memory_space<hbm>>
        tpu.enqueue_dma source(%dma_start3A_1294 : memref<128xi32, #tpu.memory_space<hbm>>) target(%arg5 : memref<128xi32, #tpu.memory_space<vmem>>) target_semaphore(%run_scoped3A : memref<!tpu.dma_semaphore, #tpu.memory_space<semaphore_mem>>)
        %dma_wait3A_1295 = tpu.memref_slice %arg2[%add3A_13] : memref<16384xi32, #tpu.memory_space<hbm>> -> memref<128xi32, #tpu.memory_space<hbm>>
        %dma_wait3A_1296 = tpu.memref_slice %arg2[%add3A_13] : memref<16384xi32, #tpu.memory_space<hbm>> -> memref<128xi32, #tpu.memory_space<hbm>>
        tpu.wait_dma2 semaphore(%run_scoped3A : memref<!tpu.dma_semaphore, #tpu.memory_space<semaphore_mem>>) src(%dma_wait3A_1296 : memref<128xi32, #tpu.memory_space<hbm>>) dst(%arg5 : memref<128xi32, #tpu.memory_space<vmem>>)
        tpu.yield
      }) : () -> ()
      %dma_start3A = arith.constant 0 : i32
      %dma_start3A_14 = arith.constant 0 : i32
      %dma_start3A_15 = arith.constant 0 : i32
      %dma_start3A_16 = tpu.memref_slice %arg6[%dma_start3A_14, %dma_start3A_15] : memref<64x128xf32, #tpu.memory_space<vmem>> -> memref<1x128xf32, #tpu.memory_space<vmem>>
      %dma_start3A_17 = tpu.memref_squeeze %dma_start3A_16 : memref<1x128xf32, #tpu.memory_space<vmem>> -> memref<128xf32, #tpu.memory_space<vmem>>
      %dma_start3A_18 = arith.constant 0 : i32
      %dma_start3A_19 = tpu.memref_slice %arg3[%dma_start3A, %dma_start3A_18] : memref<64x1000001xf32, #tpu.memory_space<hbm>> -> memref<1x1000001xf32, #tpu.memory_space<hbm>>
      %dma_start3A_20 = tpu.memref_squeeze %dma_start3A_19 : memref<1x1000001xf32, #tpu.memory_space<hbm>> -> memref<1000001xf32, #tpu.memory_space<hbm>>
      %dma_start3A_21 = arith.constant 0 : i32
      %dma_start3A_22 = tpu.memref_slice %dma_start3A_20[%dma_start3A_21] : memref<1000001xf32, #tpu.memory_space<hbm>> -> memref<1000001xf32, #tpu.memory_space<hbm>>
      tpu.enqueue_indirect_dma source(%dma_start3A_22 : memref<1000001xf32, #tpu.memory_space<hbm>>) target(%dma_start3A_17 : memref<128xf32, #tpu.memory_space<vmem>>) offsets(%arg5 : memref<128xi32, #tpu.memory_space<vmem>>) semaphore(%arg7 : memref<!tpu.dma_semaphore, #tpu.memory_space<semaphore_mem>>)
      %dma_start3A_23 = arith.constant 1 : i32
      %dma_start3A_24 = arith.constant 1 : i32
      %dma_start3A_25 = arith.constant 0 : i32
      %dma_start3A_26 = tpu.memref_slice %arg6[%dma_start3A_24, %dma_start3A_25] : memref<64x128xf32, #tpu.memory_space<vmem>> -> memref<1x128xf32, #tpu.memory_space<vmem>>
      %dma_start3A_27 = tpu.memref_squeeze %dma_start3A_26 : memref<1x128xf32, #tpu.memory_space<vmem>> -> memref<128xf32, #tpu.memory_space<vmem>>
      %dma_start3A_28 = arith.constant 0 : i32
      %dma_start3A_29 = tpu.memref_slice %arg3[%dma_start3A_23, %dma_start3A_28] : memref<64x1000001xf32, #tpu.memory_space<hbm>> -> memref<1x1000001xf32, #tpu.memory_space<hbm>>
      %dma_start3A_30 = tpu.memref_squeeze %dma_start3A_29 : memref<1x1000001xf32, #tpu.memory_space<hbm>> -> memref<1000001xf32, #tpu.memory_space<hbm>>
      %dma_start3A_31 = arith.constant 0 : i32
      %dma_start3A_32 = tpu.memref_slice %dma_start3A_30[%dma_start3A_31] : memref<1000001xf32, #tpu.memory_space<hbm>> -> memref<1000001xf32, #tpu.memory_space<hbm>>
      tpu.enqueue_indirect_dma source(%dma_start3A_32 : memref<1000001xf32, #tpu.memory_space<hbm>>) target(%dma_start3A_27 : memref<128xf32, #tpu.memory_space<vmem>>) offsets(%arg5 : memref<128xi32, #tpu.memory_space<vmem>>) semaphore(%arg7 : memref<!tpu.dma_semaphore, #tpu.memory_space<semaphore_mem>>)
      %dma_start3A_33 = arith.constant 2 : i32
      %dma_start3A_34 = arith.constant 2 : i32
      %dma_start3A_35 = arith.constant 0 : i32
      %dma_start3A_36 = tpu.memref_slice %arg6[%dma_start3A_34, %dma_start3A_35] : memref<64x128xf32, #tpu.memory_space<vmem>> -> memref<1x128xf32, #tpu.memory_space<vmem>>
      %dma_start3A_37 = tpu.memref_squeeze %dma_start3A_36 : memref<1x128xf32, #tpu.memory_space<vmem>> -> memref<128xf32, #tpu.memory_space<vmem>>
      %dma_start3A_38 = arith.constant 0 : i32
      %dma_start3A_39 = tpu.memref_slice %arg3[%dma_start3A_33, %dma_start3A_38] : memref<64x1000001xf32, #tpu.memory_space<hbm>> -> memref<1x1000001xf32, #tpu.memory_space<hbm>>
      %dma_start3A_40 = tpu.memref_squeeze %dma_start3A_39 : memref<1x1000001xf32, #tpu.memory_space<hbm>> -> memref<1000001xf32, #tpu.memory_space<hbm>>
      %dma_start3A_41 = arith.constant 0 : i32
      %dma_start3A_42 = tpu.memref_slice %dma_start3A_40[%dma_start3A_41] : memref<1000001xf32, #tpu.memory_space<hbm>> -> memref<1000001xf32, #tpu.memory_space<hbm>>
      tpu.enqueue_indirect_dma source(%dma_start3A_42 : memref<1000001xf32, #tpu.memory_space<hbm>>) target(%dma_start3A_37 : memref<128xf32, #tpu.memory_space<vmem>>) offsets(%arg5 : memref<128xi32, #tpu.memory_space<vmem>>) semaphore(%arg7 : memref<!tpu.dma_semaphore, #tpu.memory_space<semaphore_mem>>)
      %dma_start3A_43 = arith.constant 3 : i32
      %dma_start3A_44 = arith.constant 3 : i32
      %dma_start3A_45 = arith.constant 0 : i32
      %dma_start3A_46 = tpu.memref_slice %arg6[%dma_start3A_44, %dma_start3A_45] : memref<64x128xf32, #tpu.memory_space<vmem>> -> memref<1x128xf32, #tpu.memory_space<vmem>>
      %dma_start3A_47 = tpu.memref_squeeze %dma_start3A_46 : memref<1x128xf32, #tpu.memory_space<vmem>> -> memref<128xf32, #tpu.memory_space<vmem>>
      %dma_start3A_48 = arith.constant 0 : i32
      %dma_start3A_49 = tpu.memref_slice %arg3[%dma_start3A_43, %dma_start3A_48] : memref<64x1000001xf32, #tpu.memory_space<hbm>> -> memref<1x1000001xf32, #tpu.memory_space<hbm>>
      %dma_start3A_50 = tpu.memref_squeeze %dma_start3A_49 : memref<1x1000001xf32, #tpu.memory_space<hbm>> -> memref<1000001xf32, #tpu.memory_space<hbm>>
      %dma_start3A_51 = arith.constant 0 : i32
      %dma_start3A_52 = tpu.memref_slice %dma_start3A_50[%dma_start3A_51] : memref<1000001xf32, #tpu.memory_space<hbm>> -> memref<1000001xf32, #tpu.memory_space<hbm>>
      tpu.enqueue_indirect_dma source(%dma_start3A_52 : memref<1000001xf32, #tpu.memory_space<hbm>>) target(%dma_start3A_47 : memref<128xf32, #tpu.memory_space<vmem>>) offsets(%arg5 : memref<128xi32, #tpu.memory_space<vmem>>) semaphore(%arg7 : memref<!tpu.dma_semaphore, #tpu.memory_space<semaphore_mem>>)
      %dma_start3A_53 = arith.constant 4 : i32
      %dma_start3A_54 = arith.constant 4 : i32
      %dma_start3A_55 = arith.constant 0 : i32
      %dma_start3A_56 = tpu.memref_slice %arg6[%dma_start3A_54, %dma_start3A_55] : memref<64x128xf32, #tpu.memory_space<vmem>> -> memref<1x128xf32, #tpu.memory_space<vmem>>
      %dma_start3A_57 = tpu.memref_squeeze %dma_start3A_56 : memref<1x128xf32, #tpu.memory_space<vmem>> -> memref<128xf32, #tpu.memory_space<vmem>>
      %dma_start3A_58 = arith.constant 0 : i32
      %dma_start3A_59 = tpu.memref_slice %arg3[%dma_start3A_53, %dma_start3A_58] : memref<64x1000001xf32, #tpu.memory_space<hbm>> -> memref<1x1000001xf32, #tpu.memory_space<hbm>>
      %dma_start3A_60 = tpu.memref_squeeze %dma_start3A_59 : memref<1x1000001xf32, #tpu.memory_space<hbm>> -> memref<1000001xf32, #tpu.memory_space<hbm>>
      %dma_start3A_61 = arith.constant 0 : i32
      %dma_start3A_62 = tpu.memref_slice %dma_start3A_60[%dma_start3A_61] : memref<1000001xf32, #tpu.memory_space<hbm>> -> memref<1000001xf32, #tpu.memory_space<hbm>>
      tpu.enqueue_indirect_dma source(%dma_start3A_62 : memref<1000001xf32, #tpu.memory_space<hbm>>) target(%dma_start3A_57 : memref<128xf32, #tpu.memory_space<vmem>>) offsets(%arg5 : memref<128xi32, #tpu.memory_space<vmem>>) semaphore(%arg7 : memref<!tpu.dma_semaphore, #tpu.memory_space<semaphore_mem>>)
      %dma_start3A_63 = arith.constant 5 : i32
      %dma_start3A_64 = arith.constant 5 : i32
      %dma_start3A_65 = arith.constant 0 : i32
      %dma_start3A_66 = tpu.memref_slice %arg6[%dma_start3A_64, %dma_start3A_65] : memref<64x128xf32, #tpu.memory_space<vmem>> -> memref<1x128xf32, #tpu.memory_space<vmem>>
      %dma_start3A_67 = tpu.memref_squeeze %dma_start3A_66 : memref<1x128xf32, #tpu.memory_space<vmem>> -> memref<128xf32, #tpu.memory_space<vmem>>
      %dma_start3A_68 = arith.constant 0 : i32
      %dma_start3A_69 = tpu.memref_slice %arg3[%dma_start3A_63, %dma_start3A_68] : memref<64x1000001xf32, #tpu.memory_space<hbm>> -> memref<1x1000001xf32, #tpu.memory_space<hbm>>
      %dma_start3A_70 = tpu.memref_squeeze %dma_start3A_69 : memref<1x1000001xf32, #tpu.memory_space<hbm>> -> memref<1000001xf32, #tpu.memory_space<hbm>>
      %dma_start3A_71 = arith.constant 0 : i32
      %dma_start3A_72 = tpu.memref_slice %dma_start3A_70[%dma_start3A_71] : memref<1000001xf32, #tpu.memory_space<hbm>> -> memref<1000001xf32, #tpu.memory_space<hbm>>
      tpu.enqueue_indirect_dma source(%dma_start3A_72 : memref<1000001xf32, #tpu.memory_space<hbm>>) target(%dma_start3A_67 : memref<128xf32, #tpu.memory_space<vmem>>) offsets(%arg5 : memref<128xi32, #tpu.memory_space<vmem>>) semaphore(%arg7 : memref<!tpu.dma_semaphore, #tpu.memory_space<semaphore_mem>>)
      %dma_start3A_73 = arith.constant 6 : i32
      %dma_start3A_74 = arith.constant 6 : i32
      %dma_start3A_75 = arith.constant 0 : i32
      %dma_start3A_76 = tpu.memref_slice %arg6[%dma_start3A_74, %dma_start3A_75] : memref<64x128xf32, #tpu.memory_space<vmem>> -> memref<1x128xf32, #tpu.memory_space<vmem>>
      %dma_start3A_77 = tpu.memref_squeeze %dma_start3A_76 : memref<1x128xf32, #tpu.memory_space<vmem>> -> memref<128xf32, #tpu.memory_space<vmem>>
      %dma_start3A_78 = arith.constant 0 : i32
      %dma_start3A_79 = tpu.memref_slice %arg3[%dma_start3A_73, %dma_start3A_78] : memref<64x1000001xf32, #tpu.memory_space<hbm>> -> memref<1x1000001xf32, #tpu.memory_space<hbm>>
      %dma_start3A_80 = tpu.memref_squeeze %dma_start3A_79 : memref<1x1000001xf32, #tpu.memory_space<hbm>> -> memref<1000001xf32, #tpu.memory_space<hbm>>
      %dma_start3A_81 = arith.constant 0 : i32
      %dma_start3A_82 = tpu.memref_slice %dma_start3A_80[%dma_start3A_81] : memref<1000001xf32, #tpu.memory_space<hbm>> -> memref<1000001xf32, #tpu.memory_space<hbm>>
      tpu.enqueue_indirect_dma source(%dma_start3A_82 : memref<1000001xf32, #tpu.memory_space<hbm>>) target(%dma_start3A_77 : memref<128xf32, #tpu.memory_space<vmem>>) offsets(%arg5 : memref<128xi32, #tpu.memory_space<vmem>>) semaphore(%arg7 : memref<!tpu.dma_semaphore, #tpu.memory_space<semaphore_mem>>)
      %dma_start3A_83 = arith.constant 7 : i32
      %dma_start3A_84 = arith.constant 7 : i32
      %dma_start3A_85 = arith.constant 0 : i32
      %dma_start3A_86 = tpu.memref_slice %arg6[%dma_start3A_84, %dma_start3A_85] : memref<64x128xf32, #tpu.memory_space<vmem>> -> memref<1x128xf32, #tpu.memory_space<vmem>>
      %dma_start3A_87 = tpu.memref_squeeze %dma_start3A_86 : memref<1x128xf32, #tpu.memory_space<vmem>> -> memref<128xf32, #tpu.memory_space<vmem>>
      %dma_start3A_88 = arith.constant 0 : i32
      %dma_start3A_89 = tpu.memref_slice %arg3[%dma_start3A_83, %dma_start3A_88] : memref<64x1000001xf32, #tpu.memory_space<hbm>> -> memref<1x1000001xf32, #tpu.memory_space<hbm>>
      %dma_start3A_90 = tpu.memref_squeeze %dma_start3A_89 : memref<1x1000001xf32, #tpu.memory_space<hbm>> -> memref<1000001xf32, #tpu.memory_space<hbm>>
      %dma_start3A_91 = arith.constant 0 : i32
      %dma_start3A_92 = tpu.memref_slice %dma_start3A_90[%dma_start3A_91] : memref<1000001xf32, #tpu.memory_space<hbm>> -> memref<1000001xf32, #tpu.memory_space<hbm>>
      tpu.enqueue_indirect_dma source(%dma_start3A_92 : memref<1000001xf32, #tpu.memory_space<hbm>>) target(%dma_start3A_87 : memref<128xf32, #tpu.memory_space<vmem>>) offsets(%arg5 : memref<128xi32, #tpu.memory_space<vmem>>) semaphore(%arg7 : memref<!tpu.dma_semaphore, #tpu.memory_space<semaphore_mem>>)
      %dma_start3A_93 = arith.constant 8 : i32
      %dma_start3A_94 = arith.constant 8 : i32
      %dma_start3A_95 = arith.constant 0 : i32
      %dma_start3A_96 = tpu.memref_slice %arg6[%dma_start3A_94, %dma_start3A_95] : memref<64x128xf32, #tpu.memory_space<vmem>> -> memref<1x128xf32, #tpu.memory_space<vmem>>
      %dma_start3A_97 = tpu.memref_squeeze %dma_start3A_96 : memref<1x128xf32, #tpu.memory_space<vmem>> -> memref<128xf32, #tpu.memory_space<vmem>>
      %dma_start3A_98 = arith.constant 0 : i32
      %dma_start3A_99 = tpu.memref_slice %arg3[%dma_start3A_93, %dma_start3A_98] : memref<64x1000001xf32, #tpu.memory_space<hbm>> -> memref<1x1000001xf32, #tpu.memory_space<hbm>>
      %dma_start3A_100 = tpu.memref_squeeze %dma_start3A_99 : memref<1x1000001xf32, #tpu.memory_space<hbm>> -> memref<1000001xf32, #tpu.memory_space<hbm>>
      %dma_start3A_101 = arith.constant 0 : i32
      %dma_start3A_102 = tpu.memref_slice %dma_start3A_100[%dma_start3A_101] : memref<1000001xf32, #tpu.memory_space<hbm>> -> memref<1000001xf32, #tpu.memory_space<hbm>>
      tpu.enqueue_indirect_dma source(%dma_start3A_102 : memref<1000001xf32, #tpu.memory_space<hbm>>) target(%dma_start3A_97 : memref<128xf32, #tpu.memory_space<vmem>>) offsets(%arg5 : memref<128xi32, #tpu.memory_space<vmem>>) semaphore(%arg7 : memref<!tpu.dma_semaphore, #tpu.memory_space<semaphore_mem>>)
      %dma_start3A_103 = arith.constant 9 : i32
      %dma_start3A_104 = arith.constant 9 : i32
      %dma_start3A_105 = arith.constant 0 : i32
      %dma_start3A_106 = tpu.memref_slice %arg6[%dma_start3A_104, %dma_start3A_105] : memref<64x128xf32, #tpu.memory_space<vmem>> -> memref<1x128xf32, #tpu.memory_space<vmem>>
      %dma_start3A_107 = tpu.memref_squeeze %dma_start3A_106 : memref<1x128xf32, #tpu.memory_space<vmem>> -> memref<128xf32, #tpu.memory_space<vmem>>
      %dma_start3A_108 = arith.constant 0 : i32
      %dma_start3A_109 = tpu.memref_slice %arg3[%dma_start3A_103, %dma_start3A_108] : memref<64x1000001xf32, #tpu.memory_space<hbm>> -> memref<1x1000001xf32, #tpu.memory_space<hbm>>
      %dma_start3A_110 = tpu.memref_squeeze %dma_start3A_109 : memref<1x1000001xf32, #tpu.memory_space<hbm>> -> memref<1000001xf32, #tpu.memory_space<hbm>>
      %dma_start3A_111 = arith.constant 0 : i32
      %dma_start3A_112 = tpu.memref_slice %dma_start3A_110[%dma_start3A_111] : memref<1000001xf32, #tpu.memory_space<hbm>> -> memref<1000001xf32, #tpu.memory_space<hbm>>
      tpu.enqueue_indirect_dma source(%dma_start3A_112 : memref<1000001xf32, #tpu.memory_space<hbm>>) target(%dma_start3A_107 : memref<128xf32, #tpu.memory_space<vmem>>) offsets(%arg5 : memref<128xi32, #tpu.memory_space<vmem>>) semaphore(%arg7 : memref<!tpu.dma_semaphore, #tpu.memory_space<semaphore_mem>>)
      %dma_start3A_113 = arith.constant 10 : i32
      %dma_start3A_114 = arith.constant 10 : i32
      %dma_start3A_115 = arith.constant 0 : i32
      %dma_start3A_116 = tpu.memref_slice %arg6[%dma_start3A_114, %dma_start3A_115] : memref<64x128xf32, #tpu.memory_space<vmem>> -> memref<1x128xf32, #tpu.memory_space<vmem>>
      %dma_start3A_117 = tpu.memref_squeeze %dma_start3A_116 : memref<1x128xf32, #tpu.memory_space<vmem>> -> memref<128xf32, #tpu.memory_space<vmem>>
      %dma_start3A_118 = arith.constant 0 : i32
      %dma_start3A_119 = tpu.memref_slice %arg3[%dma_start3A_113, %dma_start3A_118] : memref<64x1000001xf32, #tpu.memory_space<hbm>> -> memref<1x1000001xf32, #tpu.memory_space<hbm>>
      %dma_start3A_120 = tpu.memref_squeeze %dma_start3A_119 : memref<1x1000001xf32, #tpu.memory_space<hbm>> -> memref<1000001xf32, #tpu.memory_space<hbm>>
      %dma_start3A_121 = arith.constant 0 : i32
      %dma_start3A_122 = tpu.memref_slice %dma_start3A_120[%dma_start3A_121] : memref<1000001xf32, #tpu.memory_space<hbm>> -> memref<1000001xf32, #tpu.memory_space<hbm>>
      tpu.enqueue_indirect_dma source(%dma_start3A_122 : memref<1000001xf32, #tpu.memory_space<hbm>>) target(%dma_start3A_117 : memref<128xf32, #tpu.memory_space<vmem>>) offsets(%arg5 : memref<128xi32, #tpu.memory_space<vmem>>) semaphore(%arg7 : memref<!tpu.dma_semaphore, #tpu.memory_space<semaphore_mem>>)
      %dma_start3A_123 = arith.constant 11 : i32
      %dma_start3A_124 = arith.constant 11 : i32
      %dma_start3A_125 = arith.constant 0 : i32
      %dma_start3A_126 = tpu.memref_slice %arg6[%dma_start3A_124, %dma_start3A_125] : memref<64x128xf32, #tpu.memory_space<vmem>> -> memref<1x128xf32, #tpu.memory_space<vmem>>
      %dma_start3A_127 = tpu.memref_squeeze %dma_start3A_126 : memref<1x128xf32, #tpu.memory_space<vmem>> -> memref<128xf32, #tpu.memory_space<vmem>>
      %dma_start3A_128 = arith.constant 0 : i32
      %dma_start3A_129 = tpu.memref_slice %arg3[%dma_start3A_123, %dma_start3A_128] : memref<64x1000001xf32, #tpu.memory_space<hbm>> -> memref<1x1000001xf32, #tpu.memory_space<hbm>>
      %dma_start3A_130 = tpu.memref_squeeze %dma_start3A_129 : memref<1x1000001xf32, #tpu.memory_space<hbm>> -> memref<1000001xf32, #tpu.memory_space<hbm>>
      %dma_start3A_131 = arith.constant 0 : i32
      %dma_start3A_132 = tpu.memref_slice %dma_start3A_130[%dma_start3A_131] : memref<1000001xf32, #tpu.memory_space<hbm>> -> memref<1000001xf32, #tpu.memory_space<hbm>>
      tpu.enqueue_indirect_dma source(%dma_start3A_132 : memref<1000001xf32, #tpu.memory_space<hbm>>) target(%dma_start3A_127 : memref<128xf32, #tpu.memory_space<vmem>>) offsets(%arg5 : memref<128xi32, #tpu.memory_space<vmem>>) semaphore(%arg7 : memref<!tpu.dma_semaphore, #tpu.memory_space<semaphore_mem>>)
      %dma_start3A_133 = arith.constant 12 : i32
      %dma_start3A_134 = arith.constant 12 : i32
      %dma_start3A_135 = arith.constant 0 : i32
      %dma_start3A_136 = tpu.memref_slice %arg6[%dma_start3A_134, %dma_start3A_135] : memref<64x128xf32, #tpu.memory_space<vmem>> -> memref<1x128xf32, #tpu.memory_space<vmem>>
      %dma_start3A_137 = tpu.memref_squeeze %dma_start3A_136 : memref<1x128xf32, #tpu.memory_space<vmem>> -> memref<128xf32, #tpu.memory_space<vmem>>
      %dma_start3A_138 = arith.constant 0 : i32
      %dma_start3A_139 = tpu.memref_slice %arg3[%dma_start3A_133, %dma_start3A_138] : memref<64x1000001xf32, #tpu.memory_space<hbm>> -> memref<1x1000001xf32, #tpu.memory_space<hbm>>
      %dma_start3A_140 = tpu.memref_squeeze %dma_start3A_139 : memref<1x1000001xf32, #tpu.memory_space<hbm>> -> memref<1000001xf32, #tpu.memory_space<hbm>>
      %dma_start3A_141 = arith.constant 0 : i32
      %dma_start3A_142 = tpu.memref_slice %dma_start3A_140[%dma_start3A_141] : memref<1000001xf32, #tpu.memory_space<hbm>> -> memref<1000001xf32, #tpu.memory_space<hbm>>
      tpu.enqueue_indirect_dma source(%dma_start3A_142 : memref<1000001xf32, #tpu.memory_space<hbm>>) target(%dma_start3A_137 : memref<128xf32, #tpu.memory_space<vmem>>) offsets(%arg5 : memref<128xi32, #tpu.memory_space<vmem>>) semaphore(%arg7 : memref<!tpu.dma_semaphore, #tpu.memory_space<semaphore_mem>>)
      %dma_start3A_143 = arith.constant 13 : i32
      %dma_start3A_144 = arith.constant 13 : i32
      %dma_start3A_145 = arith.constant 0 : i32
      %dma_start3A_146 = tpu.memref_slice %arg6[%dma_start3A_144, %dma_start3A_145] : memref<64x128xf32, #tpu.memory_space<vmem>> -> memref<1x128xf32, #tpu.memory_space<vmem>>
      %dma_start3A_147 = tpu.memref_squeeze %dma_start3A_146 : memref<1x128xf32, #tpu.memory_space<vmem>> -> memref<128xf32, #tpu.memory_space<vmem>>
      %dma_start3A_148 = arith.constant 0 : i32
      %dma_start3A_149 = tpu.memref_slice %arg3[%dma_start3A_143, %dma_start3A_148] : memref<64x1000001xf32, #tpu.memory_space<hbm>> -> memref<1x1000001xf32, #tpu.memory_space<hbm>>
      %dma_start3A_150 = tpu.memref_squeeze %dma_start3A_149 : memref<1x1000001xf32, #tpu.memory_space<hbm>> -> memref<1000001xf32, #tpu.memory_space<hbm>>
      %dma_start3A_151 = arith.constant 0 : i32
      %dma_start3A_152 = tpu.memref_slice %dma_start3A_150[%dma_start3A_151] : memref<1000001xf32, #tpu.memory_space<hbm>> -> memref<1000001xf32, #tpu.memory_space<hbm>>
      tpu.enqueue_indirect_dma source(%dma_start3A_152 : memref<1000001xf32, #tpu.memory_space<hbm>>) target(%dma_start3A_147 : memref<128xf32, #tpu.memory_space<vmem>>) offsets(%arg5 : memref<128xi32, #tpu.memory_space<vmem>>) semaphore(%arg7 : memref<!tpu.dma_semaphore, #tpu.memory_space<semaphore_mem>>)
      %dma_start3A_153 = arith.constant 14 : i32
      %dma_start3A_154 = arith.constant 14 : i32
      %dma_start3A_155 = arith.constant 0 : i32
      %dma_start3A_156 = tpu.memref_slice %arg6[%dma_start3A_154, %dma_start3A_155] : memref<64x128xf32, #tpu.memory_space<vmem>> -> memref<1x128xf32, #tpu.memory_space<vmem>>
      %dma_start3A_157 = tpu.memref_squeeze %dma_start3A_156 : memref<1x128xf32, #tpu.memory_space<vmem>> -> memref<128xf32, #tpu.memory_space<vmem>>
      %dma_start3A_158 = arith.constant 0 : i32
      %dma_start3A_159 = tpu.memref_slice %arg3[%dma_start3A_153, %dma_start3A_158] : memref<64x1000001xf32, #tpu.memory_space<hbm>> -> memref<1x1000001xf32, #tpu.memory_space<hbm>>
      %dma_start3A_160 = tpu.memref_squeeze %dma_start3A_159 : memref<1x1000001xf32, #tpu.memory_space<hbm>> -> memref<1000001xf32, #tpu.memory_space<hbm>>
      %dma_start3A_161 = arith.constant 0 : i32
      %dma_start3A_162 = tpu.memref_slice %dma_start3A_160[%dma_start3A_161] : memref<1000001xf32, #tpu.memory_space<hbm>> -> memref<1000001xf32, #tpu.memory_space<hbm>>
      tpu.enqueue_indirect_dma source(%dma_start3A_162 : memref<1000001xf32, #tpu.memory_space<hbm>>) target(%dma_start3A_157 : memref<128xf32, #tpu.memory_space<vmem>>) offsets(%arg5 : memref<128xi32, #tpu.memory_space<vmem>>) semaphore(%arg7 : memref<!tpu.dma_semaphore, #tpu.memory_space<semaphore_mem>>)
      %dma_start3A_163 = arith.constant 15 : i32
      %dma_start3A_164 = arith.constant 15 : i32
      %dma_start3A_165 = arith.constant 0 : i32
      %dma_start3A_166 = tpu.memref_slice %arg6[%dma_start3A_164, %dma_start3A_165] : memref<64x128xf32, #tpu.memory_space<vmem>> -> memref<1x128xf32, #tpu.memory_space<vmem>>
      %dma_start3A_167 = tpu.memref_squeeze %dma_start3A_166 : memref<1x128xf32, #tpu.memory_space<vmem>> -> memref<128xf32, #tpu.memory_space<vmem>>
      %dma_start3A_168 = arith.constant 0 : i32
      %dma_start3A_169 = tpu.memref_slice %arg3[%dma_start3A_163, %dma_start3A_168] : memref<64x1000001xf32, #tpu.memory_space<hbm>> -> memref<1x1000001xf32, #tpu.memory_space<hbm>>
      %dma_start3A_170 = tpu.memref_squeeze %dma_start3A_169 : memref<1x1000001xf32, #tpu.memory_space<hbm>> -> memref<1000001xf32, #tpu.memory_space<hbm>>
      %dma_start3A_171 = arith.constant 0 : i32
      %dma_start3A_172 = tpu.memref_slice %dma_start3A_170[%dma_start3A_171] : memref<1000001xf32, #tpu.memory_space<hbm>> -> memref<1000001xf32, #tpu.memory_space<hbm>>
      tpu.enqueue_indirect_dma source(%dma_start3A_172 : memref<1000001xf32, #tpu.memory_space<hbm>>) target(%dma_start3A_167 : memref<128xf32, #tpu.memory_space<vmem>>) offsets(%arg5 : memref<128xi32, #tpu.memory_space<vmem>>) semaphore(%arg7 : memref<!tpu.dma_semaphore, #tpu.memory_space<semaphore_mem>>)
      %dma_start3A_173 = arith.constant 16 : i32
      %dma_start3A_174 = arith.constant 16 : i32
      %dma_start3A_175 = arith.constant 0 : i32
      %dma_start3A_176 = tpu.memref_slice %arg6[%dma_start3A_174, %dma_start3A_175] : memref<64x128xf32, #tpu.memory_space<vmem>> -> memref<1x128xf32, #tpu.memory_space<vmem>>
      %dma_start3A_177 = tpu.memref_squeeze %dma_start3A_176 : memref<1x128xf32, #tpu.memory_space<vmem>> -> memref<128xf32, #tpu.memory_space<vmem>>
      %dma_start3A_178 = arith.constant 0 : i32
      %dma_start3A_179 = tpu.memref_slice %arg3[%dma_start3A_173, %dma_start3A_178] : memref<64x1000001xf32, #tpu.memory_space<hbm>> -> memref<1x1000001xf32, #tpu.memory_space<hbm>>
      %dma_start3A_180 = tpu.memref_squeeze %dma_start3A_179 : memref<1x1000001xf32, #tpu.memory_space<hbm>> -> memref<1000001xf32, #tpu.memory_space<hbm>>
      %dma_start3A_181 = arith.constant 0 : i32
      %dma_start3A_182 = tpu.memref_slice %dma_start3A_180[%dma_start3A_181] : memref<1000001xf32, #tpu.memory_space<hbm>> -> memref<1000001xf32, #tpu.memory_space<hbm>>
      tpu.enqueue_indirect_dma source(%dma_start3A_182 : memref<1000001xf32, #tpu.memory_space<hbm>>) target(%dma_start3A_177 : memref<128xf32, #tpu.memory_space<vmem>>) offsets(%arg5 : memref<128xi32, #tpu.memory_space<vmem>>) semaphore(%arg7 : memref<!tpu.dma_semaphore, #tpu.memory_space<semaphore_mem>>)
      %dma_start3A_183 = arith.constant 17 : i32
      %dma_start3A_184 = arith.constant 17 : i32
      %dma_start3A_185 = arith.constant 0 : i32
      %dma_start3A_186 = tpu.memref_slice %arg6[%dma_start3A_184, %dma_start3A_185] : memref<64x128xf32, #tpu.memory_space<vmem>> -> memref<1x128xf32, #tpu.memory_space<vmem>>
      %dma_start3A_187 = tpu.memref_squeeze %dma_start3A_186 : memref<1x128xf32, #tpu.memory_space<vmem>> -> memref<128xf32, #tpu.memory_space<vmem>>
      %dma_start3A_188 = arith.constant 0 : i32
      %dma_start3A_189 = tpu.memref_slice %arg3[%dma_start3A_183, %dma_start3A_188] : memref<64x1000001xf32, #tpu.memory_space<hbm>> -> memref<1x1000001xf32, #tpu.memory_space<hbm>>
      %dma_start3A_190 = tpu.memref_squeeze %dma_start3A_189 : memref<1x1000001xf32, #tpu.memory_space<hbm>> -> memref<1000001xf32, #tpu.memory_space<hbm>>
      %dma_start3A_191 = arith.constant 0 : i32
      %dma_start3A_192 = tpu.memref_slice %dma_start3A_190[%dma_start3A_191] : memref<1000001xf32, #tpu.memory_space<hbm>> -> memref<1000001xf32, #tpu.memory_space<hbm>>
      tpu.enqueue_indirect_dma source(%dma_start3A_192 : memref<1000001xf32, #tpu.memory_space<hbm>>) target(%dma_start3A_187 : memref<128xf32, #tpu.memory_space<vmem>>) offsets(%arg5 : memref<128xi32, #tpu.memory_space<vmem>>) semaphore(%arg7 : memref<!tpu.dma_semaphore, #tpu.memory_space<semaphore_mem>>)
      %dma_start3A_193 = arith.constant 18 : i32
      %dma_start3A_194 = arith.constant 18 : i32
      %dma_start3A_195 = arith.constant 0 : i32
      %dma_start3A_196 = tpu.memref_slice %arg6[%dma_start3A_194, %dma_start3A_195] : memref<64x128xf32, #tpu.memory_space<vmem>> -> memref<1x128xf32, #tpu.memory_space<vmem>>
      %dma_start3A_197 = tpu.memref_squeeze %dma_start3A_196 : memref<1x128xf32, #tpu.memory_space<vmem>> -> memref<128xf32, #tpu.memory_space<vmem>>
      %dma_start3A_198 = arith.constant 0 : i32
      %dma_start3A_199 = tpu.memref_slice %arg3[%dma_start3A_193, %dma_start3A_198] : memref<64x1000001xf32, #tpu.memory_space<hbm>> -> memref<1x1000001xf32, #tpu.memory_space<hbm>>
      %dma_start3A_200 = tpu.memref_squeeze %dma_start3A_199 : memref<1x1000001xf32, #tpu.memory_space<hbm>> -> memref<1000001xf32, #tpu.memory_space<hbm>>
      %dma_start3A_201 = arith.constant 0 : i32
      %dma_start3A_202 = tpu.memref_slice %dma_start3A_200[%dma_start3A_201] : memref<1000001xf32, #tpu.memory_space<hbm>> -> memref<1000001xf32, #tpu.memory_space<hbm>>
      tpu.enqueue_indirect_dma source(%dma_start3A_202 : memref<1000001xf32, #tpu.memory_space<hbm>>) target(%dma_start3A_197 : memref<128xf32, #tpu.memory_space<vmem>>) offsets(%arg5 : memref<128xi32, #tpu.memory_space<vmem>>) semaphore(%arg7 : memref<!tpu.dma_semaphore, #tpu.memory_space<semaphore_mem>>)
      %dma_start3A_203 = arith.constant 19 : i32
      %dma_start3A_204 = arith.constant 19 : i32
      %dma_start3A_205 = arith.constant 0 : i32
      %dma_start3A_206 = tpu.memref_slice %arg6[%dma_start3A_204, %dma_start3A_205] : memref<64x128xf32, #tpu.memory_space<vmem>> -> memref<1x128xf32, #tpu.memory_space<vmem>>
      %dma_start3A_207 = tpu.memref_squeeze %dma_start3A_206 : memref<1x128xf32, #tpu.memory_space<vmem>> -> memref<128xf32, #tpu.memory_space<vmem>>
      %dma_start3A_208 = arith.constant 0 : i32
      %dma_start3A_209 = tpu.memref_slice %arg3[%dma_start3A_203, %dma_start3A_208] : memref<64x1000001xf32, #tpu.memory_space<hbm>> -> memref<1x1000001xf32, #tpu.memory_space<hbm>>
      %dma_start3A_210 = tpu.memref_squeeze %dma_start3A_209 : memref<1x1000001xf32, #tpu.memory_space<hbm>> -> memref<1000001xf32, #tpu.memory_space<hbm>>
      %dma_start3A_211 = arith.constant 0 : i32
      %dma_start3A_212 = tpu.memref_slice %dma_start3A_210[%dma_start3A_211] : memref<1000001xf32, #tpu.memory_space<hbm>> -> memref<1000001xf32, #tpu.memory_space<hbm>>
      tpu.enqueue_indirect_dma source(%dma_start3A_212 : memref<1000001xf32, #tpu.memory_space<hbm>>) target(%dma_start3A_207 : memref<128xf32, #tpu.memory_space<vmem>>) offsets(%arg5 : memref<128xi32, #tpu.memory_space<vmem>>) semaphore(%arg7 : memref<!tpu.dma_semaphore, #tpu.memory_space<semaphore_mem>>)
      %dma_start3A_213 = arith.constant 20 : i32
      %dma_start3A_214 = arith.constant 20 : i32
      %dma_start3A_215 = arith.constant 0 : i32
      %dma_start3A_216 = tpu.memref_slice %arg6[%dma_start3A_214, %dma_start3A_215] : memref<64x128xf32, #tpu.memory_space<vmem>> -> memref<1x128xf32, #tpu.memory_space<vmem>>
      %dma_start3A_217 = tpu.memref_squeeze %dma_start3A_216 : memref<1x128xf32, #tpu.memory_space<vmem>> -> memref<128xf32, #tpu.memory_space<vmem>>
      %dma_start3A_218 = arith.constant 0 : i32
      %dma_start3A_219 = tpu.memref_slice %arg3[%dma_start3A_213, %dma_start3A_218] : memref<64x1000001xf32, #tpu.memory_space<hbm>> -> memref<1x1000001xf32, #tpu.memory_space<hbm>>
      %dma_start3A_220 = tpu.memref_squeeze %dma_start3A_219 : memref<1x1000001xf32, #tpu.memory_space<hbm>> -> memref<1000001xf32, #tpu.memory_space<hbm>>
      %dma_start3A_221 = arith.constant 0 : i32
      %dma_start3A_222 = tpu.memref_slice %dma_start3A_220[%dma_start3A_221] : memref<1000001xf32, #tpu.memory_space<hbm>> -> memref<1000001xf32, #tpu.memory_space<hbm>>
      tpu.enqueue_indirect_dma source(%dma_start3A_222 : memref<1000001xf32, #tpu.memory_space<hbm>>) target(%dma_start3A_217 : memref<128xf32, #tpu.memory_space<vmem>>) offsets(%arg5 : memref<128xi32, #tpu.memory_space<vmem>>) semaphore(%arg7 : memref<!tpu.dma_semaphore, #tpu.memory_space<semaphore_mem>>)
      %dma_start3A_223 = arith.constant 21 : i32
      %dma_start3A_224 = arith.constant 21 : i32
      %dma_start3A_225 = arith.constant 0 : i32
      %dma_start3A_226 = tpu.memref_slice %arg6[%dma_start3A_224, %dma_start3A_225] : memref<64x128xf32, #tpu.memory_space<vmem>> -> memref<1x128xf32, #tpu.memory_space<vmem>>
      %dma_start3A_227 = tpu.memref_squeeze %dma_start3A_226 : memref<1x128xf32, #tpu.memory_space<vmem>> -> memref<128xf32, #tpu.memory_space<vmem>>
      %dma_start3A_228 = arith.constant 0 : i32
      %dma_start3A_229 = tpu.memref_slice %arg3[%dma_start3A_223, %dma_start3A_228] : memref<64x1000001xf32, #tpu.memory_space<hbm>> -> memref<1x1000001xf32, #tpu.memory_space<hbm>>
      %dma_start3A_230 = tpu.memref_squeeze %dma_start3A_229 : memref<1x1000001xf32, #tpu.memory_space<hbm>> -> memref<1000001xf32, #tpu.memory_space<hbm>>
      %dma_start3A_231 = arith.constant 0 : i32
      %dma_start3A_232 = tpu.memref_slice %dma_start3A_230[%dma_start3A_231] : memref<1000001xf32, #tpu.memory_space<hbm>> -> memref<1000001xf32, #tpu.memory_space<hbm>>
      tpu.enqueue_indirect_dma source(%dma_start3A_232 : memref<1000001xf32, #tpu.memory_space<hbm>>) target(%dma_start3A_227 : memref<128xf32, #tpu.memory_space<vmem>>) offsets(%arg5 : memref<128xi32, #tpu.memory_space<vmem>>) semaphore(%arg7 : memref<!tpu.dma_semaphore, #tpu.memory_space<semaphore_mem>>)
      %dma_start3A_233 = arith.constant 22 : i32
      %dma_start3A_234 = arith.constant 22 : i32
      %dma_start3A_235 = arith.constant 0 : i32
      %dma_start3A_236 = tpu.memref_slice %arg6[%dma_start3A_234, %dma_start3A_235] : memref<64x128xf32, #tpu.memory_space<vmem>> -> memref<1x128xf32, #tpu.memory_space<vmem>>
      %dma_start3A_237 = tpu.memref_squeeze %dma_start3A_236 : memref<1x128xf32, #tpu.memory_space<vmem>> -> memref<128xf32, #tpu.memory_space<vmem>>
      %dma_start3A_238 = arith.constant 0 : i32
      %dma_start3A_239 = tpu.memref_slice %arg3[%dma_start3A_233, %dma_start3A_238] : memref<64x1000001xf32, #tpu.memory_space<hbm>> -> memref<1x1000001xf32, #tpu.memory_space<hbm>>
      %dma_start3A_240 = tpu.memref_squeeze %dma_start3A_239 : memref<1x1000001xf32, #tpu.memory_space<hbm>> -> memref<1000001xf32, #tpu.memory_space<hbm>>
      %dma_start3A_241 = arith.constant 0 : i32
      %dma_start3A_242 = tpu.memref_slice %dma_start3A_240[%dma_start3A_241] : memref<1000001xf32, #tpu.memory_space<hbm>> -> memref<1000001xf32, #tpu.memory_space<hbm>>
      tpu.enqueue_indirect_dma source(%dma_start3A_242 : memref<1000001xf32, #tpu.memory_space<hbm>>) target(%dma_start3A_237 : memref<128xf32, #tpu.memory_space<vmem>>) offsets(%arg5 : memref<128xi32, #tpu.memory_space<vmem>>) semaphore(%arg7 : memref<!tpu.dma_semaphore, #tpu.memory_space<semaphore_mem>>)
      %dma_start3A_243 = arith.constant 23 : i32
      %dma_start3A_244 = arith.constant 23 : i32
      %dma_start3A_245 = arith.constant 0 : i32
      %dma_start3A_246 = tpu.memref_slice %arg6[%dma_start3A_244, %dma_start3A_245] : memref<64x128xf32, #tpu.memory_space<vmem>> -> memref<1x128xf32, #tpu.memory_space<vmem>>
      %dma_start3A_247 = tpu.memref_squeeze %dma_start3A_246 : memref<1x128xf32, #tpu.memory_space<vmem>> -> memref<128xf32, #tpu.memory_space<vmem>>
      %dma_start3A_248 = arith.constant 0 : i32
      %dma_start3A_249 = tpu.memref_slice %arg3[%dma_start3A_243, %dma_start3A_248] : memref<64x1000001xf32, #tpu.memory_space<hbm>> -> memref<1x1000001xf32, #tpu.memory_space<hbm>>
      %dma_start3A_250 = tpu.memref_squeeze %dma_start3A_249 : memref<1x1000001xf32, #tpu.memory_space<hbm>> -> memref<1000001xf32, #tpu.memory_space<hbm>>
      %dma_start3A_251 = arith.constant 0 : i32
      %dma_start3A_252 = tpu.memref_slice %dma_start3A_250[%dma_start3A_251] : memref<1000001xf32, #tpu.memory_space<hbm>> -> memref<1000001xf32, #tpu.memory_space<hbm>>
      tpu.enqueue_indirect_dma source(%dma_start3A_252 : memref<1000001xf32, #tpu.memory_space<hbm>>) target(%dma_start3A_247 : memref<128xf32, #tpu.memory_space<vmem>>) offsets(%arg5 : memref<128xi32, #tpu.memory_space<vmem>>) semaphore(%arg7 : memref<!tpu.dma_semaphore, #tpu.memory_space<semaphore_mem>>)
      %dma_start3A_253 = arith.constant 24 : i32
      %dma_start3A_254 = arith.constant 24 : i32
      %dma_start3A_255 = arith.constant 0 : i32
      %dma_start3A_256 = tpu.memref_slice %arg6[%dma_start3A_254, %dma_start3A_255] : memref<64x128xf32, #tpu.memory_space<vmem>> -> memref<1x128xf32, #tpu.memory_space<vmem>>
      %dma_start3A_257 = tpu.memref_squeeze %dma_start3A_256 : memref<1x128xf32, #tpu.memory_space<vmem>> -> memref<128xf32, #tpu.memory_space<vmem>>
      %dma_start3A_258 = arith.constant 0 : i32
      %dma_start3A_259 = tpu.memref_slice %arg3[%dma_start3A_253, %dma_start3A_258] : memref<64x1000001xf32, #tpu.memory_space<hbm>> -> memref<1x1000001xf32, #tpu.memory_space<hbm>>
      %dma_start3A_260 = tpu.memref_squeeze %dma_start3A_259 : memref<1x1000001xf32, #tpu.memory_space<hbm>> -> memref<1000001xf32, #tpu.memory_space<hbm>>
      %dma_start3A_261 = arith.constant 0 : i32
      %dma_start3A_262 = tpu.memref_slice %dma_start3A_260[%dma_start3A_261] : memref<1000001xf32, #tpu.memory_space<hbm>> -> memref<1000001xf32, #tpu.memory_space<hbm>>
      tpu.enqueue_indirect_dma source(%dma_start3A_262 : memref<1000001xf32, #tpu.memory_space<hbm>>) target(%dma_start3A_257 : memref<128xf32, #tpu.memory_space<vmem>>) offsets(%arg5 : memref<128xi32, #tpu.memory_space<vmem>>) semaphore(%arg7 : memref<!tpu.dma_semaphore, #tpu.memory_space<semaphore_mem>>)
      %dma_start3A_263 = arith.constant 25 : i32
      %dma_start3A_264 = arith.constant 25 : i32
      %dma_start3A_265 = arith.constant 0 : i32
      %dma_start3A_266 = tpu.memref_slice %arg6[%dma_start3A_264, %dma_start3A_265] : memref<64x128xf32, #tpu.memory_space<vmem>> -> memref<1x128xf32, #tpu.memory_space<vmem>>
      %dma_start3A_267 = tpu.memref_squeeze %dma_start3A_266 : memref<1x128xf32, #tpu.memory_space<vmem>> -> memref<128xf32, #tpu.memory_space<vmem>>
      %dma_start3A_268 = arith.constant 0 : i32
      %dma_start3A_269 = tpu.memref_slice %arg3[%dma_start3A_263, %dma_start3A_268] : memref<64x1000001xf32, #tpu.memory_space<hbm>> -> memref<1x1000001xf32, #tpu.memory_space<hbm>>
      %dma_start3A_270 = tpu.memref_squeeze %dma_start3A_269 : memref<1x1000001xf32, #tpu.memory_space<hbm>> -> memref<1000001xf32, #tpu.memory_space<hbm>>
      %dma_start3A_271 = arith.constant 0 : i32
      %dma_start3A_272 = tpu.memref_slice %dma_start3A_270[%dma_start3A_271] : memref<1000001xf32, #tpu.memory_space<hbm>> -> memref<1000001xf32, #tpu.memory_space<hbm>>
      tpu.enqueue_indirect_dma source(%dma_start3A_272 : memref<1000001xf32, #tpu.memory_space<hbm>>) target(%dma_start3A_267 : memref<128xf32, #tpu.memory_space<vmem>>) offsets(%arg5 : memref<128xi32, #tpu.memory_space<vmem>>) semaphore(%arg7 : memref<!tpu.dma_semaphore, #tpu.memory_space<semaphore_mem>>)
      %dma_start3A_273 = arith.constant 26 : i32
      %dma_start3A_274 = arith.constant 26 : i32
      %dma_start3A_275 = arith.constant 0 : i32
      %dma_start3A_276 = tpu.memref_slice %arg6[%dma_start3A_274, %dma_start3A_275] : memref<64x128xf32, #tpu.memory_space<vmem>> -> memref<1x128xf32, #tpu.memory_space<vmem>>
      %dma_start3A_277 = tpu.memref_squeeze %dma_start3A_276 : memref<1x128xf32, #tpu.memory_space<vmem>> -> memref<128xf32, #tpu.memory_space<vmem>>
      %dma_start3A_278 = arith.constant 0 : i32
      %dma_start3A_279 = tpu.memref_slice %arg3[%dma_start3A_273, %dma_start3A_278] : memref<64x1000001xf32, #tpu.memory_space<hbm>> -> memref<1x1000001xf32, #tpu.memory_space<hbm>>
      %dma_start3A_280 = tpu.memref_squeeze %dma_start3A_279 : memref<1x1000001xf32, #tpu.memory_space<hbm>> -> memref<1000001xf32, #tpu.memory_space<hbm>>
      %dma_start3A_281 = arith.constant 0 : i32
      %dma_start3A_282 = tpu.memref_slice %dma_start3A_280[%dma_start3A_281] : memref<1000001xf32, #tpu.memory_space<hbm>> -> memref<1000001xf32, #tpu.memory_space<hbm>>
      tpu.enqueue_indirect_dma source(%dma_start3A_282 : memref<1000001xf32, #tpu.memory_space<hbm>>) target(%dma_start3A_277 : memref<128xf32, #tpu.memory_space<vmem>>) offsets(%arg5 : memref<128xi32, #tpu.memory_space<vmem>>) semaphore(%arg7 : memref<!tpu.dma_semaphore, #tpu.memory_space<semaphore_mem>>)
      %dma_start3A_283 = arith.constant 27 : i32
      %dma_start3A_284 = arith.constant 27 : i32
      %dma_start3A_285 = arith.constant 0 : i32
      %dma_start3A_286 = tpu.memref_slice %arg6[%dma_start3A_284, %dma_start3A_285] : memref<64x128xf32, #tpu.memory_space<vmem>> -> memref<1x128xf32, #tpu.memory_space<vmem>>
      %dma_start3A_287 = tpu.memref_squeeze %dma_start3A_286 : memref<1x128xf32, #tpu.memory_space<vmem>> -> memref<128xf32, #tpu.memory_space<vmem>>
      %dma_start3A_288 = arith.constant 0 : i32
      %dma_start3A_289 = tpu.memref_slice %arg3[%dma_start3A_283, %dma_start3A_288] : memref<64x1000001xf32, #tpu.memory_space<hbm>> -> memref<1x1000001xf32, #tpu.memory_space<hbm>>
      %dma_start3A_290 = tpu.memref_squeeze %dma_start3A_289 : memref<1x1000001xf32, #tpu.memory_space<hbm>> -> memref<1000001xf32, #tpu.memory_space<hbm>>
      %dma_start3A_291 = arith.constant 0 : i32
      %dma_start3A_292 = tpu.memref_slice %dma_start3A_290[%dma_start3A_291] : memref<1000001xf32, #tpu.memory_space<hbm>> -> memref<1000001xf32, #tpu.memory_space<hbm>>
      tpu.enqueue_indirect_dma source(%dma_start3A_292 : memref<1000001xf32, #tpu.memory_space<hbm>>) target(%dma_start3A_287 : memref<128xf32, #tpu.memory_space<vmem>>) offsets(%arg5 : memref<128xi32, #tpu.memory_space<vmem>>) semaphore(%arg7 : memref<!tpu.dma_semaphore, #tpu.memory_space<semaphore_mem>>)
      %dma_start3A_293 = arith.constant 28 : i32
      %dma_start3A_294 = arith.constant 28 : i32
      %dma_start3A_295 = arith.constant 0 : i32
      %dma_start3A_296 = tpu.memref_slice %arg6[%dma_start3A_294, %dma_start3A_295] : memref<64x128xf32, #tpu.memory_space<vmem>> -> memref<1x128xf32, #tpu.memory_space<vmem>>
      %dma_start3A_297 = tpu.memref_squeeze %dma_start3A_296 : memref<1x128xf32, #tpu.memory_space<vmem>> -> memref<128xf32, #tpu.memory_space<vmem>>
      %dma_start3A_298 = arith.constant 0 : i32
      %dma_start3A_299 = tpu.memref_slice %arg3[%dma_start3A_293, %dma_start3A_298] : memref<64x1000001xf32, #tpu.memory_space<hbm>> -> memref<1x1000001xf32, #tpu.memory_space<hbm>>
      %dma_start3A_300 = tpu.memref_squeeze %dma_start3A_299 : memref<1x1000001xf32, #tpu.memory_space<hbm>> -> memref<1000001xf32, #tpu.memory_space<hbm>>
      %dma_start3A_301 = arith.constant 0 : i32
      %dma_start3A_302 = tpu.memref_slice %dma_start3A_300[%dma_start3A_301] : memref<1000001xf32, #tpu.memory_space<hbm>> -> memref<1000001xf32, #tpu.memory_space<hbm>>
      tpu.enqueue_indirect_dma source(%dma_start3A_302 : memref<1000001xf32, #tpu.memory_space<hbm>>) target(%dma_start3A_297 : memref<128xf32, #tpu.memory_space<vmem>>) offsets(%arg5 : memref<128xi32, #tpu.memory_space<vmem>>) semaphore(%arg7 : memref<!tpu.dma_semaphore, #tpu.memory_space<semaphore_mem>>)
      %dma_start3A_303 = arith.constant 29 : i32
      %dma_start3A_304 = arith.constant 29 : i32
      %dma_start3A_305 = arith.constant 0 : i32
      %dma_start3A_306 = tpu.memref_slice %arg6[%dma_start3A_304, %dma_start3A_305] : memref<64x128xf32, #tpu.memory_space<vmem>> -> memref<1x128xf32, #tpu.memory_space<vmem>>
      %dma_start3A_307 = tpu.memref_squeeze %dma_start3A_306 : memref<1x128xf32, #tpu.memory_space<vmem>> -> memref<128xf32, #tpu.memory_space<vmem>>
      %dma_start3A_308 = arith.constant 0 : i32
      %dma_start3A_309 = tpu.memref_slice %arg3[%dma_start3A_303, %dma_start3A_308] : memref<64x1000001xf32, #tpu.memory_space<hbm>> -> memref<1x1000001xf32, #tpu.memory_space<hbm>>
      %dma_start3A_310 = tpu.memref_squeeze %dma_start3A_309 : memref<1x1000001xf32, #tpu.memory_space<hbm>> -> memref<1000001xf32, #tpu.memory_space<hbm>>
      %dma_start3A_311 = arith.constant 0 : i32
      %dma_start3A_312 = tpu.memref_slice %dma_start3A_310[%dma_start3A_311] : memref<1000001xf32, #tpu.memory_space<hbm>> -> memref<1000001xf32, #tpu.memory_space<hbm>>
      tpu.enqueue_indirect_dma source(%dma_start3A_312 : memref<1000001xf32, #tpu.memory_space<hbm>>) target(%dma_start3A_307 : memref<128xf32, #tpu.memory_space<vmem>>) offsets(%arg5 : memref<128xi32, #tpu.memory_space<vmem>>) semaphore(%arg7 : memref<!tpu.dma_semaphore, #tpu.memory_space<semaphore_mem>>)
      %dma_start3A_313 = arith.constant 30 : i32
      %dma_start3A_314 = arith.constant 30 : i32
      %dma_start3A_315 = arith.constant 0 : i32
      %dma_start3A_316 = tpu.memref_slice %arg6[%dma_start3A_314, %dma_start3A_315] : memref<64x128xf32, #tpu.memory_space<vmem>> -> memref<1x128xf32, #tpu.memory_space<vmem>>
      %dma_start3A_317 = tpu.memref_squeeze %dma_start3A_316 : memref<1x128xf32, #tpu.memory_space<vmem>> -> memref<128xf32, #tpu.memory_space<vmem>>
      %dma_start3A_318 = arith.constant 0 : i32
      %dma_start3A_319 = tpu.memref_slice %arg3[%dma_start3A_313, %dma_start3A_318] : memref<64x1000001xf32, #tpu.memory_space<hbm>> -> memref<1x1000001xf32, #tpu.memory_space<hbm>>
      %dma_start3A_320 = tpu.memref_squeeze %dma_start3A_319 : memref<1x1000001xf32, #tpu.memory_space<hbm>> -> memref<1000001xf32, #tpu.memory_space<hbm>>
      %dma_start3A_321 = arith.constant 0 : i32
      %dma_start3A_322 = tpu.memref_slice %dma_start3A_320[%dma_start3A_321] : memref<1000001xf32, #tpu.memory_space<hbm>> -> memref<1000001xf32, #tpu.memory_space<hbm>>
      tpu.enqueue_indirect_dma source(%dma_start3A_322 : memref<1000001xf32, #tpu.memory_space<hbm>>) target(%dma_start3A_317 : memref<128xf32, #tpu.memory_space<vmem>>) offsets(%arg5 : memref<128xi32, #tpu.memory_space<vmem>>) semaphore(%arg7 : memref<!tpu.dma_semaphore, #tpu.memory_space<semaphore_mem>>)
      %dma_start3A_323 = arith.constant 31 : i32
      %dma_start3A_324 = arith.constant 31 : i32
      %dma_start3A_325 = arith.constant 0 : i32
      %dma_start3A_326 = tpu.memref_slice %arg6[%dma_start3A_324, %dma_start3A_325] : memref<64x128xf32, #tpu.memory_space<vmem>> -> memref<1x128xf32, #tpu.memory_space<vmem>>
      %dma_start3A_327 = tpu.memref_squeeze %dma_start3A_326 : memref<1x128xf32, #tpu.memory_space<vmem>> -> memref<128xf32, #tpu.memory_space<vmem>>
      %dma_start3A_328 = arith.constant 0 : i32
      %dma_start3A_329 = tpu.memref_slice %arg3[%dma_start3A_323, %dma_start3A_328] : memref<64x1000001xf32, #tpu.memory_space<hbm>> -> memref<1x1000001xf32, #tpu.memory_space<hbm>>
      %dma_start3A_330 = tpu.memref_squeeze %dma_start3A_329 : memref<1x1000001xf32, #tpu.memory_space<hbm>> -> memref<1000001xf32, #tpu.memory_space<hbm>>
      %dma_start3A_331 = arith.constant 0 : i32
      %dma_start3A_332 = tpu.memref_slice %dma_start3A_330[%dma_start3A_331] : memref<1000001xf32, #tpu.memory_space<hbm>> -> memref<1000001xf32, #tpu.memory_space<hbm>>
      tpu.enqueue_indirect_dma source(%dma_start3A_332 : memref<1000001xf32, #tpu.memory_space<hbm>>) target(%dma_start3A_327 : memref<128xf32, #tpu.memory_space<vmem>>) offsets(%arg5 : memref<128xi32, #tpu.memory_space<vmem>>) semaphore(%arg7 : memref<!tpu.dma_semaphore, #tpu.memory_space<semaphore_mem>>)
      %dma_start3A_333 = arith.constant 32 : i32
      %dma_start3A_334 = arith.constant 32 : i32
      %dma_start3A_335 = arith.constant 0 : i32
      %dma_start3A_336 = tpu.memref_slice %arg6[%dma_start3A_334, %dma_start3A_335] : memref<64x128xf32, #tpu.memory_space<vmem>> -> memref<1x128xf32, #tpu.memory_space<vmem>>
      %dma_start3A_337 = tpu.memref_squeeze %dma_start3A_336 : memref<1x128xf32, #tpu.memory_space<vmem>> -> memref<128xf32, #tpu.memory_space<vmem>>
      %dma_start3A_338 = arith.constant 0 : i32
      %dma_start3A_339 = tpu.memref_slice %arg3[%dma_start3A_333, %dma_start3A_338] : memref<64x1000001xf32, #tpu.memory_space<hbm>> -> memref<1x1000001xf32, #tpu.memory_space<hbm>>
      %dma_start3A_340 = tpu.memref_squeeze %dma_start3A_339 : memref<1x1000001xf32, #tpu.memory_space<hbm>> -> memref<1000001xf32, #tpu.memory_space<hbm>>
      %dma_start3A_341 = arith.constant 0 : i32
      %dma_start3A_342 = tpu.memref_slice %dma_start3A_340[%dma_start3A_341] : memref<1000001xf32, #tpu.memory_space<hbm>> -> memref<1000001xf32, #tpu.memory_space<hbm>>
      tpu.enqueue_indirect_dma source(%dma_start3A_342 : memref<1000001xf32, #tpu.memory_space<hbm>>) target(%dma_start3A_337 : memref<128xf32, #tpu.memory_space<vmem>>) offsets(%arg5 : memref<128xi32, #tpu.memory_space<vmem>>) semaphore(%arg7 : memref<!tpu.dma_semaphore, #tpu.memory_space<semaphore_mem>>)
      %dma_start3A_343 = arith.constant 33 : i32
      %dma_start3A_344 = arith.constant 33 : i32
      %dma_start3A_345 = arith.constant 0 : i32
      %dma_start3A_346 = tpu.memref_slice %arg6[%dma_start3A_344, %dma_start3A_345] : memref<64x128xf32, #tpu.memory_space<vmem>> -> memref<1x128xf32, #tpu.memory_space<vmem>>
      %dma_start3A_347 = tpu.memref_squeeze %dma_start3A_346 : memref<1x128xf32, #tpu.memory_space<vmem>> -> memref<128xf32, #tpu.memory_space<vmem>>
      %dma_start3A_348 = arith.constant 0 : i32
      %dma_start3A_349 = tpu.memref_slice %arg3[%dma_start3A_343, %dma_start3A_348] : memref<64x1000001xf32, #tpu.memory_space<hbm>> -> memref<1x1000001xf32, #tpu.memory_space<hbm>>
      %dma_start3A_350 = tpu.memref_squeeze %dma_start3A_349 : memref<1x1000001xf32, #tpu.memory_space<hbm>> -> memref<1000001xf32, #tpu.memory_space<hbm>>
      %dma_start3A_351 = arith.constant 0 : i32
      %dma_start3A_352 = tpu.memref_slice %dma_start3A_350[%dma_start3A_351] : memref<1000001xf32, #tpu.memory_space<hbm>> -> memref<1000001xf32, #tpu.memory_space<hbm>>
      tpu.enqueue_indirect_dma source(%dma_start3A_352 : memref<1000001xf32, #tpu.memory_space<hbm>>) target(%dma_start3A_347 : memref<128xf32, #tpu.memory_space<vmem>>) offsets(%arg5 : memref<128xi32, #tpu.memory_space<vmem>>) semaphore(%arg7 : memref<!tpu.dma_semaphore, #tpu.memory_space<semaphore_mem>>)
      %dma_start3A_353 = arith.constant 34 : i32
      %dma_start3A_354 = arith.constant 34 : i32
      %dma_start3A_355 = arith.constant 0 : i32
      %dma_start3A_356 = tpu.memref_slice %arg6[%dma_start3A_354, %dma_start3A_355] : memref<64x128xf32, #tpu.memory_space<vmem>> -> memref<1x128xf32, #tpu.memory_space<vmem>>
      %dma_start3A_357 = tpu.memref_squeeze %dma_start3A_356 : memref<1x128xf32, #tpu.memory_space<vmem>> -> memref<128xf32, #tpu.memory_space<vmem>>
      %dma_start3A_358 = arith.constant 0 : i32
      %dma_start3A_359 = tpu.memref_slice %arg3[%dma_start3A_353, %dma_start3A_358] : memref<64x1000001xf32, #tpu.memory_space<hbm>> -> memref<1x1000001xf32, #tpu.memory_space<hbm>>
      %dma_start3A_360 = tpu.memref_squeeze %dma_start3A_359 : memref<1x1000001xf32, #tpu.memory_space<hbm>> -> memref<1000001xf32, #tpu.memory_space<hbm>>
      %dma_start3A_361 = arith.constant 0 : i32
      %dma_start3A_362 = tpu.memref_slice %dma_start3A_360[%dma_start3A_361] : memref<1000001xf32, #tpu.memory_space<hbm>> -> memref<1000001xf32, #tpu.memory_space<hbm>>
      tpu.enqueue_indirect_dma source(%dma_start3A_362 : memref<1000001xf32, #tpu.memory_space<hbm>>) target(%dma_start3A_357 : memref<128xf32, #tpu.memory_space<vmem>>) offsets(%arg5 : memref<128xi32, #tpu.memory_space<vmem>>) semaphore(%arg7 : memref<!tpu.dma_semaphore, #tpu.memory_space<semaphore_mem>>)
      %dma_start3A_363 = arith.constant 35 : i32
      %dma_start3A_364 = arith.constant 35 : i32
      %dma_start3A_365 = arith.constant 0 : i32
      %dma_start3A_366 = tpu.memref_slice %arg6[%dma_start3A_364, %dma_start3A_365] : memref<64x128xf32, #tpu.memory_space<vmem>> -> memref<1x128xf32, #tpu.memory_space<vmem>>
      %dma_start3A_367 = tpu.memref_squeeze %dma_start3A_366 : memref<1x128xf32, #tpu.memory_space<vmem>> -> memref<128xf32, #tpu.memory_space<vmem>>
      %dma_start3A_368 = arith.constant 0 : i32
      %dma_start3A_369 = tpu.memref_slice %arg3[%dma_start3A_363, %dma_start3A_368] : memref<64x1000001xf32, #tpu.memory_space<hbm>> -> memref<1x1000001xf32, #tpu.memory_space<hbm>>
      %dma_start3A_370 = tpu.memref_squeeze %dma_start3A_369 : memref<1x1000001xf32, #tpu.memory_space<hbm>> -> memref<1000001xf32, #tpu.memory_space<hbm>>
      %dma_start3A_371 = arith.constant 0 : i32
      %dma_start3A_372 = tpu.memref_slice %dma_start3A_370[%dma_start3A_371] : memref<1000001xf32, #tpu.memory_space<hbm>> -> memref<1000001xf32, #tpu.memory_space<hbm>>
      tpu.enqueue_indirect_dma source(%dma_start3A_372 : memref<1000001xf32, #tpu.memory_space<hbm>>) target(%dma_start3A_367 : memref<128xf32, #tpu.memory_space<vmem>>) offsets(%arg5 : memref<128xi32, #tpu.memory_space<vmem>>) semaphore(%arg7 : memref<!tpu.dma_semaphore, #tpu.memory_space<semaphore_mem>>)
      %dma_start3A_373 = arith.constant 36 : i32
      %dma_start3A_374 = arith.constant 36 : i32
      %dma_start3A_375 = arith.constant 0 : i32
      %dma_start3A_376 = tpu.memref_slice %arg6[%dma_start3A_374, %dma_start3A_375] : memref<64x128xf32, #tpu.memory_space<vmem>> -> memref<1x128xf32, #tpu.memory_space<vmem>>
      %dma_start3A_377 = tpu.memref_squeeze %dma_start3A_376 : memref<1x128xf32, #tpu.memory_space<vmem>> -> memref<128xf32, #tpu.memory_space<vmem>>
      %dma_start3A_378 = arith.constant 0 : i32
      %dma_start3A_379 = tpu.memref_slice %arg3[%dma_start3A_373, %dma_start3A_378] : memref<64x1000001xf32, #tpu.memory_space<hbm>> -> memref<1x1000001xf32, #tpu.memory_space<hbm>>
      %dma_start3A_380 = tpu.memref_squeeze %dma_start3A_379 : memref<1x1000001xf32, #tpu.memory_space<hbm>> -> memref<1000001xf32, #tpu.memory_space<hbm>>
      %dma_start3A_381 = arith.constant 0 : i32
      %dma_start3A_382 = tpu.memref_slice %dma_start3A_380[%dma_start3A_381] : memref<1000001xf32, #tpu.memory_space<hbm>> -> memref<1000001xf32, #tpu.memory_space<hbm>>
      tpu.enqueue_indirect_dma source(%dma_start3A_382 : memref<1000001xf32, #tpu.memory_space<hbm>>) target(%dma_start3A_377 : memref<128xf32, #tpu.memory_space<vmem>>) offsets(%arg5 : memref<128xi32, #tpu.memory_space<vmem>>) semaphore(%arg7 : memref<!tpu.dma_semaphore, #tpu.memory_space<semaphore_mem>>)
      %dma_start3A_383 = arith.constant 37 : i32
      %dma_start3A_384 = arith.constant 37 : i32
      %dma_start3A_385 = arith.constant 0 : i32
      %dma_start3A_386 = tpu.memref_slice %arg6[%dma_start3A_384, %dma_start3A_385] : memref<64x128xf32, #tpu.memory_space<vmem>> -> memref<1x128xf32, #tpu.memory_space<vmem>>
      %dma_start3A_387 = tpu.memref_squeeze %dma_start3A_386 : memref<1x128xf32, #tpu.memory_space<vmem>> -> memref<128xf32, #tpu.memory_space<vmem>>
      %dma_start3A_388 = arith.constant 0 : i32
      %dma_start3A_389 = tpu.memref_slice %arg3[%dma_start3A_383, %dma_start3A_388] : memref<64x1000001xf32, #tpu.memory_space<hbm>> -> memref<1x1000001xf32, #tpu.memory_space<hbm>>
      %dma_start3A_390 = tpu.memref_squeeze %dma_start3A_389 : memref<1x1000001xf32, #tpu.memory_space<hbm>> -> memref<1000001xf32, #tpu.memory_space<hbm>>
      %dma_start3A_391 = arith.constant 0 : i32
      %dma_start3A_392 = tpu.memref_slice %dma_start3A_390[%dma_start3A_391] : memref<1000001xf32, #tpu.memory_space<hbm>> -> memref<1000001xf32, #tpu.memory_space<hbm>>
      tpu.enqueue_indirect_dma source(%dma_start3A_392 : memref<1000001xf32, #tpu.memory_space<hbm>>) target(%dma_start3A_387 : memref<128xf32, #tpu.memory_space<vmem>>) offsets(%arg5 : memref<128xi32, #tpu.memory_space<vmem>>) semaphore(%arg7 : memref<!tpu.dma_semaphore, #tpu.memory_space<semaphore_mem>>)
      %dma_start3A_393 = arith.constant 38 : i32
      %dma_start3A_394 = arith.constant 38 : i32
      %dma_start3A_395 = arith.constant 0 : i32
      %dma_start3A_396 = tpu.memref_slice %arg6[%dma_start3A_394, %dma_start3A_395] : memref<64x128xf32, #tpu.memory_space<vmem>> -> memref<1x128xf32, #tpu.memory_space<vmem>>
      %dma_start3A_397 = tpu.memref_squeeze %dma_start3A_396 : memref<1x128xf32, #tpu.memory_space<vmem>> -> memref<128xf32, #tpu.memory_space<vmem>>
      %dma_start3A_398 = arith.constant 0 : i32
      %dma_start3A_399 = tpu.memref_slice %arg3[%dma_start3A_393, %dma_start3A_398] : memref<64x1000001xf32, #tpu.memory_space<hbm>> -> memref<1x1000001xf32, #tpu.memory_space<hbm>>
      %dma_start3A_400 = tpu.memref_squeeze %dma_start3A_399 : memref<1x1000001xf32, #tpu.memory_space<hbm>> -> memref<1000001xf32, #tpu.memory_space<hbm>>
      %dma_start3A_401 = arith.constant 0 : i32
      %dma_start3A_402 = tpu.memref_slice %dma_start3A_400[%dma_start3A_401] : memref<1000001xf32, #tpu.memory_space<hbm>> -> memref<1000001xf32, #tpu.memory_space<hbm>>
      tpu.enqueue_indirect_dma source(%dma_start3A_402 : memref<1000001xf32, #tpu.memory_space<hbm>>) target(%dma_start3A_397 : memref<128xf32, #tpu.memory_space<vmem>>) offsets(%arg5 : memref<128xi32, #tpu.memory_space<vmem>>) semaphore(%arg7 : memref<!tpu.dma_semaphore, #tpu.memory_space<semaphore_mem>>)
      %dma_start3A_403 = arith.constant 39 : i32
      %dma_start3A_404 = arith.constant 39 : i32
      %dma_start3A_405 = arith.constant 0 : i32
      %dma_start3A_406 = tpu.memref_slice %arg6[%dma_start3A_404, %dma_start3A_405] : memref<64x128xf32, #tpu.memory_space<vmem>> -> memref<1x128xf32, #tpu.memory_space<vmem>>
      %dma_start3A_407 = tpu.memref_squeeze %dma_start3A_406 : memref<1x128xf32, #tpu.memory_space<vmem>> -> memref<128xf32, #tpu.memory_space<vmem>>
      %dma_start3A_408 = arith.constant 0 : i32
      %dma_start3A_409 = tpu.memref_slice %arg3[%dma_start3A_403, %dma_start3A_408] : memref<64x1000001xf32, #tpu.memory_space<hbm>> -> memref<1x1000001xf32, #tpu.memory_space<hbm>>
      %dma_start3A_410 = tpu.memref_squeeze %dma_start3A_409 : memref<1x1000001xf32, #tpu.memory_space<hbm>> -> memref<1000001xf32, #tpu.memory_space<hbm>>
      %dma_start3A_411 = arith.constant 0 : i32
      %dma_start3A_412 = tpu.memref_slice %dma_start3A_410[%dma_start3A_411] : memref<1000001xf32, #tpu.memory_space<hbm>> -> memref<1000001xf32, #tpu.memory_space<hbm>>
      tpu.enqueue_indirect_dma source(%dma_start3A_412 : memref<1000001xf32, #tpu.memory_space<hbm>>) target(%dma_start3A_407 : memref<128xf32, #tpu.memory_space<vmem>>) offsets(%arg5 : memref<128xi32, #tpu.memory_space<vmem>>) semaphore(%arg7 : memref<!tpu.dma_semaphore, #tpu.memory_space<semaphore_mem>>)
      %dma_start3A_413 = arith.constant 40 : i32
      %dma_start3A_414 = arith.constant 40 : i32
      %dma_start3A_415 = arith.constant 0 : i32
      %dma_start3A_416 = tpu.memref_slice %arg6[%dma_start3A_414, %dma_start3A_415] : memref<64x128xf32, #tpu.memory_space<vmem>> -> memref<1x128xf32, #tpu.memory_space<vmem>>
      %dma_start3A_417 = tpu.memref_squeeze %dma_start3A_416 : memref<1x128xf32, #tpu.memory_space<vmem>> -> memref<128xf32, #tpu.memory_space<vmem>>
      %dma_start3A_418 = arith.constant 0 : i32
      %dma_start3A_419 = tpu.memref_slice %arg3[%dma_start3A_413, %dma_start3A_418] : memref<64x1000001xf32, #tpu.memory_space<hbm>> -> memref<1x1000001xf32, #tpu.memory_space<hbm>>
      %dma_start3A_420 = tpu.memref_squeeze %dma_start3A_419 : memref<1x1000001xf32, #tpu.memory_space<hbm>> -> memref<1000001xf32, #tpu.memory_space<hbm>>
      %dma_start3A_421 = arith.constant 0 : i32
      %dma_start3A_422 = tpu.memref_slice %dma_start3A_420[%dma_start3A_421] : memref<1000001xf32, #tpu.memory_space<hbm>> -> memref<1000001xf32, #tpu.memory_space<hbm>>
      tpu.enqueue_indirect_dma source(%dma_start3A_422 : memref<1000001xf32, #tpu.memory_space<hbm>>) target(%dma_start3A_417 : memref<128xf32, #tpu.memory_space<vmem>>) offsets(%arg5 : memref<128xi32, #tpu.memory_space<vmem>>) semaphore(%arg7 : memref<!tpu.dma_semaphore, #tpu.memory_space<semaphore_mem>>)
      %dma_start3A_423 = arith.constant 41 : i32
      %dma_start3A_424 = arith.constant 41 : i32
      %dma_start3A_425 = arith.constant 0 : i32
      %dma_start3A_426 = tpu.memref_slice %arg6[%dma_start3A_424, %dma_start3A_425] : memref<64x128xf32, #tpu.memory_space<vmem>> -> memref<1x128xf32, #tpu.memory_space<vmem>>
      %dma_start3A_427 = tpu.memref_squeeze %dma_start3A_426 : memref<1x128xf32, #tpu.memory_space<vmem>> -> memref<128xf32, #tpu.memory_space<vmem>>
      %dma_start3A_428 = arith.constant 0 : i32
      %dma_start3A_429 = tpu.memref_slice %arg3[%dma_start3A_423, %dma_start3A_428] : memref<64x1000001xf32, #tpu.memory_space<hbm>> -> memref<1x1000001xf32, #tpu.memory_space<hbm>>
      %dma_start3A_430 = tpu.memref_squeeze %dma_start3A_429 : memref<1x1000001xf32, #tpu.memory_space<hbm>> -> memref<1000001xf32, #tpu.memory_space<hbm>>
      %dma_start3A_431 = arith.constant 0 : i32
      %dma_start3A_432 = tpu.memref_slice %dma_start3A_430[%dma_start3A_431] : memref<1000001xf32, #tpu.memory_space<hbm>> -> memref<1000001xf32, #tpu.memory_space<hbm>>
      tpu.enqueue_indirect_dma source(%dma_start3A_432 : memref<1000001xf32, #tpu.memory_space<hbm>>) target(%dma_start3A_427 : memref<128xf32, #tpu.memory_space<vmem>>) offsets(%arg5 : memref<128xi32, #tpu.memory_space<vmem>>) semaphore(%arg7 : memref<!tpu.dma_semaphore, #tpu.memory_space<semaphore_mem>>)
      %dma_start3A_433 = arith.constant 42 : i32
      %dma_start3A_434 = arith.constant 42 : i32
      %dma_start3A_435 = arith.constant 0 : i32
      %dma_start3A_436 = tpu.memref_slice %arg6[%dma_start3A_434, %dma_start3A_435] : memref<64x128xf32, #tpu.memory_space<vmem>> -> memref<1x128xf32, #tpu.memory_space<vmem>>
      %dma_start3A_437 = tpu.memref_squeeze %dma_start3A_436 : memref<1x128xf32, #tpu.memory_space<vmem>> -> memref<128xf32, #tpu.memory_space<vmem>>
      %dma_start3A_438 = arith.constant 0 : i32
      %dma_start3A_439 = tpu.memref_slice %arg3[%dma_start3A_433, %dma_start3A_438] : memref<64x1000001xf32, #tpu.memory_space<hbm>> -> memref<1x1000001xf32, #tpu.memory_space<hbm>>
      %dma_start3A_440 = tpu.memref_squeeze %dma_start3A_439 : memref<1x1000001xf32, #tpu.memory_space<hbm>> -> memref<1000001xf32, #tpu.memory_space<hbm>>
      %dma_start3A_441 = arith.constant 0 : i32
      %dma_start3A_442 = tpu.memref_slice %dma_start3A_440[%dma_start3A_441] : memref<1000001xf32, #tpu.memory_space<hbm>> -> memref<1000001xf32, #tpu.memory_space<hbm>>
      tpu.enqueue_indirect_dma source(%dma_start3A_442 : memref<1000001xf32, #tpu.memory_space<hbm>>) target(%dma_start3A_437 : memref<128xf32, #tpu.memory_space<vmem>>) offsets(%arg5 : memref<128xi32, #tpu.memory_space<vmem>>) semaphore(%arg7 : memref<!tpu.dma_semaphore, #tpu.memory_space<semaphore_mem>>)
      %dma_start3A_443 = arith.constant 43 : i32
      %dma_start3A_444 = arith.constant 43 : i32
      %dma_start3A_445 = arith.constant 0 : i32
      %dma_start3A_446 = tpu.memref_slice %arg6[%dma_start3A_444, %dma_start3A_445] : memref<64x128xf32, #tpu.memory_space<vmem>> -> memref<1x128xf32, #tpu.memory_space<vmem>>
      %dma_start3A_447 = tpu.memref_squeeze %dma_start3A_446 : memref<1x128xf32, #tpu.memory_space<vmem>> -> memref<128xf32, #tpu.memory_space<vmem>>
      %dma_start3A_448 = arith.constant 0 : i32
      %dma_start3A_449 = tpu.memref_slice %arg3[%dma_start3A_443, %dma_start3A_448] : memref<64x1000001xf32, #tpu.memory_space<hbm>> -> memref<1x1000001xf32, #tpu.memory_space<hbm>>
      %dma_start3A_450 = tpu.memref_squeeze %dma_start3A_449 : memref<1x1000001xf32, #tpu.memory_space<hbm>> -> memref<1000001xf32, #tpu.memory_space<hbm>>
      %dma_start3A_451 = arith.constant 0 : i32
      %dma_start3A_452 = tpu.memref_slice %dma_start3A_450[%dma_start3A_451] : memref<1000001xf32, #tpu.memory_space<hbm>> -> memref<1000001xf32, #tpu.memory_space<hbm>>
      tpu.enqueue_indirect_dma source(%dma_start3A_452 : memref<1000001xf32, #tpu.memory_space<hbm>>) target(%dma_start3A_447 : memref<128xf32, #tpu.memory_space<vmem>>) offsets(%arg5 : memref<128xi32, #tpu.memory_space<vmem>>) semaphore(%arg7 : memref<!tpu.dma_semaphore, #tpu.memory_space<semaphore_mem>>)
      %dma_start3A_453 = arith.constant 44 : i32
      %dma_start3A_454 = arith.constant 44 : i32
      %dma_start3A_455 = arith.constant 0 : i32
      %dma_start3A_456 = tpu.memref_slice %arg6[%dma_start3A_454, %dma_start3A_455] : memref<64x128xf32, #tpu.memory_space<vmem>> -> memref<1x128xf32, #tpu.memory_space<vmem>>
      %dma_start3A_457 = tpu.memref_squeeze %dma_start3A_456 : memref<1x128xf32, #tpu.memory_space<vmem>> -> memref<128xf32, #tpu.memory_space<vmem>>
      %dma_start3A_458 = arith.constant 0 : i32
      %dma_start3A_459 = tpu.memref_slice %arg3[%dma_start3A_453, %dma_start3A_458] : memref<64x1000001xf32, #tpu.memory_space<hbm>> -> memref<1x1000001xf32, #tpu.memory_space<hbm>>
      %dma_start3A_460 = tpu.memref_squeeze %dma_start3A_459 : memref<1x1000001xf32, #tpu.memory_space<hbm>> -> memref<1000001xf32, #tpu.memory_space<hbm>>
      %dma_start3A_461 = arith.constant 0 : i32
      %dma_start3A_462 = tpu.memref_slice %dma_start3A_460[%dma_start3A_461] : memref<1000001xf32, #tpu.memory_space<hbm>> -> memref<1000001xf32, #tpu.memory_space<hbm>>
      tpu.enqueue_indirect_dma source(%dma_start3A_462 : memref<1000001xf32, #tpu.memory_space<hbm>>) target(%dma_start3A_457 : memref<128xf32, #tpu.memory_space<vmem>>) offsets(%arg5 : memref<128xi32, #tpu.memory_space<vmem>>) semaphore(%arg7 : memref<!tpu.dma_semaphore, #tpu.memory_space<semaphore_mem>>)
      %dma_start3A_463 = arith.constant 45 : i32
      %dma_start3A_464 = arith.constant 45 : i32
      %dma_start3A_465 = arith.constant 0 : i32
      %dma_start3A_466 = tpu.memref_slice %arg6[%dma_start3A_464, %dma_start3A_465] : memref<64x128xf32, #tpu.memory_space<vmem>> -> memref<1x128xf32, #tpu.memory_space<vmem>>
      %dma_start3A_467 = tpu.memref_squeeze %dma_start3A_466 : memref<1x128xf32, #tpu.memory_space<vmem>> -> memref<128xf32, #tpu.memory_space<vmem>>
      %dma_start3A_468 = arith.constant 0 : i32
      %dma_start3A_469 = tpu.memref_slice %arg3[%dma_start3A_463, %dma_start3A_468] : memref<64x1000001xf32, #tpu.memory_space<hbm>> -> memref<1x1000001xf32, #tpu.memory_space<hbm>>
      %dma_start3A_470 = tpu.memref_squeeze %dma_start3A_469 : memref<1x1000001xf32, #tpu.memory_space<hbm>> -> memref<1000001xf32, #tpu.memory_space<hbm>>
      %dma_start3A_471 = arith.constant 0 : i32
      %dma_start3A_472 = tpu.memref_slice %dma_start3A_470[%dma_start3A_471] : memref<1000001xf32, #tpu.memory_space<hbm>> -> memref<1000001xf32, #tpu.memory_space<hbm>>
      tpu.enqueue_indirect_dma source(%dma_start3A_472 : memref<1000001xf32, #tpu.memory_space<hbm>>) target(%dma_start3A_467 : memref<128xf32, #tpu.memory_space<vmem>>) offsets(%arg5 : memref<128xi32, #tpu.memory_space<vmem>>) semaphore(%arg7 : memref<!tpu.dma_semaphore, #tpu.memory_space<semaphore_mem>>)
      %dma_start3A_473 = arith.constant 46 : i32
      %dma_start3A_474 = arith.constant 46 : i32
      %dma_start3A_475 = arith.constant 0 : i32
      %dma_start3A_476 = tpu.memref_slice %arg6[%dma_start3A_474, %dma_start3A_475] : memref<64x128xf32, #tpu.memory_space<vmem>> -> memref<1x128xf32, #tpu.memory_space<vmem>>
      %dma_start3A_477 = tpu.memref_squeeze %dma_start3A_476 : memref<1x128xf32, #tpu.memory_space<vmem>> -> memref<128xf32, #tpu.memory_space<vmem>>
      %dma_start3A_478 = arith.constant 0 : i32
      %dma_start3A_479 = tpu.memref_slice %arg3[%dma_start3A_473, %dma_start3A_478] : memref<64x1000001xf32, #tpu.memory_space<hbm>> -> memref<1x1000001xf32, #tpu.memory_space<hbm>>
      %dma_start3A_480 = tpu.memref_squeeze %dma_start3A_479 : memref<1x1000001xf32, #tpu.memory_space<hbm>> -> memref<1000001xf32, #tpu.memory_space<hbm>>
      %dma_start3A_481 = arith.constant 0 : i32
      %dma_start3A_482 = tpu.memref_slice %dma_start3A_480[%dma_start3A_481] : memref<1000001xf32, #tpu.memory_space<hbm>> -> memref<1000001xf32, #tpu.memory_space<hbm>>
      tpu.enqueue_indirect_dma source(%dma_start3A_482 : memref<1000001xf32, #tpu.memory_space<hbm>>) target(%dma_start3A_477 : memref<128xf32, #tpu.memory_space<vmem>>) offsets(%arg5 : memref<128xi32, #tpu.memory_space<vmem>>) semaphore(%arg7 : memref<!tpu.dma_semaphore, #tpu.memory_space<semaphore_mem>>)
      %dma_start3A_483 = arith.constant 47 : i32
      %dma_start3A_484 = arith.constant 47 : i32
      %dma_start3A_485 = arith.constant 0 : i32
      %dma_start3A_486 = tpu.memref_slice %arg6[%dma_start3A_484, %dma_start3A_485] : memref<64x128xf32, #tpu.memory_space<vmem>> -> memref<1x128xf32, #tpu.memory_space<vmem>>
      %dma_start3A_487 = tpu.memref_squeeze %dma_start3A_486 : memref<1x128xf32, #tpu.memory_space<vmem>> -> memref<128xf32, #tpu.memory_space<vmem>>
      %dma_start3A_488 = arith.constant 0 : i32
      %dma_start3A_489 = tpu.memref_slice %arg3[%dma_start3A_483, %dma_start3A_488] : memref<64x1000001xf32, #tpu.memory_space<hbm>> -> memref<1x1000001xf32, #tpu.memory_space<hbm>>
      %dma_start3A_490 = tpu.memref_squeeze %dma_start3A_489 : memref<1x1000001xf32, #tpu.memory_space<hbm>> -> memref<1000001xf32, #tpu.memory_space<hbm>>
      %dma_start3A_491 = arith.constant 0 : i32
      %dma_start3A_492 = tpu.memref_slice %dma_start3A_490[%dma_start3A_491] : memref<1000001xf32, #tpu.memory_space<hbm>> -> memref<1000001xf32, #tpu.memory_space<hbm>>
      tpu.enqueue_indirect_dma source(%dma_start3A_492 : memref<1000001xf32, #tpu.memory_space<hbm>>) target(%dma_start3A_487 : memref<128xf32, #tpu.memory_space<vmem>>) offsets(%arg5 : memref<128xi32, #tpu.memory_space<vmem>>) semaphore(%arg7 : memref<!tpu.dma_semaphore, #tpu.memory_space<semaphore_mem>>)
      %dma_start3A_493 = arith.constant 48 : i32
      %dma_start3A_494 = arith.constant 48 : i32
      %dma_start3A_495 = arith.constant 0 : i32
      %dma_start3A_496 = tpu.memref_slice %arg6[%dma_start3A_494, %dma_start3A_495] : memref<64x128xf32, #tpu.memory_space<vmem>> -> memref<1x128xf32, #tpu.memory_space<vmem>>
      %dma_start3A_497 = tpu.memref_squeeze %dma_start3A_496 : memref<1x128xf32, #tpu.memory_space<vmem>> -> memref<128xf32, #tpu.memory_space<vmem>>
      %dma_start3A_498 = arith.constant 0 : i32
      %dma_start3A_499 = tpu.memref_slice %arg3[%dma_start3A_493, %dma_start3A_498] : memref<64x1000001xf32, #tpu.memory_space<hbm>> -> memref<1x1000001xf32, #tpu.memory_space<hbm>>
      %dma_start3A_500 = tpu.memref_squeeze %dma_start3A_499 : memref<1x1000001xf32, #tpu.memory_space<hbm>> -> memref<1000001xf32, #tpu.memory_space<hbm>>
      %dma_start3A_501 = arith.constant 0 : i32
      %dma_start3A_502 = tpu.memref_slice %dma_start3A_500[%dma_start3A_501] : memref<1000001xf32, #tpu.memory_space<hbm>> -> memref<1000001xf32, #tpu.memory_space<hbm>>
      tpu.enqueue_indirect_dma source(%dma_start3A_502 : memref<1000001xf32, #tpu.memory_space<hbm>>) target(%dma_start3A_497 : memref<128xf32, #tpu.memory_space<vmem>>) offsets(%arg5 : memref<128xi32, #tpu.memory_space<vmem>>) semaphore(%arg7 : memref<!tpu.dma_semaphore, #tpu.memory_space<semaphore_mem>>)
      %dma_start3A_503 = arith.constant 49 : i32
      %dma_start3A_504 = arith.constant 49 : i32
      %dma_start3A_505 = arith.constant 0 : i32
      %dma_start3A_506 = tpu.memref_slice %arg6[%dma_start3A_504, %dma_start3A_505] : memref<64x128xf32, #tpu.memory_space<vmem>> -> memref<1x128xf32, #tpu.memory_space<vmem>>
      %dma_start3A_507 = tpu.memref_squeeze %dma_start3A_506 : memref<1x128xf32, #tpu.memory_space<vmem>> -> memref<128xf32, #tpu.memory_space<vmem>>
      %dma_start3A_508 = arith.constant 0 : i32
      %dma_start3A_509 = tpu.memref_slice %arg3[%dma_start3A_503, %dma_start3A_508] : memref<64x1000001xf32, #tpu.memory_space<hbm>> -> memref<1x1000001xf32, #tpu.memory_space<hbm>>
      %dma_start3A_510 = tpu.memref_squeeze %dma_start3A_509 : memref<1x1000001xf32, #tpu.memory_space<hbm>> -> memref<1000001xf32, #tpu.memory_space<hbm>>
      %dma_start3A_511 = arith.constant 0 : i32
      %dma_start3A_512 = tpu.memref_slice %dma_start3A_510[%dma_start3A_511] : memref<1000001xf32, #tpu.memory_space<hbm>> -> memref<1000001xf32, #tpu.memory_space<hbm>>
      tpu.enqueue_indirect_dma source(%dma_start3A_512 : memref<1000001xf32, #tpu.memory_space<hbm>>) target(%dma_start3A_507 : memref<128xf32, #tpu.memory_space<vmem>>) offsets(%arg5 : memref<128xi32, #tpu.memory_space<vmem>>) semaphore(%arg7 : memref<!tpu.dma_semaphore, #tpu.memory_space<semaphore_mem>>)
      %dma_start3A_513 = arith.constant 50 : i32
      %dma_start3A_514 = arith.constant 50 : i32
      %dma_start3A_515 = arith.constant 0 : i32
      %dma_start3A_516 = tpu.memref_slice %arg6[%dma_start3A_514, %dma_start3A_515] : memref<64x128xf32, #tpu.memory_space<vmem>> -> memref<1x128xf32, #tpu.memory_space<vmem>>
      %dma_start3A_517 = tpu.memref_squeeze %dma_start3A_516 : memref<1x128xf32, #tpu.memory_space<vmem>> -> memref<128xf32, #tpu.memory_space<vmem>>
      %dma_start3A_518 = arith.constant 0 : i32
      %dma_start3A_519 = tpu.memref_slice %arg3[%dma_start3A_513, %dma_start3A_518] : memref<64x1000001xf32, #tpu.memory_space<hbm>> -> memref<1x1000001xf32, #tpu.memory_space<hbm>>
      %dma_start3A_520 = tpu.memref_squeeze %dma_start3A_519 : memref<1x1000001xf32, #tpu.memory_space<hbm>> -> memref<1000001xf32, #tpu.memory_space<hbm>>
      %dma_start3A_521 = arith.constant 0 : i32
      %dma_start3A_522 = tpu.memref_slice %dma_start3A_520[%dma_start3A_521] : memref<1000001xf32, #tpu.memory_space<hbm>> -> memref<1000001xf32, #tpu.memory_space<hbm>>
      tpu.enqueue_indirect_dma source(%dma_start3A_522 : memref<1000001xf32, #tpu.memory_space<hbm>>) target(%dma_start3A_517 : memref<128xf32, #tpu.memory_space<vmem>>) offsets(%arg5 : memref<128xi32, #tpu.memory_space<vmem>>) semaphore(%arg7 : memref<!tpu.dma_semaphore, #tpu.memory_space<semaphore_mem>>)
      %dma_start3A_523 = arith.constant 51 : i32
      %dma_start3A_524 = arith.constant 51 : i32
      %dma_start3A_525 = arith.constant 0 : i32
      %dma_start3A_526 = tpu.memref_slice %arg6[%dma_start3A_524, %dma_start3A_525] : memref<64x128xf32, #tpu.memory_space<vmem>> -> memref<1x128xf32, #tpu.memory_space<vmem>>
      %dma_start3A_527 = tpu.memref_squeeze %dma_start3A_526 : memref<1x128xf32, #tpu.memory_space<vmem>> -> memref<128xf32, #tpu.memory_space<vmem>>
      %dma_start3A_528 = arith.constant 0 : i32
      %dma_start3A_529 = tpu.memref_slice %arg3[%dma_start3A_523, %dma_start3A_528] : memref<64x1000001xf32, #tpu.memory_space<hbm>> -> memref<1x1000001xf32, #tpu.memory_space<hbm>>
      %dma_start3A_530 = tpu.memref_squeeze %dma_start3A_529 : memref<1x1000001xf32, #tpu.memory_space<hbm>> -> memref<1000001xf32, #tpu.memory_space<hbm>>
      %dma_start3A_531 = arith.constant 0 : i32
      %dma_start3A_532 = tpu.memref_slice %dma_start3A_530[%dma_start3A_531] : memref<1000001xf32, #tpu.memory_space<hbm>> -> memref<1000001xf32, #tpu.memory_space<hbm>>
      tpu.enqueue_indirect_dma source(%dma_start3A_532 : memref<1000001xf32, #tpu.memory_space<hbm>>) target(%dma_start3A_527 : memref<128xf32, #tpu.memory_space<vmem>>) offsets(%arg5 : memref<128xi32, #tpu.memory_space<vmem>>) semaphore(%arg7 : memref<!tpu.dma_semaphore, #tpu.memory_space<semaphore_mem>>)
      %dma_start3A_533 = arith.constant 52 : i32
      %dma_start3A_534 = arith.constant 52 : i32
      %dma_start3A_535 = arith.constant 0 : i32
      %dma_start3A_536 = tpu.memref_slice %arg6[%dma_start3A_534, %dma_start3A_535] : memref<64x128xf32, #tpu.memory_space<vmem>> -> memref<1x128xf32, #tpu.memory_space<vmem>>
      %dma_start3A_537 = tpu.memref_squeeze %dma_start3A_536 : memref<1x128xf32, #tpu.memory_space<vmem>> -> memref<128xf32, #tpu.memory_space<vmem>>
      %dma_start3A_538 = arith.constant 0 : i32
      %dma_start3A_539 = tpu.memref_slice %arg3[%dma_start3A_533, %dma_start3A_538] : memref<64x1000001xf32, #tpu.memory_space<hbm>> -> memref<1x1000001xf32, #tpu.memory_space<hbm>>
      %dma_start3A_540 = tpu.memref_squeeze %dma_start3A_539 : memref<1x1000001xf32, #tpu.memory_space<hbm>> -> memref<1000001xf32, #tpu.memory_space<hbm>>
      %dma_start3A_541 = arith.constant 0 : i32
      %dma_start3A_542 = tpu.memref_slice %dma_start3A_540[%dma_start3A_541] : memref<1000001xf32, #tpu.memory_space<hbm>> -> memref<1000001xf32, #tpu.memory_space<hbm>>
      tpu.enqueue_indirect_dma source(%dma_start3A_542 : memref<1000001xf32, #tpu.memory_space<hbm>>) target(%dma_start3A_537 : memref<128xf32, #tpu.memory_space<vmem>>) offsets(%arg5 : memref<128xi32, #tpu.memory_space<vmem>>) semaphore(%arg7 : memref<!tpu.dma_semaphore, #tpu.memory_space<semaphore_mem>>)
      %dma_start3A_543 = arith.constant 53 : i32
      %dma_start3A_544 = arith.constant 53 : i32
      %dma_start3A_545 = arith.constant 0 : i32
      %dma_start3A_546 = tpu.memref_slice %arg6[%dma_start3A_544, %dma_start3A_545] : memref<64x128xf32, #tpu.memory_space<vmem>> -> memref<1x128xf32, #tpu.memory_space<vmem>>
      %dma_start3A_547 = tpu.memref_squeeze %dma_start3A_546 : memref<1x128xf32, #tpu.memory_space<vmem>> -> memref<128xf32, #tpu.memory_space<vmem>>
      %dma_start3A_548 = arith.constant 0 : i32
      %dma_start3A_549 = tpu.memref_slice %arg3[%dma_start3A_543, %dma_start3A_548] : memref<64x1000001xf32, #tpu.memory_space<hbm>> -> memref<1x1000001xf32, #tpu.memory_space<hbm>>
      %dma_start3A_550 = tpu.memref_squeeze %dma_start3A_549 : memref<1x1000001xf32, #tpu.memory_space<hbm>> -> memref<1000001xf32, #tpu.memory_space<hbm>>
      %dma_start3A_551 = arith.constant 0 : i32
      %dma_start3A_552 = tpu.memref_slice %dma_start3A_550[%dma_start3A_551] : memref<1000001xf32, #tpu.memory_space<hbm>> -> memref<1000001xf32, #tpu.memory_space<hbm>>
      tpu.enqueue_indirect_dma source(%dma_start3A_552 : memref<1000001xf32, #tpu.memory_space<hbm>>) target(%dma_start3A_547 : memref<128xf32, #tpu.memory_space<vmem>>) offsets(%arg5 : memref<128xi32, #tpu.memory_space<vmem>>) semaphore(%arg7 : memref<!tpu.dma_semaphore, #tpu.memory_space<semaphore_mem>>)
      %dma_start3A_553 = arith.constant 54 : i32
      %dma_start3A_554 = arith.constant 54 : i32
      %dma_start3A_555 = arith.constant 0 : i32
      %dma_start3A_556 = tpu.memref_slice %arg6[%dma_start3A_554, %dma_start3A_555] : memref<64x128xf32, #tpu.memory_space<vmem>> -> memref<1x128xf32, #tpu.memory_space<vmem>>
      %dma_start3A_557 = tpu.memref_squeeze %dma_start3A_556 : memref<1x128xf32, #tpu.memory_space<vmem>> -> memref<128xf32, #tpu.memory_space<vmem>>
      %dma_start3A_558 = arith.constant 0 : i32
      %dma_start3A_559 = tpu.memref_slice %arg3[%dma_start3A_553, %dma_start3A_558] : memref<64x1000001xf32, #tpu.memory_space<hbm>> -> memref<1x1000001xf32, #tpu.memory_space<hbm>>
      %dma_start3A_560 = tpu.memref_squeeze %dma_start3A_559 : memref<1x1000001xf32, #tpu.memory_space<hbm>> -> memref<1000001xf32, #tpu.memory_space<hbm>>
      %dma_start3A_561 = arith.constant 0 : i32
      %dma_start3A_562 = tpu.memref_slice %dma_start3A_560[%dma_start3A_561] : memref<1000001xf32, #tpu.memory_space<hbm>> -> memref<1000001xf32, #tpu.memory_space<hbm>>
      tpu.enqueue_indirect_dma source(%dma_start3A_562 : memref<1000001xf32, #tpu.memory_space<hbm>>) target(%dma_start3A_557 : memref<128xf32, #tpu.memory_space<vmem>>) offsets(%arg5 : memref<128xi32, #tpu.memory_space<vmem>>) semaphore(%arg7 : memref<!tpu.dma_semaphore, #tpu.memory_space<semaphore_mem>>)
      %dma_start3A_563 = arith.constant 55 : i32
      %dma_start3A_564 = arith.constant 55 : i32
      %dma_start3A_565 = arith.constant 0 : i32
      %dma_start3A_566 = tpu.memref_slice %arg6[%dma_start3A_564, %dma_start3A_565] : memref<64x128xf32, #tpu.memory_space<vmem>> -> memref<1x128xf32, #tpu.memory_space<vmem>>
      %dma_start3A_567 = tpu.memref_squeeze %dma_start3A_566 : memref<1x128xf32, #tpu.memory_space<vmem>> -> memref<128xf32, #tpu.memory_space<vmem>>
      %dma_start3A_568 = arith.constant 0 : i32
      %dma_start3A_569 = tpu.memref_slice %arg3[%dma_start3A_563, %dma_start3A_568] : memref<64x1000001xf32, #tpu.memory_space<hbm>> -> memref<1x1000001xf32, #tpu.memory_space<hbm>>
      %dma_start3A_570 = tpu.memref_squeeze %dma_start3A_569 : memref<1x1000001xf32, #tpu.memory_space<hbm>> -> memref<1000001xf32, #tpu.memory_space<hbm>>
      %dma_start3A_571 = arith.constant 0 : i32
      %dma_start3A_572 = tpu.memref_slice %dma_start3A_570[%dma_start3A_571] : memref<1000001xf32, #tpu.memory_space<hbm>> -> memref<1000001xf32, #tpu.memory_space<hbm>>
      tpu.enqueue_indirect_dma source(%dma_start3A_572 : memref<1000001xf32, #tpu.memory_space<hbm>>) target(%dma_start3A_567 : memref<128xf32, #tpu.memory_space<vmem>>) offsets(%arg5 : memref<128xi32, #tpu.memory_space<vmem>>) semaphore(%arg7 : memref<!tpu.dma_semaphore, #tpu.memory_space<semaphore_mem>>)
      %dma_start3A_573 = arith.constant 56 : i32
      %dma_start3A_574 = arith.constant 56 : i32
      %dma_start3A_575 = arith.constant 0 : i32
      %dma_start3A_576 = tpu.memref_slice %arg6[%dma_start3A_574, %dma_start3A_575] : memref<64x128xf32, #tpu.memory_space<vmem>> -> memref<1x128xf32, #tpu.memory_space<vmem>>
      %dma_start3A_577 = tpu.memref_squeeze %dma_start3A_576 : memref<1x128xf32, #tpu.memory_space<vmem>> -> memref<128xf32, #tpu.memory_space<vmem>>
      %dma_start3A_578 = arith.constant 0 : i32
      %dma_start3A_579 = tpu.memref_slice %arg3[%dma_start3A_573, %dma_start3A_578] : memref<64x1000001xf32, #tpu.memory_space<hbm>> -> memref<1x1000001xf32, #tpu.memory_space<hbm>>
      %dma_start3A_580 = tpu.memref_squeeze %dma_start3A_579 : memref<1x1000001xf32, #tpu.memory_space<hbm>> -> memref<1000001xf32, #tpu.memory_space<hbm>>
      %dma_start3A_581 = arith.constant 0 : i32
      %dma_start3A_582 = tpu.memref_slice %dma_start3A_580[%dma_start3A_581] : memref<1000001xf32, #tpu.memory_space<hbm>> -> memref<1000001xf32, #tpu.memory_space<hbm>>
      tpu.enqueue_indirect_dma source(%dma_start3A_582 : memref<1000001xf32, #tpu.memory_space<hbm>>) target(%dma_start3A_577 : memref<128xf32, #tpu.memory_space<vmem>>) offsets(%arg5 : memref<128xi32, #tpu.memory_space<vmem>>) semaphore(%arg7 : memref<!tpu.dma_semaphore, #tpu.memory_space<semaphore_mem>>)
      %dma_start3A_583 = arith.constant 57 : i32
      %dma_start3A_584 = arith.constant 57 : i32
      %dma_start3A_585 = arith.constant 0 : i32
      %dma_start3A_586 = tpu.memref_slice %arg6[%dma_start3A_584, %dma_start3A_585] : memref<64x128xf32, #tpu.memory_space<vmem>> -> memref<1x128xf32, #tpu.memory_space<vmem>>
      %dma_start3A_587 = tpu.memref_squeeze %dma_start3A_586 : memref<1x128xf32, #tpu.memory_space<vmem>> -> memref<128xf32, #tpu.memory_space<vmem>>
      %dma_start3A_588 = arith.constant 0 : i32
      %dma_start3A_589 = tpu.memref_slice %arg3[%dma_start3A_583, %dma_start3A_588] : memref<64x1000001xf32, #tpu.memory_space<hbm>> -> memref<1x1000001xf32, #tpu.memory_space<hbm>>
      %dma_start3A_590 = tpu.memref_squeeze %dma_start3A_589 : memref<1x1000001xf32, #tpu.memory_space<hbm>> -> memref<1000001xf32, #tpu.memory_space<hbm>>
      %dma_start3A_591 = arith.constant 0 : i32
      %dma_start3A_592 = tpu.memref_slice %dma_start3A_590[%dma_start3A_591] : memref<1000001xf32, #tpu.memory_space<hbm>> -> memref<1000001xf32, #tpu.memory_space<hbm>>
      tpu.enqueue_indirect_dma source(%dma_start3A_592 : memref<1000001xf32, #tpu.memory_space<hbm>>) target(%dma_start3A_587 : memref<128xf32, #tpu.memory_space<vmem>>) offsets(%arg5 : memref<128xi32, #tpu.memory_space<vmem>>) semaphore(%arg7 : memref<!tpu.dma_semaphore, #tpu.memory_space<semaphore_mem>>)
      %dma_start3A_593 = arith.constant 58 : i32
      %dma_start3A_594 = arith.constant 58 : i32
      %dma_start3A_595 = arith.constant 0 : i32
      %dma_start3A_596 = tpu.memref_slice %arg6[%dma_start3A_594, %dma_start3A_595] : memref<64x128xf32, #tpu.memory_space<vmem>> -> memref<1x128xf32, #tpu.memory_space<vmem>>
      %dma_start3A_597 = tpu.memref_squeeze %dma_start3A_596 : memref<1x128xf32, #tpu.memory_space<vmem>> -> memref<128xf32, #tpu.memory_space<vmem>>
      %dma_start3A_598 = arith.constant 0 : i32
      %dma_start3A_599 = tpu.memref_slice %arg3[%dma_start3A_593, %dma_start3A_598] : memref<64x1000001xf32, #tpu.memory_space<hbm>> -> memref<1x1000001xf32, #tpu.memory_space<hbm>>
      %dma_start3A_600 = tpu.memref_squeeze %dma_start3A_599 : memref<1x1000001xf32, #tpu.memory_space<hbm>> -> memref<1000001xf32, #tpu.memory_space<hbm>>
      %dma_start3A_601 = arith.constant 0 : i32
      %dma_start3A_602 = tpu.memref_slice %dma_start3A_600[%dma_start3A_601] : memref<1000001xf32, #tpu.memory_space<hbm>> -> memref<1000001xf32, #tpu.memory_space<hbm>>
      tpu.enqueue_indirect_dma source(%dma_start3A_602 : memref<1000001xf32, #tpu.memory_space<hbm>>) target(%dma_start3A_597 : memref<128xf32, #tpu.memory_space<vmem>>) offsets(%arg5 : memref<128xi32, #tpu.memory_space<vmem>>) semaphore(%arg7 : memref<!tpu.dma_semaphore, #tpu.memory_space<semaphore_mem>>)
      %dma_start3A_603 = arith.constant 59 : i32
      %dma_start3A_604 = arith.constant 59 : i32
      %dma_start3A_605 = arith.constant 0 : i32
      %dma_start3A_606 = tpu.memref_slice %arg6[%dma_start3A_604, %dma_start3A_605] : memref<64x128xf32, #tpu.memory_space<vmem>> -> memref<1x128xf32, #tpu.memory_space<vmem>>
      %dma_start3A_607 = tpu.memref_squeeze %dma_start3A_606 : memref<1x128xf32, #tpu.memory_space<vmem>> -> memref<128xf32, #tpu.memory_space<vmem>>
      %dma_start3A_608 = arith.constant 0 : i32
      %dma_start3A_609 = tpu.memref_slice %arg3[%dma_start3A_603, %dma_start3A_608] : memref<64x1000001xf32, #tpu.memory_space<hbm>> -> memref<1x1000001xf32, #tpu.memory_space<hbm>>
      %dma_start3A_610 = tpu.memref_squeeze %dma_start3A_609 : memref<1x1000001xf32, #tpu.memory_space<hbm>> -> memref<1000001xf32, #tpu.memory_space<hbm>>
      %dma_start3A_611 = arith.constant 0 : i32
      %dma_start3A_612 = tpu.memref_slice %dma_start3A_610[%dma_start3A_611] : memref<1000001xf32, #tpu.memory_space<hbm>> -> memref<1000001xf32, #tpu.memory_space<hbm>>
      tpu.enqueue_indirect_dma source(%dma_start3A_612 : memref<1000001xf32, #tpu.memory_space<hbm>>) target(%dma_start3A_607 : memref<128xf32, #tpu.memory_space<vmem>>) offsets(%arg5 : memref<128xi32, #tpu.memory_space<vmem>>) semaphore(%arg7 : memref<!tpu.dma_semaphore, #tpu.memory_space<semaphore_mem>>)
      %dma_start3A_613 = arith.constant 60 : i32
      %dma_start3A_614 = arith.constant 60 : i32
      %dma_start3A_615 = arith.constant 0 : i32
      %dma_start3A_616 = tpu.memref_slice %arg6[%dma_start3A_614, %dma_start3A_615] : memref<64x128xf32, #tpu.memory_space<vmem>> -> memref<1x128xf32, #tpu.memory_space<vmem>>
      %dma_start3A_617 = tpu.memref_squeeze %dma_start3A_616 : memref<1x128xf32, #tpu.memory_space<vmem>> -> memref<128xf32, #tpu.memory_space<vmem>>
      %dma_start3A_618 = arith.constant 0 : i32
      %dma_start3A_619 = tpu.memref_slice %arg3[%dma_start3A_613, %dma_start3A_618] : memref<64x1000001xf32, #tpu.memory_space<hbm>> -> memref<1x1000001xf32, #tpu.memory_space<hbm>>
      %dma_start3A_620 = tpu.memref_squeeze %dma_start3A_619 : memref<1x1000001xf32, #tpu.memory_space<hbm>> -> memref<1000001xf32, #tpu.memory_space<hbm>>
      %dma_start3A_621 = arith.constant 0 : i32
      %dma_start3A_622 = tpu.memref_slice %dma_start3A_620[%dma_start3A_621] : memref<1000001xf32, #tpu.memory_space<hbm>> -> memref<1000001xf32, #tpu.memory_space<hbm>>
      tpu.enqueue_indirect_dma source(%dma_start3A_622 : memref<1000001xf32, #tpu.memory_space<hbm>>) target(%dma_start3A_617 : memref<128xf32, #tpu.memory_space<vmem>>) offsets(%arg5 : memref<128xi32, #tpu.memory_space<vmem>>) semaphore(%arg7 : memref<!tpu.dma_semaphore, #tpu.memory_space<semaphore_mem>>)
      %dma_start3A_623 = arith.constant 61 : i32
      %dma_start3A_624 = arith.constant 61 : i32
      %dma_start3A_625 = arith.constant 0 : i32
      %dma_start3A_626 = tpu.memref_slice %arg6[%dma_start3A_624, %dma_start3A_625] : memref<64x128xf32, #tpu.memory_space<vmem>> -> memref<1x128xf32, #tpu.memory_space<vmem>>
      %dma_start3A_627 = tpu.memref_squeeze %dma_start3A_626 : memref<1x128xf32, #tpu.memory_space<vmem>> -> memref<128xf32, #tpu.memory_space<vmem>>
      %dma_start3A_628 = arith.constant 0 : i32
      %dma_start3A_629 = tpu.memref_slice %arg3[%dma_start3A_623, %dma_start3A_628] : memref<64x1000001xf32, #tpu.memory_space<hbm>> -> memref<1x1000001xf32, #tpu.memory_space<hbm>>
      %dma_start3A_630 = tpu.memref_squeeze %dma_start3A_629 : memref<1x1000001xf32, #tpu.memory_space<hbm>> -> memref<1000001xf32, #tpu.memory_space<hbm>>
      %dma_start3A_631 = arith.constant 0 : i32
      %dma_start3A_632 = tpu.memref_slice %dma_start3A_630[%dma_start3A_631] : memref<1000001xf32, #tpu.memory_space<hbm>> -> memref<1000001xf32, #tpu.memory_space<hbm>>
      tpu.enqueue_indirect_dma source(%dma_start3A_632 : memref<1000001xf32, #tpu.memory_space<hbm>>) target(%dma_start3A_627 : memref<128xf32, #tpu.memory_space<vmem>>) offsets(%arg5 : memref<128xi32, #tpu.memory_space<vmem>>) semaphore(%arg7 : memref<!tpu.dma_semaphore, #tpu.memory_space<semaphore_mem>>)
      %dma_start3A_633 = arith.constant 62 : i32
      %dma_start3A_634 = arith.constant 62 : i32
      %dma_start3A_635 = arith.constant 0 : i32
      %dma_start3A_636 = tpu.memref_slice %arg6[%dma_start3A_634, %dma_start3A_635] : memref<64x128xf32, #tpu.memory_space<vmem>> -> memref<1x128xf32, #tpu.memory_space<vmem>>
      %dma_start3A_637 = tpu.memref_squeeze %dma_start3A_636 : memref<1x128xf32, #tpu.memory_space<vmem>> -> memref<128xf32, #tpu.memory_space<vmem>>
      %dma_start3A_638 = arith.constant 0 : i32
      %dma_start3A_639 = tpu.memref_slice %arg3[%dma_start3A_633, %dma_start3A_638] : memref<64x1000001xf32, #tpu.memory_space<hbm>> -> memref<1x1000001xf32, #tpu.memory_space<hbm>>
      %dma_start3A_640 = tpu.memref_squeeze %dma_start3A_639 : memref<1x1000001xf32, #tpu.memory_space<hbm>> -> memref<1000001xf32, #tpu.memory_space<hbm>>
      %dma_start3A_641 = arith.constant 0 : i32
      %dma_start3A_642 = tpu.memref_slice %dma_start3A_640[%dma_start3A_641] : memref<1000001xf32, #tpu.memory_space<hbm>> -> memref<1000001xf32, #tpu.memory_space<hbm>>
      tpu.enqueue_indirect_dma source(%dma_start3A_642 : memref<1000001xf32, #tpu.memory_space<hbm>>) target(%dma_start3A_637 : memref<128xf32, #tpu.memory_space<vmem>>) offsets(%arg5 : memref<128xi32, #tpu.memory_space<vmem>>) semaphore(%arg7 : memref<!tpu.dma_semaphore, #tpu.memory_space<semaphore_mem>>)
      %dma_start3A_643 = arith.constant 63 : i32
      %dma_start3A_644 = arith.constant 63 : i32
      %dma_start3A_645 = arith.constant 0 : i32
      %dma_start3A_646 = tpu.memref_slice %arg6[%dma_start3A_644, %dma_start3A_645] : memref<64x128xf32, #tpu.memory_space<vmem>> -> memref<1x128xf32, #tpu.memory_space<vmem>>
      %dma_start3A_647 = tpu.memref_squeeze %dma_start3A_646 : memref<1x128xf32, #tpu.memory_space<vmem>> -> memref<128xf32, #tpu.memory_space<vmem>>
      %dma_start3A_648 = arith.constant 0 : i32
      %dma_start3A_649 = tpu.memref_slice %arg3[%dma_start3A_643, %dma_start3A_648] : memref<64x1000001xf32, #tpu.memory_space<hbm>> -> memref<1x1000001xf32, #tpu.memory_space<hbm>>
      %dma_start3A_650 = tpu.memref_squeeze %dma_start3A_649 : memref<1x1000001xf32, #tpu.memory_space<hbm>> -> memref<1000001xf32, #tpu.memory_space<hbm>>
      %dma_start3A_651 = arith.constant 0 : i32
      %dma_start3A_652 = tpu.memref_slice %dma_start3A_650[%dma_start3A_651] : memref<1000001xf32, #tpu.memory_space<hbm>> -> memref<1000001xf32, #tpu.memory_space<hbm>>
      tpu.enqueue_indirect_dma source(%dma_start3A_652 : memref<1000001xf32, #tpu.memory_space<hbm>>) target(%dma_start3A_647 : memref<128xf32, #tpu.memory_space<vmem>>) offsets(%arg5 : memref<128xi32, #tpu.memory_space<vmem>>) semaphore(%arg7 : memref<!tpu.dma_semaphore, #tpu.memory_space<semaphore_mem>>)
      %dma_wait3A = arith.constant 0 : i32
      %dma_wait3A_653 = arith.constant 0 : i32
      %dma_wait3A_654 = arith.constant 0 : i32
      %dma_wait3A_655 = tpu.memref_slice %arg6[%dma_wait3A_653, %dma_wait3A_654] : memref<64x128xf32, #tpu.memory_space<vmem>> -> memref<1x128xf32, #tpu.memory_space<vmem>>
      %dma_wait3A_656 = tpu.memref_squeeze %dma_wait3A_655 : memref<1x128xf32, #tpu.memory_space<vmem>> -> memref<128xf32, #tpu.memory_space<vmem>>
      %dma_wait3A_657 = arith.constant 0 : i32
      %dma_wait3A_658 = tpu.memref_slice %arg3[%dma_wait3A, %dma_wait3A_657] : memref<64x1000001xf32, #tpu.memory_space<hbm>> -> memref<1x1000001xf32, #tpu.memory_space<hbm>>
      %dma_wait3A_659 = tpu.memref_squeeze %dma_wait3A_658 : memref<1x1000001xf32, #tpu.memory_space<hbm>> -> memref<1000001xf32, #tpu.memory_space<hbm>>
      %dma_wait3A_660 = arith.constant 0 : i32
      %dma_wait3A_661 = tpu.memref_slice %dma_wait3A_659[%dma_wait3A_660] : memref<1000001xf32, #tpu.memory_space<hbm>> -> memref<1000001xf32, #tpu.memory_space<hbm>>
      tpu.wait_indirect_dma semaphore(%arg7 : memref<!tpu.dma_semaphore, #tpu.memory_space<semaphore_mem>>) src(%dma_wait3A_661 : memref<1000001xf32, #tpu.memory_space<hbm>>) dst(%dma_wait3A_656 : memref<128xf32, #tpu.memory_space<vmem>>)
      %dma_wait3A_662 = arith.constant 1 : i32
      %dma_wait3A_663 = arith.constant 1 : i32
      %dma_wait3A_664 = arith.constant 0 : i32
      %dma_wait3A_665 = tpu.memref_slice %arg6[%dma_wait3A_663, %dma_wait3A_664] : memref<64x128xf32, #tpu.memory_space<vmem>> -> memref<1x128xf32, #tpu.memory_space<vmem>>
      %dma_wait3A_666 = tpu.memref_squeeze %dma_wait3A_665 : memref<1x128xf32, #tpu.memory_space<vmem>> -> memref<128xf32, #tpu.memory_space<vmem>>
      %dma_wait3A_667 = arith.constant 0 : i32
      %dma_wait3A_668 = tpu.memref_slice %arg3[%dma_wait3A_662, %dma_wait3A_667] : memref<64x1000001xf32, #tpu.memory_space<hbm>> -> memref<1x1000001xf32, #tpu.memory_space<hbm>>
      %dma_wait3A_669 = tpu.memref_squeeze %dma_wait3A_668 : memref<1x1000001xf32, #tpu.memory_space<hbm>> -> memref<1000001xf32, #tpu.memory_space<hbm>>
      %dma_wait3A_670 = arith.constant 0 : i32
      %dma_wait3A_671 = tpu.memref_slice %dma_wait3A_669[%dma_wait3A_670] : memref<1000001xf32, #tpu.memory_space<hbm>> -> memref<1000001xf32, #tpu.memory_space<hbm>>
      tpu.wait_indirect_dma semaphore(%arg7 : memref<!tpu.dma_semaphore, #tpu.memory_space<semaphore_mem>>) src(%dma_wait3A_671 : memref<1000001xf32, #tpu.memory_space<hbm>>) dst(%dma_wait3A_666 : memref<128xf32, #tpu.memory_space<vmem>>)
      %dma_wait3A_672 = arith.constant 2 : i32
      %dma_wait3A_673 = arith.constant 2 : i32
      %dma_wait3A_674 = arith.constant 0 : i32
      %dma_wait3A_675 = tpu.memref_slice %arg6[%dma_wait3A_673, %dma_wait3A_674] : memref<64x128xf32, #tpu.memory_space<vmem>> -> memref<1x128xf32, #tpu.memory_space<vmem>>
      %dma_wait3A_676 = tpu.memref_squeeze %dma_wait3A_675 : memref<1x128xf32, #tpu.memory_space<vmem>> -> memref<128xf32, #tpu.memory_space<vmem>>
      %dma_wait3A_677 = arith.constant 0 : i32
      %dma_wait3A_678 = tpu.memref_slice %arg3[%dma_wait3A_672, %dma_wait3A_677] : memref<64x1000001xf32, #tpu.memory_space<hbm>> -> memref<1x1000001xf32, #tpu.memory_space<hbm>>
      %dma_wait3A_679 = tpu.memref_squeeze %dma_wait3A_678 : memref<1x1000001xf32, #tpu.memory_space<hbm>> -> memref<1000001xf32, #tpu.memory_space<hbm>>
      %dma_wait3A_680 = arith.constant 0 : i32
      %dma_wait3A_681 = tpu.memref_slice %dma_wait3A_679[%dma_wait3A_680] : memref<1000001xf32, #tpu.memory_space<hbm>> -> memref<1000001xf32, #tpu.memory_space<hbm>>
      tpu.wait_indirect_dma semaphore(%arg7 : memref<!tpu.dma_semaphore, #tpu.memory_space<semaphore_mem>>) src(%dma_wait3A_681 : memref<1000001xf32, #tpu.memory_space<hbm>>) dst(%dma_wait3A_676 : memref<128xf32, #tpu.memory_space<vmem>>)
      %dma_wait3A_682 = arith.constant 3 : i32
      %dma_wait3A_683 = arith.constant 3 : i32
      %dma_wait3A_684 = arith.constant 0 : i32
      %dma_wait3A_685 = tpu.memref_slice %arg6[%dma_wait3A_683, %dma_wait3A_684] : memref<64x128xf32, #tpu.memory_space<vmem>> -> memref<1x128xf32, #tpu.memory_space<vmem>>
      %dma_wait3A_686 = tpu.memref_squeeze %dma_wait3A_685 : memref<1x128xf32, #tpu.memory_space<vmem>> -> memref<128xf32, #tpu.memory_space<vmem>>
      %dma_wait3A_687 = arith.constant 0 : i32
      %dma_wait3A_688 = tpu.memref_slice %arg3[%dma_wait3A_682, %dma_wait3A_687] : memref<64x1000001xf32, #tpu.memory_space<hbm>> -> memref<1x1000001xf32, #tpu.memory_space<hbm>>
      %dma_wait3A_689 = tpu.memref_squeeze %dma_wait3A_688 : memref<1x1000001xf32, #tpu.memory_space<hbm>> -> memref<1000001xf32, #tpu.memory_space<hbm>>
      %dma_wait3A_690 = arith.constant 0 : i32
      %dma_wait3A_691 = tpu.memref_slice %dma_wait3A_689[%dma_wait3A_690] : memref<1000001xf32, #tpu.memory_space<hbm>> -> memref<1000001xf32, #tpu.memory_space<hbm>>
      tpu.wait_indirect_dma semaphore(%arg7 : memref<!tpu.dma_semaphore, #tpu.memory_space<semaphore_mem>>) src(%dma_wait3A_691 : memref<1000001xf32, #tpu.memory_space<hbm>>) dst(%dma_wait3A_686 : memref<128xf32, #tpu.memory_space<vmem>>)
      %dma_wait3A_692 = arith.constant 4 : i32
      %dma_wait3A_693 = arith.constant 4 : i32
      %dma_wait3A_694 = arith.constant 0 : i32
      %dma_wait3A_695 = tpu.memref_slice %arg6[%dma_wait3A_693, %dma_wait3A_694] : memref<64x128xf32, #tpu.memory_space<vmem>> -> memref<1x128xf32, #tpu.memory_space<vmem>>
      %dma_wait3A_696 = tpu.memref_squeeze %dma_wait3A_695 : memref<1x128xf32, #tpu.memory_space<vmem>> -> memref<128xf32, #tpu.memory_space<vmem>>
      %dma_wait3A_697 = arith.constant 0 : i32
      %dma_wait3A_698 = tpu.memref_slice %arg3[%dma_wait3A_692, %dma_wait3A_697] : memref<64x1000001xf32, #tpu.memory_space<hbm>> -> memref<1x1000001xf32, #tpu.memory_space<hbm>>
      %dma_wait3A_699 = tpu.memref_squeeze %dma_wait3A_698 : memref<1x1000001xf32, #tpu.memory_space<hbm>> -> memref<1000001xf32, #tpu.memory_space<hbm>>
      %dma_wait3A_700 = arith.constant 0 : i32
      %dma_wait3A_701 = tpu.memref_slice %dma_wait3A_699[%dma_wait3A_700] : memref<1000001xf32, #tpu.memory_space<hbm>> -> memref<1000001xf32, #tpu.memory_space<hbm>>
      tpu.wait_indirect_dma semaphore(%arg7 : memref<!tpu.dma_semaphore, #tpu.memory_space<semaphore_mem>>) src(%dma_wait3A_701 : memref<1000001xf32, #tpu.memory_space<hbm>>) dst(%dma_wait3A_696 : memref<128xf32, #tpu.memory_space<vmem>>)
      %dma_wait3A_702 = arith.constant 5 : i32
      %dma_wait3A_703 = arith.constant 5 : i32
      %dma_wait3A_704 = arith.constant 0 : i32
      %dma_wait3A_705 = tpu.memref_slice %arg6[%dma_wait3A_703, %dma_wait3A_704] : memref<64x128xf32, #tpu.memory_space<vmem>> -> memref<1x128xf32, #tpu.memory_space<vmem>>
      %dma_wait3A_706 = tpu.memref_squeeze %dma_wait3A_705 : memref<1x128xf32, #tpu.memory_space<vmem>> -> memref<128xf32, #tpu.memory_space<vmem>>
      %dma_wait3A_707 = arith.constant 0 : i32
      %dma_wait3A_708 = tpu.memref_slice %arg3[%dma_wait3A_702, %dma_wait3A_707] : memref<64x1000001xf32, #tpu.memory_space<hbm>> -> memref<1x1000001xf32, #tpu.memory_space<hbm>>
      %dma_wait3A_709 = tpu.memref_squeeze %dma_wait3A_708 : memref<1x1000001xf32, #tpu.memory_space<hbm>> -> memref<1000001xf32, #tpu.memory_space<hbm>>
      %dma_wait3A_710 = arith.constant 0 : i32
      %dma_wait3A_711 = tpu.memref_slice %dma_wait3A_709[%dma_wait3A_710] : memref<1000001xf32, #tpu.memory_space<hbm>> -> memref<1000001xf32, #tpu.memory_space<hbm>>
      tpu.wait_indirect_dma semaphore(%arg7 : memref<!tpu.dma_semaphore, #tpu.memory_space<semaphore_mem>>) src(%dma_wait3A_711 : memref<1000001xf32, #tpu.memory_space<hbm>>) dst(%dma_wait3A_706 : memref<128xf32, #tpu.memory_space<vmem>>)
      %dma_wait3A_712 = arith.constant 6 : i32
      %dma_wait3A_713 = arith.constant 6 : i32
      %dma_wait3A_714 = arith.constant 0 : i32
      %dma_wait3A_715 = tpu.memref_slice %arg6[%dma_wait3A_713, %dma_wait3A_714] : memref<64x128xf32, #tpu.memory_space<vmem>> -> memref<1x128xf32, #tpu.memory_space<vmem>>
      %dma_wait3A_716 = tpu.memref_squeeze %dma_wait3A_715 : memref<1x128xf32, #tpu.memory_space<vmem>> -> memref<128xf32, #tpu.memory_space<vmem>>
      %dma_wait3A_717 = arith.constant 0 : i32
      %dma_wait3A_718 = tpu.memref_slice %arg3[%dma_wait3A_712, %dma_wait3A_717] : memref<64x1000001xf32, #tpu.memory_space<hbm>> -> memref<1x1000001xf32, #tpu.memory_space<hbm>>
      %dma_wait3A_719 = tpu.memref_squeeze %dma_wait3A_718 : memref<1x1000001xf32, #tpu.memory_space<hbm>> -> memref<1000001xf32, #tpu.memory_space<hbm>>
      %dma_wait3A_720 = arith.constant 0 : i32
      %dma_wait3A_721 = tpu.memref_slice %dma_wait3A_719[%dma_wait3A_720] : memref<1000001xf32, #tpu.memory_space<hbm>> -> memref<1000001xf32, #tpu.memory_space<hbm>>
      tpu.wait_indirect_dma semaphore(%arg7 : memref<!tpu.dma_semaphore, #tpu.memory_space<semaphore_mem>>) src(%dma_wait3A_721 : memref<1000001xf32, #tpu.memory_space<hbm>>) dst(%dma_wait3A_716 : memref<128xf32, #tpu.memory_space<vmem>>)
      %dma_wait3A_722 = arith.constant 7 : i32
      %dma_wait3A_723 = arith.constant 7 : i32
      %dma_wait3A_724 = arith.constant 0 : i32
      %dma_wait3A_725 = tpu.memref_slice %arg6[%dma_wait3A_723, %dma_wait3A_724] : memref<64x128xf32, #tpu.memory_space<vmem>> -> memref<1x128xf32, #tpu.memory_space<vmem>>
      %dma_wait3A_726 = tpu.memref_squeeze %dma_wait3A_725 : memref<1x128xf32, #tpu.memory_space<vmem>> -> memref<128xf32, #tpu.memory_space<vmem>>
      %dma_wait3A_727 = arith.constant 0 : i32
      %dma_wait3A_728 = tpu.memref_slice %arg3[%dma_wait3A_722, %dma_wait3A_727] : memref<64x1000001xf32, #tpu.memory_space<hbm>> -> memref<1x1000001xf32, #tpu.memory_space<hbm>>
      %dma_wait3A_729 = tpu.memref_squeeze %dma_wait3A_728 : memref<1x1000001xf32, #tpu.memory_space<hbm>> -> memref<1000001xf32, #tpu.memory_space<hbm>>
      %dma_wait3A_730 = arith.constant 0 : i32
      %dma_wait3A_731 = tpu.memref_slice %dma_wait3A_729[%dma_wait3A_730] : memref<1000001xf32, #tpu.memory_space<hbm>> -> memref<1000001xf32, #tpu.memory_space<hbm>>
      tpu.wait_indirect_dma semaphore(%arg7 : memref<!tpu.dma_semaphore, #tpu.memory_space<semaphore_mem>>) src(%dma_wait3A_731 : memref<1000001xf32, #tpu.memory_space<hbm>>) dst(%dma_wait3A_726 : memref<128xf32, #tpu.memory_space<vmem>>)
      %dma_wait3A_732 = arith.constant 8 : i32
      %dma_wait3A_733 = arith.constant 8 : i32
      %dma_wait3A_734 = arith.constant 0 : i32
      %dma_wait3A_735 = tpu.memref_slice %arg6[%dma_wait3A_733, %dma_wait3A_734] : memref<64x128xf32, #tpu.memory_space<vmem>> -> memref<1x128xf32, #tpu.memory_space<vmem>>
      %dma_wait3A_736 = tpu.memref_squeeze %dma_wait3A_735 : memref<1x128xf32, #tpu.memory_space<vmem>> -> memref<128xf32, #tpu.memory_space<vmem>>
      %dma_wait3A_737 = arith.constant 0 : i32
      %dma_wait3A_738 = tpu.memref_slice %arg3[%dma_wait3A_732, %dma_wait3A_737] : memref<64x1000001xf32, #tpu.memory_space<hbm>> -> memref<1x1000001xf32, #tpu.memory_space<hbm>>
      %dma_wait3A_739 = tpu.memref_squeeze %dma_wait3A_738 : memref<1x1000001xf32, #tpu.memory_space<hbm>> -> memref<1000001xf32, #tpu.memory_space<hbm>>
      %dma_wait3A_740 = arith.constant 0 : i32
      %dma_wait3A_741 = tpu.memref_slice %dma_wait3A_739[%dma_wait3A_740] : memref<1000001xf32, #tpu.memory_space<hbm>> -> memref<1000001xf32, #tpu.memory_space<hbm>>
      tpu.wait_indirect_dma semaphore(%arg7 : memref<!tpu.dma_semaphore, #tpu.memory_space<semaphore_mem>>) src(%dma_wait3A_741 : memref<1000001xf32, #tpu.memory_space<hbm>>) dst(%dma_wait3A_736 : memref<128xf32, #tpu.memory_space<vmem>>)
      %dma_wait3A_742 = arith.constant 9 : i32
      %dma_wait3A_743 = arith.constant 9 : i32
      %dma_wait3A_744 = arith.constant 0 : i32
      %dma_wait3A_745 = tpu.memref_slice %arg6[%dma_wait3A_743, %dma_wait3A_744] : memref<64x128xf32, #tpu.memory_space<vmem>> -> memref<1x128xf32, #tpu.memory_space<vmem>>
      %dma_wait3A_746 = tpu.memref_squeeze %dma_wait3A_745 : memref<1x128xf32, #tpu.memory_space<vmem>> -> memref<128xf32, #tpu.memory_space<vmem>>
      %dma_wait3A_747 = arith.constant 0 : i32
      %dma_wait3A_748 = tpu.memref_slice %arg3[%dma_wait3A_742, %dma_wait3A_747] : memref<64x1000001xf32, #tpu.memory_space<hbm>> -> memref<1x1000001xf32, #tpu.memory_space<hbm>>
      %dma_wait3A_749 = tpu.memref_squeeze %dma_wait3A_748 : memref<1x1000001xf32, #tpu.memory_space<hbm>> -> memref<1000001xf32, #tpu.memory_space<hbm>>
      %dma_wait3A_750 = arith.constant 0 : i32
      %dma_wait3A_751 = tpu.memref_slice %dma_wait3A_749[%dma_wait3A_750] : memref<1000001xf32, #tpu.memory_space<hbm>> -> memref<1000001xf32, #tpu.memory_space<hbm>>
      tpu.wait_indirect_dma semaphore(%arg7 : memref<!tpu.dma_semaphore, #tpu.memory_space<semaphore_mem>>) src(%dma_wait3A_751 : memref<1000001xf32, #tpu.memory_space<hbm>>) dst(%dma_wait3A_746 : memref<128xf32, #tpu.memory_space<vmem>>)
      %dma_wait3A_752 = arith.constant 10 : i32
      %dma_wait3A_753 = arith.constant 10 : i32
      %dma_wait3A_754 = arith.constant 0 : i32
      %dma_wait3A_755 = tpu.memref_slice %arg6[%dma_wait3A_753, %dma_wait3A_754] : memref<64x128xf32, #tpu.memory_space<vmem>> -> memref<1x128xf32, #tpu.memory_space<vmem>>
      %dma_wait3A_756 = tpu.memref_squeeze %dma_wait3A_755 : memref<1x128xf32, #tpu.memory_space<vmem>> -> memref<128xf32, #tpu.memory_space<vmem>>
      %dma_wait3A_757 = arith.constant 0 : i32
      %dma_wait3A_758 = tpu.memref_slice %arg3[%dma_wait3A_752, %dma_wait3A_757] : memref<64x1000001xf32, #tpu.memory_space<hbm>> -> memref<1x1000001xf32, #tpu.memory_space<hbm>>
      %dma_wait3A_759 = tpu.memref_squeeze %dma_wait3A_758 : memref<1x1000001xf32, #tpu.memory_space<hbm>> -> memref<1000001xf32, #tpu.memory_space<hbm>>
      %dma_wait3A_760 = arith.constant 0 : i32
      %dma_wait3A_761 = tpu.memref_slice %dma_wait3A_759[%dma_wait3A_760] : memref<1000001xf32, #tpu.memory_space<hbm>> -> memref<1000001xf32, #tpu.memory_space<hbm>>
      tpu.wait_indirect_dma semaphore(%arg7 : memref<!tpu.dma_semaphore, #tpu.memory_space<semaphore_mem>>) src(%dma_wait3A_761 : memref<1000001xf32, #tpu.memory_space<hbm>>) dst(%dma_wait3A_756 : memref<128xf32, #tpu.memory_space<vmem>>)
      %dma_wait3A_762 = arith.constant 11 : i32
      %dma_wait3A_763 = arith.constant 11 : i32
      %dma_wait3A_764 = arith.constant 0 : i32
      %dma_wait3A_765 = tpu.memref_slice %arg6[%dma_wait3A_763, %dma_wait3A_764] : memref<64x128xf32, #tpu.memory_space<vmem>> -> memref<1x128xf32, #tpu.memory_space<vmem>>
      %dma_wait3A_766 = tpu.memref_squeeze %dma_wait3A_765 : memref<1x128xf32, #tpu.memory_space<vmem>> -> memref<128xf32, #tpu.memory_space<vmem>>
      %dma_wait3A_767 = arith.constant 0 : i32
      %dma_wait3A_768 = tpu.memref_slice %arg3[%dma_wait3A_762, %dma_wait3A_767] : memref<64x1000001xf32, #tpu.memory_space<hbm>> -> memref<1x1000001xf32, #tpu.memory_space<hbm>>
      %dma_wait3A_769 = tpu.memref_squeeze %dma_wait3A_768 : memref<1x1000001xf32, #tpu.memory_space<hbm>> -> memref<1000001xf32, #tpu.memory_space<hbm>>
      %dma_wait3A_770 = arith.constant 0 : i32
      %dma_wait3A_771 = tpu.memref_slice %dma_wait3A_769[%dma_wait3A_770] : memref<1000001xf32, #tpu.memory_space<hbm>> -> memref<1000001xf32, #tpu.memory_space<hbm>>
      tpu.wait_indirect_dma semaphore(%arg7 : memref<!tpu.dma_semaphore, #tpu.memory_space<semaphore_mem>>) src(%dma_wait3A_771 : memref<1000001xf32, #tpu.memory_space<hbm>>) dst(%dma_wait3A_766 : memref<128xf32, #tpu.memory_space<vmem>>)
      %dma_wait3A_772 = arith.constant 12 : i32
      %dma_wait3A_773 = arith.constant 12 : i32
      %dma_wait3A_774 = arith.constant 0 : i32
      %dma_wait3A_775 = tpu.memref_slice %arg6[%dma_wait3A_773, %dma_wait3A_774] : memref<64x128xf32, #tpu.memory_space<vmem>> -> memref<1x128xf32, #tpu.memory_space<vmem>>
      %dma_wait3A_776 = tpu.memref_squeeze %dma_wait3A_775 : memref<1x128xf32, #tpu.memory_space<vmem>> -> memref<128xf32, #tpu.memory_space<vmem>>
      %dma_wait3A_777 = arith.constant 0 : i32
      %dma_wait3A_778 = tpu.memref_slice %arg3[%dma_wait3A_772, %dma_wait3A_777] : memref<64x1000001xf32, #tpu.memory_space<hbm>> -> memref<1x1000001xf32, #tpu.memory_space<hbm>>
      %dma_wait3A_779 = tpu.memref_squeeze %dma_wait3A_778 : memref<1x1000001xf32, #tpu.memory_space<hbm>> -> memref<1000001xf32, #tpu.memory_space<hbm>>
      %dma_wait3A_780 = arith.constant 0 : i32
      %dma_wait3A_781 = tpu.memref_slice %dma_wait3A_779[%dma_wait3A_780] : memref<1000001xf32, #tpu.memory_space<hbm>> -> memref<1000001xf32, #tpu.memory_space<hbm>>
      tpu.wait_indirect_dma semaphore(%arg7 : memref<!tpu.dma_semaphore, #tpu.memory_space<semaphore_mem>>) src(%dma_wait3A_781 : memref<1000001xf32, #tpu.memory_space<hbm>>) dst(%dma_wait3A_776 : memref<128xf32, #tpu.memory_space<vmem>>)
      %dma_wait3A_782 = arith.constant 13 : i32
      %dma_wait3A_783 = arith.constant 13 : i32
      %dma_wait3A_784 = arith.constant 0 : i32
      %dma_wait3A_785 = tpu.memref_slice %arg6[%dma_wait3A_783, %dma_wait3A_784] : memref<64x128xf32, #tpu.memory_space<vmem>> -> memref<1x128xf32, #tpu.memory_space<vmem>>
      %dma_wait3A_786 = tpu.memref_squeeze %dma_wait3A_785 : memref<1x128xf32, #tpu.memory_space<vmem>> -> memref<128xf32, #tpu.memory_space<vmem>>
      %dma_wait3A_787 = arith.constant 0 : i32
      %dma_wait3A_788 = tpu.memref_slice %arg3[%dma_wait3A_782, %dma_wait3A_787] : memref<64x1000001xf32, #tpu.memory_space<hbm>> -> memref<1x1000001xf32, #tpu.memory_space<hbm>>
      %dma_wait3A_789 = tpu.memref_squeeze %dma_wait3A_788 : memref<1x1000001xf32, #tpu.memory_space<hbm>> -> memref<1000001xf32, #tpu.memory_space<hbm>>
      %dma_wait3A_790 = arith.constant 0 : i32
      %dma_wait3A_791 = tpu.memref_slice %dma_wait3A_789[%dma_wait3A_790] : memref<1000001xf32, #tpu.memory_space<hbm>> -> memref<1000001xf32, #tpu.memory_space<hbm>>
      tpu.wait_indirect_dma semaphore(%arg7 : memref<!tpu.dma_semaphore, #tpu.memory_space<semaphore_mem>>) src(%dma_wait3A_791 : memref<1000001xf32, #tpu.memory_space<hbm>>) dst(%dma_wait3A_786 : memref<128xf32, #tpu.memory_space<vmem>>)
      %dma_wait3A_792 = arith.constant 14 : i32
      %dma_wait3A_793 = arith.constant 14 : i32
      %dma_wait3A_794 = arith.constant 0 : i32
      %dma_wait3A_795 = tpu.memref_slice %arg6[%dma_wait3A_793, %dma_wait3A_794] : memref<64x128xf32, #tpu.memory_space<vmem>> -> memref<1x128xf32, #tpu.memory_space<vmem>>
      %dma_wait3A_796 = tpu.memref_squeeze %dma_wait3A_795 : memref<1x128xf32, #tpu.memory_space<vmem>> -> memref<128xf32, #tpu.memory_space<vmem>>
      %dma_wait3A_797 = arith.constant 0 : i32
      %dma_wait3A_798 = tpu.memref_slice %arg3[%dma_wait3A_792, %dma_wait3A_797] : memref<64x1000001xf32, #tpu.memory_space<hbm>> -> memref<1x1000001xf32, #tpu.memory_space<hbm>>
      %dma_wait3A_799 = tpu.memref_squeeze %dma_wait3A_798 : memref<1x1000001xf32, #tpu.memory_space<hbm>> -> memref<1000001xf32, #tpu.memory_space<hbm>>
      %dma_wait3A_800 = arith.constant 0 : i32
      %dma_wait3A_801 = tpu.memref_slice %dma_wait3A_799[%dma_wait3A_800] : memref<1000001xf32, #tpu.memory_space<hbm>> -> memref<1000001xf32, #tpu.memory_space<hbm>>
      tpu.wait_indirect_dma semaphore(%arg7 : memref<!tpu.dma_semaphore, #tpu.memory_space<semaphore_mem>>) src(%dma_wait3A_801 : memref<1000001xf32, #tpu.memory_space<hbm>>) dst(%dma_wait3A_796 : memref<128xf32, #tpu.memory_space<vmem>>)
      %dma_wait3A_802 = arith.constant 15 : i32
      %dma_wait3A_803 = arith.constant 15 : i32
      %dma_wait3A_804 = arith.constant 0 : i32
      %dma_wait3A_805 = tpu.memref_slice %arg6[%dma_wait3A_803, %dma_wait3A_804] : memref<64x128xf32, #tpu.memory_space<vmem>> -> memref<1x128xf32, #tpu.memory_space<vmem>>
      %dma_wait3A_806 = tpu.memref_squeeze %dma_wait3A_805 : memref<1x128xf32, #tpu.memory_space<vmem>> -> memref<128xf32, #tpu.memory_space<vmem>>
      %dma_wait3A_807 = arith.constant 0 : i32
      %dma_wait3A_808 = tpu.memref_slice %arg3[%dma_wait3A_802, %dma_wait3A_807] : memref<64x1000001xf32, #tpu.memory_space<hbm>> -> memref<1x1000001xf32, #tpu.memory_space<hbm>>
      %dma_wait3A_809 = tpu.memref_squeeze %dma_wait3A_808 : memref<1x1000001xf32, #tpu.memory_space<hbm>> -> memref<1000001xf32, #tpu.memory_space<hbm>>
      %dma_wait3A_810 = arith.constant 0 : i32
      %dma_wait3A_811 = tpu.memref_slice %dma_wait3A_809[%dma_wait3A_810] : memref<1000001xf32, #tpu.memory_space<hbm>> -> memref<1000001xf32, #tpu.memory_space<hbm>>
      tpu.wait_indirect_dma semaphore(%arg7 : memref<!tpu.dma_semaphore, #tpu.memory_space<semaphore_mem>>) src(%dma_wait3A_811 : memref<1000001xf32, #tpu.memory_space<hbm>>) dst(%dma_wait3A_806 : memref<128xf32, #tpu.memory_space<vmem>>)
      %dma_wait3A_812 = arith.constant 16 : i32
      %dma_wait3A_813 = arith.constant 16 : i32
      %dma_wait3A_814 = arith.constant 0 : i32
      %dma_wait3A_815 = tpu.memref_slice %arg6[%dma_wait3A_813, %dma_wait3A_814] : memref<64x128xf32, #tpu.memory_space<vmem>> -> memref<1x128xf32, #tpu.memory_space<vmem>>
      %dma_wait3A_816 = tpu.memref_squeeze %dma_wait3A_815 : memref<1x128xf32, #tpu.memory_space<vmem>> -> memref<128xf32, #tpu.memory_space<vmem>>
      %dma_wait3A_817 = arith.constant 0 : i32
      %dma_wait3A_818 = tpu.memref_slice %arg3[%dma_wait3A_812, %dma_wait3A_817] : memref<64x1000001xf32, #tpu.memory_space<hbm>> -> memref<1x1000001xf32, #tpu.memory_space<hbm>>
      %dma_wait3A_819 = tpu.memref_squeeze %dma_wait3A_818 : memref<1x1000001xf32, #tpu.memory_space<hbm>> -> memref<1000001xf32, #tpu.memory_space<hbm>>
      %dma_wait3A_820 = arith.constant 0 : i32
      %dma_wait3A_821 = tpu.memref_slice %dma_wait3A_819[%dma_wait3A_820] : memref<1000001xf32, #tpu.memory_space<hbm>> -> memref<1000001xf32, #tpu.memory_space<hbm>>
      tpu.wait_indirect_dma semaphore(%arg7 : memref<!tpu.dma_semaphore, #tpu.memory_space<semaphore_mem>>) src(%dma_wait3A_821 : memref<1000001xf32, #tpu.memory_space<hbm>>) dst(%dma_wait3A_816 : memref<128xf32, #tpu.memory_space<vmem>>)
      %dma_wait3A_822 = arith.constant 17 : i32
      %dma_wait3A_823 = arith.constant 17 : i32
      %dma_wait3A_824 = arith.constant 0 : i32
      %dma_wait3A_825 = tpu.memref_slice %arg6[%dma_wait3A_823, %dma_wait3A_824] : memref<64x128xf32, #tpu.memory_space<vmem>> -> memref<1x128xf32, #tpu.memory_space<vmem>>
      %dma_wait3A_826 = tpu.memref_squeeze %dma_wait3A_825 : memref<1x128xf32, #tpu.memory_space<vmem>> -> memref<128xf32, #tpu.memory_space<vmem>>
      %dma_wait3A_827 = arith.constant 0 : i32
      %dma_wait3A_828 = tpu.memref_slice %arg3[%dma_wait3A_822, %dma_wait3A_827] : memref<64x1000001xf32, #tpu.memory_space<hbm>> -> memref<1x1000001xf32, #tpu.memory_space<hbm>>
      %dma_wait3A_829 = tpu.memref_squeeze %dma_wait3A_828 : memref<1x1000001xf32, #tpu.memory_space<hbm>> -> memref<1000001xf32, #tpu.memory_space<hbm>>
      %dma_wait3A_830 = arith.constant 0 : i32
      %dma_wait3A_831 = tpu.memref_slice %dma_wait3A_829[%dma_wait3A_830] : memref<1000001xf32, #tpu.memory_space<hbm>> -> memref<1000001xf32, #tpu.memory_space<hbm>>
      tpu.wait_indirect_dma semaphore(%arg7 : memref<!tpu.dma_semaphore, #tpu.memory_space<semaphore_mem>>) src(%dma_wait3A_831 : memref<1000001xf32, #tpu.memory_space<hbm>>) dst(%dma_wait3A_826 : memref<128xf32, #tpu.memory_space<vmem>>)
      %dma_wait3A_832 = arith.constant 18 : i32
      %dma_wait3A_833 = arith.constant 18 : i32
      %dma_wait3A_834 = arith.constant 0 : i32
      %dma_wait3A_835 = tpu.memref_slice %arg6[%dma_wait3A_833, %dma_wait3A_834] : memref<64x128xf32, #tpu.memory_space<vmem>> -> memref<1x128xf32, #tpu.memory_space<vmem>>
      %dma_wait3A_836 = tpu.memref_squeeze %dma_wait3A_835 : memref<1x128xf32, #tpu.memory_space<vmem>> -> memref<128xf32, #tpu.memory_space<vmem>>
      %dma_wait3A_837 = arith.constant 0 : i32
      %dma_wait3A_838 = tpu.memref_slice %arg3[%dma_wait3A_832, %dma_wait3A_837] : memref<64x1000001xf32, #tpu.memory_space<hbm>> -> memref<1x1000001xf32, #tpu.memory_space<hbm>>
      %dma_wait3A_839 = tpu.memref_squeeze %dma_wait3A_838 : memref<1x1000001xf32, #tpu.memory_space<hbm>> -> memref<1000001xf32, #tpu.memory_space<hbm>>
      %dma_wait3A_840 = arith.constant 0 : i32
      %dma_wait3A_841 = tpu.memref_slice %dma_wait3A_839[%dma_wait3A_840] : memref<1000001xf32, #tpu.memory_space<hbm>> -> memref<1000001xf32, #tpu.memory_space<hbm>>
      tpu.wait_indirect_dma semaphore(%arg7 : memref<!tpu.dma_semaphore, #tpu.memory_space<semaphore_mem>>) src(%dma_wait3A_841 : memref<1000001xf32, #tpu.memory_space<hbm>>) dst(%dma_wait3A_836 : memref<128xf32, #tpu.memory_space<vmem>>)
      %dma_wait3A_842 = arith.constant 19 : i32
      %dma_wait3A_843 = arith.constant 19 : i32
      %dma_wait3A_844 = arith.constant 0 : i32
      %dma_wait3A_845 = tpu.memref_slice %arg6[%dma_wait3A_843, %dma_wait3A_844] : memref<64x128xf32, #tpu.memory_space<vmem>> -> memref<1x128xf32, #tpu.memory_space<vmem>>
      %dma_wait3A_846 = tpu.memref_squeeze %dma_wait3A_845 : memref<1x128xf32, #tpu.memory_space<vmem>> -> memref<128xf32, #tpu.memory_space<vmem>>
      %dma_wait3A_847 = arith.constant 0 : i32
      %dma_wait3A_848 = tpu.memref_slice %arg3[%dma_wait3A_842, %dma_wait3A_847] : memref<64x1000001xf32, #tpu.memory_space<hbm>> -> memref<1x1000001xf32, #tpu.memory_space<hbm>>
      %dma_wait3A_849 = tpu.memref_squeeze %dma_wait3A_848 : memref<1x1000001xf32, #tpu.memory_space<hbm>> -> memref<1000001xf32, #tpu.memory_space<hbm>>
      %dma_wait3A_850 = arith.constant 0 : i32
      %dma_wait3A_851 = tpu.memref_slice %dma_wait3A_849[%dma_wait3A_850] : memref<1000001xf32, #tpu.memory_space<hbm>> -> memref<1000001xf32, #tpu.memory_space<hbm>>
      tpu.wait_indirect_dma semaphore(%arg7 : memref<!tpu.dma_semaphore, #tpu.memory_space<semaphore_mem>>) src(%dma_wait3A_851 : memref<1000001xf32, #tpu.memory_space<hbm>>) dst(%dma_wait3A_846 : memref<128xf32, #tpu.memory_space<vmem>>)
      %dma_wait3A_852 = arith.constant 20 : i32
      %dma_wait3A_853 = arith.constant 20 : i32
      %dma_wait3A_854 = arith.constant 0 : i32
      %dma_wait3A_855 = tpu.memref_slice %arg6[%dma_wait3A_853, %dma_wait3A_854] : memref<64x128xf32, #tpu.memory_space<vmem>> -> memref<1x128xf32, #tpu.memory_space<vmem>>
      %dma_wait3A_856 = tpu.memref_squeeze %dma_wait3A_855 : memref<1x128xf32, #tpu.memory_space<vmem>> -> memref<128xf32, #tpu.memory_space<vmem>>
      %dma_wait3A_857 = arith.constant 0 : i32
      %dma_wait3A_858 = tpu.memref_slice %arg3[%dma_wait3A_852, %dma_wait3A_857] : memref<64x1000001xf32, #tpu.memory_space<hbm>> -> memref<1x1000001xf32, #tpu.memory_space<hbm>>
      %dma_wait3A_859 = tpu.memref_squeeze %dma_wait3A_858 : memref<1x1000001xf32, #tpu.memory_space<hbm>> -> memref<1000001xf32, #tpu.memory_space<hbm>>
      %dma_wait3A_860 = arith.constant 0 : i32
      %dma_wait3A_861 = tpu.memref_slice %dma_wait3A_859[%dma_wait3A_860] : memref<1000001xf32, #tpu.memory_space<hbm>> -> memref<1000001xf32, #tpu.memory_space<hbm>>
      tpu.wait_indirect_dma semaphore(%arg7 : memref<!tpu.dma_semaphore, #tpu.memory_space<semaphore_mem>>) src(%dma_wait3A_861 : memref<1000001xf32, #tpu.memory_space<hbm>>) dst(%dma_wait3A_856 : memref<128xf32, #tpu.memory_space<vmem>>)
      %dma_wait3A_862 = arith.constant 21 : i32
      %dma_wait3A_863 = arith.constant 21 : i32
      %dma_wait3A_864 = arith.constant 0 : i32
      %dma_wait3A_865 = tpu.memref_slice %arg6[%dma_wait3A_863, %dma_wait3A_864] : memref<64x128xf32, #tpu.memory_space<vmem>> -> memref<1x128xf32, #tpu.memory_space<vmem>>
      %dma_wait3A_866 = tpu.memref_squeeze %dma_wait3A_865 : memref<1x128xf32, #tpu.memory_space<vmem>> -> memref<128xf32, #tpu.memory_space<vmem>>
      %dma_wait3A_867 = arith.constant 0 : i32
      %dma_wait3A_868 = tpu.memref_slice %arg3[%dma_wait3A_862, %dma_wait3A_867] : memref<64x1000001xf32, #tpu.memory_space<hbm>> -> memref<1x1000001xf32, #tpu.memory_space<hbm>>
      %dma_wait3A_869 = tpu.memref_squeeze %dma_wait3A_868 : memref<1x1000001xf32, #tpu.memory_space<hbm>> -> memref<1000001xf32, #tpu.memory_space<hbm>>
      %dma_wait3A_870 = arith.constant 0 : i32
      %dma_wait3A_871 = tpu.memref_slice %dma_wait3A_869[%dma_wait3A_870] : memref<1000001xf32, #tpu.memory_space<hbm>> -> memref<1000001xf32, #tpu.memory_space<hbm>>
      tpu.wait_indirect_dma semaphore(%arg7 : memref<!tpu.dma_semaphore, #tpu.memory_space<semaphore_mem>>) src(%dma_wait3A_871 : memref<1000001xf32, #tpu.memory_space<hbm>>) dst(%dma_wait3A_866 : memref<128xf32, #tpu.memory_space<vmem>>)
      %dma_wait3A_872 = arith.constant 22 : i32
      %dma_wait3A_873 = arith.constant 22 : i32
      %dma_wait3A_874 = arith.constant 0 : i32
      %dma_wait3A_875 = tpu.memref_slice %arg6[%dma_wait3A_873, %dma_wait3A_874] : memref<64x128xf32, #tpu.memory_space<vmem>> -> memref<1x128xf32, #tpu.memory_space<vmem>>
      %dma_wait3A_876 = tpu.memref_squeeze %dma_wait3A_875 : memref<1x128xf32, #tpu.memory_space<vmem>> -> memref<128xf32, #tpu.memory_space<vmem>>
      %dma_wait3A_877 = arith.constant 0 : i32
      %dma_wait3A_878 = tpu.memref_slice %arg3[%dma_wait3A_872, %dma_wait3A_877] : memref<64x1000001xf32, #tpu.memory_space<hbm>> -> memref<1x1000001xf32, #tpu.memory_space<hbm>>
      %dma_wait3A_879 = tpu.memref_squeeze %dma_wait3A_878 : memref<1x1000001xf32, #tpu.memory_space<hbm>> -> memref<1000001xf32, #tpu.memory_space<hbm>>
      %dma_wait3A_880 = arith.constant 0 : i32
      %dma_wait3A_881 = tpu.memref_slice %dma_wait3A_879[%dma_wait3A_880] : memref<1000001xf32, #tpu.memory_space<hbm>> -> memref<1000001xf32, #tpu.memory_space<hbm>>
      tpu.wait_indirect_dma semaphore(%arg7 : memref<!tpu.dma_semaphore, #tpu.memory_space<semaphore_mem>>) src(%dma_wait3A_881 : memref<1000001xf32, #tpu.memory_space<hbm>>) dst(%dma_wait3A_876 : memref<128xf32, #tpu.memory_space<vmem>>)
      %dma_wait3A_882 = arith.constant 23 : i32
      %dma_wait3A_883 = arith.constant 23 : i32
      %dma_wait3A_884 = arith.constant 0 : i32
      %dma_wait3A_885 = tpu.memref_slice %arg6[%dma_wait3A_883, %dma_wait3A_884] : memref<64x128xf32, #tpu.memory_space<vmem>> -> memref<1x128xf32, #tpu.memory_space<vmem>>
      %dma_wait3A_886 = tpu.memref_squeeze %dma_wait3A_885 : memref<1x128xf32, #tpu.memory_space<vmem>> -> memref<128xf32, #tpu.memory_space<vmem>>
      %dma_wait3A_887 = arith.constant 0 : i32
      %dma_wait3A_888 = tpu.memref_slice %arg3[%dma_wait3A_882, %dma_wait3A_887] : memref<64x1000001xf32, #tpu.memory_space<hbm>> -> memref<1x1000001xf32, #tpu.memory_space<hbm>>
      %dma_wait3A_889 = tpu.memref_squeeze %dma_wait3A_888 : memref<1x1000001xf32, #tpu.memory_space<hbm>> -> memref<1000001xf32, #tpu.memory_space<hbm>>
      %dma_wait3A_890 = arith.constant 0 : i32
      %dma_wait3A_891 = tpu.memref_slice %dma_wait3A_889[%dma_wait3A_890] : memref<1000001xf32, #tpu.memory_space<hbm>> -> memref<1000001xf32, #tpu.memory_space<hbm>>
      tpu.wait_indirect_dma semaphore(%arg7 : memref<!tpu.dma_semaphore, #tpu.memory_space<semaphore_mem>>) src(%dma_wait3A_891 : memref<1000001xf32, #tpu.memory_space<hbm>>) dst(%dma_wait3A_886 : memref<128xf32, #tpu.memory_space<vmem>>)
      %dma_wait3A_892 = arith.constant 24 : i32
      %dma_wait3A_893 = arith.constant 24 : i32
      %dma_wait3A_894 = arith.constant 0 : i32
      %dma_wait3A_895 = tpu.memref_slice %arg6[%dma_wait3A_893, %dma_wait3A_894] : memref<64x128xf32, #tpu.memory_space<vmem>> -> memref<1x128xf32, #tpu.memory_space<vmem>>
      %dma_wait3A_896 = tpu.memref_squeeze %dma_wait3A_895 : memref<1x128xf32, #tpu.memory_space<vmem>> -> memref<128xf32, #tpu.memory_space<vmem>>
      %dma_wait3A_897 = arith.constant 0 : i32
      %dma_wait3A_898 = tpu.memref_slice %arg3[%dma_wait3A_892, %dma_wait3A_897] : memref<64x1000001xf32, #tpu.memory_space<hbm>> -> memref<1x1000001xf32, #tpu.memory_space<hbm>>
      %dma_wait3A_899 = tpu.memref_squeeze %dma_wait3A_898 : memref<1x1000001xf32, #tpu.memory_space<hbm>> -> memref<1000001xf32, #tpu.memory_space<hbm>>
      %dma_wait3A_900 = arith.constant 0 : i32
      %dma_wait3A_901 = tpu.memref_slice %dma_wait3A_899[%dma_wait3A_900] : memref<1000001xf32, #tpu.memory_space<hbm>> -> memref<1000001xf32, #tpu.memory_space<hbm>>
      tpu.wait_indirect_dma semaphore(%arg7 : memref<!tpu.dma_semaphore, #tpu.memory_space<semaphore_mem>>) src(%dma_wait3A_901 : memref<1000001xf32, #tpu.memory_space<hbm>>) dst(%dma_wait3A_896 : memref<128xf32, #tpu.memory_space<vmem>>)
      %dma_wait3A_902 = arith.constant 25 : i32
      %dma_wait3A_903 = arith.constant 25 : i32
      %dma_wait3A_904 = arith.constant 0 : i32
      %dma_wait3A_905 = tpu.memref_slice %arg6[%dma_wait3A_903, %dma_wait3A_904] : memref<64x128xf32, #tpu.memory_space<vmem>> -> memref<1x128xf32, #tpu.memory_space<vmem>>
      %dma_wait3A_906 = tpu.memref_squeeze %dma_wait3A_905 : memref<1x128xf32, #tpu.memory_space<vmem>> -> memref<128xf32, #tpu.memory_space<vmem>>
      %dma_wait3A_907 = arith.constant 0 : i32
      %dma_wait3A_908 = tpu.memref_slice %arg3[%dma_wait3A_902, %dma_wait3A_907] : memref<64x1000001xf32, #tpu.memory_space<hbm>> -> memref<1x1000001xf32, #tpu.memory_space<hbm>>
      %dma_wait3A_909 = tpu.memref_squeeze %dma_wait3A_908 : memref<1x1000001xf32, #tpu.memory_space<hbm>> -> memref<1000001xf32, #tpu.memory_space<hbm>>
      %dma_wait3A_910 = arith.constant 0 : i32
      %dma_wait3A_911 = tpu.memref_slice %dma_wait3A_909[%dma_wait3A_910] : memref<1000001xf32, #tpu.memory_space<hbm>> -> memref<1000001xf32, #tpu.memory_space<hbm>>
      tpu.wait_indirect_dma semaphore(%arg7 : memref<!tpu.dma_semaphore, #tpu.memory_space<semaphore_mem>>) src(%dma_wait3A_911 : memref<1000001xf32, #tpu.memory_space<hbm>>) dst(%dma_wait3A_906 : memref<128xf32, #tpu.memory_space<vmem>>)
      %dma_wait3A_912 = arith.constant 26 : i32
      %dma_wait3A_913 = arith.constant 26 : i32
      %dma_wait3A_914 = arith.constant 0 : i32
      %dma_wait3A_915 = tpu.memref_slice %arg6[%dma_wait3A_913, %dma_wait3A_914] : memref<64x128xf32, #tpu.memory_space<vmem>> -> memref<1x128xf32, #tpu.memory_space<vmem>>
      %dma_wait3A_916 = tpu.memref_squeeze %dma_wait3A_915 : memref<1x128xf32, #tpu.memory_space<vmem>> -> memref<128xf32, #tpu.memory_space<vmem>>
      %dma_wait3A_917 = arith.constant 0 : i32
      %dma_wait3A_918 = tpu.memref_slice %arg3[%dma_wait3A_912, %dma_wait3A_917] : memref<64x1000001xf32, #tpu.memory_space<hbm>> -> memref<1x1000001xf32, #tpu.memory_space<hbm>>
      %dma_wait3A_919 = tpu.memref_squeeze %dma_wait3A_918 : memref<1x1000001xf32, #tpu.memory_space<hbm>> -> memref<1000001xf32, #tpu.memory_space<hbm>>
      %dma_wait3A_920 = arith.constant 0 : i32
      %dma_wait3A_921 = tpu.memref_slice %dma_wait3A_919[%dma_wait3A_920] : memref<1000001xf32, #tpu.memory_space<hbm>> -> memref<1000001xf32, #tpu.memory_space<hbm>>
      tpu.wait_indirect_dma semaphore(%arg7 : memref<!tpu.dma_semaphore, #tpu.memory_space<semaphore_mem>>) src(%dma_wait3A_921 : memref<1000001xf32, #tpu.memory_space<hbm>>) dst(%dma_wait3A_916 : memref<128xf32, #tpu.memory_space<vmem>>)
      %dma_wait3A_922 = arith.constant 27 : i32
      %dma_wait3A_923 = arith.constant 27 : i32
      %dma_wait3A_924 = arith.constant 0 : i32
      %dma_wait3A_925 = tpu.memref_slice %arg6[%dma_wait3A_923, %dma_wait3A_924] : memref<64x128xf32, #tpu.memory_space<vmem>> -> memref<1x128xf32, #tpu.memory_space<vmem>>
      %dma_wait3A_926 = tpu.memref_squeeze %dma_wait3A_925 : memref<1x128xf32, #tpu.memory_space<vmem>> -> memref<128xf32, #tpu.memory_space<vmem>>
      %dma_wait3A_927 = arith.constant 0 : i32
      %dma_wait3A_928 = tpu.memref_slice %arg3[%dma_wait3A_922, %dma_wait3A_927] : memref<64x1000001xf32, #tpu.memory_space<hbm>> -> memref<1x1000001xf32, #tpu.memory_space<hbm>>
      %dma_wait3A_929 = tpu.memref_squeeze %dma_wait3A_928 : memref<1x1000001xf32, #tpu.memory_space<hbm>> -> memref<1000001xf32, #tpu.memory_space<hbm>>
      %dma_wait3A_930 = arith.constant 0 : i32
      %dma_wait3A_931 = tpu.memref_slice %dma_wait3A_929[%dma_wait3A_930] : memref<1000001xf32, #tpu.memory_space<hbm>> -> memref<1000001xf32, #tpu.memory_space<hbm>>
      tpu.wait_indirect_dma semaphore(%arg7 : memref<!tpu.dma_semaphore, #tpu.memory_space<semaphore_mem>>) src(%dma_wait3A_931 : memref<1000001xf32, #tpu.memory_space<hbm>>) dst(%dma_wait3A_926 : memref<128xf32, #tpu.memory_space<vmem>>)
      %dma_wait3A_932 = arith.constant 28 : i32
      %dma_wait3A_933 = arith.constant 28 : i32
      %dma_wait3A_934 = arith.constant 0 : i32
      %dma_wait3A_935 = tpu.memref_slice %arg6[%dma_wait3A_933, %dma_wait3A_934] : memref<64x128xf32, #tpu.memory_space<vmem>> -> memref<1x128xf32, #tpu.memory_space<vmem>>
      %dma_wait3A_936 = tpu.memref_squeeze %dma_wait3A_935 : memref<1x128xf32, #tpu.memory_space<vmem>> -> memref<128xf32, #tpu.memory_space<vmem>>
      %dma_wait3A_937 = arith.constant 0 : i32
      %dma_wait3A_938 = tpu.memref_slice %arg3[%dma_wait3A_932, %dma_wait3A_937] : memref<64x1000001xf32, #tpu.memory_space<hbm>> -> memref<1x1000001xf32, #tpu.memory_space<hbm>>
      %dma_wait3A_939 = tpu.memref_squeeze %dma_wait3A_938 : memref<1x1000001xf32, #tpu.memory_space<hbm>> -> memref<1000001xf32, #tpu.memory_space<hbm>>
      %dma_wait3A_940 = arith.constant 0 : i32
      %dma_wait3A_941 = tpu.memref_slice %dma_wait3A_939[%dma_wait3A_940] : memref<1000001xf32, #tpu.memory_space<hbm>> -> memref<1000001xf32, #tpu.memory_space<hbm>>
      tpu.wait_indirect_dma semaphore(%arg7 : memref<!tpu.dma_semaphore, #tpu.memory_space<semaphore_mem>>) src(%dma_wait3A_941 : memref<1000001xf32, #tpu.memory_space<hbm>>) dst(%dma_wait3A_936 : memref<128xf32, #tpu.memory_space<vmem>>)
      %dma_wait3A_942 = arith.constant 29 : i32
      %dma_wait3A_943 = arith.constant 29 : i32
      %dma_wait3A_944 = arith.constant 0 : i32
      %dma_wait3A_945 = tpu.memref_slice %arg6[%dma_wait3A_943, %dma_wait3A_944] : memref<64x128xf32, #tpu.memory_space<vmem>> -> memref<1x128xf32, #tpu.memory_space<vmem>>
      %dma_wait3A_946 = tpu.memref_squeeze %dma_wait3A_945 : memref<1x128xf32, #tpu.memory_space<vmem>> -> memref<128xf32, #tpu.memory_space<vmem>>
      %dma_wait3A_947 = arith.constant 0 : i32
      %dma_wait3A_948 = tpu.memref_slice %arg3[%dma_wait3A_942, %dma_wait3A_947] : memref<64x1000001xf32, #tpu.memory_space<hbm>> -> memref<1x1000001xf32, #tpu.memory_space<hbm>>
      %dma_wait3A_949 = tpu.memref_squeeze %dma_wait3A_948 : memref<1x1000001xf32, #tpu.memory_space<hbm>> -> memref<1000001xf32, #tpu.memory_space<hbm>>
      %dma_wait3A_950 = arith.constant 0 : i32
      %dma_wait3A_951 = tpu.memref_slice %dma_wait3A_949[%dma_wait3A_950] : memref<1000001xf32, #tpu.memory_space<hbm>> -> memref<1000001xf32, #tpu.memory_space<hbm>>
      tpu.wait_indirect_dma semaphore(%arg7 : memref<!tpu.dma_semaphore, #tpu.memory_space<semaphore_mem>>) src(%dma_wait3A_951 : memref<1000001xf32, #tpu.memory_space<hbm>>) dst(%dma_wait3A_946 : memref<128xf32, #tpu.memory_space<vmem>>)
      %dma_wait3A_952 = arith.constant 30 : i32
      %dma_wait3A_953 = arith.constant 30 : i32
      %dma_wait3A_954 = arith.constant 0 : i32
      %dma_wait3A_955 = tpu.memref_slice %arg6[%dma_wait3A_953, %dma_wait3A_954] : memref<64x128xf32, #tpu.memory_space<vmem>> -> memref<1x128xf32, #tpu.memory_space<vmem>>
      %dma_wait3A_956 = tpu.memref_squeeze %dma_wait3A_955 : memref<1x128xf32, #tpu.memory_space<vmem>> -> memref<128xf32, #tpu.memory_space<vmem>>
      %dma_wait3A_957 = arith.constant 0 : i32
      %dma_wait3A_958 = tpu.memref_slice %arg3[%dma_wait3A_952, %dma_wait3A_957] : memref<64x1000001xf32, #tpu.memory_space<hbm>> -> memref<1x1000001xf32, #tpu.memory_space<hbm>>
      %dma_wait3A_959 = tpu.memref_squeeze %dma_wait3A_958 : memref<1x1000001xf32, #tpu.memory_space<hbm>> -> memref<1000001xf32, #tpu.memory_space<hbm>>
      %dma_wait3A_960 = arith.constant 0 : i32
      %dma_wait3A_961 = tpu.memref_slice %dma_wait3A_959[%dma_wait3A_960] : memref<1000001xf32, #tpu.memory_space<hbm>> -> memref<1000001xf32, #tpu.memory_space<hbm>>
      tpu.wait_indirect_dma semaphore(%arg7 : memref<!tpu.dma_semaphore, #tpu.memory_space<semaphore_mem>>) src(%dma_wait3A_961 : memref<1000001xf32, #tpu.memory_space<hbm>>) dst(%dma_wait3A_956 : memref<128xf32, #tpu.memory_space<vmem>>)
      %dma_wait3A_962 = arith.constant 31 : i32
      %dma_wait3A_963 = arith.constant 31 : i32
      %dma_wait3A_964 = arith.constant 0 : i32
      %dma_wait3A_965 = tpu.memref_slice %arg6[%dma_wait3A_963, %dma_wait3A_964] : memref<64x128xf32, #tpu.memory_space<vmem>> -> memref<1x128xf32, #tpu.memory_space<vmem>>
      %dma_wait3A_966 = tpu.memref_squeeze %dma_wait3A_965 : memref<1x128xf32, #tpu.memory_space<vmem>> -> memref<128xf32, #tpu.memory_space<vmem>>
      %dma_wait3A_967 = arith.constant 0 : i32
      %dma_wait3A_968 = tpu.memref_slice %arg3[%dma_wait3A_962, %dma_wait3A_967] : memref<64x1000001xf32, #tpu.memory_space<hbm>> -> memref<1x1000001xf32, #tpu.memory_space<hbm>>
      %dma_wait3A_969 = tpu.memref_squeeze %dma_wait3A_968 : memref<1x1000001xf32, #tpu.memory_space<hbm>> -> memref<1000001xf32, #tpu.memory_space<hbm>>
      %dma_wait3A_970 = arith.constant 0 : i32
      %dma_wait3A_971 = tpu.memref_slice %dma_wait3A_969[%dma_wait3A_970] : memref<1000001xf32, #tpu.memory_space<hbm>> -> memref<1000001xf32, #tpu.memory_space<hbm>>
      tpu.wait_indirect_dma semaphore(%arg7 : memref<!tpu.dma_semaphore, #tpu.memory_space<semaphore_mem>>) src(%dma_wait3A_971 : memref<1000001xf32, #tpu.memory_space<hbm>>) dst(%dma_wait3A_966 : memref<128xf32, #tpu.memory_space<vmem>>)
      %dma_wait3A_972 = arith.constant 32 : i32
      %dma_wait3A_973 = arith.constant 32 : i32
      %dma_wait3A_974 = arith.constant 0 : i32
      %dma_wait3A_975 = tpu.memref_slice %arg6[%dma_wait3A_973, %dma_wait3A_974] : memref<64x128xf32, #tpu.memory_space<vmem>> -> memref<1x128xf32, #tpu.memory_space<vmem>>
      %dma_wait3A_976 = tpu.memref_squeeze %dma_wait3A_975 : memref<1x128xf32, #tpu.memory_space<vmem>> -> memref<128xf32, #tpu.memory_space<vmem>>
      %dma_wait3A_977 = arith.constant 0 : i32
      %dma_wait3A_978 = tpu.memref_slice %arg3[%dma_wait3A_972, %dma_wait3A_977] : memref<64x1000001xf32, #tpu.memory_space<hbm>> -> memref<1x1000001xf32, #tpu.memory_space<hbm>>
      %dma_wait3A_979 = tpu.memref_squeeze %dma_wait3A_978 : memref<1x1000001xf32, #tpu.memory_space<hbm>> -> memref<1000001xf32, #tpu.memory_space<hbm>>
      %dma_wait3A_980 = arith.constant 0 : i32
      %dma_wait3A_981 = tpu.memref_slice %dma_wait3A_979[%dma_wait3A_980] : memref<1000001xf32, #tpu.memory_space<hbm>> -> memref<1000001xf32, #tpu.memory_space<hbm>>
      tpu.wait_indirect_dma semaphore(%arg7 : memref<!tpu.dma_semaphore, #tpu.memory_space<semaphore_mem>>) src(%dma_wait3A_981 : memref<1000001xf32, #tpu.memory_space<hbm>>) dst(%dma_wait3A_976 : memref<128xf32, #tpu.memory_space<vmem>>)
      %dma_wait3A_982 = arith.constant 33 : i32
      %dma_wait3A_983 = arith.constant 33 : i32
      %dma_wait3A_984 = arith.constant 0 : i32
      %dma_wait3A_985 = tpu.memref_slice %arg6[%dma_wait3A_983, %dma_wait3A_984] : memref<64x128xf32, #tpu.memory_space<vmem>> -> memref<1x128xf32, #tpu.memory_space<vmem>>
      %dma_wait3A_986 = tpu.memref_squeeze %dma_wait3A_985 : memref<1x128xf32, #tpu.memory_space<vmem>> -> memref<128xf32, #tpu.memory_space<vmem>>
      %dma_wait3A_987 = arith.constant 0 : i32
      %dma_wait3A_988 = tpu.memref_slice %arg3[%dma_wait3A_982, %dma_wait3A_987] : memref<64x1000001xf32, #tpu.memory_space<hbm>> -> memref<1x1000001xf32, #tpu.memory_space<hbm>>
      %dma_wait3A_989 = tpu.memref_squeeze %dma_wait3A_988 : memref<1x1000001xf32, #tpu.memory_space<hbm>> -> memref<1000001xf32, #tpu.memory_space<hbm>>
      %dma_wait3A_990 = arith.constant 0 : i32
      %dma_wait3A_991 = tpu.memref_slice %dma_wait3A_989[%dma_wait3A_990] : memref<1000001xf32, #tpu.memory_space<hbm>> -> memref<1000001xf32, #tpu.memory_space<hbm>>
      tpu.wait_indirect_dma semaphore(%arg7 : memref<!tpu.dma_semaphore, #tpu.memory_space<semaphore_mem>>) src(%dma_wait3A_991 : memref<1000001xf32, #tpu.memory_space<hbm>>) dst(%dma_wait3A_986 : memref<128xf32, #tpu.memory_space<vmem>>)
      %dma_wait3A_992 = arith.constant 34 : i32
      %dma_wait3A_993 = arith.constant 34 : i32
      %dma_wait3A_994 = arith.constant 0 : i32
      %dma_wait3A_995 = tpu.memref_slice %arg6[%dma_wait3A_993, %dma_wait3A_994] : memref<64x128xf32, #tpu.memory_space<vmem>> -> memref<1x128xf32, #tpu.memory_space<vmem>>
      %dma_wait3A_996 = tpu.memref_squeeze %dma_wait3A_995 : memref<1x128xf32, #tpu.memory_space<vmem>> -> memref<128xf32, #tpu.memory_space<vmem>>
      %dma_wait3A_997 = arith.constant 0 : i32
      %dma_wait3A_998 = tpu.memref_slice %arg3[%dma_wait3A_992, %dma_wait3A_997] : memref<64x1000001xf32, #tpu.memory_space<hbm>> -> memref<1x1000001xf32, #tpu.memory_space<hbm>>
      %dma_wait3A_999 = tpu.memref_squeeze %dma_wait3A_998 : memref<1x1000001xf32, #tpu.memory_space<hbm>> -> memref<1000001xf32, #tpu.memory_space<hbm>>
      %dma_wait3A_1000 = arith.constant 0 : i32
      %dma_wait3A_1001 = tpu.memref_slice %dma_wait3A_999[%dma_wait3A_1000] : memref<1000001xf32, #tpu.memory_space<hbm>> -> memref<1000001xf32, #tpu.memory_space<hbm>>
      tpu.wait_indirect_dma semaphore(%arg7 : memref<!tpu.dma_semaphore, #tpu.memory_space<semaphore_mem>>) src(%dma_wait3A_1001 : memref<1000001xf32, #tpu.memory_space<hbm>>) dst(%dma_wait3A_996 : memref<128xf32, #tpu.memory_space<vmem>>)
      %dma_wait3A_1002 = arith.constant 35 : i32
      %dma_wait3A_1003 = arith.constant 35 : i32
      %dma_wait3A_1004 = arith.constant 0 : i32
      %dma_wait3A_1005 = tpu.memref_slice %arg6[%dma_wait3A_1003, %dma_wait3A_1004] : memref<64x128xf32, #tpu.memory_space<vmem>> -> memref<1x128xf32, #tpu.memory_space<vmem>>
      %dma_wait3A_1006 = tpu.memref_squeeze %dma_wait3A_1005 : memref<1x128xf32, #tpu.memory_space<vmem>> -> memref<128xf32, #tpu.memory_space<vmem>>
      %dma_wait3A_1007 = arith.constant 0 : i32
      %dma_wait3A_1008 = tpu.memref_slice %arg3[%dma_wait3A_1002, %dma_wait3A_1007] : memref<64x1000001xf32, #tpu.memory_space<hbm>> -> memref<1x1000001xf32, #tpu.memory_space<hbm>>
      %dma_wait3A_1009 = tpu.memref_squeeze %dma_wait3A_1008 : memref<1x1000001xf32, #tpu.memory_space<hbm>> -> memref<1000001xf32, #tpu.memory_space<hbm>>
      %dma_wait3A_1010 = arith.constant 0 : i32
      %dma_wait3A_1011 = tpu.memref_slice %dma_wait3A_1009[%dma_wait3A_1010] : memref<1000001xf32, #tpu.memory_space<hbm>> -> memref<1000001xf32, #tpu.memory_space<hbm>>
      tpu.wait_indirect_dma semaphore(%arg7 : memref<!tpu.dma_semaphore, #tpu.memory_space<semaphore_mem>>) src(%dma_wait3A_1011 : memref<1000001xf32, #tpu.memory_space<hbm>>) dst(%dma_wait3A_1006 : memref<128xf32, #tpu.memory_space<vmem>>)
      %dma_wait3A_1012 = arith.constant 36 : i32
      %dma_wait3A_1013 = arith.constant 36 : i32
      %dma_wait3A_1014 = arith.constant 0 : i32
      %dma_wait3A_1015 = tpu.memref_slice %arg6[%dma_wait3A_1013, %dma_wait3A_1014] : memref<64x128xf32, #tpu.memory_space<vmem>> -> memref<1x128xf32, #tpu.memory_space<vmem>>
      %dma_wait3A_1016 = tpu.memref_squeeze %dma_wait3A_1015 : memref<1x128xf32, #tpu.memory_space<vmem>> -> memref<128xf32, #tpu.memory_space<vmem>>
      %dma_wait3A_1017 = arith.constant 0 : i32
      %dma_wait3A_1018 = tpu.memref_slice %arg3[%dma_wait3A_1012, %dma_wait3A_1017] : memref<64x1000001xf32, #tpu.memory_space<hbm>> -> memref<1x1000001xf32, #tpu.memory_space<hbm>>
      %dma_wait3A_1019 = tpu.memref_squeeze %dma_wait3A_1018 : memref<1x1000001xf32, #tpu.memory_space<hbm>> -> memref<1000001xf32, #tpu.memory_space<hbm>>
      %dma_wait3A_1020 = arith.constant 0 : i32
      %dma_wait3A_1021 = tpu.memref_slice %dma_wait3A_1019[%dma_wait3A_1020] : memref<1000001xf32, #tpu.memory_space<hbm>> -> memref<1000001xf32, #tpu.memory_space<hbm>>
      tpu.wait_indirect_dma semaphore(%arg7 : memref<!tpu.dma_semaphore, #tpu.memory_space<semaphore_mem>>) src(%dma_wait3A_1021 : memref<1000001xf32, #tpu.memory_space<hbm>>) dst(%dma_wait3A_1016 : memref<128xf32, #tpu.memory_space<vmem>>)
      %dma_wait3A_1022 = arith.constant 37 : i32
      %dma_wait3A_1023 = arith.constant 37 : i32
      %dma_wait3A_1024 = arith.constant 0 : i32
      %dma_wait3A_1025 = tpu.memref_slice %arg6[%dma_wait3A_1023, %dma_wait3A_1024] : memref<64x128xf32, #tpu.memory_space<vmem>> -> memref<1x128xf32, #tpu.memory_space<vmem>>
      %dma_wait3A_1026 = tpu.memref_squeeze %dma_wait3A_1025 : memref<1x128xf32, #tpu.memory_space<vmem>> -> memref<128xf32, #tpu.memory_space<vmem>>
      %dma_wait3A_1027 = arith.constant 0 : i32
      %dma_wait3A_1028 = tpu.memref_slice %arg3[%dma_wait3A_1022, %dma_wait3A_1027] : memref<64x1000001xf32, #tpu.memory_space<hbm>> -> memref<1x1000001xf32, #tpu.memory_space<hbm>>
      %dma_wait3A_1029 = tpu.memref_squeeze %dma_wait3A_1028 : memref<1x1000001xf32, #tpu.memory_space<hbm>> -> memref<1000001xf32, #tpu.memory_space<hbm>>
      %dma_wait3A_1030 = arith.constant 0 : i32
      %dma_wait3A_1031 = tpu.memref_slice %dma_wait3A_1029[%dma_wait3A_1030] : memref<1000001xf32, #tpu.memory_space<hbm>> -> memref<1000001xf32, #tpu.memory_space<hbm>>
      tpu.wait_indirect_dma semaphore(%arg7 : memref<!tpu.dma_semaphore, #tpu.memory_space<semaphore_mem>>) src(%dma_wait3A_1031 : memref<1000001xf32, #tpu.memory_space<hbm>>) dst(%dma_wait3A_1026 : memref<128xf32, #tpu.memory_space<vmem>>)
      %dma_wait3A_1032 = arith.constant 38 : i32
      %dma_wait3A_1033 = arith.constant 38 : i32
      %dma_wait3A_1034 = arith.constant 0 : i32
      %dma_wait3A_1035 = tpu.memref_slice %arg6[%dma_wait3A_1033, %dma_wait3A_1034] : memref<64x128xf32, #tpu.memory_space<vmem>> -> memref<1x128xf32, #tpu.memory_space<vmem>>
      %dma_wait3A_1036 = tpu.memref_squeeze %dma_wait3A_1035 : memref<1x128xf32, #tpu.memory_space<vmem>> -> memref<128xf32, #tpu.memory_space<vmem>>
      %dma_wait3A_1037 = arith.constant 0 : i32
      %dma_wait3A_1038 = tpu.memref_slice %arg3[%dma_wait3A_1032, %dma_wait3A_1037] : memref<64x1000001xf32, #tpu.memory_space<hbm>> -> memref<1x1000001xf32, #tpu.memory_space<hbm>>
      %dma_wait3A_1039 = tpu.memref_squeeze %dma_wait3A_1038 : memref<1x1000001xf32, #tpu.memory_space<hbm>> -> memref<1000001xf32, #tpu.memory_space<hbm>>
      %dma_wait3A_1040 = arith.constant 0 : i32
      %dma_wait3A_1041 = tpu.memref_slice %dma_wait3A_1039[%dma_wait3A_1040] : memref<1000001xf32, #tpu.memory_space<hbm>> -> memref<1000001xf32, #tpu.memory_space<hbm>>
      tpu.wait_indirect_dma semaphore(%arg7 : memref<!tpu.dma_semaphore, #tpu.memory_space<semaphore_mem>>) src(%dma_wait3A_1041 : memref<1000001xf32, #tpu.memory_space<hbm>>) dst(%dma_wait3A_1036 : memref<128xf32, #tpu.memory_space<vmem>>)
      %dma_wait3A_1042 = arith.constant 39 : i32
      %dma_wait3A_1043 = arith.constant 39 : i32
      %dma_wait3A_1044 = arith.constant 0 : i32
      %dma_wait3A_1045 = tpu.memref_slice %arg6[%dma_wait3A_1043, %dma_wait3A_1044] : memref<64x128xf32, #tpu.memory_space<vmem>> -> memref<1x128xf32, #tpu.memory_space<vmem>>
      %dma_wait3A_1046 = tpu.memref_squeeze %dma_wait3A_1045 : memref<1x128xf32, #tpu.memory_space<vmem>> -> memref<128xf32, #tpu.memory_space<vmem>>
      %dma_wait3A_1047 = arith.constant 0 : i32
      %dma_wait3A_1048 = tpu.memref_slice %arg3[%dma_wait3A_1042, %dma_wait3A_1047] : memref<64x1000001xf32, #tpu.memory_space<hbm>> -> memref<1x1000001xf32, #tpu.memory_space<hbm>>
      %dma_wait3A_1049 = tpu.memref_squeeze %dma_wait3A_1048 : memref<1x1000001xf32, #tpu.memory_space<hbm>> -> memref<1000001xf32, #tpu.memory_space<hbm>>
      %dma_wait3A_1050 = arith.constant 0 : i32
      %dma_wait3A_1051 = tpu.memref_slice %dma_wait3A_1049[%dma_wait3A_1050] : memref<1000001xf32, #tpu.memory_space<hbm>> -> memref<1000001xf32, #tpu.memory_space<hbm>>
      tpu.wait_indirect_dma semaphore(%arg7 : memref<!tpu.dma_semaphore, #tpu.memory_space<semaphore_mem>>) src(%dma_wait3A_1051 : memref<1000001xf32, #tpu.memory_space<hbm>>) dst(%dma_wait3A_1046 : memref<128xf32, #tpu.memory_space<vmem>>)
      %dma_wait3A_1052 = arith.constant 40 : i32
      %dma_wait3A_1053 = arith.constant 40 : i32
      %dma_wait3A_1054 = arith.constant 0 : i32
      %dma_wait3A_1055 = tpu.memref_slice %arg6[%dma_wait3A_1053, %dma_wait3A_1054] : memref<64x128xf32, #tpu.memory_space<vmem>> -> memref<1x128xf32, #tpu.memory_space<vmem>>
      %dma_wait3A_1056 = tpu.memref_squeeze %dma_wait3A_1055 : memref<1x128xf32, #tpu.memory_space<vmem>> -> memref<128xf32, #tpu.memory_space<vmem>>
      %dma_wait3A_1057 = arith.constant 0 : i32
      %dma_wait3A_1058 = tpu.memref_slice %arg3[%dma_wait3A_1052, %dma_wait3A_1057] : memref<64x1000001xf32, #tpu.memory_space<hbm>> -> memref<1x1000001xf32, #tpu.memory_space<hbm>>
      %dma_wait3A_1059 = tpu.memref_squeeze %dma_wait3A_1058 : memref<1x1000001xf32, #tpu.memory_space<hbm>> -> memref<1000001xf32, #tpu.memory_space<hbm>>
      %dma_wait3A_1060 = arith.constant 0 : i32
      %dma_wait3A_1061 = tpu.memref_slice %dma_wait3A_1059[%dma_wait3A_1060] : memref<1000001xf32, #tpu.memory_space<hbm>> -> memref<1000001xf32, #tpu.memory_space<hbm>>
      tpu.wait_indirect_dma semaphore(%arg7 : memref<!tpu.dma_semaphore, #tpu.memory_space<semaphore_mem>>) src(%dma_wait3A_1061 : memref<1000001xf32, #tpu.memory_space<hbm>>) dst(%dma_wait3A_1056 : memref<128xf32, #tpu.memory_space<vmem>>)
      %dma_wait3A_1062 = arith.constant 41 : i32
      %dma_wait3A_1063 = arith.constant 41 : i32
      %dma_wait3A_1064 = arith.constant 0 : i32
      %dma_wait3A_1065 = tpu.memref_slice %arg6[%dma_wait3A_1063, %dma_wait3A_1064] : memref<64x128xf32, #tpu.memory_space<vmem>> -> memref<1x128xf32, #tpu.memory_space<vmem>>
      %dma_wait3A_1066 = tpu.memref_squeeze %dma_wait3A_1065 : memref<1x128xf32, #tpu.memory_space<vmem>> -> memref<128xf32, #tpu.memory_space<vmem>>
      %dma_wait3A_1067 = arith.constant 0 : i32
      %dma_wait3A_1068 = tpu.memref_slice %arg3[%dma_wait3A_1062, %dma_wait3A_1067] : memref<64x1000001xf32, #tpu.memory_space<hbm>> -> memref<1x1000001xf32, #tpu.memory_space<hbm>>
      %dma_wait3A_1069 = tpu.memref_squeeze %dma_wait3A_1068 : memref<1x1000001xf32, #tpu.memory_space<hbm>> -> memref<1000001xf32, #tpu.memory_space<hbm>>
      %dma_wait3A_1070 = arith.constant 0 : i32
      %dma_wait3A_1071 = tpu.memref_slice %dma_wait3A_1069[%dma_wait3A_1070] : memref<1000001xf32, #tpu.memory_space<hbm>> -> memref<1000001xf32, #tpu.memory_space<hbm>>
      tpu.wait_indirect_dma semaphore(%arg7 : memref<!tpu.dma_semaphore, #tpu.memory_space<semaphore_mem>>) src(%dma_wait3A_1071 : memref<1000001xf32, #tpu.memory_space<hbm>>) dst(%dma_wait3A_1066 : memref<128xf32, #tpu.memory_space<vmem>>)
      %dma_wait3A_1072 = arith.constant 42 : i32
      %dma_wait3A_1073 = arith.constant 42 : i32
      %dma_wait3A_1074 = arith.constant 0 : i32
      %dma_wait3A_1075 = tpu.memref_slice %arg6[%dma_wait3A_1073, %dma_wait3A_1074] : memref<64x128xf32, #tpu.memory_space<vmem>> -> memref<1x128xf32, #tpu.memory_space<vmem>>
      %dma_wait3A_1076 = tpu.memref_squeeze %dma_wait3A_1075 : memref<1x128xf32, #tpu.memory_space<vmem>> -> memref<128xf32, #tpu.memory_space<vmem>>
      %dma_wait3A_1077 = arith.constant 0 : i32
      %dma_wait3A_1078 = tpu.memref_slice %arg3[%dma_wait3A_1072, %dma_wait3A_1077] : memref<64x1000001xf32, #tpu.memory_space<hbm>> -> memref<1x1000001xf32, #tpu.memory_space<hbm>>
      %dma_wait3A_1079 = tpu.memref_squeeze %dma_wait3A_1078 : memref<1x1000001xf32, #tpu.memory_space<hbm>> -> memref<1000001xf32, #tpu.memory_space<hbm>>
      %dma_wait3A_1080 = arith.constant 0 : i32
      %dma_wait3A_1081 = tpu.memref_slice %dma_wait3A_1079[%dma_wait3A_1080] : memref<1000001xf32, #tpu.memory_space<hbm>> -> memref<1000001xf32, #tpu.memory_space<hbm>>
      tpu.wait_indirect_dma semaphore(%arg7 : memref<!tpu.dma_semaphore, #tpu.memory_space<semaphore_mem>>) src(%dma_wait3A_1081 : memref<1000001xf32, #tpu.memory_space<hbm>>) dst(%dma_wait3A_1076 : memref<128xf32, #tpu.memory_space<vmem>>)
      %dma_wait3A_1082 = arith.constant 43 : i32
      %dma_wait3A_1083 = arith.constant 43 : i32
      %dma_wait3A_1084 = arith.constant 0 : i32
      %dma_wait3A_1085 = tpu.memref_slice %arg6[%dma_wait3A_1083, %dma_wait3A_1084] : memref<64x128xf32, #tpu.memory_space<vmem>> -> memref<1x128xf32, #tpu.memory_space<vmem>>
      %dma_wait3A_1086 = tpu.memref_squeeze %dma_wait3A_1085 : memref<1x128xf32, #tpu.memory_space<vmem>> -> memref<128xf32, #tpu.memory_space<vmem>>
      %dma_wait3A_1087 = arith.constant 0 : i32
      %dma_wait3A_1088 = tpu.memref_slice %arg3[%dma_wait3A_1082, %dma_wait3A_1087] : memref<64x1000001xf32, #tpu.memory_space<hbm>> -> memref<1x1000001xf32, #tpu.memory_space<hbm>>
      %dma_wait3A_1089 = tpu.memref_squeeze %dma_wait3A_1088 : memref<1x1000001xf32, #tpu.memory_space<hbm>> -> memref<1000001xf32, #tpu.memory_space<hbm>>
      %dma_wait3A_1090 = arith.constant 0 : i32
      %dma_wait3A_1091 = tpu.memref_slice %dma_wait3A_1089[%dma_wait3A_1090] : memref<1000001xf32, #tpu.memory_space<hbm>> -> memref<1000001xf32, #tpu.memory_space<hbm>>
      tpu.wait_indirect_dma semaphore(%arg7 : memref<!tpu.dma_semaphore, #tpu.memory_space<semaphore_mem>>) src(%dma_wait3A_1091 : memref<1000001xf32, #tpu.memory_space<hbm>>) dst(%dma_wait3A_1086 : memref<128xf32, #tpu.memory_space<vmem>>)
      %dma_wait3A_1092 = arith.constant 44 : i32
      %dma_wait3A_1093 = arith.constant 44 : i32
      %dma_wait3A_1094 = arith.constant 0 : i32
      %dma_wait3A_1095 = tpu.memref_slice %arg6[%dma_wait3A_1093, %dma_wait3A_1094] : memref<64x128xf32, #tpu.memory_space<vmem>> -> memref<1x128xf32, #tpu.memory_space<vmem>>
      %dma_wait3A_1096 = tpu.memref_squeeze %dma_wait3A_1095 : memref<1x128xf32, #tpu.memory_space<vmem>> -> memref<128xf32, #tpu.memory_space<vmem>>
      %dma_wait3A_1097 = arith.constant 0 : i32
      %dma_wait3A_1098 = tpu.memref_slice %arg3[%dma_wait3A_1092, %dma_wait3A_1097] : memref<64x1000001xf32, #tpu.memory_space<hbm>> -> memref<1x1000001xf32, #tpu.memory_space<hbm>>
      %dma_wait3A_1099 = tpu.memref_squeeze %dma_wait3A_1098 : memref<1x1000001xf32, #tpu.memory_space<hbm>> -> memref<1000001xf32, #tpu.memory_space<hbm>>
      %dma_wait3A_1100 = arith.constant 0 : i32
      %dma_wait3A_1101 = tpu.memref_slice %dma_wait3A_1099[%dma_wait3A_1100] : memref<1000001xf32, #tpu.memory_space<hbm>> -> memref<1000001xf32, #tpu.memory_space<hbm>>
      tpu.wait_indirect_dma semaphore(%arg7 : memref<!tpu.dma_semaphore, #tpu.memory_space<semaphore_mem>>) src(%dma_wait3A_1101 : memref<1000001xf32, #tpu.memory_space<hbm>>) dst(%dma_wait3A_1096 : memref<128xf32, #tpu.memory_space<vmem>>)
      %dma_wait3A_1102 = arith.constant 45 : i32
      %dma_wait3A_1103 = arith.constant 45 : i32
      %dma_wait3A_1104 = arith.constant 0 : i32
      %dma_wait3A_1105 = tpu.memref_slice %arg6[%dma_wait3A_1103, %dma_wait3A_1104] : memref<64x128xf32, #tpu.memory_space<vmem>> -> memref<1x128xf32, #tpu.memory_space<vmem>>
      %dma_wait3A_1106 = tpu.memref_squeeze %dma_wait3A_1105 : memref<1x128xf32, #tpu.memory_space<vmem>> -> memref<128xf32, #tpu.memory_space<vmem>>
      %dma_wait3A_1107 = arith.constant 0 : i32
      %dma_wait3A_1108 = tpu.memref_slice %arg3[%dma_wait3A_1102, %dma_wait3A_1107] : memref<64x1000001xf32, #tpu.memory_space<hbm>> -> memref<1x1000001xf32, #tpu.memory_space<hbm>>
      %dma_wait3A_1109 = tpu.memref_squeeze %dma_wait3A_1108 : memref<1x1000001xf32, #tpu.memory_space<hbm>> -> memref<1000001xf32, #tpu.memory_space<hbm>>
      %dma_wait3A_1110 = arith.constant 0 : i32
      %dma_wait3A_1111 = tpu.memref_slice %dma_wait3A_1109[%dma_wait3A_1110] : memref<1000001xf32, #tpu.memory_space<hbm>> -> memref<1000001xf32, #tpu.memory_space<hbm>>
      tpu.wait_indirect_dma semaphore(%arg7 : memref<!tpu.dma_semaphore, #tpu.memory_space<semaphore_mem>>) src(%dma_wait3A_1111 : memref<1000001xf32, #tpu.memory_space<hbm>>) dst(%dma_wait3A_1106 : memref<128xf32, #tpu.memory_space<vmem>>)
      %dma_wait3A_1112 = arith.constant 46 : i32
      %dma_wait3A_1113 = arith.constant 46 : i32
      %dma_wait3A_1114 = arith.constant 0 : i32
      %dma_wait3A_1115 = tpu.memref_slice %arg6[%dma_wait3A_1113, %dma_wait3A_1114] : memref<64x128xf32, #tpu.memory_space<vmem>> -> memref<1x128xf32, #tpu.memory_space<vmem>>
      %dma_wait3A_1116 = tpu.memref_squeeze %dma_wait3A_1115 : memref<1x128xf32, #tpu.memory_space<vmem>> -> memref<128xf32, #tpu.memory_space<vmem>>
      %dma_wait3A_1117 = arith.constant 0 : i32
      %dma_wait3A_1118 = tpu.memref_slice %arg3[%dma_wait3A_1112, %dma_wait3A_1117] : memref<64x1000001xf32, #tpu.memory_space<hbm>> -> memref<1x1000001xf32, #tpu.memory_space<hbm>>
      %dma_wait3A_1119 = tpu.memref_squeeze %dma_wait3A_1118 : memref<1x1000001xf32, #tpu.memory_space<hbm>> -> memref<1000001xf32, #tpu.memory_space<hbm>>
      %dma_wait3A_1120 = arith.constant 0 : i32
      %dma_wait3A_1121 = tpu.memref_slice %dma_wait3A_1119[%dma_wait3A_1120] : memref<1000001xf32, #tpu.memory_space<hbm>> -> memref<1000001xf32, #tpu.memory_space<hbm>>
      tpu.wait_indirect_dma semaphore(%arg7 : memref<!tpu.dma_semaphore, #tpu.memory_space<semaphore_mem>>) src(%dma_wait3A_1121 : memref<1000001xf32, #tpu.memory_space<hbm>>) dst(%dma_wait3A_1116 : memref<128xf32, #tpu.memory_space<vmem>>)
      %dma_wait3A_1122 = arith.constant 47 : i32
      %dma_wait3A_1123 = arith.constant 47 : i32
      %dma_wait3A_1124 = arith.constant 0 : i32
      %dma_wait3A_1125 = tpu.memref_slice %arg6[%dma_wait3A_1123, %dma_wait3A_1124] : memref<64x128xf32, #tpu.memory_space<vmem>> -> memref<1x128xf32, #tpu.memory_space<vmem>>
      %dma_wait3A_1126 = tpu.memref_squeeze %dma_wait3A_1125 : memref<1x128xf32, #tpu.memory_space<vmem>> -> memref<128xf32, #tpu.memory_space<vmem>>
      %dma_wait3A_1127 = arith.constant 0 : i32
      %dma_wait3A_1128 = tpu.memref_slice %arg3[%dma_wait3A_1122, %dma_wait3A_1127] : memref<64x1000001xf32, #tpu.memory_space<hbm>> -> memref<1x1000001xf32, #tpu.memory_space<hbm>>
      %dma_wait3A_1129 = tpu.memref_squeeze %dma_wait3A_1128 : memref<1x1000001xf32, #tpu.memory_space<hbm>> -> memref<1000001xf32, #tpu.memory_space<hbm>>
      %dma_wait3A_1130 = arith.constant 0 : i32
      %dma_wait3A_1131 = tpu.memref_slice %dma_wait3A_1129[%dma_wait3A_1130] : memref<1000001xf32, #tpu.memory_space<hbm>> -> memref<1000001xf32, #tpu.memory_space<hbm>>
      tpu.wait_indirect_dma semaphore(%arg7 : memref<!tpu.dma_semaphore, #tpu.memory_space<semaphore_mem>>) src(%dma_wait3A_1131 : memref<1000001xf32, #tpu.memory_space<hbm>>) dst(%dma_wait3A_1126 : memref<128xf32, #tpu.memory_space<vmem>>)
      %dma_wait3A_1132 = arith.constant 48 : i32
      %dma_wait3A_1133 = arith.constant 48 : i32
      %dma_wait3A_1134 = arith.constant 0 : i32
      %dma_wait3A_1135 = tpu.memref_slice %arg6[%dma_wait3A_1133, %dma_wait3A_1134] : memref<64x128xf32, #tpu.memory_space<vmem>> -> memref<1x128xf32, #tpu.memory_space<vmem>>
      %dma_wait3A_1136 = tpu.memref_squeeze %dma_wait3A_1135 : memref<1x128xf32, #tpu.memory_space<vmem>> -> memref<128xf32, #tpu.memory_space<vmem>>
      %dma_wait3A_1137 = arith.constant 0 : i32
      %dma_wait3A_1138 = tpu.memref_slice %arg3[%dma_wait3A_1132, %dma_wait3A_1137] : memref<64x1000001xf32, #tpu.memory_space<hbm>> -> memref<1x1000001xf32, #tpu.memory_space<hbm>>
      %dma_wait3A_1139 = tpu.memref_squeeze %dma_wait3A_1138 : memref<1x1000001xf32, #tpu.memory_space<hbm>> -> memref<1000001xf32, #tpu.memory_space<hbm>>
      %dma_wait3A_1140 = arith.constant 0 : i32
      %dma_wait3A_1141 = tpu.memref_slice %dma_wait3A_1139[%dma_wait3A_1140] : memref<1000001xf32, #tpu.memory_space<hbm>> -> memref<1000001xf32, #tpu.memory_space<hbm>>
      tpu.wait_indirect_dma semaphore(%arg7 : memref<!tpu.dma_semaphore, #tpu.memory_space<semaphore_mem>>) src(%dma_wait3A_1141 : memref<1000001xf32, #tpu.memory_space<hbm>>) dst(%dma_wait3A_1136 : memref<128xf32, #tpu.memory_space<vmem>>)
      %dma_wait3A_1142 = arith.constant 49 : i32
      %dma_wait3A_1143 = arith.constant 49 : i32
      %dma_wait3A_1144 = arith.constant 0 : i32
      %dma_wait3A_1145 = tpu.memref_slice %arg6[%dma_wait3A_1143, %dma_wait3A_1144] : memref<64x128xf32, #tpu.memory_space<vmem>> -> memref<1x128xf32, #tpu.memory_space<vmem>>
      %dma_wait3A_1146 = tpu.memref_squeeze %dma_wait3A_1145 : memref<1x128xf32, #tpu.memory_space<vmem>> -> memref<128xf32, #tpu.memory_space<vmem>>
      %dma_wait3A_1147 = arith.constant 0 : i32
      %dma_wait3A_1148 = tpu.memref_slice %arg3[%dma_wait3A_1142, %dma_wait3A_1147] : memref<64x1000001xf32, #tpu.memory_space<hbm>> -> memref<1x1000001xf32, #tpu.memory_space<hbm>>
      %dma_wait3A_1149 = tpu.memref_squeeze %dma_wait3A_1148 : memref<1x1000001xf32, #tpu.memory_space<hbm>> -> memref<1000001xf32, #tpu.memory_space<hbm>>
      %dma_wait3A_1150 = arith.constant 0 : i32
      %dma_wait3A_1151 = tpu.memref_slice %dma_wait3A_1149[%dma_wait3A_1150] : memref<1000001xf32, #tpu.memory_space<hbm>> -> memref<1000001xf32, #tpu.memory_space<hbm>>
      tpu.wait_indirect_dma semaphore(%arg7 : memref<!tpu.dma_semaphore, #tpu.memory_space<semaphore_mem>>) src(%dma_wait3A_1151 : memref<1000001xf32, #tpu.memory_space<hbm>>) dst(%dma_wait3A_1146 : memref<128xf32, #tpu.memory_space<vmem>>)
      %dma_wait3A_1152 = arith.constant 50 : i32
      %dma_wait3A_1153 = arith.constant 50 : i32
      %dma_wait3A_1154 = arith.constant 0 : i32
      %dma_wait3A_1155 = tpu.memref_slice %arg6[%dma_wait3A_1153, %dma_wait3A_1154] : memref<64x128xf32, #tpu.memory_space<vmem>> -> memref<1x128xf32, #tpu.memory_space<vmem>>
      %dma_wait3A_1156 = tpu.memref_squeeze %dma_wait3A_1155 : memref<1x128xf32, #tpu.memory_space<vmem>> -> memref<128xf32, #tpu.memory_space<vmem>>
      %dma_wait3A_1157 = arith.constant 0 : i32
      %dma_wait3A_1158 = tpu.memref_slice %arg3[%dma_wait3A_1152, %dma_wait3A_1157] : memref<64x1000001xf32, #tpu.memory_space<hbm>> -> memref<1x1000001xf32, #tpu.memory_space<hbm>>
      %dma_wait3A_1159 = tpu.memref_squeeze %dma_wait3A_1158 : memref<1x1000001xf32, #tpu.memory_space<hbm>> -> memref<1000001xf32, #tpu.memory_space<hbm>>
      %dma_wait3A_1160 = arith.constant 0 : i32
      %dma_wait3A_1161 = tpu.memref_slice %dma_wait3A_1159[%dma_wait3A_1160] : memref<1000001xf32, #tpu.memory_space<hbm>> -> memref<1000001xf32, #tpu.memory_space<hbm>>
      tpu.wait_indirect_dma semaphore(%arg7 : memref<!tpu.dma_semaphore, #tpu.memory_space<semaphore_mem>>) src(%dma_wait3A_1161 : memref<1000001xf32, #tpu.memory_space<hbm>>) dst(%dma_wait3A_1156 : memref<128xf32, #tpu.memory_space<vmem>>)
      %dma_wait3A_1162 = arith.constant 51 : i32
      %dma_wait3A_1163 = arith.constant 51 : i32
      %dma_wait3A_1164 = arith.constant 0 : i32
      %dma_wait3A_1165 = tpu.memref_slice %arg6[%dma_wait3A_1163, %dma_wait3A_1164] : memref<64x128xf32, #tpu.memory_space<vmem>> -> memref<1x128xf32, #tpu.memory_space<vmem>>
      %dma_wait3A_1166 = tpu.memref_squeeze %dma_wait3A_1165 : memref<1x128xf32, #tpu.memory_space<vmem>> -> memref<128xf32, #tpu.memory_space<vmem>>
      %dma_wait3A_1167 = arith.constant 0 : i32
      %dma_wait3A_1168 = tpu.memref_slice %arg3[%dma_wait3A_1162, %dma_wait3A_1167] : memref<64x1000001xf32, #tpu.memory_space<hbm>> -> memref<1x1000001xf32, #tpu.memory_space<hbm>>
      %dma_wait3A_1169 = tpu.memref_squeeze %dma_wait3A_1168 : memref<1x1000001xf32, #tpu.memory_space<hbm>> -> memref<1000001xf32, #tpu.memory_space<hbm>>
      %dma_wait3A_1170 = arith.constant 0 : i32
      %dma_wait3A_1171 = tpu.memref_slice %dma_wait3A_1169[%dma_wait3A_1170] : memref<1000001xf32, #tpu.memory_space<hbm>> -> memref<1000001xf32, #tpu.memory_space<hbm>>
      tpu.wait_indirect_dma semaphore(%arg7 : memref<!tpu.dma_semaphore, #tpu.memory_space<semaphore_mem>>) src(%dma_wait3A_1171 : memref<1000001xf32, #tpu.memory_space<hbm>>) dst(%dma_wait3A_1166 : memref<128xf32, #tpu.memory_space<vmem>>)
      %dma_wait3A_1172 = arith.constant 52 : i32
      %dma_wait3A_1173 = arith.constant 52 : i32
      %dma_wait3A_1174 = arith.constant 0 : i32
      %dma_wait3A_1175 = tpu.memref_slice %arg6[%dma_wait3A_1173, %dma_wait3A_1174] : memref<64x128xf32, #tpu.memory_space<vmem>> -> memref<1x128xf32, #tpu.memory_space<vmem>>
      %dma_wait3A_1176 = tpu.memref_squeeze %dma_wait3A_1175 : memref<1x128xf32, #tpu.memory_space<vmem>> -> memref<128xf32, #tpu.memory_space<vmem>>
      %dma_wait3A_1177 = arith.constant 0 : i32
      %dma_wait3A_1178 = tpu.memref_slice %arg3[%dma_wait3A_1172, %dma_wait3A_1177] : memref<64x1000001xf32, #tpu.memory_space<hbm>> -> memref<1x1000001xf32, #tpu.memory_space<hbm>>
      %dma_wait3A_1179 = tpu.memref_squeeze %dma_wait3A_1178 : memref<1x1000001xf32, #tpu.memory_space<hbm>> -> memref<1000001xf32, #tpu.memory_space<hbm>>
      %dma_wait3A_1180 = arith.constant 0 : i32
      %dma_wait3A_1181 = tpu.memref_slice %dma_wait3A_1179[%dma_wait3A_1180] : memref<1000001xf32, #tpu.memory_space<hbm>> -> memref<1000001xf32, #tpu.memory_space<hbm>>
      tpu.wait_indirect_dma semaphore(%arg7 : memref<!tpu.dma_semaphore, #tpu.memory_space<semaphore_mem>>) src(%dma_wait3A_1181 : memref<1000001xf32, #tpu.memory_space<hbm>>) dst(%dma_wait3A_1176 : memref<128xf32, #tpu.memory_space<vmem>>)
      %dma_wait3A_1182 = arith.constant 53 : i32
      %dma_wait3A_1183 = arith.constant 53 : i32
      %dma_wait3A_1184 = arith.constant 0 : i32
      %dma_wait3A_1185 = tpu.memref_slice %arg6[%dma_wait3A_1183, %dma_wait3A_1184] : memref<64x128xf32, #tpu.memory_space<vmem>> -> memref<1x128xf32, #tpu.memory_space<vmem>>
      %dma_wait3A_1186 = tpu.memref_squeeze %dma_wait3A_1185 : memref<1x128xf32, #tpu.memory_space<vmem>> -> memref<128xf32, #tpu.memory_space<vmem>>
      %dma_wait3A_1187 = arith.constant 0 : i32
      %dma_wait3A_1188 = tpu.memref_slice %arg3[%dma_wait3A_1182, %dma_wait3A_1187] : memref<64x1000001xf32, #tpu.memory_space<hbm>> -> memref<1x1000001xf32, #tpu.memory_space<hbm>>
      %dma_wait3A_1189 = tpu.memref_squeeze %dma_wait3A_1188 : memref<1x1000001xf32, #tpu.memory_space<hbm>> -> memref<1000001xf32, #tpu.memory_space<hbm>>
      %dma_wait3A_1190 = arith.constant 0 : i32
      %dma_wait3A_1191 = tpu.memref_slice %dma_wait3A_1189[%dma_wait3A_1190] : memref<1000001xf32, #tpu.memory_space<hbm>> -> memref<1000001xf32, #tpu.memory_space<hbm>>
      tpu.wait_indirect_dma semaphore(%arg7 : memref<!tpu.dma_semaphore, #tpu.memory_space<semaphore_mem>>) src(%dma_wait3A_1191 : memref<1000001xf32, #tpu.memory_space<hbm>>) dst(%dma_wait3A_1186 : memref<128xf32, #tpu.memory_space<vmem>>)
      %dma_wait3A_1192 = arith.constant 54 : i32
      %dma_wait3A_1193 = arith.constant 54 : i32
      %dma_wait3A_1194 = arith.constant 0 : i32
      %dma_wait3A_1195 = tpu.memref_slice %arg6[%dma_wait3A_1193, %dma_wait3A_1194] : memref<64x128xf32, #tpu.memory_space<vmem>> -> memref<1x128xf32, #tpu.memory_space<vmem>>
      %dma_wait3A_1196 = tpu.memref_squeeze %dma_wait3A_1195 : memref<1x128xf32, #tpu.memory_space<vmem>> -> memref<128xf32, #tpu.memory_space<vmem>>
      %dma_wait3A_1197 = arith.constant 0 : i32
      %dma_wait3A_1198 = tpu.memref_slice %arg3[%dma_wait3A_1192, %dma_wait3A_1197] : memref<64x1000001xf32, #tpu.memory_space<hbm>> -> memref<1x1000001xf32, #tpu.memory_space<hbm>>
      %dma_wait3A_1199 = tpu.memref_squeeze %dma_wait3A_1198 : memref<1x1000001xf32, #tpu.memory_space<hbm>> -> memref<1000001xf32, #tpu.memory_space<hbm>>
      %dma_wait3A_1200 = arith.constant 0 : i32
      %dma_wait3A_1201 = tpu.memref_slice %dma_wait3A_1199[%dma_wait3A_1200] : memref<1000001xf32, #tpu.memory_space<hbm>> -> memref<1000001xf32, #tpu.memory_space<hbm>>
      tpu.wait_indirect_dma semaphore(%arg7 : memref<!tpu.dma_semaphore, #tpu.memory_space<semaphore_mem>>) src(%dma_wait3A_1201 : memref<1000001xf32, #tpu.memory_space<hbm>>) dst(%dma_wait3A_1196 : memref<128xf32, #tpu.memory_space<vmem>>)
      %dma_wait3A_1202 = arith.constant 55 : i32
      %dma_wait3A_1203 = arith.constant 55 : i32
      %dma_wait3A_1204 = arith.constant 0 : i32
      %dma_wait3A_1205 = tpu.memref_slice %arg6[%dma_wait3A_1203, %dma_wait3A_1204] : memref<64x128xf32, #tpu.memory_space<vmem>> -> memref<1x128xf32, #tpu.memory_space<vmem>>
      %dma_wait3A_1206 = tpu.memref_squeeze %dma_wait3A_1205 : memref<1x128xf32, #tpu.memory_space<vmem>> -> memref<128xf32, #tpu.memory_space<vmem>>
      %dma_wait3A_1207 = arith.constant 0 : i32
      %dma_wait3A_1208 = tpu.memref_slice %arg3[%dma_wait3A_1202, %dma_wait3A_1207] : memref<64x1000001xf32, #tpu.memory_space<hbm>> -> memref<1x1000001xf32, #tpu.memory_space<hbm>>
      %dma_wait3A_1209 = tpu.memref_squeeze %dma_wait3A_1208 : memref<1x1000001xf32, #tpu.memory_space<hbm>> -> memref<1000001xf32, #tpu.memory_space<hbm>>
      %dma_wait3A_1210 = arith.constant 0 : i32
      %dma_wait3A_1211 = tpu.memref_slice %dma_wait3A_1209[%dma_wait3A_1210] : memref<1000001xf32, #tpu.memory_space<hbm>> -> memref<1000001xf32, #tpu.memory_space<hbm>>
      tpu.wait_indirect_dma semaphore(%arg7 : memref<!tpu.dma_semaphore, #tpu.memory_space<semaphore_mem>>) src(%dma_wait3A_1211 : memref<1000001xf32, #tpu.memory_space<hbm>>) dst(%dma_wait3A_1206 : memref<128xf32, #tpu.memory_space<vmem>>)
      %dma_wait3A_1212 = arith.constant 56 : i32
      %dma_wait3A_1213 = arith.constant 56 : i32
      %dma_wait3A_1214 = arith.constant 0 : i32
      %dma_wait3A_1215 = tpu.memref_slice %arg6[%dma_wait3A_1213, %dma_wait3A_1214] : memref<64x128xf32, #tpu.memory_space<vmem>> -> memref<1x128xf32, #tpu.memory_space<vmem>>
      %dma_wait3A_1216 = tpu.memref_squeeze %dma_wait3A_1215 : memref<1x128xf32, #tpu.memory_space<vmem>> -> memref<128xf32, #tpu.memory_space<vmem>>
      %dma_wait3A_1217 = arith.constant 0 : i32
      %dma_wait3A_1218 = tpu.memref_slice %arg3[%dma_wait3A_1212, %dma_wait3A_1217] : memref<64x1000001xf32, #tpu.memory_space<hbm>> -> memref<1x1000001xf32, #tpu.memory_space<hbm>>
      %dma_wait3A_1219 = tpu.memref_squeeze %dma_wait3A_1218 : memref<1x1000001xf32, #tpu.memory_space<hbm>> -> memref<1000001xf32, #tpu.memory_space<hbm>>
      %dma_wait3A_1220 = arith.constant 0 : i32
      %dma_wait3A_1221 = tpu.memref_slice %dma_wait3A_1219[%dma_wait3A_1220] : memref<1000001xf32, #tpu.memory_space<hbm>> -> memref<1000001xf32, #tpu.memory_space<hbm>>
      tpu.wait_indirect_dma semaphore(%arg7 : memref<!tpu.dma_semaphore, #tpu.memory_space<semaphore_mem>>) src(%dma_wait3A_1221 : memref<1000001xf32, #tpu.memory_space<hbm>>) dst(%dma_wait3A_1216 : memref<128xf32, #tpu.memory_space<vmem>>)
      %dma_wait3A_1222 = arith.constant 57 : i32
      %dma_wait3A_1223 = arith.constant 57 : i32
      %dma_wait3A_1224 = arith.constant 0 : i32
      %dma_wait3A_1225 = tpu.memref_slice %arg6[%dma_wait3A_1223, %dma_wait3A_1224] : memref<64x128xf32, #tpu.memory_space<vmem>> -> memref<1x128xf32, #tpu.memory_space<vmem>>
      %dma_wait3A_1226 = tpu.memref_squeeze %dma_wait3A_1225 : memref<1x128xf32, #tpu.memory_space<vmem>> -> memref<128xf32, #tpu.memory_space<vmem>>
      %dma_wait3A_1227 = arith.constant 0 : i32
      %dma_wait3A_1228 = tpu.memref_slice %arg3[%dma_wait3A_1222, %dma_wait3A_1227] : memref<64x1000001xf32, #tpu.memory_space<hbm>> -> memref<1x1000001xf32, #tpu.memory_space<hbm>>
      %dma_wait3A_1229 = tpu.memref_squeeze %dma_wait3A_1228 : memref<1x1000001xf32, #tpu.memory_space<hbm>> -> memref<1000001xf32, #tpu.memory_space<hbm>>
      %dma_wait3A_1230 = arith.constant 0 : i32
      %dma_wait3A_1231 = tpu.memref_slice %dma_wait3A_1229[%dma_wait3A_1230] : memref<1000001xf32, #tpu.memory_space<hbm>> -> memref<1000001xf32, #tpu.memory_space<hbm>>
      tpu.wait_indirect_dma semaphore(%arg7 : memref<!tpu.dma_semaphore, #tpu.memory_space<semaphore_mem>>) src(%dma_wait3A_1231 : memref<1000001xf32, #tpu.memory_space<hbm>>) dst(%dma_wait3A_1226 : memref<128xf32, #tpu.memory_space<vmem>>)
      %dma_wait3A_1232 = arith.constant 58 : i32
      %dma_wait3A_1233 = arith.constant 58 : i32
      %dma_wait3A_1234 = arith.constant 0 : i32
      %dma_wait3A_1235 = tpu.memref_slice %arg6[%dma_wait3A_1233, %dma_wait3A_1234] : memref<64x128xf32, #tpu.memory_space<vmem>> -> memref<1x128xf32, #tpu.memory_space<vmem>>
      %dma_wait3A_1236 = tpu.memref_squeeze %dma_wait3A_1235 : memref<1x128xf32, #tpu.memory_space<vmem>> -> memref<128xf32, #tpu.memory_space<vmem>>
      %dma_wait3A_1237 = arith.constant 0 : i32
      %dma_wait3A_1238 = tpu.memref_slice %arg3[%dma_wait3A_1232, %dma_wait3A_1237] : memref<64x1000001xf32, #tpu.memory_space<hbm>> -> memref<1x1000001xf32, #tpu.memory_space<hbm>>
      %dma_wait3A_1239 = tpu.memref_squeeze %dma_wait3A_1238 : memref<1x1000001xf32, #tpu.memory_space<hbm>> -> memref<1000001xf32, #tpu.memory_space<hbm>>
      %dma_wait3A_1240 = arith.constant 0 : i32
      %dma_wait3A_1241 = tpu.memref_slice %dma_wait3A_1239[%dma_wait3A_1240] : memref<1000001xf32, #tpu.memory_space<hbm>> -> memref<1000001xf32, #tpu.memory_space<hbm>>
      tpu.wait_indirect_dma semaphore(%arg7 : memref<!tpu.dma_semaphore, #tpu.memory_space<semaphore_mem>>) src(%dma_wait3A_1241 : memref<1000001xf32, #tpu.memory_space<hbm>>) dst(%dma_wait3A_1236 : memref<128xf32, #tpu.memory_space<vmem>>)
      %dma_wait3A_1242 = arith.constant 59 : i32
      %dma_wait3A_1243 = arith.constant 59 : i32
      %dma_wait3A_1244 = arith.constant 0 : i32
      %dma_wait3A_1245 = tpu.memref_slice %arg6[%dma_wait3A_1243, %dma_wait3A_1244] : memref<64x128xf32, #tpu.memory_space<vmem>> -> memref<1x128xf32, #tpu.memory_space<vmem>>
      %dma_wait3A_1246 = tpu.memref_squeeze %dma_wait3A_1245 : memref<1x128xf32, #tpu.memory_space<vmem>> -> memref<128xf32, #tpu.memory_space<vmem>>
      %dma_wait3A_1247 = arith.constant 0 : i32
      %dma_wait3A_1248 = tpu.memref_slice %arg3[%dma_wait3A_1242, %dma_wait3A_1247] : memref<64x1000001xf32, #tpu.memory_space<hbm>> -> memref<1x1000001xf32, #tpu.memory_space<hbm>>
      %dma_wait3A_1249 = tpu.memref_squeeze %dma_wait3A_1248 : memref<1x1000001xf32, #tpu.memory_space<hbm>> -> memref<1000001xf32, #tpu.memory_space<hbm>>
      %dma_wait3A_1250 = arith.constant 0 : i32
      %dma_wait3A_1251 = tpu.memref_slice %dma_wait3A_1249[%dma_wait3A_1250] : memref<1000001xf32, #tpu.memory_space<hbm>> -> memref<1000001xf32, #tpu.memory_space<hbm>>
      tpu.wait_indirect_dma semaphore(%arg7 : memref<!tpu.dma_semaphore, #tpu.memory_space<semaphore_mem>>) src(%dma_wait3A_1251 : memref<1000001xf32, #tpu.memory_space<hbm>>) dst(%dma_wait3A_1246 : memref<128xf32, #tpu.memory_space<vmem>>)
      %dma_wait3A_1252 = arith.constant 60 : i32
      %dma_wait3A_1253 = arith.constant 60 : i32
      %dma_wait3A_1254 = arith.constant 0 : i32
      %dma_wait3A_1255 = tpu.memref_slice %arg6[%dma_wait3A_1253, %dma_wait3A_1254] : memref<64x128xf32, #tpu.memory_space<vmem>> -> memref<1x128xf32, #tpu.memory_space<vmem>>
      %dma_wait3A_1256 = tpu.memref_squeeze %dma_wait3A_1255 : memref<1x128xf32, #tpu.memory_space<vmem>> -> memref<128xf32, #tpu.memory_space<vmem>>
      %dma_wait3A_1257 = arith.constant 0 : i32
      %dma_wait3A_1258 = tpu.memref_slice %arg3[%dma_wait3A_1252, %dma_wait3A_1257] : memref<64x1000001xf32, #tpu.memory_space<hbm>> -> memref<1x1000001xf32, #tpu.memory_space<hbm>>
      %dma_wait3A_1259 = tpu.memref_squeeze %dma_wait3A_1258 : memref<1x1000001xf32, #tpu.memory_space<hbm>> -> memref<1000001xf32, #tpu.memory_space<hbm>>
      %dma_wait3A_1260 = arith.constant 0 : i32
      %dma_wait3A_1261 = tpu.memref_slice %dma_wait3A_1259[%dma_wait3A_1260] : memref<1000001xf32, #tpu.memory_space<hbm>> -> memref<1000001xf32, #tpu.memory_space<hbm>>
      tpu.wait_indirect_dma semaphore(%arg7 : memref<!tpu.dma_semaphore, #tpu.memory_space<semaphore_mem>>) src(%dma_wait3A_1261 : memref<1000001xf32, #tpu.memory_space<hbm>>) dst(%dma_wait3A_1256 : memref<128xf32, #tpu.memory_space<vmem>>)
      %dma_wait3A_1262 = arith.constant 61 : i32
      %dma_wait3A_1263 = arith.constant 61 : i32
      %dma_wait3A_1264 = arith.constant 0 : i32
      %dma_wait3A_1265 = tpu.memref_slice %arg6[%dma_wait3A_1263, %dma_wait3A_1264] : memref<64x128xf32, #tpu.memory_space<vmem>> -> memref<1x128xf32, #tpu.memory_space<vmem>>
      %dma_wait3A_1266 = tpu.memref_squeeze %dma_wait3A_1265 : memref<1x128xf32, #tpu.memory_space<vmem>> -> memref<128xf32, #tpu.memory_space<vmem>>
      %dma_wait3A_1267 = arith.constant 0 : i32
      %dma_wait3A_1268 = tpu.memref_slice %arg3[%dma_wait3A_1262, %dma_wait3A_1267] : memref<64x1000001xf32, #tpu.memory_space<hbm>> -> memref<1x1000001xf32, #tpu.memory_space<hbm>>
      %dma_wait3A_1269 = tpu.memref_squeeze %dma_wait3A_1268 : memref<1x1000001xf32, #tpu.memory_space<hbm>> -> memref<1000001xf32, #tpu.memory_space<hbm>>
      %dma_wait3A_1270 = arith.constant 0 : i32
      %dma_wait3A_1271 = tpu.memref_slice %dma_wait3A_1269[%dma_wait3A_1270] : memref<1000001xf32, #tpu.memory_space<hbm>> -> memref<1000001xf32, #tpu.memory_space<hbm>>
      tpu.wait_indirect_dma semaphore(%arg7 : memref<!tpu.dma_semaphore, #tpu.memory_space<semaphore_mem>>) src(%dma_wait3A_1271 : memref<1000001xf32, #tpu.memory_space<hbm>>) dst(%dma_wait3A_1266 : memref<128xf32, #tpu.memory_space<vmem>>)
      %dma_wait3A_1272 = arith.constant 62 : i32
      %dma_wait3A_1273 = arith.constant 62 : i32
      %dma_wait3A_1274 = arith.constant 0 : i32
      %dma_wait3A_1275 = tpu.memref_slice %arg6[%dma_wait3A_1273, %dma_wait3A_1274] : memref<64x128xf32, #tpu.memory_space<vmem>> -> memref<1x128xf32, #tpu.memory_space<vmem>>
      %dma_wait3A_1276 = tpu.memref_squeeze %dma_wait3A_1275 : memref<1x128xf32, #tpu.memory_space<vmem>> -> memref<128xf32, #tpu.memory_space<vmem>>
      %dma_wait3A_1277 = arith.constant 0 : i32
      %dma_wait3A_1278 = tpu.memref_slice %arg3[%dma_wait3A_1272, %dma_wait3A_1277] : memref<64x1000001xf32, #tpu.memory_space<hbm>> -> memref<1x1000001xf32, #tpu.memory_space<hbm>>
      %dma_wait3A_1279 = tpu.memref_squeeze %dma_wait3A_1278 : memref<1x1000001xf32, #tpu.memory_space<hbm>> -> memref<1000001xf32, #tpu.memory_space<hbm>>
      %dma_wait3A_1280 = arith.constant 0 : i32
      %dma_wait3A_1281 = tpu.memref_slice %dma_wait3A_1279[%dma_wait3A_1280] : memref<1000001xf32, #tpu.memory_space<hbm>> -> memref<1000001xf32, #tpu.memory_space<hbm>>
      tpu.wait_indirect_dma semaphore(%arg7 : memref<!tpu.dma_semaphore, #tpu.memory_space<semaphore_mem>>) src(%dma_wait3A_1281 : memref<1000001xf32, #tpu.memory_space<hbm>>) dst(%dma_wait3A_1276 : memref<128xf32, #tpu.memory_space<vmem>>)
      %dma_wait3A_1282 = arith.constant 63 : i32
      %dma_wait3A_1283 = arith.constant 63 : i32
      %dma_wait3A_1284 = arith.constant 0 : i32
      %dma_wait3A_1285 = tpu.memref_slice %arg6[%dma_wait3A_1283, %dma_wait3A_1284] : memref<64x128xf32, #tpu.memory_space<vmem>> -> memref<1x128xf32, #tpu.memory_space<vmem>>
      %dma_wait3A_1286 = tpu.memref_squeeze %dma_wait3A_1285 : memref<1x128xf32, #tpu.memory_space<vmem>> -> memref<128xf32, #tpu.memory_space<vmem>>
      %dma_wait3A_1287 = arith.constant 0 : i32
      %dma_wait3A_1288 = tpu.memref_slice %arg3[%dma_wait3A_1282, %dma_wait3A_1287] : memref<64x1000001xf32, #tpu.memory_space<hbm>> -> memref<1x1000001xf32, #tpu.memory_space<hbm>>
      %dma_wait3A_1289 = tpu.memref_squeeze %dma_wait3A_1288 : memref<1x1000001xf32, #tpu.memory_space<hbm>> -> memref<1000001xf32, #tpu.memory_space<hbm>>
      %dma_wait3A_1290 = arith.constant 0 : i32
      %dma_wait3A_1291 = tpu.memref_slice %dma_wait3A_1289[%dma_wait3A_1290] : memref<1000001xf32, #tpu.memory_space<hbm>> -> memref<1000001xf32, #tpu.memory_space<hbm>>
      tpu.wait_indirect_dma semaphore(%arg7 : memref<!tpu.dma_semaphore, #tpu.memory_space<semaphore_mem>>) src(%dma_wait3A_1291 : memref<1000001xf32, #tpu.memory_space<hbm>>) dst(%dma_wait3A_1286 : memref<128xf32, #tpu.memory_space<vmem>>)
      "tpu.region"() ({
        %run_scoped3A = tpu.sem_alloc : memref<!tpu.dma_semaphore, #tpu.memory_space<semaphore_mem>>
        %dma_start3A_1293 = arith.constant 0 : i32
        %dma_start3A_1294 = tpu.memref_slice %arg4[%dma_start3A_1293, %add3A_13] : memref<64x16384xf32, #tpu.memory_space<hbm>> -> memref<64x128xf32, #tpu.memory_space<hbm>>
        %dma_start3A_1295 = arith.constant 0 : i32
        %dma_start3A_1296 = tpu.memref_slice %arg4[%dma_start3A_1295, %add3A_13] : memref<64x16384xf32, #tpu.memory_space<hbm>> -> memref<64x128xf32, #tpu.memory_space<hbm>>
        tpu.enqueue_dma source(%arg6 : memref<64x128xf32, #tpu.memory_space<vmem>>) target(%dma_start3A_1296 : memref<64x128xf32, #tpu.memory_space<hbm>>) target_semaphore(%run_scoped3A : memref<!tpu.dma_semaphore, #tpu.memory_space<semaphore_mem>>)
        %dma_wait3A_1297 = arith.constant 0 : i32
        %dma_wait3A_1298 = tpu.memref_slice %arg4[%dma_wait3A_1297, %add3A_13] : memref<64x16384xf32, #tpu.memory_space<hbm>> -> memref<64x128xf32, #tpu.memory_space<hbm>>
        %dma_wait3A_1299 = arith.constant 0 : i32
        %dma_wait3A_1300 = tpu.memref_slice %arg4[%dma_wait3A_1299, %add3A_13] : memref<64x16384xf32, #tpu.memory_space<hbm>> -> memref<64x128xf32, #tpu.memory_space<hbm>>
        tpu.wait_dma2 semaphore(%run_scoped3A : memref<!tpu.dma_semaphore, #tpu.memory_space<semaphore_mem>>) src(%arg6 : memref<64x128xf32, #tpu.memory_space<vmem>>) dst(%dma_wait3A_1300 : memref<64x128xf32, #tpu.memory_space<hbm>>)
        tpu.yield
      }) : () -> ()
      %scan3A_1292 = arith.constant 0 : i32
      scf.yield %scan3A_1292 : i32
    }
    %scan3A_6 = arith.constant 4 : i32
    return
  }
}

module attributes {stable_mosaic.version = 14 : i64} {
  func.func @_tc_body(%arg0: i32, %arg1: memref<64x2048xf32, #tpu.memory_space<vmem>>, %arg2: memref<2048x64xf32, #tpu.memory_space<vmem>>, %arg3: memref<2048x64xf32, #tpu.memory_space<vmem>>, %arg4: memref<2048x5xi32, #tpu.memory_space<vmem>>, %arg5: memref<2048x50xi32, #tpu.memory_space<vmem>>, %arg6: memref<2048x2xf32, #tpu.memory_space<vmem>>, %arg7: memref<1x64xf32, #tpu.memory_space<vmem>>, %arg8: memref<2x16xf32, #tpu.memory_space<vmem>>, %arg9: memref<1x16xf32, #tpu.memory_space<vmem>>, %arg10: memref<16x64xf32, #tpu.memory_space<vmem>>, %arg11: memref<1x64xf32, #tpu.memory_space<vmem>>, %arg12: memref<64x128xf32, #tpu.memory_space<vmem>>, %arg13: memref<64x128xf32, #tpu.memory_space<vmem>>, %arg14: memref<64x128xf32, #tpu.memory_space<vmem>>, %arg15: memref<64x128xf32, #tpu.memory_space<vmem>>, %arg16: memref<1x128xf32, #tpu.memory_space<vmem>>, %arg17: memref<128x64xf32, #tpu.memory_space<vmem>>, %arg18: memref<1x64xf32, #tpu.memory_space<vmem>>, %arg19: memref<2048x64xf32, #tpu.memory_space<vmem>>) attributes {dimension_semantics = [#tpu.dimension_semantics<arbitrary>], iteration_bounds = array<i64: 8>, scalar_prefetch = 0 : i64, scratch_operands = 0 : i64, tpu.core_type = #tpu.core_type<tc>, window_params = [{transform_indices = @transform_0, window_bounds = array<i64: 64, 2048>}, {transform_indices = @transform_1, window_bounds = array<i64: 2048, 64>}, {transform_indices = @transform_2, window_bounds = array<i64: 2048, 64>}, {transform_indices = @transform_3, window_bounds = array<i64: 2048, 5>}, {transform_indices = @transform_4, window_bounds = array<i64: 2048, 50>}, {transform_indices = @transform_5, window_bounds = array<i64: 2048, 2>}, {pipeline_mode = #tpu.pipeline_mode<synchronous>, transform_indices = @transform_6, window_bounds = array<i64: 1, 64>}, {pipeline_mode = #tpu.pipeline_mode<synchronous>, transform_indices = @transform_7, window_bounds = array<i64: 2, 16>}, {pipeline_mode = #tpu.pipeline_mode<synchronous>, transform_indices = @transform_8, window_bounds = array<i64: 1, 16>}, {pipeline_mode = #tpu.pipeline_mode<synchronous>, transform_indices = @transform_9, window_bounds = array<i64: 16, 64>}, {pipeline_mode = #tpu.pipeline_mode<synchronous>, transform_indices = @transform_10, window_bounds = array<i64: 1, 64>}, {pipeline_mode = #tpu.pipeline_mode<synchronous>, transform_indices = @transform_11, window_bounds = array<i64: 64, 128>}, {pipeline_mode = #tpu.pipeline_mode<synchronous>, transform_indices = @transform_12, window_bounds = array<i64: 64, 128>}, {pipeline_mode = #tpu.pipeline_mode<synchronous>, transform_indices = @transform_13, window_bounds = array<i64: 64, 128>}, {pipeline_mode = #tpu.pipeline_mode<synchronous>, transform_indices = @transform_14, window_bounds = array<i64: 64, 128>}, {pipeline_mode = #tpu.pipeline_mode<synchronous>, transform_indices = @transform_15, window_bounds = array<i64: 1, 128>}, {pipeline_mode = #tpu.pipeline_mode<synchronous>, transform_indices = @transform_16, window_bounds = array<i64: 128, 64>}, {pipeline_mode = #tpu.pipeline_mode<synchronous>, transform_indices = @transform_17, window_bounds = array<i64: 1, 64>}, {transform_indices = @transform_18, window_bounds = array<i64: 2048, 64>}]} {
    %get3A = arith.constant 0 : index
    %get3A_0 = arith.constant 0 : index
    %get3A_1 = vector.load %arg4[%get3A, %get3A_0] : memref<2048x5xi32, #tpu.memory_space<vmem>>, vector<2048x5xi32>
    %ne3A = arith.constant 0 : i32
    %ne3A_2 = vector.broadcast %ne3A : i32 to vector<2048x5xi32>
    %ne3A_3 = arith.cmpi ne, %get3A_1, %ne3A_2 : vector<2048x5xi32>
    %convert_element_type3A = arith.extui %ne3A_3 : vector<2048x5xi1> to vector<2048x5xi32>
    %convert_element_type3A_4 = arith.sitofp %convert_element_type3A : vector<2048x5xi32> to vector<2048x5xf32>
    %reduce_sum3A = arith.constant dense<0.000000e+00> : vector<2048xf32>
    %reduce_sum3A_5 = vector.multi_reduction <add>, %convert_element_type3A_4, %reduce_sum3A [1] : vector<2048x5xf32> to vector<2048xf32>
    %broadcast_in_dim3A = vector.shape_cast %reduce_sum3A_5 : vector<2048xf32> to vector<2048x1xf32>
    %get3A_6 = arith.constant 0 : index
    %get3A_7 = arith.constant 0 : index
    %get3A_8 = vector.load %arg2[%get3A_6, %get3A_7] : memref<2048x64xf32, #tpu.memory_space<vmem>>, vector<2048x64xf32>
    %sub3A = arith.constant 5.000000e+00 : f32
    %sub3A_9 = vector.broadcast %sub3A : f32 to vector<2048x1xf32>
    %sub3A_10 = arith.subf %sub3A_9, %broadcast_in_dim3A : vector<2048x1xf32>
    %get3A_11 = arith.constant 0 : index
    %get3A_12 = arith.constant 0 : index
    %get3A_13 = vector.load %arg7[%get3A_11, %get3A_12] : memref<1x64xf32, #tpu.memory_space<vmem>>, vector<1x64xf32>
    %mul3A = vector.broadcast %sub3A_10 : vector<2048x1xf32> to vector<2048x64xf32>
    %mul3A_14 = vector.broadcast %get3A_13 : vector<1x64xf32> to vector<2048x64xf32>
    %mul3A_15 = arith.mulf %mul3A, %mul3A_14 : vector<2048x64xf32>
    %sub3A_16 = arith.subf %get3A_8, %mul3A_15 : vector<2048x64xf32>
    %gt3A = arith.constant 0.000000e+00 : f32
    %gt3A_17 = vector.broadcast %gt3A : f32 to vector<2048x1xf32>
    %gt3A_18 = arith.cmpf ogt, %broadcast_in_dim3A, %gt3A_17 : vector<2048x1xf32>
    %add3A = arith.constant 9.99999971E-10 : f32
    %add3A_19 = vector.broadcast %add3A : f32 to vector<2048x1xf32>
    %add3A_20 = arith.addf %broadcast_in_dim3A, %add3A_19 : vector<2048x1xf32>
    %div3A = vector.broadcast %add3A_20 : vector<2048x1xf32> to vector<2048x64xf32>
    %div3A_21 = arith.divf %sub3A_16, %div3A : vector<2048x64xf32>
    %jit3A = arith.constant 0.000000e+00 : f32
    %broadcast_in_dim3A_22 = vector.shape_cast %gt3A_18 : vector<2048x1xi1> to vector<2048x1xi1>
    %broadcast_in_dim3A_23 = vector.broadcast %broadcast_in_dim3A_22 : vector<2048x1xi1> to vector<2048x64xi1>
    %broadcast_in_dim3A_24 = vector.broadcast %jit3A : f32 to vector<2048x64xf32>
    %select_n3A = arith.select %broadcast_in_dim3A_23, %div3A_21, %broadcast_in_dim3A_24 : vector<2048x64xi1>, vector<2048x64xf32>
    %get3A_25 = arith.constant 0 : index
    %get3A_26 = arith.constant 0 : index
    %get3A_27 = vector.load %arg5[%get3A_25, %get3A_26] : memref<2048x50xi32, #tpu.memory_space<vmem>>, vector<2048x50xi32>
    %ne3A_28 = arith.constant 0 : i32
    %ne3A_29 = vector.broadcast %ne3A_28 : i32 to vector<2048x50xi32>
    %ne3A_30 = arith.cmpi ne, %get3A_27, %ne3A_29 : vector<2048x50xi32>
    %convert_element_type3A_31 = arith.extui %ne3A_30 : vector<2048x50xi1> to vector<2048x50xi32>
    %convert_element_type3A_32 = arith.sitofp %convert_element_type3A_31 : vector<2048x50xi32> to vector<2048x50xf32>
    %reduce_sum3A_33 = arith.constant dense<0.000000e+00> : vector<2048xf32>
    %reduce_sum3A_34 = vector.multi_reduction <add>, %convert_element_type3A_32, %reduce_sum3A_33 [1] : vector<2048x50xf32> to vector<2048xf32>
    %broadcast_in_dim3A_35 = vector.shape_cast %reduce_sum3A_34 : vector<2048xf32> to vector<2048x1xf32>
    %get3A_36 = arith.constant 0 : index
    %get3A_37 = arith.constant 0 : index
    %get3A_38 = vector.load %arg3[%get3A_36, %get3A_37] : memref<2048x64xf32, #tpu.memory_space<vmem>>, vector<2048x64xf32>
    %add3A_39 = arith.constant 9.99999971E-10 : f32
    %add3A_40 = vector.broadcast %add3A_39 : f32 to vector<2048x1xf32>
    %add3A_41 = arith.addf %broadcast_in_dim3A_35, %add3A_40 : vector<2048x1xf32>
    %div3A_42 = vector.broadcast %add3A_41 : vector<2048x1xf32> to vector<2048x64xf32>
    %div3A_43 = arith.divf %get3A_38, %div3A_42 : vector<2048x64xf32>
    %get3A_44 = arith.constant 0 : index
    %get3A_45 = arith.constant 0 : index
    %get3A_46 = vector.load %arg6[%get3A_44, %get3A_45] : memref<2048x2xf32, #tpu.memory_space<vmem>>, vector<2048x2xf32>
    %get3A_47 = arith.constant 0 : index
    %get3A_48 = arith.constant 0 : index
    %get3A_49 = vector.load %arg8[%get3A_47, %get3A_48] : memref<2x16xf32, #tpu.memory_space<vmem>>, vector<2x16xf32>
    %dot_general3A = arith.constant dense<0.000000e+00> : vector<2048x16xf32>
    %dot_general3A_50 = tpu.matmul %get3A_46, %get3A_49, %dot_general3A {dimension_numbers = #tpu.dot_dimension_numbers<[1], [0], [0], [1], [0, 0, 1, 1], [], []>, transpose_lhs_hint = false} : vector<2048x2xf32>, vector<2x16xf32>, vector<2048x16xf32> -> vector<2048x16xf32>
    %get3A_51 = arith.constant 0 : index
    %get3A_52 = arith.constant 0 : index
    %get3A_53 = vector.load %arg9[%get3A_51, %get3A_52] : memref<1x16xf32, #tpu.memory_space<vmem>>, vector<1x16xf32>
    %add3A_54 = vector.broadcast %get3A_53 : vector<1x16xf32> to vector<2048x16xf32>
    %add3A_55 = arith.addf %dot_general3A_50, %add3A_54 : vector<2048x16xf32>
    %max3A = arith.constant 0.000000e+00 : f32
    %max3A_56 = vector.broadcast %max3A : f32 to vector<2048x16xf32>
    %max3A_57 = arith.maximumf %add3A_55, %max3A_56 : vector<2048x16xf32>
    %get3A_58 = arith.constant 0 : index
    %get3A_59 = arith.constant 0 : index
    %get3A_60 = vector.load %arg10[%get3A_58, %get3A_59] : memref<16x64xf32, #tpu.memory_space<vmem>>, vector<16x64xf32>
    %dot_general3A_61 = arith.constant dense<0.000000e+00> : vector<2048x64xf32>
    %dot_general3A_62 = tpu.matmul %max3A_57, %get3A_60, %dot_general3A_61 {dimension_numbers = #tpu.dot_dimension_numbers<[1], [0], [0], [1], [0, 0, 1, 1], [], []>, transpose_lhs_hint = false} : vector<2048x16xf32>, vector<16x64xf32>, vector<2048x64xf32> -> vector<2048x64xf32>
    %get3A_63 = arith.constant 0 : index
    %get3A_64 = arith.constant 0 : index
    %get3A_65 = vector.load %arg11[%get3A_63, %get3A_64] : memref<1x64xf32, #tpu.memory_space<vmem>>, vector<1x64xf32>
    %add3A_66 = vector.broadcast %get3A_65 : vector<1x64xf32> to vector<2048x64xf32>
    %add3A_67 = arith.addf %dot_general3A_62, %add3A_66 : vector<2048x64xf32>
    %get3A_68 = arith.constant 0 : index
    %get3A_69 = arith.constant 0 : index
    %get3A_70 = vector.load %arg1[%get3A_68, %get3A_69] : memref<64x2048xf32, #tpu.memory_space<vmem>>, vector<64x2048xf32>
    %get3A_71 = arith.constant 0 : index
    %get3A_72 = arith.constant 0 : index
    %get3A_73 = vector.load %arg12[%get3A_71, %get3A_72] : memref<64x128xf32, #tpu.memory_space<vmem>>, vector<64x128xf32>
    %dot_general3A_74 = arith.constant dense<0.000000e+00> : vector<2048x128xf32>
    %dot_general3A_75 = tpu.matmul %get3A_70, %get3A_73, %dot_general3A_74 {dimension_numbers = #tpu.dot_dimension_numbers<[0], [0], [1], [1], [0, 1, 1, 1], [], []>, transpose_lhs_hint = false} : vector<64x2048xf32>, vector<64x128xf32>, vector<2048x128xf32> -> vector<2048x128xf32>
    %get3A_76 = arith.constant 0 : index
    %get3A_77 = arith.constant 0 : index
    %get3A_78 = vector.load %arg13[%get3A_76, %get3A_77] : memref<64x128xf32, #tpu.memory_space<vmem>>, vector<64x128xf32>
    %dot_general3A_79 = arith.constant dense<0.000000e+00> : vector<2048x128xf32>
    %dot_general3A_80 = tpu.matmul %select_n3A, %get3A_78, %dot_general3A_79 {dimension_numbers = #tpu.dot_dimension_numbers<[1], [0], [0], [1], [0, 0, 1, 1], [], []>, transpose_lhs_hint = false} : vector<2048x64xf32>, vector<64x128xf32>, vector<2048x128xf32> -> vector<2048x128xf32>
    %add3A_81 = arith.addf %dot_general3A_75, %dot_general3A_80 : vector<2048x128xf32>
    %get3A_82 = arith.constant 0 : index
    %get3A_83 = arith.constant 0 : index
    %get3A_84 = vector.load %arg14[%get3A_82, %get3A_83] : memref<64x128xf32, #tpu.memory_space<vmem>>, vector<64x128xf32>
    %dot_general3A_85 = arith.constant dense<0.000000e+00> : vector<2048x128xf32>
    %dot_general3A_86 = tpu.matmul %add3A_67, %get3A_84, %dot_general3A_85 {dimension_numbers = #tpu.dot_dimension_numbers<[1], [0], [0], [1], [0, 0, 1, 1], [], []>, transpose_lhs_hint = false} : vector<2048x64xf32>, vector<64x128xf32>, vector<2048x128xf32> -> vector<2048x128xf32>
    %add3A_87 = arith.addf %add3A_81, %dot_general3A_86 : vector<2048x128xf32>
    %get3A_88 = arith.constant 0 : index
    %get3A_89 = arith.constant 0 : index
    %get3A_90 = vector.load %arg15[%get3A_88, %get3A_89] : memref<64x128xf32, #tpu.memory_space<vmem>>, vector<64x128xf32>
    %dot_general3A_91 = arith.constant dense<0.000000e+00> : vector<2048x128xf32>
    %dot_general3A_92 = tpu.matmul %div3A_43, %get3A_90, %dot_general3A_91 {dimension_numbers = #tpu.dot_dimension_numbers<[1], [0], [0], [1], [0, 0, 1, 1], [], []>, transpose_lhs_hint = false} : vector<2048x64xf32>, vector<64x128xf32>, vector<2048x128xf32> -> vector<2048x128xf32>
    %add3A_93 = arith.addf %add3A_87, %dot_general3A_92 : vector<2048x128xf32>
    %get3A_94 = arith.constant 0 : index
    %get3A_95 = arith.constant 0 : index
    %get3A_96 = vector.load %arg16[%get3A_94, %get3A_95] : memref<1x128xf32, #tpu.memory_space<vmem>>, vector<1x128xf32>
    %add3A_97 = vector.broadcast %get3A_96 : vector<1x128xf32> to vector<2048x128xf32>
    %add3A_98 = arith.addf %add3A_93, %add3A_97 : vector<2048x128xf32>
    %max3A_99 = arith.constant 0.000000e+00 : f32
    %max3A_100 = vector.broadcast %max3A_99 : f32 to vector<2048x128xf32>
    %max3A_101 = arith.maximumf %add3A_98, %max3A_100 : vector<2048x128xf32>
    %get3A_102 = arith.constant 0 : index
    %get3A_103 = arith.constant 0 : index
    %get3A_104 = vector.load %arg17[%get3A_102, %get3A_103] : memref<128x64xf32, #tpu.memory_space<vmem>>, vector<128x64xf32>
    %dot_general3A_105 = arith.constant dense<0.000000e+00> : vector<2048x64xf32>
    %dot_general3A_106 = tpu.matmul %max3A_101, %get3A_104, %dot_general3A_105 {dimension_numbers = #tpu.dot_dimension_numbers<[1], [0], [0], [1], [0, 0, 1, 1], [], []>, transpose_lhs_hint = false} : vector<2048x128xf32>, vector<128x64xf32>, vector<2048x64xf32> -> vector<2048x64xf32>
    %get3A_107 = arith.constant 0 : index
    %get3A_108 = arith.constant 0 : index
    %get3A_109 = vector.load %arg18[%get3A_107, %get3A_108] : memref<1x64xf32, #tpu.memory_space<vmem>>, vector<1x64xf32>
    %add3A_110 = vector.broadcast %get3A_109 : vector<1x64xf32> to vector<2048x64xf32>
    %add3A_111 = arith.addf %dot_general3A_106, %add3A_110 : vector<2048x64xf32>
    %swap3A = arith.constant 0 : index
    %swap3A_112 = arith.constant 0 : index
    %swap3A_113 = vector.load %arg19[%swap3A, %swap3A_112] : memref<2048x64xf32, #tpu.memory_space<vmem>>, vector<2048x64xf32>
    tpu.vector_store %arg19[%swap3A, %swap3A_112], %add3A_111 {strides = array<i32>} : memref<2048x64xf32, #tpu.memory_space<vmem>>, vector<2048x64xf32>,
    return
  }
  func.func @transform_0(%arg0: i32) -> (i32, i32) {
    %c0_i32 = arith.constant 0 : i32
    %c0_i32_0 = arith.constant 0 : i32
    return %c0_i32, %arg0 : i32, i32
  }
  func.func @transform_1(%arg0: i32) -> (i32, i32) {
    %c0_i32 = arith.constant 0 : i32
    %c0_i32_0 = arith.constant 0 : i32
    return %arg0, %c0_i32 : i32, i32
  }
  func.func @transform_2(%arg0: i32) -> (i32, i32) {
    %c0_i32 = arith.constant 0 : i32
    %c0_i32_0 = arith.constant 0 : i32
    return %arg0, %c0_i32 : i32, i32
  }
  func.func @transform_3(%arg0: i32) -> (i32, i32) {
    %c0_i32 = arith.constant 0 : i32
    %c0_i32_0 = arith.constant 0 : i32
    return %arg0, %c0_i32 : i32, i32
  }
  func.func @transform_4(%arg0: i32) -> (i32, i32) {
    %c0_i32 = arith.constant 0 : i32
    %c0_i32_0 = arith.constant 0 : i32
    return %arg0, %c0_i32 : i32, i32
  }
  func.func @transform_5(%arg0: i32) -> (i32, i32) {
    %c0_i32 = arith.constant 0 : i32
    %c0_i32_0 = arith.constant 0 : i32
    return %arg0, %c0_i32 : i32, i32
  }
  func.func @transform_6(%arg0: i32) -> (i32, i32) {
    %c0_i32 = arith.constant 0 : i32
    %c0_i32_0 = arith.constant 0 : i32
    %c0_i32_1 = arith.constant 0 : i32
    return %c0_i32, %c0_i32_0 : i32, i32
  }
  func.func @transform_7(%arg0: i32) -> (i32, i32) {
    %c0_i32 = arith.constant 0 : i32
    %c0_i32_0 = arith.constant 0 : i32
    %c0_i32_1 = arith.constant 0 : i32
    return %c0_i32, %c0_i32_0 : i32, i32
  }
  func.func @transform_8(%arg0: i32) -> (i32, i32) {
    %c0_i32 = arith.constant 0 : i32
    %c0_i32_0 = arith.constant 0 : i32
    %c0_i32_1 = arith.constant 0 : i32
    return %c0_i32, %c0_i32_0 : i32, i32
  }
  func.func @transform_9(%arg0: i32) -> (i32, i32) {
    %c0_i32 = arith.constant 0 : i32
    %c0_i32_0 = arith.constant 0 : i32
    %c0_i32_1 = arith.constant 0 : i32
    return %c0_i32, %c0_i32_0 : i32, i32
  }
  func.func @transform_10(%arg0: i32) -> (i32, i32) {
    %c0_i32 = arith.constant 0 : i32
    %c0_i32_0 = arith.constant 0 : i32
    %c0_i32_1 = arith.constant 0 : i32
    return %c0_i32, %c0_i32_0 : i32, i32
  }
  func.func @transform_11(%arg0: i32) -> (i32, i32) {
    %c0_i32 = arith.constant 0 : i32
    %c0_i32_0 = arith.constant 0 : i32
    %c0_i32_1 = arith.constant 0 : i32
    return %c0_i32, %c0_i32_0 : i32, i32
  }
  func.func @transform_12(%arg0: i32) -> (i32, i32) {
    %c0_i32 = arith.constant 0 : i32
    %c0_i32_0 = arith.constant 0 : i32
    %c0_i32_1 = arith.constant 0 : i32
    return %c0_i32, %c0_i32_0 : i32, i32
  }
  func.func @transform_13(%arg0: i32) -> (i32, i32) {
    %c0_i32 = arith.constant 0 : i32
    %c0_i32_0 = arith.constant 0 : i32
    %c0_i32_1 = arith.constant 0 : i32
    return %c0_i32, %c0_i32_0 : i32, i32
  }
  func.func @transform_14(%arg0: i32) -> (i32, i32) {
    %c0_i32 = arith.constant 0 : i32
    %c0_i32_0 = arith.constant 0 : i32
    %c0_i32_1 = arith.constant 0 : i32
    return %c0_i32, %c0_i32_0 : i32, i32
  }
  func.func @transform_15(%arg0: i32) -> (i32, i32) {
    %c0_i32 = arith.constant 0 : i32
    %c0_i32_0 = arith.constant 0 : i32
    %c0_i32_1 = arith.constant 0 : i32
    return %c0_i32, %c0_i32_0 : i32, i32
  }
  func.func @transform_16(%arg0: i32) -> (i32, i32) {
    %c0_i32 = arith.constant 0 : i32
    %c0_i32_0 = arith.constant 0 : i32
    %c0_i32_1 = arith.constant 0 : i32
    return %c0_i32, %c0_i32_0 : i32, i32
  }
  func.func @transform_17(%arg0: i32) -> (i32, i32) {
    %c0_i32 = arith.constant 0 : i32
    %c0_i32_0 = arith.constant 0 : i32
    %c0_i32_1 = arith.constant 0 : i32
    return %c0_i32, %c0_i32_0 : i32, i32
  }
  func.func @transform_18(%arg0: i32) -> (i32, i32) {
    %c0_i32 = arith.constant 0 : i32
    %c0_i32_0 = arith.constant 0 : i32
    return %arg0, %c0_i32 : i32, i32
  }
}

</mosaic_0001>

<sc_bundles>
// kernel: kernel.5.cloned.1.call-start
scs
__scs_entry_jumppad:
0x0: {  	(pc) =	sbr.rel $0x88, $3  }
0x1: {  	(tag) =	ssettag $0x0;
	lr =	simm.s32 $0x1  }
0x2: {  	[smem:$0x3F92] =	sst lr;
	_ =	strace $0xD0000000  }
0x3: {  	_ = 	snop  }
0x4: {  	_ = 	snop  }
0x5: {  	_ = 	snop  }
0x6: {  	_ = 	snop  }
0x7: {  	_ = 	snop  }
__scs_overlays_trampoline_lowered:
0x8: {  	[smem:$0x3FA1] =	sst s0  }
0x9: {  	[smem:$0x3FA2] =	sst s1  }
0xa: {  	[smem:$0x3FA3] =	sst s2  }
0xb: {  	[smem:$0x3FA4] =	sst s3  }
0xc: {  	[smem:$0x3FA5] =	sst s4  }
0xd: {  	[smem:$0x3FA6] =	sst s5  }
0xe: {  	[smem:$0x3FA7] =	sst s6  }
0xf: {  	[smem:$0x3FA8] =	sst s7  }
0x10: {  	[smem:$0x3FA9] =	sst s8  }
0x11: {  	[smem:$0x3FAA] =	sst s9;
	s0 =	simm.s32 @!p0 $0x0  }
0x12: {  	s1 =	sld [smem:$0x3F90];
	s0 =	simm.s32 @p0 $0x1  }
0x13: {  	[smem:$0x3FAB] =	sst s0;
	s0 =	simm.s32 @!p1 $0x0  }
0x14: {  	s2 =	sld [smem:$0x3F8F];
	s0 =	simm.s32 @p1 $0x1  }
0x15: {  	[smem:$0x3FAC] =	sst s0;
	s0 =	simm.s32 @!p2 $0x0  }
0x16: {  	s3 =	sld [smem:$0x3FDB];
	s0 =	simm.s32 @p2 $0x1  }
0x17: {  	s4 =	simm.s32 $0x1BF5;
	[smem:$0x3FAE] =	sst s0  }
0x18: {  	s0 =	sld [smem:$0x3F91];
	_ =	swait.ge [sflag:s4], $0x0  }
0x19: {  	s7 =	sld [smem:$0x3F92]  }
0x1a: {  	s8 =	sadd.s32 $0xFFFFE003, lr  }
0x1b: {  	s9 =	sadd.s32 $0xFFFFFEF7, lr;
	s5 =	simm.s32 $0xFFFFFFFF;
	p2 =	slt.u32 s8, $0xFFFFF086  }
0x1c: {  	p1 =	slt.u32 s9, $0xF7A;
	s5 =	simm.s32 @!p2 $0x0  }
0x1d: {  	s5 =	simm.s32 @p1 $0x1;
	p0 =	seq.s32 s7, s2  }
0x1e: {  	s7 =	smul.u32 @!p0 $0xF7A, s2;
	p2 =	seq.s32 @!p0 s5, $0x0  }
0x1f: {  	s9 =	smul.u32 $0xF7A, s1;
	s8 =	simm.s32 @!p0 $0x1BF5;
	p2 =	por !p2, p0  }
0x20: {  	[sflag:s8] =	ssyncset.s32 @!p0 $0xFFFFF086;
	s6 =	sadd.s32 @!p0 s3, s7;
	s7 =	simm.s32 @!p0 $0x108  }
0x21: {  	s3 =	sadd.s32 s3, s9;
	s6 =	sadd.s32 @!p0 $0x88, s6;
	s7 =	simm.s32 @p2 $0x1082  }
0x22: {  	[simem:s7], [sflag:s8] =	dma.local @!p0 [hbm:s6], $0xF7A  }
0x23: {  	s9 =	sor.u32 $0xD0000000, s2;
	s6 =	simm.s32 $0x108;
	_ =	swait.ge @!p0 [sflag:s8], $0x0  }
0x24: {  	s3 =	sadd.s32 $0x88, s3;
	s6 =	simm.s32 @!p1 $0x1082;
	[sflag:s4] =	ssyncset.s32 $0xFFFFF086  }
0x25: {  	[simem:s6], [sflag:s4] =	dma.local [hbm:s3], $0xF7A  }
0x26: {  	[smem:$0x3F92] =	sst s1;
	(tag) =	ssettag s2;
	_ =	strace s9  }
0x27: {  	s1 =	sld [smem:$0x3FA2]  }
0x28: {  	s2 =	sld [smem:$0x3FA3]  }
0x29: {  	s4 =	sld [smem:$0x3FA5]  }
0x2a: {  	p0 =	seq.s32 s5, $0x0;
	s5 =	sld [smem:$0x3FA6]  }
0x2b: {  	s6 =	sld [smem:$0x3FA7]  }
0x2c: {  	s7 =	sld [smem:$0x3FA8]  }
0x2d: {  	s3 =	simm.s32 $0x108;
	s8 =	sld [smem:$0x3FA9]  }
0x2e: {  	s3 =	simm.s32 @!p0 $0x1082;
	s9 =	sld [smem:$0x3FAA]  }
0x2f: {  	lr =	sadd.s32 s0, s3;
	s0 =	sld [smem:$0x3FA1]  }
0x30: {  	s3 =	sld [smem:$0x3FA4]  }
0x31: {  	[smem:$0x3FAD] =	sst s10  }
0x32: {  	s10 =	sld [smem:$0x3FAB];
	_ =	sdelay $0x3  }
0x33: {  	p0 =	seq.s32 s10, $0x1;
	s10 =	sld [smem:$0x3FAD];
	_ =	sdelay $0x3  }
0x34: {  	[smem:$0x3FAD] =	sst s10  }
0x35: {  	s10 =	sld [smem:$0x3FAC];
	_ =	sdelay $0x3  }
0x36: {  	p1 =	seq.s32 s10, $0x1;
	s10 =	sld [smem:$0x3FAD];
	_ =	sdelay $0x3  }
0x37: {  	[smem:$0x3FAD] =	sst s10  }
0x38: {  	s10 =	sld [smem:$0x3FAE]  }
0x39: {  	_ = 	snop;
	(pc) =	sbr.ind lr, $3  }
0x3a: {  	_ = 	snop  }
0x3b: {  	_ = 	snop  }
0x3c: {  	p2 =	seq.s32 s10, $0x1;
	s10 =	sld [smem:$0x3FAD]  }
0x3d: {  	_ =	shalt  }
0x3e: {  	_ =	shalt  }
0x3f: {  	_ =	shalt  }
0x40: {  	_ =	shalt  }
0x41: {  	_ =	shalt  }
0x42: {  	_ =	shalt  }
0x43: {  	_ =	shalt  }
0x44: {  	_ =	shalt  }
0x45: {  	_ =	shalt  }
0x46: {  	_ =	shalt  }
0x47: {  	_ =	shalt  }
0x48: {  	_ =	shalt  }
0x49: {  	_ =	shalt  }
0x4a: {  	_ =	shalt  }
0x4b: {  	_ =	shalt  }
0x4c: {  	_ =	shalt  }
0x4d: {  	_ =	shalt  }
0x4e: {  	_ =	shalt  }
0x4f: {  	_ =	shalt  }
0x50: {  	_ =	shalt  }
0x51: {  	_ =	shalt  }
0x52: {  	_ =	shalt  }
0x53: {  	_ =	shalt  }
0x54: {  	_ =	shalt  }
0x55: {  	_ =	shalt  }
0x56: {  	_ =	shalt  }
0x57: {  	_ =	shalt  }
0x58: {  	_ =	shalt  }
0x59: {  	_ =	shalt  }
0x5a: {  	_ =	shalt  }
0x5b: {  	_ =	shalt  }
0x5c: {  	_ =	shalt  }
0x5d: {  	_ =	shalt  }
0x5e: {  	_ =	shalt  }
0x5f: {  	_ =	shalt  }
0x60: {  	_ =	shalt  }
0x61: {  	_ =	shalt  }
0x62: {  	_ =	shalt  }
0x63: {  	_ =	shalt  }
0x64: {  	_ =	shalt  }
0x65: {  	_ =	shalt  }
0x66: {  	_ =	shalt  }
0x67: {  	_ =	shalt  }
0x68: {  	_ =	shalt  }
0x69: {  	_ =	shalt  }
0x6a: {  	_ =	shalt  }
0x6b: {  	_ =	shalt  }
0x6c: {  	_ =	shalt  }
0x6d: {  	_ =	shalt  }
0x6e: {  	_ =	shalt  }
0x6f: {  	_ =	shalt  }
0x70: {  	_ =	shalt  }
0x71: {  	_ =	shalt  }
0x72: {  	_ =	shalt  }
0x73: {  	_ =	shalt  }
0x74: {  	_ =	shalt  }
0x75: {  	_ =	shalt  }
0x76: {  	_ =	shalt  }
0x77: {  	_ =	shalt  }
0x78: {  	_ =	shalt  }
0x79: {  	_ =	shalt  }
0x7a: {  	_ =	shalt  }
0x7b: {  	_ =	shalt  }
0x7c: {  	_ =	shalt  }
0x7d: {  	_ =	shalt  }
0x7e: {  	_ =	shalt  }
0x7f: {  	_ =	shalt  }
0x80: {  	_ =	shalt  }
0x81: {  	_ =	shalt  }
0x82: {  	_ =	shalt  }
0x83: {  	_ =	shalt  }
0x84: {  	_ =	shalt  }
0x85: {  	_ =	shalt  }
0x86: {  	_ =	shalt  }
0x87: {  	_ =	shalt  }
.Lfunc_end0:
.L_simem_size_0:
called_computation_lowered:
.L_overlay_start_0:
0x88: {  	s2 =	sld [smem:$0x3FD9]  }
0x89: {  	s3 =	sld [smem:$0x3FFE];
	_ =	sdelay $0x1  }
0x8a: {  	s1 =	srdreg.scid  }
0x8b: {  	s0 =	sand.u32 $0x1, s1  }
0x8c: {  	s17 =	sshll.u32 s0, $0xA;
	s2 =	sadd.s32 s3, s2  }
0x8d: {  	s2 =	sadd.s32 s2, s17  }
0x8e: {  	[smem:$0x3FB9] =	sst s2  }
0x8f: {  	_ = 	snop  }
0x90: {  	s18 =	sld [smem:$0x3FD0];
	(tm) =	ssettm $0x1  }
0x91: {  	s19 =	sld [smem:$0x3FFB];
	_ =	sdelay $0x3  }
0x92: {  	_ =	strace s19  }
0x93: {  	s2 =	sld [smem:$0x3FFC];
	_ =	sdelay $0x3  }
0x94: {  	_ =	strace s2  }
0x95: {  	s2 =	sld [smem:$0x3FFD];
	_ =	sdelay $0x3  }
0x96: {  	_ =	strace s2  }
0x97: {  	_ =	strace $0x8FFFFFFF  }
0x98: {  	s20 =	sld [smem:$0x3FDB];
	_ =	sdelay $0x1  }
0x99: {  	s4 =	simm.s32 $_scs_section_size  }
0x9a: {  	s5 =	simm.s32 $_size__tile_overlayer_lowered;
	s6 =	simm.s32 $_tile_overlayer_lowered  }
0x9b: {  	s7 =	simm.s32 $0x1BFF;
	s21 =	sshll.u32 s6, $0x1;
	s4 =	sadd.s32 s4, s20  }
0x9c: {  	s22 =	simm.s32 $0x0;
	s5 =	sshll.u32 s5, $0x1;
	s6 =	sadd.s32 s21, s4  }
0x9d: {  	[timem:s22], [sflag:s7] =	dma.local [hbm:s6], s5  }
0x9e: {  	_ =	swait.ge [sflag:s7], s5  }
0x9f: {  	s5 =	ssub.s32 $0x0, s5;
	[sflag:s7] =	ssyncset.done $0x0  }
0xa0: {  	[sflag:s7] =	ssyncadd.s32 s5;
	_ =	sdelay $0x1  }
0xa1: {  	s23 =	simm.s32 $0x1B8B  }
0xa2: {  	_ =	swait.ge [sflag:s23], $0x1  }
0xa3: {  	[sflag:s23] =	ssyncset.done $0x0  }
0xa4: {  	[sflag:s23] =	ssyncadd.s32 $0xFFFFFFFF  }
0xa5: {  	s5 =	sld [smem:$0x0]  }
0xa6: {  	s6 =	sand.u32 $0xFFFFFFFE, s1  }
0xa7: {  	p0 =	sne.s32 s1, s6  }
0xa8: {  	s6 =	sshll.u32 @p0 s6, $0xE  }
0xa9: {  	s6 =	sadd.s32 @p0 $0x11B8D, s6;
	s7 =	sshll.u32 @p0 s5, $0x11  }
0xaa: {  	s6 =	sor.u32 @p0 s7, s6  }
0xab: {  	[sflag:s6] =	ssyncadd.remote.s32 @p0 $0x1;
	_ =	sdelay $0x1  }
0xac: {  	s6 =	simm.s32 @p0 $0x1B8D  }
0xad: {  	_ =	swait.eq @p0 [sflag:s6], $0x1  }
0xae: {  	[sflag:s6] =	ssyncadd.s32 @p0 $0xFFFFFFFF  }
0xaf: {  	s7 =	sshll.u32 @!p0 s1, $0xE  }
0xb0: {  	s7 =	sor.u32 @!p0 $0x4000, s7;
	s6 =	simm.s32 @!p0 $0x1B8D  }
0xb1: {  	s5 =	sshll.u32 @!p0 s5, $0x11;
	s7 =	sadd.s32 @!p0 $0x11B8D, s7;
	_ =	swait.eq @!p0 [sflag:s6], $0x1  }
0xb2: {  	s5 =	sor.u32 @!p0 s5, s7;
	[sflag:s6] =	ssyncadd.s32 @!p0 $0xFFFFFFFF  }
0xb3: {  	s25 =	simm.s32 $0x1B8E;
	s24 =	sld [smem:$0x3FFE];
	[sflag:s5] =	ssyncadd.remote.s32 @!p0 $0x1  }
0xb4: {  	s26 =	simm.s32 $execute0_lowered;
	[smem:$0x3FD2] =	sst s25  }
0xb5: {  	s6 =	sshll.u32 s26, $0x1;
	_ =	strace $0x80000049;
	[dreg:$0x1] =	wrdreg $0xFFFFFFFF  }
0xb6: {  	s28 =	simm.s32 $_size_execute0_lowered;
	s4 =	sadd.s32 s4, s6;
	[dreg:$0x0] =	wrdreg $0x0  }
0xb7: {  	s6 =	sshll.u32 s28, $0x1;
	[dreg:$0x2] =	wrdreg s4  }
0xb8: {  	[dreg:$0x3] =	wrdreg s6  }
0xb9: {  	[dreg:$0x4] =	wrdreg $0xC0  }
0xba: {  	_ =	task [dreg:s22], $0x5FFFF  }
0xbb: {  	[dreg:$0x1] =	wrdreg $0xFFFFFFFF  }
0xbc: {  	[dreg:$0x0] =	wrdreg $0x60  }
0xbd: {  	[dreg:$0x2] =	wrdreg s24  }
0xbe: {  	[dreg:$0x3] =	wrdreg s18  }
0xbf: {  	[dreg:$0x4] =	wrdreg $0x9  }
0xc0: {  	_ =	task.clear_ibuf [dreg:s22], $0x5FFFF;
	_ =	strace $0x90000049  }
0xc1: {  	s29 =	simm.s32 $0x9;
	_ =	strace $0x8000004B  }
0xc2: {  	_ =	swait.ge [sflag:s29], $0x1  }
0xc3: {  	[sflag:s29] =	ssyncadd.s32 $0xFFFFFFFF  }
0xc4: {  	_ =	strace $0x9000004B  }
0xc5: {  	_ =	sfence  }
0xc6: {  	s30 =	sld [smem:$0x0];
	_ =	sdelay $0x2  }
0xc7: {  	s31 =	sshll.u32 s1, $0xD;
	s1 =	sshrl.u32 s1, $0x2  }
0xc8: {  	s4 =	sand.u32 $0x4000, s31;
	s1 =	sadd.s32 s1, s30  }
0xc9: {  	s0 =	sor.u32 s4, s0;
	s1 =	sshll.u32 s1, $0x11  }
0xca: {  	s0 =	sor.u32 s1, s0  }
0xcb: {  	s0 =	sadd.s32 $0x8F2B, s0  }
0xcc: {  	[sflag:s0] =	ssyncadd.remote.s32 $0x1  }
0xcd: {  	_ =	sfence.sel $0xFFFF  }
0xce: {  	[dreg:$0x0] =	wrdreg $0xFFFFFFFF;
	(pc) =	sbr.abs _section_cstart, $3  }
0xcf: {  	[dreg:$0x1] =	wrdreg $0xFFFFFFFF  }
0xd0: {  	_ =	task.clear_ibuf [dreg:s22], $0x2FFFF;
	_ =	strace $0x9FFFFFFF  }
0xd1: {  	(tm) =	ssettm $0x7FFFFFFF  }
tec
execute0_lowered:
.L_overlay_start_1:
0x0: {  	(tag) =	ssettag $0x1  }
0x1: {  	s8 =	rddreg [dreg:$0x0]  }
0x2: {  	s1 =	rddreg [dreg:$0x1]  }
0x3: {  	s0 =	rddreg [dreg:$0x2]  }
0x4: {  	s2 =	simm.s32 $0x0;
	s4 =	srdreg.scid;
	s12 =	simm.s32 $0x50  }
0x5: {  	s13 =	simm.s32 $0x370;
	s14 =	simm.s32 $0x320;
	s15 =	simm.s32 $0x1770  }
0x6: {  	s16 =	simm.s32 $0x1;
	s17 =	simm.s32 $0xDF70;
	s18 =	simm.s32 $0xE370  }
0x7: {  	s19 =	simm.s32 $0x0;
	[smem:$0x7FF] =	sst s2;
	s3 =	sadd.s32 $0x803E00, s8  }
0x8: {  	s9 =	sand.u32 $0x1, s4;
	s5 =	sadd.s32 $0x846600, s8;
	s6 =	sadd.s32 $0x85F600, s8  }
0x9: {  	s7 =	sadd.s32 $0x9E8200, s8;
	s4 =	stileid.u32;
	s10 =	ssub.s32 $0x2, s9  }
0xa: {  	s8 =	sadd.s32 $0x861600, s8;
	_ =	strace $0x8000004A;
	s11 =	sshrl.u32 s10, $0x1  }
0xb: {  	s31 =	sshll.u32 s4, $0xA;
	s9 =	sshll.u32 s9, $0x9;
	s10 =	ssub.s32 s10, s11  }
0xc: {  	s9 =	sor.u32 s9, s31;
	s11 =	simm.s32 $0x2;
	s10 =	smax.u32 s10, $0x1  }
.LBB2_1:
0xd: {  	s20 =	simm.s32 $0x0  }
.LBB2_2:
0xe: {  	s21 =	sshll.u32 s20, $0x4  }
0xf: {  	s21 =	sadd.s32 s9, s21  }
0x10: {  	s22 =	smul.u32 $0x5, s21;
	_ =	sdelay $0x1  }
0x11: {  	s22 =	sshrl.u32 s22, $0x3  }
0x12: {  	s31 =	smul.u32 $0x32, s21;
	s23 =	sadd.s32 s3, s22;
	s22 =	simm.s32 $0x0  }
0x13: {  	[tilespmem:s22], [sflag:$0x2] =	stream.linear.gather [hbm4b:s23+s22], $0x50, $0x38;
	[tilespmem:$0xE770] =	vst v63  }
0x14: {  	_ =	swait.ge [sflag:s11], $0x50  }
0x15: {  	s23 =	sshrl.u32 s31, $0x3;
	[sflag:s11] =	ssyncset.done $0x0  }
0x16: {  	s23 =	sadd.s32 s5, s23;
	[sflag:s11] =	ssyncadd.s32 $0xFFFFFFB0  }
0x17: {  	[tilespmem:s12], [sflag:$0x2] =	stream.linear.gather [hbm4b:s23+s22], $0x320, $0x38;
	[tilespmem:$0xE770] =	vst v63  }
0x18: {  	_ =	swait.ge [sflag:s11], $0x320  }
0x19: {  	[sflag:s11] =	ssyncset.done $0x0  }
0x1a: {  	[sflag:s11] =	ssyncadd.s32 $0xFFFFFCE0  }
0x1b: {  	[tilespmem:s13], [sflag:$0x1] =	stream.indirect.gather [hbm4b:s6+s12], $0x40, s22, s12, $0xb8;
	[tilespmem:$0xE770] =	vst v63  }
0x1c: {  	_ = 	snop  }
0x1d: {  	[tilespmem:s15], [sflag:$0x1] =	stream.indirect.gather [hbm4b:s7+s14], $0x40, s12, s14, $0xb8;
	[tilespmem:$0xE770] =	vst v63  }
0x1e: {  	_ =	swait.ge [sflag:s16], $0x1400  }
0x1f: {  	[sflag:s16] =	ssyncset.done $0x0  }
0x20: {  	[sflag:s16] =	ssyncadd.s32 $0xFFFFEC00  }
0x21: {  	_ =	swait.ge [sflag:s16], $0xC800  }
0x22: {  	[sflag:s16] =	ssyncset.done $0x0  }
0x23: {  	[sflag:s16] =	ssyncadd.s32 $0xFFFF3800  }
.LBB2_3:
0x24: {  	s23 =	smul.u32 $0x3200, s22;
	_ =	sdelay $0x1  }
0x25: {  	s23 =	sshra.s32 s23, $0x2  }
0x26: {  	v0 =	vld [tilespmem:s23+$0x1770]  }
0x27: {  	v1 =	vld [tilespmem:s23+$0x17B0];
	_ =	sdelay $0x1  }
0x28: {  	v2 =	vld [tilespmem:s23+$0x17F0];
	_ =	sdelay $0x1  }
0x29: {  	v3 =	vld [tilespmem:s23+$0x1830]  }
0x2a: {  	v0 =	vadd.f32 v1, v0  }
0x2b: {  	v29 =	vld [tilespmem:s23+$0x1870]  }
0x2c: {  	v0 =	vadd.f32 v2, v0  }
0x2d: {  	v30 =	vld [tilespmem:s23+$0x18B0]  }
0x2e: {  	v0 =	vadd.f32 v3, v0  }
0x2f: {  	v31 =	vld [tilespmem:s23+$0x18F0]  }
0x30: {  	v0 =	vadd.f32 v29, v0  }
0x31: {  	v32 =	vld [tilespmem:s23+$0x1930]  }
0x32: {  	v0 =	vadd.f32 v30, v0  }
0x33: {  	v33 =	vld [tilespmem:s23+$0x1970]  }
0x34: {  	v0 =	vadd.f32 v31, v0  }
0x35: {  	v34 =	vld [tilespmem:s23+$0x19B0]  }
0x36: {  	v0 =	vadd.f32 v32, v0  }
0x37: {  	v35 =	vld [tilespmem:s23+$0x19F0]  }
0x38: {  	v0 =	vadd.f32 v33, v0  }
0x39: {  	v36 =	vld [tilespmem:s23+$0x1A30]  }
0x3a: {  	v0 =	vadd.f32 v34, v0  }
0x3b: {  	v37 =	vld [tilespmem:s23+$0x1A70]  }
0x3c: {  	v0 =	vadd.f32 v35, v0  }
0x3d: {  	v38 =	vld [tilespmem:s23+$0x1AB0]  }
0x3e: {  	v0 =	vadd.f32 v36, v0  }
0x3f: {  	v39 =	vld [tilespmem:s23+$0x1AF0]  }
0x40: {  	v0 =	vadd.f32 v37, v0  }
0x41: {  	v40 =	vld [tilespmem:s23+$0x1B30]  }
0x42: {  	v0 =	vadd.f32 v38, v0  }
0x43: {  	v41 =	vld [tilespmem:s23+$0x1B70]  }
0x44: {  	v0 =	vadd.f32 v39, v0  }
0x45: {  	v42 =	vld [tilespmem:s23+$0x1BB0]  }
0x46: {  	v0 =	vadd.f32 v40, v0  }
0x47: {  	v43 =	vld [tilespmem:s23+$0x1BF0]  }
0x48: {  	v0 =	vadd.f32 v41, v0  }
0x49: {  	v44 =	vld [tilespmem:s23+$0x1C30]  }
0x4a: {  	v0 =	vadd.f32 v42, v0  }
0x4b: {  	v45 =	vld [tilespmem:s23+$0x1C70]  }
0x4c: {  	v0 =	vadd.f32 v43, v0  }
0x4d: {  	v46 =	vld [tilespmem:s23+$0x1CB0]  }
0x4e: {  	v0 =	vadd.f32 v44, v0  }
0x4f: {  	v47 =	vld [tilespmem:s23+$0x1CF0]  }
0x50: {  	v0 =	vadd.f32 v45, v0  }
0x51: {  	v48 =	vld [tilespmem:s23+$0x1D30]  }
0x52: {  	v0 =	vadd.f32 v46, v0  }
0x53: {  	v49 =	vld [tilespmem:s23+$0x1D70]  }
0x54: {  	v0 =	vadd.f32 v47, v0  }
0x55: {  	v50 =	vld [tilespmem:s23+$0x1DB0]  }
0x56: {  	v0 =	vadd.f32 v48, v0  }
0x57: {  	v51 =	vld [tilespmem:s23+$0x1DF0]  }
0x58: {  	v0 =	vadd.f32 v49, v0  }
0x59: {  	v52 =	vld [tilespmem:s23+$0x1E30]  }
0x5a: {  	v0 =	vadd.f32 v50, v0  }
0x5b: {  	v53 =	vld [tilespmem:s23+$0x1E70]  }
0x5c: {  	v0 =	vadd.f32 v51, v0  }
0x5d: {  	v54 =	vld [tilespmem:s23+$0x1EB0]  }
0x5e: {  	v0 =	vadd.f32 v52, v0  }
0x5f: {  	v55 =	vld [tilespmem:s23+$0x1EF0]  }
0x60: {  	v0 =	vadd.f32 v53, v0  }
0x61: {  	v56 =	vld [tilespmem:s23+$0x1F30]  }
0x62: {  	v0 =	vadd.f32 v54, v0  }
0x63: {  	v57 =	vld [tilespmem:s23+$0x1F70]  }
0x64: {  	v0 =	vadd.f32 v55, v0  }
0x65: {  	v58 =	vld [tilespmem:s23+$0x1FB0]  }
0x66: {  	v0 =	vadd.f32 v56, v0  }
0x67: {  	v59 =	vld [tilespmem:s23+$0x1FF0]  }
0x68: {  	v0 =	vadd.f32 v57, v0  }
0x69: {  	v60 =	vld [tilespmem:s23+$0x2030]  }
0x6a: {  	v0 =	vadd.f32 v58, v0  }
0x6b: {  	v61 =	vld [tilespmem:s23+$0x2070]  }
0x6c: {  	v0 =	vadd.f32 v59, v0  }
0x6d: {  	v62 =	vld [tilespmem:s23+$0x20B0]  }
0x6e: {  	v0 =	vadd.f32 v60, v0  }
0x6f: {  	v63 =	vld [tilespmem:s23+$0x20F0]  }
0x70: {  	v0 =	vadd.f32 v61, v0  }
0x71: {  	v6 =	vld [tilespmem:s23+$0x2130]  }
0x72: {  	v0 =	vadd.f32 v62, v0  }
0x73: {  	v7 =	vld [tilespmem:s23+$0x2170]  }
0x74: {  	v0 =	vadd.f32 v63, v0  }
0x75: {  	v8 =	vld [tilespmem:s23+$0x21B0]  }
0x76: {  	v0 =	vadd.f32 v6, v0  }
0x77: {  	v9 =	vld [tilespmem:s23+$0x21F0]  }
0x78: {  	v0 =	vadd.f32 v7, v0  }
0x79: {  	v10 =	vld [tilespmem:s23+$0x2230]  }
0x7a: {  	v0 =	vadd.f32 v8, v0  }
0x7b: {  	v11 =	vld [tilespmem:s23+$0x2270]  }
0x7c: {  	v0 =	vadd.f32 v9, v0  }
0x7d: {  	v12 =	vld [tilespmem:s23+$0x22B0]  }
0x7e: {  	v0 =	vadd.f32 v10, v0  }
0x7f: {  	v13 =	vld [tilespmem:s23+$0x22F0]  }
0x80: {  	v0 =	vadd.f32 v11, v0  }
0x81: {  	v14 =	vld [tilespmem:s23+$0x2330]  }
0x82: {  	v0 =	vadd.f32 v12, v0  }
0x83: {  	v15 =	vld [tilespmem:s23+$0x2370]  }
0x84: {  	v0 =	vadd.f32 v13, v0  }
0x85: {  	v16 =	vld [tilespmem:s23+$0x23B0]  }
0x86: {  	v0 =	vadd.f32 v14, v0;
	_ =	sdelay $0x1  }
0x87: {  	v0 =	vadd.f32 v15, v0;
	_ =	sdelay $0x1  }
0x88: {  	s25 =	smul.u32 $0x500, s22;
	v0 =	vadd.f32 v16, v0  }
0x89: {  	s24 =	sshll.u32 s22, $0x6  }
0x8a: {  	s25 =	sshra.s32 s25, $0x2;
	[tilespmem:s24+$0xE370] =	vst v0  }
0x8b: {  	v0 =	vld [tilespmem:s25+$0x370]  }
0x8c: {  	v17 =	vld [tilespmem:s25+$0x3B0];
	_ =	sdelay $0x1  }
0x8d: {  	v18 =	vld [tilespmem:s25+$0x3F0];
	_ =	sdelay $0x1  }
0x8e: {  	v19 =	vld [tilespmem:s25+$0x430]  }
0x8f: {  	v0 =	vadd.f32 v17, v0  }
0x90: {  	v20 =	vld [tilespmem:s25+$0x470]  }
0x91: {  	v0 =	vadd.f32 v18, v0;
	_ =	sdelay $0x1  }
0x92: {  	v0 =	vadd.f32 v19, v0;
	_ =	sdelay $0x1  }
0x93: {  	v0 =	vadd.f32 v20, v0;
	_ =	sdelay $0x1  }
0x94: {  	[tilespmem:s24+$0xDF70] =	vst v0  }
0x95: {  	v0 =	vld [tilespmem:s23+$0x1780]  }
0x96: {  	v21 =	vld [tilespmem:s23+$0x17C0];
	_ =	sdelay $0x1  }
0x97: {  	v22 =	vld [tilespmem:s23+$0x1800];
	_ =	sdelay $0x1  }
0x98: {  	v23 =	vld [tilespmem:s23+$0x1840]  }
0x99: {  	v0 =	vadd.f32 v21, v0  }
0x9a: {  	v24 =	vld [tilespmem:s23+$0x1880]  }
0x9b: {  	v0 =	vadd.f32 v22, v0  }
0x9c: {  	v25 =	vld [tilespmem:s23+$0x18C0]  }
0x9d: {  	v0 =	vadd.f32 v23, v0  }
0x9e: {  	v26 =	vld [tilespmem:s23+$0x1900]  }
0x9f: {  	v0 =	vadd.f32 v24, v0  }
0xa0: {  	v27 =	vld [tilespmem:s23+$0x1940]  }
0xa1: {  	v0 =	vadd.f32 v25, v0  }
0xa2: {  	v28 =	vld [tilespmem:s23+$0x1980]  }
0xa3: {  	v0 =	vadd.f32 v26, v0  }
0xa4: {  	v29 =	vld [tilespmem:s23+$0x19C0]  }
0xa5: {  	v0 =	vadd.f32 v27, v0  }
0xa6: {  	v30 =	vld [tilespmem:s23+$0x1A00]  }
0xa7: {  	v0 =	vadd.f32 v28, v0  }
0xa8: {  	v31 =	vld [tilespmem:s23+$0x1A40]  }
0xa9: {  	v0 =	vadd.f32 v29, v0  }
0xaa: {  	v32 =	vld [tilespmem:s23+$0x1A80]  }
0xab: {  	v0 =	vadd.f32 v30, v0  }
0xac: {  	v33 =	vld [tilespmem:s23+$0x1AC0]  }
0xad: {  	v0 =	vadd.f32 v31, v0  }
0xae: {  	v34 =	vld [tilespmem:s23+$0x1B00]  }
0xaf: {  	v0 =	vadd.f32 v32, v0  }
0xb0: {  	v35 =	vld [tilespmem:s23+$0x1B40]  }
0xb1: {  	v0 =	vadd.f32 v33, v0  }
0xb2: {  	v36 =	vld [tilespmem:s23+$0x1B80]  }
0xb3: {  	v0 =	vadd.f32 v34, v0  }
0xb4: {  	v37 =	vld [tilespmem:s23+$0x1BC0]  }
0xb5: {  	v0 =	vadd.f32 v35, v0  }
0xb6: {  	v38 =	vld [tilespmem:s23+$0x1C00]  }
0xb7: {  	v0 =	vadd.f32 v36, v0  }
0xb8: {  	v39 =	vld [tilespmem:s23+$0x1C40]  }
0xb9: {  	v0 =	vadd.f32 v37, v0  }
0xba: {  	v40 =	vld [tilespmem:s23+$0x1C80]  }
0xbb: {  	v0 =	vadd.f32 v38, v0  }
0xbc: {  	v41 =	vld [tilespmem:s23+$0x1CC0]  }
0xbd: {  	v0 =	vadd.f32 v39, v0  }
0xbe: {  	v42 =	vld [tilespmem:s23+$0x1D00]  }
0xbf: {  	v0 =	vadd.f32 v40, v0  }
0xc0: {  	v43 =	vld [tilespmem:s23+$0x1D40]  }
0xc1: {  	v0 =	vadd.f32 v41, v0  }
0xc2: {  	v44 =	vld [tilespmem:s23+$0x1D80]  }
0xc3: {  	v0 =	vadd.f32 v42, v0  }
0xc4: {  	v45 =	vld [tilespmem:s23+$0x1DC0]  }
0xc5: {  	v0 =	vadd.f32 v43, v0  }
0xc6: {  	v46 =	vld [tilespmem:s23+$0x1E00]  }
0xc7: {  	v0 =	vadd.f32 v44, v0  }
0xc8: {  	v47 =	vld [tilespmem:s23+$0x1E40]  }
0xc9: {  	v0 =	vadd.f32 v45, v0  }
0xca: {  	v48 =	vld [tilespmem:s23+$0x1E80]  }
0xcb: {  	v0 =	vadd.f32 v46, v0  }
0xcc: {  	v49 =	vld [tilespmem:s23+$0x1EC0]  }
0xcd: {  	v0 =	vadd.f32 v47, v0  }
0xce: {  	v50 =	vld [tilespmem:s23+$0x1F00]  }
0xcf: {  	v0 =	vadd.f32 v48, v0  }
0xd0: {  	v51 =	vld [tilespmem:s23+$0x1F40]  }
0xd1: {  	v0 =	vadd.f32 v49, v0  }
0xd2: {  	v52 =	vld [tilespmem:s23+$0x1F80]  }
0xd3: {  	v0 =	vadd.f32 v50, v0  }
0xd4: {  	v53 =	vld [tilespmem:s23+$0x1FC0]  }
0xd5: {  	v0 =	vadd.f32 v51, v0  }
0xd6: {  	v54 =	vld [tilespmem:s23+$0x2000]  }
0xd7: {  	v0 =	vadd.f32 v52, v0  }
0xd8: {  	v55 =	vld [tilespmem:s23+$0x2040]  }
0xd9: {  	v0 =	vadd.f32 v53, v0  }
0xda: {  	v56 =	vld [tilespmem:s23+$0x2080]  }
0xdb: {  	v0 =	vadd.f32 v54, v0  }
0xdc: {  	v57 =	vld [tilespmem:s23+$0x20C0]  }
0xdd: {  	v0 =	vadd.f32 v55, v0  }
0xde: {  	v58 =	vld [tilespmem:s23+$0x2100]  }
0xdf: {  	v0 =	vadd.f32 v56, v0  }
0xe0: {  	v59 =	vld [tilespmem:s23+$0x2140]  }
0xe1: {  	v0 =	vadd.f32 v57, v0  }
0xe2: {  	v60 =	vld [tilespmem:s23+$0x2180]  }
0xe3: {  	v0 =	vadd.f32 v58, v0  }
0xe4: {  	v61 =	vld [tilespmem:s23+$0x21C0]  }
0xe5: {  	v0 =	vadd.f32 v59, v0  }
0xe6: {  	v62 =	vld [tilespmem:s23+$0x2200]  }
0xe7: {  	v0 =	vadd.f32 v60, v0  }
0xe8: {  	v63 =	vld [tilespmem:s23+$0x2240]  }
0xe9: {  	v0 =	vadd.f32 v61, v0  }
0xea: {  	v6 =	vld [tilespmem:s23+$0x2280]  }
0xeb: {  	v0 =	vadd.f32 v62, v0  }
0xec: {  	v7 =	vld [tilespmem:s23+$0x22C0]  }
0xed: {  	v0 =	vadd.f32 v63, v0  }
0xee: {  	v8 =	vld [tilespmem:s23+$0x2300]  }
0xef: {  	v0 =	vadd.f32 v6, v0  }
0xf0: {  	v9 =	vld [tilespmem:s23+$0x2340]  }
0xf1: {  	v0 =	vadd.f32 v7, v0  }
0xf2: {  	v10 =	vld [tilespmem:s23+$0x2380]  }
0xf3: {  	v0 =	vadd.f32 v8, v0  }
0xf4: {  	v11 =	vld [tilespmem:s23+$0x23C0]  }
0xf5: {  	v0 =	vadd.f32 v9, v0;
	_ =	sdelay $0x1  }
0xf6: {  	v0 =	vadd.f32 v10, v0;
	_ =	sdelay $0x1  }
0xf7: {  	v0 =	vadd.f32 v11, v0;
	_ =	sdelay $0x1  }
0xf8: {  	[tilespmem:s24+$0xE380] =	vst v0  }
0xf9: {  	v0 =	vld [tilespmem:s25+$0x380]  }
0xfa: {  	v12 =	vld [tilespmem:s25+$0x3C0];
	_ =	sdelay $0x1  }
0xfb: {  	v13 =	vld [tilespmem:s25+$0x400];
	_ =	sdelay $0x1  }
0xfc: {  	v14 =	vld [tilespmem:s25+$0x440]  }
0xfd: {  	v0 =	vadd.f32 v12, v0  }
0xfe: {  	v15 =	vld [tilespmem:s25+$0x480]  }
0xff: {  	v0 =	vadd.f32 v13, v0;
	_ =	sdelay $0x1  }
0x100: {  	v0 =	vadd.f32 v14, v0;
	_ =	sdelay $0x1  }
0x101: {  	v0 =	vadd.f32 v15, v0;
	_ =	sdelay $0x1  }
0x102: {  	[tilespmem:s24+$0xDF80] =	vst v0  }
0x103: {  	v0 =	vld [tilespmem:s23+$0x1790]  }
0x104: {  	v16 =	vld [tilespmem:s23+$0x17D0];
	_ =	sdelay $0x1  }
0x105: {  	v17 =	vld [tilespmem:s23+$0x1810];
	_ =	sdelay $0x1  }
0x106: {  	v18 =	vld [tilespmem:s23+$0x1850]  }
0x107: {  	v0 =	vadd.f32 v16, v0  }
0x108: {  	v19 =	vld [tilespmem:s23+$0x1890]  }
0x109: {  	v0 =	vadd.f32 v17, v0  }
0x10a: {  	v20 =	vld [tilespmem:s23+$0x18D0]  }
0x10b: {  	v0 =	vadd.f32 v18, v0  }
0x10c: {  	v21 =	vld [tilespmem:s23+$0x1910]  }
0x10d: {  	v0 =	vadd.f32 v19, v0  }
0x10e: {  	v22 =	vld [tilespmem:s23+$0x1950]  }
0x10f: {  	v0 =	vadd.f32 v20, v0  }
0x110: {  	v23 =	vld [tilespmem:s23+$0x1990]  }
0x111: {  	v0 =	vadd.f32 v21, v0  }
0x112: {  	v24 =	vld [tilespmem:s23+$0x19D0]  }
0x113: {  	v0 =	vadd.f32 v22, v0  }
0x114: {  	v25 =	vld [tilespmem:s23+$0x1A10]  }
0x115: {  	v0 =	vadd.f32 v23, v0  }
0x116: {  	v26 =	vld [tilespmem:s23+$0x1A50]  }
0x117: {  	v0 =	vadd.f32 v24, v0  }
0x118: {  	v27 =	vld [tilespmem:s23+$0x1A90]  }
0x119: {  	v0 =	vadd.f32 v25, v0  }
0x11a: {  	v28 =	vld [tilespmem:s23+$0x1AD0]  }
0x11b: {  	v0 =	vadd.f32 v26, v0  }
0x11c: {  	v29 =	vld [tilespmem:s23+$0x1B10]  }
0x11d: {  	v0 =	vadd.f32 v27, v0  }
0x11e: {  	v30 =	vld [tilespmem:s23+$0x1B50]  }
0x11f: {  	v0 =	vadd.f32 v28, v0  }
0x120: {  	v31 =	vld [tilespmem:s23+$0x1B90]  }
0x121: {  	v0 =	vadd.f32 v29, v0  }
0x122: {  	v32 =	vld [tilespmem:s23+$0x1BD0]  }
0x123: {  	v0 =	vadd.f32 v30, v0  }
0x124: {  	v33 =	vld [tilespmem:s23+$0x1C10]  }
0x125: {  	v0 =	vadd.f32 v31, v0  }
0x126: {  	v34 =	vld [tilespmem:s23+$0x1C50]  }
0x127: {  	v0 =	vadd.f32 v32, v0  }
0x128: {  	v35 =	vld [tilespmem:s23+$0x1C90]  }
0x129: {  	v0 =	vadd.f32 v33, v0  }
0x12a: {  	v36 =	vld [tilespmem:s23+$0x1CD0]  }
0x12b: {  	v0 =	vadd.f32 v34, v0  }
0x12c: {  	v37 =	vld [tilespmem:s23+$0x1D10]  }
0x12d: {  	v0 =	vadd.f32 v35, v0  }
0x12e: {  	v38 =	vld [tilespmem:s23+$0x1D50]  }
0x12f: {  	v0 =	vadd.f32 v36, v0  }
0x130: {  	v39 =	vld [tilespmem:s23+$0x1D90]  }
0x131: {  	v0 =	vadd.f32 v37, v0  }
0x132: {  	v40 =	vld [tilespmem:s23+$0x1DD0]  }
0x133: {  	v0 =	vadd.f32 v38, v0  }
0x134: {  	v41 =	vld [tilespmem:s23+$0x1E10]  }
0x135: {  	v0 =	vadd.f32 v39, v0  }
0x136: {  	v42 =	vld [tilespmem:s23+$0x1E50]  }
0x137: {  	v0 =	vadd.f32 v40, v0  }
0x138: {  	v43 =	vld [tilespmem:s23+$0x1E90]  }
0x139: {  	v0 =	vadd.f32 v41, v0  }
0x13a: {  	v44 =	vld [tilespmem:s23+$0x1ED0]  }
0x13b: {  	v0 =	vadd.f32 v42, v0  }
0x13c: {  	v45 =	vld [tilespmem:s23+$0x1F10]  }
0x13d: {  	v0 =	vadd.f32 v43, v0  }
0x13e: {  	v46 =	vld [tilespmem:s23+$0x1F50]  }
0x13f: {  	v0 =	vadd.f32 v44, v0  }
0x140: {  	v47 =	vld [tilespmem:s23+$0x1F90]  }
0x141: {  	v0 =	vadd.f32 v45, v0  }
0x142: {  	v48 =	vld [tilespmem:s23+$0x1FD0]  }
0x143: {  	v0 =	vadd.f32 v46, v0  }
0x144: {  	v49 =	vld [tilespmem:s23+$0x2010]  }
0x145: {  	v0 =	vadd.f32 v47, v0  }
0x146: {  	v50 =	vld [tilespmem:s23+$0x2050]  }
0x147: {  	v0 =	vadd.f32 v48, v0  }
0x148: {  	v51 =	vld [tilespmem:s23+$0x2090]  }
0x149: {  	v0 =	vadd.f32 v49, v0  }
0x14a: {  	v52 =	vld [tilespmem:s23+$0x20D0]  }
0x14b: {  	v0 =	vadd.f32 v50, v0  }
0x14c: {  	v53 =	vld [tilespmem:s23+$0x2110]  }
0x14d: {  	v0 =	vadd.f32 v51, v0  }
0x14e: {  	v54 =	vld [tilespmem:s23+$0x2150]  }
0x14f: {  	v0 =	vadd.f32 v52, v0  }
0x150: {  	v55 =	vld [tilespmem:s23+$0x2190]  }
0x151: {  	v0 =	vadd.f32 v53, v0  }
0x152: {  	v56 =	vld [tilespmem:s23+$0x21D0]  }
0x153: {  	v0 =	vadd.f32 v54, v0  }
0x154: {  	v57 =	vld [tilespmem:s23+$0x2210]  }
0x155: {  	v0 =	vadd.f32 v55, v0  }
0x156: {  	v58 =	vld [tilespmem:s23+$0x2250]  }
0x157: {  	v0 =	vadd.f32 v56, v0  }
0x158: {  	v59 =	vld [tilespmem:s23+$0x2290]  }
0x159: {  	v0 =	vadd.f32 v57, v0  }
0x15a: {  	v60 =	vld [tilespmem:s23+$0x22D0]  }
0x15b: {  	v0 =	vadd.f32 v58, v0  }
0x15c: {  	v61 =	vld [tilespmem:s23+$0x2310]  }
0x15d: {  	v0 =	vadd.f32 v59, v0  }
0x15e: {  	v62 =	vld [tilespmem:s23+$0x2350]  }
0x15f: {  	v0 =	vadd.f32 v60, v0  }
0x160: {  	v63 =	vld [tilespmem:s23+$0x2390]  }
0x161: {  	v0 =	vadd.f32 v61, v0  }
0x162: {  	v6 =	vld [tilespmem:s23+$0x23D0]  }
0x163: {  	v0 =	vadd.f32 v62, v0;
	_ =	sdelay $0x1  }
0x164: {  	v0 =	vadd.f32 v63, v0;
	_ =	sdelay $0x1  }
0x165: {  	v0 =	vadd.f32 v6, v0;
	_ =	sdelay $0x1  }
0x166: {  	[tilespmem:s24+$0xE390] =	vst v0  }
0x167: {  	v0 =	vld [tilespmem:s25+$0x390]  }
0x168: {  	v7 =	vld [tilespmem:s25+$0x3D0];
	_ =	sdelay $0x1  }
0x169: {  	v8 =	vld [tilespmem:s25+$0x410];
	_ =	sdelay $0x1  }
0x16a: {  	v9 =	vld [tilespmem:s25+$0x450]  }
0x16b: {  	v0 =	vadd.f32 v7, v0  }
0x16c: {  	v10 =	vld [tilespmem:s25+$0x490]  }
0x16d: {  	v0 =	vadd.f32 v8, v0;
	_ =	sdelay $0x1  }
0x16e: {  	v0 =	vadd.f32 v9, v0;
	_ =	sdelay $0x1  }
0x16f: {  	v0 =	vadd.f32 v10, v0;
	_ =	sdelay $0x1  }
0x170: {  	[tilespmem:s24+$0xDF90] =	vst v0  }
0x171: {  	v0 =	vld [tilespmem:s23+$0x17A0]  }
0x172: {  	v11 =	vld [tilespmem:s23+$0x17E0];
	_ =	sdelay $0x1  }
0x173: {  	v12 =	vld [tilespmem:s23+$0x1820];
	_ =	sdelay $0x1  }
0x174: {  	v13 =	vld [tilespmem:s23+$0x1860]  }
0x175: {  	v0 =	vadd.f32 v11, v0  }
0x176: {  	v14 =	vld [tilespmem:s23+$0x18A0]  }
0x177: {  	v0 =	vadd.f32 v12, v0  }
0x178: {  	v15 =	vld [tilespmem:s23+$0x18E0]  }
0x179: {  	v0 =	vadd.f32 v13, v0  }
0x17a: {  	v16 =	vld [tilespmem:s23+$0x1920]  }
0x17b: {  	v0 =	vadd.f32 v14, v0  }
0x17c: {  	v17 =	vld [tilespmem:s23+$0x1960]  }
0x17d: {  	v0 =	vadd.f32 v15, v0  }
0x17e: {  	v18 =	vld [tilespmem:s23+$0x19A0]  }
0x17f: {  	v0 =	vadd.f32 v16, v0  }
0x180: {  	v19 =	vld [tilespmem:s23+$0x19E0]  }
0x181: {  	v0 =	vadd.f32 v17, v0  }
0x182: {  	v20 =	vld [tilespmem:s23+$0x1A20]  }
0x183: {  	v0 =	vadd.f32 v18, v0  }
0x184: {  	v21 =	vld [tilespmem:s23+$0x1A60]  }
0x185: {  	v0 =	vadd.f32 v19, v0  }
0x186: {  	v22 =	vld [tilespmem:s23+$0x1AA0]  }
0x187: {  	v0 =	vadd.f32 v20, v0  }
0x188: {  	v23 =	vld [tilespmem:s23+$0x1AE0]  }
0x189: {  	v0 =	vadd.f32 v21, v0  }
0x18a: {  	v24 =	vld [tilespmem:s23+$0x1B20]  }
0x18b: {  	v0 =	vadd.f32 v22, v0  }
0x18c: {  	v25 =	vld [tilespmem:s23+$0x1B60]  }
0x18d: {  	v0 =	vadd.f32 v23, v0  }
0x18e: {  	v26 =	vld [tilespmem:s23+$0x1BA0]  }
0x18f: {  	v0 =	vadd.f32 v24, v0  }
0x190: {  	v27 =	vld [tilespmem:s23+$0x1BE0]  }
0x191: {  	v0 =	vadd.f32 v25, v0  }
0x192: {  	v28 =	vld [tilespmem:s23+$0x1C20]  }
0x193: {  	v0 =	vadd.f32 v26, v0  }
0x194: {  	v29 =	vld [tilespmem:s23+$0x1C60]  }
0x195: {  	v0 =	vadd.f32 v27, v0  }
0x196: {  	v30 =	vld [tilespmem:s23+$0x1CA0]  }
0x197: {  	v0 =	vadd.f32 v28, v0  }
0x198: {  	v31 =	vld [tilespmem:s23+$0x1CE0]  }
0x199: {  	v0 =	vadd.f32 v29, v0  }
0x19a: {  	v32 =	vld [tilespmem:s23+$0x1D20]  }
0x19b: {  	v0 =	vadd.f32 v30, v0  }
0x19c: {  	v33 =	vld [tilespmem:s23+$0x1D60]  }
0x19d: {  	v0 =	vadd.f32 v31, v0  }
0x19e: {  	v34 =	vld [tilespmem:s23+$0x1DA0]  }
0x19f: {  	v0 =	vadd.f32 v32, v0  }
0x1a0: {  	v35 =	vld [tilespmem:s23+$0x1DE0]  }
0x1a1: {  	v0 =	vadd.f32 v33, v0  }
0x1a2: {  	v36 =	vld [tilespmem:s23+$0x1E20]  }
0x1a3: {  	v0 =	vadd.f32 v34, v0  }
0x1a4: {  	v37 =	vld [tilespmem:s23+$0x1E60]  }
0x1a5: {  	v0 =	vadd.f32 v35, v0  }
0x1a6: {  	v38 =	vld [tilespmem:s23+$0x1EA0]  }
0x1a7: {  	v0 =	vadd.f32 v36, v0  }
0x1a8: {  	v39 =	vld [tilespmem:s23+$0x1EE0]  }
0x1a9: {  	v0 =	vadd.f32 v37, v0  }
0x1aa: {  	v40 =	vld [tilespmem:s23+$0x1F20]  }
0x1ab: {  	v0 =	vadd.f32 v38, v0  }
0x1ac: {  	v41 =	vld [tilespmem:s23+$0x1F60]  }
0x1ad: {  	v0 =	vadd.f32 v39, v0  }
0x1ae: {  	v42 =	vld [tilespmem:s23+$0x1FA0]  }
0x1af: {  	v0 =	vadd.f32 v40, v0  }
0x1b0: {  	v43 =	vld [tilespmem:s23+$0x1FE0]  }
0x1b1: {  	v0 =	vadd.f32 v41, v0  }
0x1b2: {  	v44 =	vld [tilespmem:s23+$0x2020]  }
0x1b3: {  	v0 =	vadd.f32 v42, v0  }
0x1b4: {  	v45 =	vld [tilespmem:s23+$0x2060]  }
0x1b5: {  	v0 =	vadd.f32 v43, v0  }
0x1b6: {  	v46 =	vld [tilespmem:s23+$0x20A0]  }
0x1b7: {  	v0 =	vadd.f32 v44, v0  }
0x1b8: {  	v47 =	vld [tilespmem:s23+$0x20E0]  }
0x1b9: {  	v0 =	vadd.f32 v45, v0  }
0x1ba: {  	v48 =	vld [tilespmem:s23+$0x2120]  }
0x1bb: {  	v0 =	vadd.f32 v46, v0  }
0x1bc: {  	v49 =	vld [tilespmem:s23+$0x2160]  }
0x1bd: {  	v0 =	vadd.f32 v47, v0  }
0x1be: {  	v50 =	vld [tilespmem:s23+$0x21A0]  }
0x1bf: {  	v0 =	vadd.f32 v48, v0  }
0x1c0: {  	v51 =	vld [tilespmem:s23+$0x21E0]  }
0x1c1: {  	v0 =	vadd.f32 v49, v0  }
0x1c2: {  	v52 =	vld [tilespmem:s23+$0x2220]  }
0x1c3: {  	v0 =	vadd.f32 v50, v0  }
0x1c4: {  	v53 =	vld [tilespmem:s23+$0x2260]  }
0x1c5: {  	v0 =	vadd.f32 v51, v0  }
0x1c6: {  	v54 =	vld [tilespmem:s23+$0x22A0]  }
0x1c7: {  	v0 =	vadd.f32 v52, v0  }
0x1c8: {  	v55 =	vld [tilespmem:s23+$0x22E0]  }
0x1c9: {  	v0 =	vadd.f32 v53, v0  }
0x1ca: {  	v56 =	vld [tilespmem:s23+$0x2320]  }
0x1cb: {  	v0 =	vadd.f32 v54, v0  }
0x1cc: {  	v57 =	vld [tilespmem:s23+$0x2360]  }
0x1cd: {  	v0 =	vadd.f32 v55, v0  }
0x1ce: {  	v58 =	vld [tilespmem:s23+$0x23A0]  }
0x1cf: {  	v0 =	vadd.f32 v56, v0  }
0x1d0: {  	v59 =	vld [tilespmem:s23+$0x23E0]  }
0x1d1: {  	v0 =	vadd.f32 v57, v0;
	_ =	sdelay $0x1  }
0x1d2: {  	v0 =	vadd.f32 v58, v0;
	_ =	sdelay $0x1  }
0x1d3: {  	v0 =	vadd.f32 v59, v0;
	_ =	sdelay $0x1  }
0x1d4: {  	[tilespmem:s24+$0xE3A0] =	vst v0  }
0x1d5: {  	v0 =	vld [tilespmem:s25+$0x3A0]  }
0x1d6: {  	v60 =	vld [tilespmem:s25+$0x3E0];
	_ =	sdelay $0x1  }
0x1d7: {  	v61 =	vld [tilespmem:s25+$0x420];
	_ =	sdelay $0x1  }
0x1d8: {  	v62 =	vld [tilespmem:s25+$0x460]  }
0x1d9: {  	v0 =	vadd.f32 v60, v0  }
0x1da: {  	v63 =	vld [tilespmem:s25+$0x4A0]  }
0x1db: {  	v0 =	vadd.f32 v61, v0  }
0x1dc: {  	p0 =	sne.s32 s22, $0xF  }
.Ltmp0:
0x1dd: {  	v0 =	vadd.f32 v62, v0;
	(pc) =	sbr.rel @p0 .LBB2_3-.Ltmp0, $3  }
0x1de: {  	_ = 	snop  }
0x1df: {  	v0 =	vadd.f32 v63, v0;
	_ =	sdelay $0x1  }
0x1e0: {  	s22 =	sadd.s32 $0x1, s22;
	[tilespmem:s24+$0xDFA0] =	vst v0  }
0x1e1: {  	s21 =	sshll.u32 s21, $0x3  }
0x1e2: {  	s22 =	sadd.s32 s1, s21  }
0x1e3: {  	[hbm4b:s22+s2] =	stream.linear.scatter [tilespmem:s17], [sflag:$0x2], $0x400, $0x38;
	[tilespmem:$0xE770] =	vst v63  }
0x1e4: {  	s20 =	sadd.s32 $0x1, s20;
	_ =	swait.ge [sflag:s11], $0x400  }
0x1e5: {  	p0 =	sne.s32 s20, $0x20;
	[sflag:s11] =	ssyncset.done $0x0  }
.Ltmp1:
0x1e6: {  	s21 =	sadd.s32 s8, s21;
	[sflag:s11] =	ssyncadd.s32 $0xFFFFFC00;
	(pc) =	sbr.rel @p0 .LBB2_2-.Ltmp1, $4  }
0x1e7: {  	[hbm4b:s21+s2] =	stream.linear.scatter [tilespmem:s18], [sflag:$0x2], $0x400, $0x38;
	[tilespmem:$0xE770] =	vst v63  }
0x1e8: {  	_ =	swait.ge [sflag:s11], $0x400  }
0x1e9: {  	[sflag:s11] =	ssyncset.done $0x0  }
0x1ea: {  	[sflag:s11] =	ssyncadd.s32 $0xFFFFFC00  }
0x1eb: {  	s19 =	sadd.s32 $0x1, s19  }
0x1ec: {  	p0 =	sne.s32 s19, s10  }
.Ltmp2:
0x1ed: {  	_ = 	snop;
	(pc) =	sbr.rel @p0 .LBB2_1-.Ltmp2, $1  }
0x1ee: {  	_ =	sdelay $0x3  }
0x1ef: {  	_ =	sfence.sel $0x180000  }
0x1f0: {  	[bflag:$0x0] =	sbarrier.arrive $0xFFFF  }
0x1f1: {  	p0 =	sne.s32 s4, $0x0;
	_ =	strace $0x9000004A  }
0x1f2: {  	s0 =	sadd.s32 @!p0 $0x100000, s0;
	[bflag:$0x2] =	sbarrier.arrive $0xFFFF  }
0x1f3: {  	[sflag:s0] =	ssyncadd.tile.s32 @!p0 $0x1;
	_ =	shalt  }
.Lfunc_end2:
_tile_overlayer_lowered:
.L_overlay_start_2:
0x1f4: {  	(tag) =	ssettag $0x2  }
0x1f5: {  	s0 =	rddreg [dreg:$0x0];
	s2 =	stileid.u32  }
0x1f6: {  	s1 =	rddreg [dreg:$0x1];
	p0 =	sne.s32 s2, $0x0  }
0x1f7: {  	s3 =	rddreg [dreg:$0x2];
	[bflag:$0x3] =	sbarrier.arrive $0xFFFF;
	s2 =	simm.s32 @!p0 $0x1C02  }
0x1f8: {  	[timem:s3], [sflag:s2] =	dma.local @!p0 [hbm:s0], s1  }
0x1f9: {  	s0 =	simm.s32 @!p0 $0x2  }
0x1fa: {  	_ =	swait.ge @!p0 [sflag:s0], s1  }
0x1fb: {  	s1 =	ssub.s32 @!p0 $0x0, s1;
	[sflag:s0] =	ssyncset.done @!p0 $0x0  }
0x1fc: {  	[sflag:s0] =	ssyncadd.s32 @!p0 s1  }
0x1fd: {  	[bflag:$0x3] =	sbarrier.arrive $0xFFFF  }
0x1fe: {  	_ =	shalt  }

// kernel: kernel.8.cloned.1.call-start
scs
__scs_entry_jumppad:
0x0: {  	(pc) =	sbr.rel $0x88, $3  }
0x1: {  	(tag) =	ssettag $0x0;
	lr =	simm.s32 $0x1  }
0x2: {  	[smem:$0x3F92] =	sst lr;
	_ =	strace $0xD0000000  }
0x3: {  	_ = 	snop  }
0x4: {  	_ = 	snop  }
0x5: {  	_ = 	snop  }
0x6: {  	_ = 	snop  }
0x7: {  	_ = 	snop  }
__scs_overlays_trampoline_lowered:
0x8: {  	[smem:$0x3FA1] =	sst s0  }
0x9: {  	[smem:$0x3FA2] =	sst s1  }
0xa: {  	[smem:$0x3FA3] =	sst s2  }
0xb: {  	[smem:$0x3FA4] =	sst s3  }
0xc: {  	[smem:$0x3FA5] =	sst s4  }
0xd: {  	[smem:$0x3FA6] =	sst s5  }
0xe: {  	[smem:$0x3FA7] =	sst s6  }
0xf: {  	[smem:$0x3FA8] =	sst s7  }
0x10: {  	[smem:$0x3FA9] =	sst s8  }
0x11: {  	[smem:$0x3FAA] =	sst s9;
	s0 =	simm.s32 @!p0 $0x0  }
0x12: {  	s1 =	sld [smem:$0x3F90];
	s0 =	simm.s32 @p0 $0x1  }
0x13: {  	[smem:$0x3FAB] =	sst s0;
	s0 =	simm.s32 @!p1 $0x0  }
0x14: {  	s2 =	sld [smem:$0x3F8F];
	s0 =	simm.s32 @p1 $0x1  }
0x15: {  	[smem:$0x3FAC] =	sst s0;
	s0 =	simm.s32 @!p2 $0x0  }
0x16: {  	s3 =	sld [smem:$0x3FDB];
	s0 =	simm.s32 @p2 $0x1  }
0x17: {  	s4 =	simm.s32 $0x1BF5;
	[smem:$0x3FAE] =	sst s0  }
0x18: {  	s0 =	sld [smem:$0x3F91];
	_ =	swait.ge [sflag:s4], $0x0  }
0x19: {  	s7 =	sld [smem:$0x3F92]  }
0x1a: {  	s8 =	sadd.s32 $0xFFFFE003, lr  }
0x1b: {  	s9 =	sadd.s32 $0xFFFFFEF7, lr;
	s5 =	simm.s32 $0xFFFFFFFF;
	p2 =	slt.u32 s8, $0xFFFFF086  }
0x1c: {  	p1 =	slt.u32 s9, $0xF7A;
	s5 =	simm.s32 @!p2 $0x0  }
0x1d: {  	s5 =	simm.s32 @p1 $0x1;
	p0 =	seq.s32 s7, s2  }
0x1e: {  	s7 =	smul.u32 @!p0 $0xF7A, s2;
	p2 =	seq.s32 @!p0 s5, $0x0  }
0x1f: {  	s9 =	smul.u32 $0xF7A, s1;
	s8 =	simm.s32 @!p0 $0x1BF5;
	p2 =	por !p2, p0  }
0x20: {  	[sflag:s8] =	ssyncset.s32 @!p0 $0xFFFFF086;
	s6 =	sadd.s32 @!p0 s3, s7;
	s7 =	simm.s32 @!p0 $0x108  }
0x21: {  	s3 =	sadd.s32 s3, s9;
	s6 =	sadd.s32 @!p0 $0x88, s6;
	s7 =	simm.s32 @p2 $0x1082  }
0x22: {  	[simem:s7], [sflag:s8] =	dma.local @!p0 [hbm:s6], $0xF7A  }
0x23: {  	s9 =	sor.u32 $0xD0000000, s2;
	s6 =	simm.s32 $0x108;
	_ =	swait.ge @!p0 [sflag:s8], $0x0  }
0x24: {  	s3 =	sadd.s32 $0x88, s3;
	s6 =	simm.s32 @!p1 $0x1082;
	[sflag:s4] =	ssyncset.s32 $0xFFFFF086  }
0x25: {  	[simem:s6], [sflag:s4] =	dma.local [hbm:s3], $0xF7A  }
0x26: {  	[smem:$0x3F92] =	sst s1;
	(tag) =	ssettag s2;
	_ =	strace s9  }
0x27: {  	s1 =	sld [smem:$0x3FA2]  }
0x28: {  	s2 =	sld [smem:$0x3FA3]  }
0x29: {  	s4 =	sld [smem:$0x3FA5]  }
0x2a: {  	p0 =	seq.s32 s5, $0x0;
	s5 =	sld [smem:$0x3FA6]  }
0x2b: {  	s6 =	sld [smem:$0x3FA7]  }
0x2c: {  	s7 =	sld [smem:$0x3FA8]  }
0x2d: {  	s3 =	simm.s32 $0x108;
	s8 =	sld [smem:$0x3FA9]  }
0x2e: {  	s3 =	simm.s32 @!p0 $0x1082;
	s9 =	sld [smem:$0x3FAA]  }
0x2f: {  	lr =	sadd.s32 s0, s3;
	s0 =	sld [smem:$0x3FA1]  }
0x30: {  	s3 =	sld [smem:$0x3FA4]  }
0x31: {  	[smem:$0x3FAD] =	sst s10  }
0x32: {  	s10 =	sld [smem:$0x3FAB];
	_ =	sdelay $0x3  }
0x33: {  	p0 =	seq.s32 s10, $0x1;
	s10 =	sld [smem:$0x3FAD];
	_ =	sdelay $0x3  }
0x34: {  	[smem:$0x3FAD] =	sst s10  }
0x35: {  	s10 =	sld [smem:$0x3FAC];
	_ =	sdelay $0x3  }
0x36: {  	p1 =	seq.s32 s10, $0x1;
	s10 =	sld [smem:$0x3FAD];
	_ =	sdelay $0x3  }
0x37: {  	[smem:$0x3FAD] =	sst s10  }
0x38: {  	s10 =	sld [smem:$0x3FAE]  }
0x39: {  	_ = 	snop;
	(pc) =	sbr.ind lr, $3  }
0x3a: {  	_ = 	snop  }
0x3b: {  	_ = 	snop  }
0x3c: {  	p2 =	seq.s32 s10, $0x1;
	s10 =	sld [smem:$0x3FAD]  }
0x3d: {  	_ =	shalt  }
0x3e: {  	_ =	shalt  }
0x3f: {  	_ =	shalt  }
0x40: {  	_ =	shalt  }
0x41: {  	_ =	shalt  }
0x42: {  	_ =	shalt  }
0x43: {  	_ =	shalt  }
0x44: {  	_ =	shalt  }
0x45: {  	_ =	shalt  }
0x46: {  	_ =	shalt  }
0x47: {  	_ =	shalt  }
0x48: {  	_ =	shalt  }
0x49: {  	_ =	shalt  }
0x4a: {  	_ =	shalt  }
0x4b: {  	_ =	shalt  }
0x4c: {  	_ =	shalt  }
0x4d: {  	_ =	shalt  }
0x4e: {  	_ =	shalt  }
0x4f: {  	_ =	shalt  }
0x50: {  	_ =	shalt  }
0x51: {  	_ =	shalt  }
0x52: {  	_ =	shalt  }
0x53: {  	_ =	shalt  }
0x54: {  	_ =	shalt  }
0x55: {  	_ =	shalt  }
0x56: {  	_ =	shalt  }
0x57: {  	_ =	shalt  }
0x58: {  	_ =	shalt  }
0x59: {  	_ =	shalt  }
0x5a: {  	_ =	shalt  }
0x5b: {  	_ =	shalt  }
0x5c: {  	_ =	shalt  }
0x5d: {  	_ =	shalt  }
0x5e: {  	_ =	shalt  }
0x5f: {  	_ =	shalt  }
0x60: {  	_ =	shalt  }
0x61: {  	_ =	shalt  }
0x62: {  	_ =	shalt  }
0x63: {  	_ =	shalt  }
0x64: {  	_ =	shalt  }
0x65: {  	_ =	shalt  }
0x66: {  	_ =	shalt  }
0x67: {  	_ =	shalt  }
0x68: {  	_ =	shalt  }
0x69: {  	_ =	shalt  }
0x6a: {  	_ =	shalt  }
0x6b: {  	_ =	shalt  }
0x6c: {  	_ =	shalt  }
0x6d: {  	_ =	shalt  }
0x6e: {  	_ =	shalt  }
0x6f: {  	_ =	shalt  }
0x70: {  	_ =	shalt  }
0x71: {  	_ =	shalt  }
0x72: {  	_ =	shalt  }
0x73: {  	_ =	shalt  }
0x74: {  	_ =	shalt  }
0x75: {  	_ =	shalt  }
0x76: {  	_ =	shalt  }
0x77: {  	_ =	shalt  }
0x78: {  	_ =	shalt  }
0x79: {  	_ =	shalt  }
0x7a: {  	_ =	shalt  }
0x7b: {  	_ =	shalt  }
0x7c: {  	_ =	shalt  }
0x7d: {  	_ =	shalt  }
0x7e: {  	_ =	shalt  }
0x7f: {  	_ =	shalt  }
0x80: {  	_ =	shalt  }
0x81: {  	_ =	shalt  }
0x82: {  	_ =	shalt  }
0x83: {  	_ =	shalt  }
0x84: {  	_ =	shalt  }
0x85: {  	_ =	shalt  }
0x86: {  	_ =	shalt  }
0x87: {  	_ =	shalt  }
.Lfunc_end0:
.L_simem_size_0:
called_computation.1_lowered:
.L_overlay_start_0:
0x88: {  	s2 =	sld [smem:$0x3FD9]  }
0x89: {  	s3 =	sld [smem:$0x3FFE];
	_ =	sdelay $0x1  }
0x8a: {  	s1 =	srdreg.scid  }
0x8b: {  	s0 =	sand.u32 $0x1, s1  }
0x8c: {  	s17 =	sshll.u32 s0, $0xA;
	s2 =	sadd.s32 s3, s2  }
0x8d: {  	s2 =	sadd.s32 s2, s17  }
0x8e: {  	[smem:$0x3FB9] =	sst s2  }
0x8f: {  	_ = 	snop  }
0x90: {  	s2 =	sld [smem:$0x3FC9];
	(tm) =	ssettm $0x1  }
0x91: {  	s18 =	sld [smem:$0x3FFB];
	_ =	sdelay $0x3  }
0x92: {  	_ =	strace s18  }
0x93: {  	s3 =	sld [smem:$0x3FFC];
	_ =	sdelay $0x3  }
0x94: {  	_ =	strace s3  }
0x95: {  	s3 =	sld [smem:$0x3FFD];
	_ =	sdelay $0x3  }
0x96: {  	_ =	strace s3  }
0x97: {  	_ =	strace $0x8FFFFFFF  }
0x98: {  	s19 =	sld [smem:$0x3FDB];
	_ =	sdelay $0x1  }
0x99: {  	s4 =	simm.s32 $_scs_section_size  }
0x9a: {  	s5 =	simm.s32 $_size__tile_overlayer_lowered;
	s6 =	simm.s32 $_tile_overlayer_lowered  }
0x9b: {  	s22 =	simm.s32 $0x1BFF;
	s21 =	sshll.u32 s6, $0x1;
	s3 =	sadd.s32 s4, s19  }
0x9c: {  	s7 =	simm.s32 $0x0;
	s20 =	sshll.u32 s5, $0x1;
	s5 =	sadd.s32 s21, s3  }
0x9d: {  	[timem:s7], [sflag:s22] =	dma.local [hbm:s5], s20  }
0x9e: {  	_ =	swait.ge [sflag:s22], s20  }
0x9f: {  	s4 =	ssub.s32 $0x0, s20;
	[sflag:s22] =	ssyncset.done $0x0  }
0xa0: {  	[sflag:s22] =	ssyncadd.s32 s4;
	_ =	sdelay $0x1  }
0xa1: {  	s23 =	simm.s32 $0x1B8B  }
0xa2: {  	_ =	swait.ge [sflag:s23], $0x1  }
0xa3: {  	[sflag:s23] =	ssyncset.done $0x0  }
0xa4: {  	s25 =	simm.s32 $0x1B8E;
	s24 =	sld [smem:$0x3FFE];
	[sflag:s23] =	ssyncadd.s32 $0xFFFFFFFF  }
0xa5: {  	s26 =	simm.s32 $execute0_lowered;
	[smem:$0x3FD2] =	sst s25  }
0xa6: {  	s5 =	sshll.u32 s26, $0x1;
	_ =	strace $0x80000046;
	[dreg:$0x1] =	wrdreg $0xFFFFFFFF  }
0xa7: {  	s28 =	simm.s32 $_size_execute0_lowered;
	s3 =	sadd.s32 s3, s5;
	[dreg:$0x0] =	wrdreg $0x0  }
0xa8: {  	s5 =	sshll.u32 s28, $0x1;
	[dreg:$0x2] =	wrdreg s3  }
0xa9: {  	[dreg:$0x3] =	wrdreg s5  }
0xaa: {  	[dreg:$0x4] =	wrdreg $0xC0  }
0xab: {  	_ =	task [dreg:s7], $0x5FFFF  }
0xac: {  	[dreg:$0x1] =	wrdreg $0xFFFFFFFF  }
0xad: {  	[dreg:$0x0] =	wrdreg $0x60  }
0xae: {  	[dreg:$0x2] =	wrdreg s2  }
0xaf: {  	[dreg:$0x3] =	wrdreg s24  }
0xb0: {  	[dreg:$0x4] =	wrdreg $0xA  }
0xb1: {  	_ =	task.clear_ibuf [dreg:s7], $0x5FFFF;
	_ =	strace $0x90000046  }
0xb2: {  	s29 =	simm.s32 $0xA;
	_ =	strace $0x80000048  }
0xb3: {  	_ =	swait.ge [sflag:s29], $0x1  }
0xb4: {  	[sflag:s29] =	ssyncadd.s32 $0xFFFFFFFF  }
0xb5: {  	_ =	strace $0x90000048  }
0xb6: {  	_ =	sfence  }
0xb7: {  	s30 =	sld [smem:$0x0];
	_ =	sdelay $0x2  }
0xb8: {  	s31 =	sshll.u32 s1, $0xD;
	s1 =	sshrl.u32 s1, $0x2  }
0xb9: {  	s3 =	sand.u32 $0x4000, s31;
	s1 =	sadd.s32 s1, s30  }
0xba: {  	s0 =	sor.u32 s3, s0;
	s1 =	sshll.u32 s1, $0x11  }
0xbb: {  	s0 =	sor.u32 s1, s0  }
0xbc: {  	s0 =	sadd.s32 $0x8F2B, s0  }
0xbd: {  	[sflag:s0] =	ssyncadd.remote.s32 $0x1  }
0xbe: {  	_ =	sfence.sel $0xFFFF  }
0xbf: {  	[dreg:$0x0] =	wrdreg $0xFFFFFFFF;
	(pc) =	sbr.abs _section_cstart, $3  }
0xc0: {  	[dreg:$0x1] =	wrdreg $0xFFFFFFFF  }
0xc1: {  	_ =	task.clear_ibuf [dreg:s7], $0x2FFFF;
	_ =	strace $0x9FFFFFFF  }
0xc2: {  	(tm) =	ssettm $0x7FFFFFFF  }
0xc3: {  	_ =	shalt  }
tec
execute0_lowered:
.L_overlay_start_1:
0x0: {  	(tag) =	ssettag $0x1  }
0x1: {  	s0 =	rddreg [dreg:$0x0]  }
0x2: {  	s3 =	rddreg [dreg:$0x1];
	s1 =	simm.s32 $0x0  }
0x3: {  	[smem:$0x7FF] =	sst s1;
	s2 =	sadd.s32 $0x2A00, s3  }
0x4: {  	s15 =	sadd.s32 $0x21249, s3;
	_ =	strace $0x80000047;
	[dreg:$0x3] =	wrdreg s2  }
0x5: {  	s16 =	sadd.s32 $0x3FA92, s3;
	[dreg:$0x4] =	wrdreg s15  }
0x6: {  	s17 =	sadd.s32 $0x5E2DB, s3;
	[dreg:$0x5] =	wrdreg s16  }
0x7: {  	s18 =	sadd.s32 $0x7CB24, s3;
	[dreg:$0x6] =	wrdreg s17  }
0x8: {  	s19 =	sadd.s32 $0x9B36D, s3;
	[dreg:$0x7] =	wrdreg s18  }
0x9: {  	s20 =	sadd.s32 $0xB9BB6, s3;
	[dreg:$0x8] =	wrdreg s19  }
0xa: {  	s21 =	sadd.s32 $0xD83FF, s3;
	[dreg:$0x9] =	wrdreg s20  }
0xb: {  	s22 =	sadd.s32 $0xF6C48, s3;
	[dreg:$0xa] =	wrdreg s21  }
0xc: {  	s23 =	sadd.s32 $0x115491, s3;
	[dreg:$0xb] =	wrdreg s22  }
0xd: {  	s24 =	sadd.s32 $0x133CDA, s3;
	[dreg:$0xc] =	wrdreg s23  }
0xe: {  	s25 =	sadd.s32 $0x152523, s3;
	[dreg:$0xd] =	wrdreg s24  }
0xf: {  	s26 =	sadd.s32 $0x170D6C, s3;
	[dreg:$0xe] =	wrdreg s25  }
0x10: {  	s31 =	sadd.s32 $0x18F5B5, s3;
	[dreg:$0xf] =	wrdreg s26  }
0x11: {  	s4 =	sadd.s32 $0x1ADDFE, s3;
	[dreg:$0x10] =	wrdreg s31  }
0x12: {  	s5 =	sadd.s32 $0x1CC647, s3;
	[dreg:$0x11] =	wrdreg s4  }
0x13: {  	s6 =	sadd.s32 $0x1EAE90, s3;
	[dreg:$0x12] =	wrdreg s5  }
0x14: {  	s7 =	sadd.s32 $0x2096D9, s3;
	[dreg:$0x13] =	wrdreg s6  }
0x15: {  	s8 =	sadd.s32 $0x227F22, s3;
	[dreg:$0x14] =	wrdreg s7  }
0x16: {  	s9 =	sadd.s32 $0x24676B, s3;
	[dreg:$0x15] =	wrdreg s8  }
0x17: {  	s10 =	sadd.s32 $0x264FB4, s3;
	[dreg:$0x16] =	wrdreg s9  }
0x18: {  	s11 =	sadd.s32 $0x2837FD, s3;
	[dreg:$0x17] =	wrdreg s10  }
0x19: {  	s12 =	sadd.s32 $0x2A2046, s3;
	[dreg:$0x18] =	wrdreg s11  }
0x1a: {  	s13 =	sadd.s32 $0x2C088F, s3;
	[dreg:$0x19] =	wrdreg s12  }
0x1b: {  	s14 =	sadd.s32 $0x2DF0D8, s3;
	[dreg:$0x1a] =	wrdreg s13  }
0x1c: {  	[dreg:$0x1b] =	wrdreg s14;
	s15 =	sadd.s32 $0x2FD921, s3  }
0x1d: {  	s16 =	sadd.s32 $0x31C16A, s3;
	[dreg:$0x1c] =	wrdreg s15  }
0x1e: {  	s17 =	sadd.s32 $0x33A9B3, s3;
	[dreg:$0x1d] =	wrdreg s16  }
0x1f: {  	s18 =	sadd.s32 $0x3591FC, s3;
	[dreg:$0x1e] =	wrdreg s17  }
0x20: {  	s19 =	sadd.s32 $0x377A45, s3;
	[dreg:$0x1f] =	wrdreg s18  }
0x21: {  	s20 =	sadd.s32 $0x39628E, s3;
	[smem:$0x7AF] =	sst s19  }
0x22: {  	s21 =	sadd.s32 $0x3B4AD7, s3;
	[smem:$0x7B0] =	sst s20  }
0x23: {  	s22 =	sadd.s32 $0x3D3320, s3;
	[smem:$0x7B1] =	sst s21  }
0x24: {  	s23 =	sadd.s32 $0x3F1B69, s3;
	[smem:$0x7B2] =	sst s22  }
0x25: {  	s24 =	sadd.s32 $0x4103B2, s3;
	[smem:$0x7B3] =	sst s23  }
0x26: {  	s25 =	sadd.s32 $0x42EBFB, s3;
	[smem:$0x7B4] =	sst s24  }
0x27: {  	s26 =	sadd.s32 $0x44D444, s3;
	[smem:$0x7B5] =	sst s25  }
0x28: {  	s31 =	sadd.s32 $0x46BC8D, s3;
	[smem:$0x7B6] =	sst s26  }
0x29: {  	s4 =	sadd.s32 $0x48A4D6, s3;
	[smem:$0x7B7] =	sst s31  }
0x2a: {  	s5 =	sadd.s32 $0x4A8D1F, s3;
	[smem:$0x7B8] =	sst s4  }
0x2b: {  	s6 =	sadd.s32 $0x4C7568, s3;
	[smem:$0x7B9] =	sst s5  }
0x2c: {  	s7 =	sadd.s32 $0x4E5DB1, s3;
	[smem:$0x7BA] =	sst s6  }
0x2d: {  	s8 =	sadd.s32 $0x5045FA, s3;
	[smem:$0x7BB] =	sst s7  }
0x2e: {  	s9 =	sadd.s32 $0x522E43, s3;
	[smem:$0x7BC] =	sst s8  }
0x2f: {  	s10 =	sadd.s32 $0x54168C, s3;
	[smem:$0x7BD] =	sst s9  }
0x30: {  	s11 =	sadd.s32 $0x55FED5, s3;
	[smem:$0x7BE] =	sst s10  }
0x31: {  	s12 =	sadd.s32 $0x57E71E, s3;
	[smem:$0x7BF] =	sst s11  }
0x32: {  	s13 =	sadd.s32 $0x59CF67, s3;
	[smem:$0x7C0] =	sst s12  }
0x33: {  	s14 =	sadd.s32 $0x5BB7B0, s3;
	[smem:$0x7C1] =	sst s13  }
0x34: {  	s2 =	sadd.s32 $0x766BAE, s3;
	[smem:$0x7C2] =	sst s14  }
0x35: {  	s15 =	sadd.s32 $0x5D9FF9, s3;
	[smem:$0x7D0] =	sst s2  }
0x36: {  	s16 =	sadd.s32 $0x5F8842, s3;
	[smem:$0x7C3] =	sst s15  }
0x37: {  	s17 =	sadd.s32 $0x61708B, s3;
	[smem:$0x7C4] =	sst s16  }
0x38: {  	s18 =	sadd.s32 $0x6358D4, s3;
	[smem:$0x7C5] =	sst s17  }
0x39: {  	s19 =	sadd.s32 $0x65411D, s3;
	[smem:$0x7C6] =	sst s18  }
0x3a: {  	s20 =	sadd.s32 $0x672966, s3;
	[smem:$0x7C7] =	sst s19  }
0x3b: {  	s21 =	sadd.s32 $0x6911AF, s3;
	[smem:$0x7C8] =	sst s20  }
0x3c: {  	s4 =	sadd.s32 $0x6AF9F8, s3;
	[smem:$0x7C9] =	sst s21  }
0x3d: {  	s23 =	sadd.s32 $0x6CE241, s3;
	[smem:$0x7CA] =	sst s4  }
0x3e: {  	s24 =	sadd.s32 $0x6ECA8A, s3;
	[smem:$0x7CB] =	sst s23  }
0x3f: {  	s25 =	sadd.s32 $0x70B2D3, s3;
	[smem:$0x7CC] =	sst s24  }
0x40: {  	s8 =	sadd.s32 $0x729B1C, s3;
	[smem:$0x7CD] =	sst s25  }
0x41: {  	s26 =	sadd.s32 $0x748365, s3;
	[smem:$0x7CE] =	sst s8  }
0x42: {  	s10 =	simm.s32 $0x100;
	[smem:$0x7CF] =	sst s26  }
0x43: {  	s11 =	simm.s32 $0x180;
	[smem:$0x7D4] =	sst s10  }
0x44: {  	s12 =	simm.s32 $0x200;
	[smem:$0x7D5] =	sst s11  }
0x45: {  	s13 =	simm.s32 $0x280;
	[smem:$0x7D6] =	sst s12  }
0x46: {  	s14 =	simm.s32 $0x300;
	[smem:$0x7D7] =	sst s13  }
0x47: {  	s2 =	simm.s32 $0xA00;
	[smem:$0x7D8] =	sst s14  }
0x48: {  	s15 =	simm.s32 $0x380;
	[smem:$0x7E6] =	sst s2  }
0x49: {  	s16 =	simm.s32 $0x400;
	[smem:$0x7D9] =	sst s15  }
0x4a: {  	s17 =	simm.s32 $0x480;
	[smem:$0x7DA] =	sst s16  }
0x4b: {  	s18 =	simm.s32 $0x500;
	[smem:$0x7DB] =	sst s17  }
0x4c: {  	s19 =	simm.s32 $0x580;
	[smem:$0x7DC] =	sst s18  }
0x4d: {  	s20 =	simm.s32 $0x600;
	[smem:$0x7DD] =	sst s19  }
0x4e: {  	s22 =	stileid.u32;
	s21 =	simm.s32 $0x680;
	[smem:$0x7DE] =	sst s20  }
0x4f: {  	s5 =	sshll.u32 s22, $0x7;
	s22 =	simm.s32 $0x700;
	[smem:$0x7DF] =	sst s21  }
0x50: {  	s23 =	simm.s32 $0x780;
	[smem:$0x7E0] =	sst s22  }
0x51: {  	s28 =	simm.s32 $0x2000;
	s24 =	simm.s32 $0x800;
	[smem:$0x7E1] =	sst s23  }
0x52: {  	s29 =	simm.s32 $0x1;
	s25 =	simm.s32 $0x880;
	[smem:$0x7E2] =	sst s24  }
0x53: {  	s7 =	srdreg.scid;
	s26 =	simm.s32 $0x900;
	[smem:$0x7E3] =	sst s25  }
0x54: {  	s4 =	sand.u32 $0x1, s7;
	s7 =	simm.s32 $0xC00;
	[smem:$0x7E4] =	sst s26  }
0x55: {  	s30 =	simm.s32 $0x4000;
	s8 =	simm.s32 $0xC80;
	[smem:$0x7EA] =	sst s7  }
0x56: {  	s10 =	simm.s32 $0xD80;
	s11 =	simm.s32 $0xE00;
	[smem:$0x7EB] =	sst s8  }
0x57: {  	s12 =	simm.s32 $0xE80;
	s13 =	simm.s32 $0xF00;
	[smem:$0x7ED] =	sst s10  }
0x58: {  	s14 =	simm.s32 $0xF80;
	s2 =	simm.s32 $0x0;
	[smem:$0x7EE] =	sst s11  }
0x59: {  	s6 =	sadd.s32 s5, s3;
	s31 =	sshll.u32 s4, $0x6;
	[smem:$0x7EF] =	sst s12  }
0x5a: {  	s3 =	sadd.s32 $0x7853F7, s3;
	s0 =	sadd.s32 s5, s0;
	[smem:$0x7F0] =	sst s13  }
0x5b: {  	s5 =	simm.s32 $0xB00;
	[smem:$0x7F1] =	sst s14;
	s15 =	simm.s32 $0x1000  }
0x5c: {  	s16 =	simm.s32 $0x1080;
	s17 =	simm.s32 $0x1100;
	[smem:$0x7D1] =	sst s3  }
0x5d: {  	s18 =	simm.s32 $0x1180;
	s19 =	simm.s32 $0x1200;
	[smem:$0x7E8] =	sst s5  }
0x5e: {  	s20 =	simm.s32 $0x1280;
	s21 =	ssub.s32 $0x2, s4;
	[smem:$0x7F2] =	sst s15  }
0x5f: {  	s22 =	simm.s32 $0x1300;
	s23 =	simm.s32 $0x1380;
	[smem:$0x7F3] =	sst s16  }
0x60: {  	s24 =	simm.s32 $0x1400;
	s26 =	simm.s32 $0x1480;
	[smem:$0x7F4] =	sst s17  }
0x61: {  	s7 =	simm.s32 $0x1600;
	s8 =	simm.s32 $0x1680;
	[smem:$0x7F5] =	sst s18  }
0x62: {  	s10 =	simm.s32 $0x1780;
	s11 =	simm.s32 $0x1800;
	[smem:$0x7F6] =	sst s19  }
0x63: {  	s12 =	simm.s32 $0x1880;
	s13 =	simm.s32 $0x1900;
	[smem:$0x7F7] =	sst s20  }
0x64: {  	s14 =	simm.s32 $0x1980;
	s6 =	sadd.s32 s31, s6;
	[smem:$0x7F8] =	sst s22  }
0x65: {  	s0 =	sadd.s32 s31, s0;
	s31 =	simm.s32 $0x980;
	[smem:$0x7F9] =	sst s23  }
0x66: {  	s3 =	simm.s32 $0xA80;
	s4 =	sshrl.u32 s21, $0x1;
	[smem:$0x7FB] =	sst s24  }
0x67: {  	[smem:$0x7FC] =	sst s26;
	s5 =	simm.s32 $0x80;
	s15 =	simm.s32 $0x1A00  }
0x68: {  	s16 =	simm.s32 $0x1A80;
	s17 =	simm.s32 $0x1B00;
	s18 =	simm.s32 $0x1B80  }
0x69: {  	s19 =	simm.s32 $0x1C00;
	s20 =	simm.s32 $0x1C80;
	[smem:$0x7D3] =	sst s0  }
0x6a: {  	s22 =	simm.s32 $0x1D80;
	s23 =	simm.s32 $0x1E00;
	[smem:$0x7E5] =	sst s31  }
0x6b: {  	s24 =	simm.s32 $0x1E80;
	s9 =	sadd.s32 $0x7A3E00, s6;
	[smem:$0x7E7] =	sst s3  }
0x6c: {  	s26 =	simm.s32 $0x1F80;
	s6 =	simm.s32 $0xB80;
	[smem:$0x7D2] =	sst s9  }
0x6d: {  	s3 =	ssub.s32 s21, s4;
	s31 =	simm.s32 $0x1500;
	[smem:$0x7E9] =	sst s6  }
0x6e: {  	s4 =	simm.s32 $0x2;
	s9 =	simm.s32 $0xD00;
	[smem:$0x7FD] =	sst s31  }
0x6f: {  	s21 =	simm.s32 $0x1D00;
	s25 =	smax.u32 s3, $0x1;
	[smem:$0x7EC] =	sst s9  }
0x70: {  	[smem:$0x7FA] =	sst s25;
	s9 =	simm.s32 $0x1700;
	s25 =	simm.s32 $0x1F00  }
.LBB2_1:
0x71: {  	[smem:$0x7AE] =	sst s2;
	s0 =	simm.s32 $0x0  }
.LBB2_2:
0x72: {  	s2 =	sld [smem:$0x7D3];
	_ =	sdelay $0x2  }
0x73: {  	s2 =	sadd.s32 s0, s2  }
0x74: {  	[tilespmem:s1], [sflag:$0x2] =	stream.linear.gather [hbm4b:s2+s1], $0x80, $0x38;
	[tilespmem:$0x2080] =	vst v63  }
0x75: {  	_ =	swait.ge [sflag:s4], $0x80  }
0x76: {  	s6 =	rddreg [dreg:$0x3]  }
0x77: {  	[sflag:s4] =	ssyncset.done $0x0;
	s3 =	rddreg [dreg:$0x4]  }
0x78: {  	s31 =	sld [smem:$0x7D4];
	[sflag:s4] =	ssyncadd.s32 $0xFFFFFF80  }
0x79: {  	[tilespmem:s5], [sflag:$0x1] =	stream.indirect.gather [hbm4b:s6+s5], $0x1, s1, s5, $0xb8;
	[tilespmem:$0x2080] =	vst v63  }
0x7a: {  	s2 =	rddreg [dreg:$0x5]  }
0x7b: {  	[tilespmem:s31], [sflag:$0x1] =	stream.indirect.gather [hbm4b:s3+s5], $0x1, s1, s5, $0xb8;
	[tilespmem:$0x2080] =	vst v63  }
0x7c: {  	s3 =	sld [smem:$0x7D5]  }
0x7d: {  	s6 =	sld [smem:$0x7D6]  }
0x7e: {  	s31 =	rddreg [dreg:$0x6]  }
0x7f: {  	[tilespmem:s3], [sflag:$0x1] =	stream.indirect.gather [hbm4b:s2+s5], $0x1, s1, s5, $0xb8;
	[tilespmem:$0x2080] =	vst v63  }
0x80: {  	s2 =	rddreg [dreg:$0x7]  }
0x81: {  	s3 =	sld [smem:$0x7D7]  }
0x82: {  	[tilespmem:s6], [sflag:$0x1] =	stream.indirect.gather [hbm4b:s31+s5], $0x1, s1, s5, $0xb8;
	[tilespmem:$0x2080] =	vst v63  }
0x83: {  	s6 =	rddreg [dreg:$0x8]  }
0x84: {  	s31 =	sld [smem:$0x7D8]  }
0x85: {  	[tilespmem:s3], [sflag:$0x1] =	stream.indirect.gather [hbm4b:s2+s5], $0x1, s1, s5, $0xb8;
	[tilespmem:$0x2080] =	vst v63  }
0x86: {  	s2 =	rddreg [dreg:$0x9]  }
0x87: {  	s3 =	sld [smem:$0x7D9]  }
0x88: {  	[tilespmem:s31], [sflag:$0x1] =	stream.indirect.gather [hbm4b:s6+s5], $0x1, s1, s5, $0xb8;
	[tilespmem:$0x2080] =	vst v63  }
0x89: {  	s6 =	rddreg [dreg:$0xa]  }
0x8a: {  	s31 =	sld [smem:$0x7DA]  }
0x8b: {  	[tilespmem:s3], [sflag:$0x1] =	stream.indirect.gather [hbm4b:s2+s5], $0x1, s1, s5, $0xb8;
	[tilespmem:$0x2080] =	vst v63  }
0x8c: {  	s2 =	rddreg [dreg:$0xb]  }
0x8d: {  	s3 =	sld [smem:$0x7DB]  }
0x8e: {  	[tilespmem:s31], [sflag:$0x1] =	stream.indirect.gather [hbm4b:s6+s5], $0x1, s1, s5, $0xb8;
	[tilespmem:$0x2080] =	vst v63  }
0x8f: {  	s6 =	rddreg [dreg:$0xc]  }
0x90: {  	s31 =	sld [smem:$0x7DC]  }
0x91: {  	[tilespmem:s3], [sflag:$0x1] =	stream.indirect.gather [hbm4b:s2+s5], $0x1, s1, s5, $0xb8;
	[tilespmem:$0x2080] =	vst v63  }
0x92: {  	s2 =	rddreg [dreg:$0xd]  }
0x93: {  	s3 =	sld [smem:$0x7DD]  }
0x94: {  	[tilespmem:s31], [sflag:$0x1] =	stream.indirect.gather [hbm4b:s6+s5], $0x1, s1, s5, $0xb8;
	[tilespmem:$0x2080] =	vst v63  }
0x95: {  	s6 =	rddreg [dreg:$0xe]  }
0x96: {  	s31 =	sld [smem:$0x7DE]  }
0x97: {  	[tilespmem:s3], [sflag:$0x1] =	stream.indirect.gather [hbm4b:s2+s5], $0x1, s1, s5, $0xb8;
	[tilespmem:$0x2080] =	vst v63  }
0x98: {  	s2 =	rddreg [dreg:$0xf]  }
0x99: {  	s3 =	sld [smem:$0x7DF]  }
0x9a: {  	[tilespmem:s31], [sflag:$0x1] =	stream.indirect.gather [hbm4b:s6+s5], $0x1, s1, s5, $0xb8;
	[tilespmem:$0x2080] =	vst v63  }
0x9b: {  	s6 =	rddreg [dreg:$0x10]  }
0x9c: {  	s31 =	sld [smem:$0x7E0]  }
0x9d: {  	[tilespmem:s3], [sflag:$0x1] =	stream.indirect.gather [hbm4b:s2+s5], $0x1, s1, s5, $0xb8;
	[tilespmem:$0x2080] =	vst v63  }
0x9e: {  	s2 =	rddreg [dreg:$0x11]  }
0x9f: {  	s3 =	sld [smem:$0x7E1]  }
0xa0: {  	[tilespmem:s31], [sflag:$0x1] =	stream.indirect.gather [hbm4b:s6+s5], $0x1, s1, s5, $0xb8;
	[tilespmem:$0x2080] =	vst v63  }
0xa1: {  	s6 =	rddreg [dreg:$0x12]  }
0xa2: {  	s31 =	sld [smem:$0x7E2]  }
0xa3: {  	[tilespmem:s3], [sflag:$0x1] =	stream.indirect.gather [hbm4b:s2+s5], $0x1, s1, s5, $0xb8;
	[tilespmem:$0x2080] =	vst v63  }
0xa4: {  	s2 =	rddreg [dreg:$0x13]  }
0xa5: {  	s3 =	sld [smem:$0x7E3]  }
0xa6: {  	[tilespmem:s31], [sflag:$0x1] =	stream.indirect.gather [hbm4b:s6+s5], $0x1, s1, s5, $0xb8;
	[tilespmem:$0x2080] =	vst v63  }
0xa7: {  	s6 =	rddreg [dreg:$0x14]  }
0xa8: {  	s31 =	sld [smem:$0x7E4]  }
0xa9: {  	[tilespmem:s3], [sflag:$0x1] =	stream.indirect.gather [hbm4b:s2+s5], $0x1, s1, s5, $0xb8;
	[tilespmem:$0x2080] =	vst v63  }
0xaa: {  	s2 =	rddreg [dreg:$0x15]  }
0xab: {  	s3 =	sld [smem:$0x7E5]  }
0xac: {  	[tilespmem:s31], [sflag:$0x1] =	stream.indirect.gather [hbm4b:s6+s5], $0x1, s1, s5, $0xb8;
	[tilespmem:$0x2080] =	vst v63  }
0xad: {  	s6 =	rddreg [dreg:$0x16]  }
0xae: {  	s31 =	sld [smem:$0x7E6]  }
0xaf: {  	[tilespmem:s3], [sflag:$0x1] =	stream.indirect.gather [hbm4b:s2+s5], $0x1, s1, s5, $0xb8;
	[tilespmem:$0x2080] =	vst v63  }
0xb0: {  	s2 =	rddreg [dreg:$0x17]  }
0xb1: {  	s3 =	sld [smem:$0x7E7]  }
0xb2: {  	[tilespmem:s31], [sflag:$0x1] =	stream.indirect.gather [hbm4b:s6+s5], $0x1, s1, s5, $0xb8;
	[tilespmem:$0x2080] =	vst v63  }
0xb3: {  	s6 =	rddreg [dreg:$0x18]  }
0xb4: {  	s31 =	sld [smem:$0x7E8]  }
0xb5: {  	[tilespmem:s3], [sflag:$0x1] =	stream.indirect.gather [hbm4b:s2+s5], $0x1, s1, s5, $0xb8;
	[tilespmem:$0x2080] =	vst v63  }
0xb6: {  	s2 =	rddreg [dreg:$0x19]  }
0xb7: {  	s3 =	sld [smem:$0x7E9]  }
0xb8: {  	[tilespmem:s31], [sflag:$0x1] =	stream.indirect.gather [hbm4b:s6+s5], $0x1, s1, s5, $0xb8;
	[tilespmem:$0x2080] =	vst v63  }
0xb9: {  	s6 =	rddreg [dreg:$0x1a]  }
0xba: {  	s31 =	sld [smem:$0x7EA]  }
0xbb: {  	[tilespmem:s3], [sflag:$0x1] =	stream.indirect.gather [hbm4b:s2+s5], $0x1, s1, s5, $0xb8;
	[tilespmem:$0x2080] =	vst v63  }
0xbc: {  	s2 =	rddreg [dreg:$0x1b]  }
0xbd: {  	s3 =	sld [smem:$0x7EB]  }
0xbe: {  	[tilespmem:s31], [sflag:$0x1] =	stream.indirect.gather [hbm4b:s6+s5], $0x1, s1, s5, $0xb8;
	[tilespmem:$0x2080] =	vst v63  }
0xbf: {  	s6 =	rddreg [dreg:$0x1c]  }
0xc0: {  	s31 =	sld [smem:$0x7EC]  }
0xc1: {  	[tilespmem:s3], [sflag:$0x1] =	stream.indirect.gather [hbm4b:s2+s5], $0x1, s1, s5, $0xb8;
	[tilespmem:$0x2080] =	vst v63  }
0xc2: {  	s2 =	rddreg [dreg:$0x1d]  }
0xc3: {  	s3 =	sld [smem:$0x7ED]  }
0xc4: {  	[tilespmem:s31], [sflag:$0x1] =	stream.indirect.gather [hbm4b:s6+s5], $0x1, s1, s5, $0xb8;
	[tilespmem:$0x2080] =	vst v63  }
0xc5: {  	s6 =	rddreg [dreg:$0x1e]  }
0xc6: {  	s31 =	sld [smem:$0x7EE]  }
0xc7: {  	[tilespmem:s3], [sflag:$0x1] =	stream.indirect.gather [hbm4b:s2+s5], $0x1, s1, s5, $0xb8;
	[tilespmem:$0x2080] =	vst v63  }
0xc8: {  	s2 =	rddreg [dreg:$0x1f]  }
0xc9: {  	s3 =	sld [smem:$0x7EF]  }
0xca: {  	[tilespmem:s31], [sflag:$0x1] =	stream.indirect.gather [hbm4b:s6+s5], $0x1, s1, s5, $0xb8;
	[tilespmem:$0x2080] =	vst v63  }
0xcb: {  	s6 =	sld [smem:$0x7AF]  }
0xcc: {  	s31 =	sld [smem:$0x7F0]  }
0xcd: {  	[tilespmem:s3], [sflag:$0x1] =	stream.indirect.gather [hbm4b:s2+s5], $0x1, s1, s5, $0xb8;
	[tilespmem:$0x2080] =	vst v63  }
0xce: {  	s2 =	sld [smem:$0x7B0]  }
0xcf: {  	s3 =	sld [smem:$0x7F1]  }
0xd0: {  	[tilespmem:s31], [sflag:$0x1] =	stream.indirect.gather [hbm4b:s6+s5], $0x1, s1, s5, $0xb8;
	[tilespmem:$0x2080] =	vst v63  }
0xd1: {  	s6 =	sld [smem:$0x7B1]  }
0xd2: {  	s31 =	sld [smem:$0x7F2]  }
0xd3: {  	[tilespmem:s3], [sflag:$0x1] =	stream.indirect.gather [hbm4b:s2+s5], $0x1, s1, s5, $0xb8;
	[tilespmem:$0x2080] =	vst v63  }
0xd4: {  	s2 =	sld [smem:$0x7B2]  }
0xd5: {  	s3 =	sld [smem:$0x7F3]  }
0xd6: {  	[tilespmem:s31], [sflag:$0x1] =	stream.indirect.gather [hbm4b:s6+s5], $0x1, s1, s5, $0xb8;
	[tilespmem:$0x2080] =	vst v63  }
0xd7: {  	s6 =	sld [smem:$0x7B3]  }
0xd8: {  	s31 =	sld [smem:$0x7F4]  }
0xd9: {  	[tilespmem:s3], [sflag:$0x1] =	stream.indirect.gather [hbm4b:s2+s5], $0x1, s1, s5, $0xb8;
	[tilespmem:$0x2080] =	vst v63  }
0xda: {  	s2 =	sld [smem:$0x7B4]  }
0xdb: {  	s3 =	sld [smem:$0x7F5]  }
0xdc: {  	[tilespmem:s31], [sflag:$0x1] =	stream.indirect.gather [hbm4b:s6+s5], $0x1, s1, s5, $0xb8;
	[tilespmem:$0x2080] =	vst v63  }
0xdd: {  	s6 =	sld [smem:$0x7B5]  }
0xde: {  	s31 =	sld [smem:$0x7F6]  }
0xdf: {  	[tilespmem:s3], [sflag:$0x1] =	stream.indirect.gather [hbm4b:s2+s5], $0x1, s1, s5, $0xb8;
	[tilespmem:$0x2080] =	vst v63  }
0xe0: {  	s2 =	sld [smem:$0x7B6]  }
0xe1: {  	s3 =	sld [smem:$0x7F7]  }
0xe2: {  	[tilespmem:s31], [sflag:$0x1] =	stream.indirect.gather [hbm4b:s6+s5], $0x1, s1, s5, $0xb8;
	[tilespmem:$0x2080] =	vst v63  }
0xe3: {  	s6 =	sld [smem:$0x7B7]  }
0xe4: {  	s31 =	sld [smem:$0x7F8]  }
0xe5: {  	[tilespmem:s3], [sflag:$0x1] =	stream.indirect.gather [hbm4b:s2+s5], $0x1, s1, s5, $0xb8;
	[tilespmem:$0x2080] =	vst v63  }
0xe6: {  	s2 =	sld [smem:$0x7B8]  }
0xe7: {  	s3 =	sld [smem:$0x7F9]  }
0xe8: {  	[tilespmem:s31], [sflag:$0x1] =	stream.indirect.gather [hbm4b:s6+s5], $0x1, s1, s5, $0xb8;
	[tilespmem:$0x2080] =	vst v63  }
0xe9: {  	s6 =	sld [smem:$0x7B9]  }
0xea: {  	s31 =	sld [smem:$0x7FB]  }
0xeb: {  	[tilespmem:s3], [sflag:$0x1] =	stream.indirect.gather [hbm4b:s2+s5], $0x1, s1, s5, $0xb8;
	[tilespmem:$0x2080] =	vst v63  }
0xec: {  	s2 =	sld [smem:$0x7BA]  }
0xed: {  	s3 =	sld [smem:$0x7FC]  }
0xee: {  	[tilespmem:s31], [sflag:$0x1] =	stream.indirect.gather [hbm4b:s6+s5], $0x1, s1, s5, $0xb8;
	[tilespmem:$0x2080] =	vst v63  }
0xef: {  	s6 =	sld [smem:$0x7BB]  }
0xf0: {  	s31 =	sld [smem:$0x7FD]  }
0xf1: {  	[tilespmem:s3], [sflag:$0x1] =	stream.indirect.gather [hbm4b:s2+s5], $0x1, s1, s5, $0xb8;
	[tilespmem:$0x2080] =	vst v63  }
0xf2: {  	s2 =	sld [smem:$0x7BC]  }
0xf3: {  	[tilespmem:s31], [sflag:$0x1] =	stream.indirect.gather [hbm4b:s6+s5], $0x1, s1, s5, $0xb8;
	[tilespmem:$0x2080] =	vst v63  }
0xf4: {  	s3 =	sld [smem:$0x7BD];
	s31 =	simm.s32 $0x1580  }
0xf5: {  	[tilespmem:s31], [sflag:$0x1] =	stream.indirect.gather [hbm4b:s2+s5], $0x1, s1, s5, $0xb8;
	[tilespmem:$0x2080] =	vst v63  }
0xf6: {  	s31 =	sld [smem:$0x7BE]  }
0xf7: {  	[tilespmem:s7], [sflag:$0x1] =	stream.indirect.gather [hbm4b:s3+s5], $0x1, s1, s5, $0xb8;
	[tilespmem:$0x2080] =	vst v63  }
0xf8: {  	s6 =	sld [smem:$0x7BF]  }
0xf9: {  	[tilespmem:s8], [sflag:$0x1] =	stream.indirect.gather [hbm4b:s31+s5], $0x1, s1, s5, $0xb8;
	[tilespmem:$0x2080] =	vst v63  }
0xfa: {  	s31 =	sld [smem:$0x7C0]  }
0xfb: {  	[tilespmem:s9], [sflag:$0x1] =	stream.indirect.gather [hbm4b:s6+s5], $0x1, s1, s5, $0xb8;
	[tilespmem:$0x2080] =	vst v63  }
0xfc: {  	s6 =	sld [smem:$0x7C1]  }
0xfd: {  	[tilespmem:s10], [sflag:$0x1] =	stream.indirect.gather [hbm4b:s31+s5], $0x1, s1, s5, $0xb8;
	[tilespmem:$0x2080] =	vst v63  }
0xfe: {  	s31 =	sld [smem:$0x7C2]  }
0xff: {  	[tilespmem:s11], [sflag:$0x1] =	stream.indirect.gather [hbm4b:s6+s5], $0x1, s1, s5, $0xb8;
	[tilespmem:$0x2080] =	vst v63  }
0x100: {  	s6 =	sld [smem:$0x7C3]  }
0x101: {  	[tilespmem:s12], [sflag:$0x1] =	stream.indirect.gather [hbm4b:s31+s5], $0x1, s1, s5, $0xb8;
	[tilespmem:$0x2080] =	vst v63  }
0x102: {  	s31 =	sld [smem:$0x7C4]  }
0x103: {  	[tilespmem:s13], [sflag:$0x1] =	stream.indirect.gather [hbm4b:s6+s5], $0x1, s1, s5, $0xb8;
	[tilespmem:$0x2080] =	vst v63  }
0x104: {  	s6 =	sld [smem:$0x7C5]  }
0x105: {  	[tilespmem:s14], [sflag:$0x1] =	stream.indirect.gather [hbm4b:s31+s5], $0x1, s1, s5, $0xb8;
	[tilespmem:$0x2080] =	vst v63  }
0x106: {  	s31 =	sld [smem:$0x7C6]  }
0x107: {  	[tilespmem:s15], [sflag:$0x1] =	stream.indirect.gather [hbm4b:s6+s5], $0x1, s1, s5, $0xb8;
	[tilespmem:$0x2080] =	vst v63  }
0x108: {  	s6 =	sld [smem:$0x7C7]  }
0x109: {  	[tilespmem:s16], [sflag:$0x1] =	stream.indirect.gather [hbm4b:s31+s5], $0x1, s1, s5, $0xb8;
	[tilespmem:$0x2080] =	vst v63  }
0x10a: {  	s31 =	sld [smem:$0x7C8]  }
0x10b: {  	[tilespmem:s17], [sflag:$0x1] =	stream.indirect.gather [hbm4b:s6+s5], $0x1, s1, s5, $0xb8;
	[tilespmem:$0x2080] =	vst v63  }
0x10c: {  	s6 =	sld [smem:$0x7C9]  }
0x10d: {  	[tilespmem:s18], [sflag:$0x1] =	stream.indirect.gather [hbm4b:s31+s5], $0x1, s1, s5, $0xb8;
	[tilespmem:$0x2080] =	vst v63  }
0x10e: {  	s31 =	sld [smem:$0x7CA]  }
0x10f: {  	[tilespmem:s19], [sflag:$0x1] =	stream.indirect.gather [hbm4b:s6+s5], $0x1, s1, s5, $0xb8;
	[tilespmem:$0x2080] =	vst v63  }
0x110: {  	s6 =	sld [smem:$0x7CB]  }
0x111: {  	[tilespmem:s20], [sflag:$0x1] =	stream.indirect.gather [hbm4b:s31+s5], $0x1, s1, s5, $0xb8;
	[tilespmem:$0x2080] =	vst v63  }
0x112: {  	s31 =	sld [smem:$0x7CC]  }
0x113: {  	[tilespmem:s21], [sflag:$0x1] =	stream.indirect.gather [hbm4b:s6+s5], $0x1, s1, s5, $0xb8;
	[tilespmem:$0x2080] =	vst v63  }
0x114: {  	s6 =	sld [smem:$0x7CD]  }
0x115: {  	[tilespmem:s22], [sflag:$0x1] =	stream.indirect.gather [hbm4b:s31+s5], $0x1, s1, s5, $0xb8;
	[tilespmem:$0x2080] =	vst v63  }
0x116: {  	s31 =	sld [smem:$0x7CE]  }
0x117: {  	[tilespmem:s23], [sflag:$0x1] =	stream.indirect.gather [hbm4b:s6+s5], $0x1, s1, s5, $0xb8;
	[tilespmem:$0x2080] =	vst v63  }
0x118: {  	s6 =	sld [smem:$0x7CF]  }
0x119: {  	[tilespmem:s24], [sflag:$0x1] =	stream.indirect.gather [hbm4b:s31+s5], $0x1, s1, s5, $0xb8;
	[tilespmem:$0x2080] =	vst v63  }
0x11a: {  	s31 =	sld [smem:$0x7D0]  }
0x11b: {  	[tilespmem:s25], [sflag:$0x1] =	stream.indirect.gather [hbm4b:s6+s5], $0x1, s1, s5, $0xb8;
	[tilespmem:$0x2080] =	vst v63  }
0x11c: {  	s6 =	sld [smem:$0x7D1]  }
0x11d: {  	[tilespmem:s26], [sflag:$0x1] =	stream.indirect.gather [hbm4b:s31+s5], $0x1, s1, s5, $0xb8;
	[tilespmem:$0x2080] =	vst v63  }
0x11e: {  	_ = 	snop  }
0x11f: {  	[tilespmem:s28], [sflag:$0x1] =	stream.indirect.gather [hbm4b:s6+s5], $0x1, s1, s5, $0xb8;
	[tilespmem:$0x2080] =	vst v63  }
0x120: {  	_ =	swait.ge [sflag:s29], $0x80  }
0x121: {  	[sflag:s29] =	ssyncset.done $0x0  }
0x122: {  	[sflag:s29] =	ssyncadd.s32 $0xFFFFFF80  }
0x123: {  	_ =	swait.ge [sflag:s29], $0x80  }
0x124: {  	[sflag:s29] =	ssyncset.done $0x0  }
0x125: {  	[sflag:s29] =	ssyncadd.s32 $0xFFFFFF80  }
0x126: {  	_ =	swait.ge [sflag:s29], $0x80  }
0x127: {  	[sflag:s29] =	ssyncset.done $0x0  }
0x128: {  	[sflag:s29] =	ssyncadd.s32 $0xFFFFFF80  }
0x129: {  	_ =	swait.ge [sflag:s29], $0x80  }
0x12a: {  	[sflag:s29] =	ssyncset.done $0x0  }
0x12b: {  	[sflag:s29] =	ssyncadd.s32 $0xFFFFFF80  }
0x12c: {  	_ =	swait.ge [sflag:s29], $0x80  }
0x12d: {  	[sflag:s29] =	ssyncset.done $0x0  }
0x12e: {  	[sflag:s29] =	ssyncadd.s32 $0xFFFFFF80  }
0x12f: {  	_ =	swait.ge [sflag:s29], $0x80  }
0x130: {  	[sflag:s29] =	ssyncset.done $0x0  }
0x131: {  	[sflag:s29] =	ssyncadd.s32 $0xFFFFFF80  }
0x132: {  	_ =	swait.ge [sflag:s29], $0x80  }
0x133: {  	[sflag:s29] =	ssyncset.done $0x0  }
0x134: {  	[sflag:s29] =	ssyncadd.s32 $0xFFFFFF80  }
0x135: {  	_ =	swait.ge [sflag:s29], $0x80  }
0x136: {  	[sflag:s29] =	ssyncset.done $0x0  }
0x137: {  	[sflag:s29] =	ssyncadd.s32 $0xFFFFFF80  }
0x138: {  	_ =	swait.ge [sflag:s29], $0x80  }
0x139: {  	[sflag:s29] =	ssyncset.done $0x0  }
0x13a: {  	[sflag:s29] =	ssyncadd.s32 $0xFFFFFF80  }
0x13b: {  	_ =	swait.ge [sflag:s29], $0x80  }
0x13c: {  	[sflag:s29] =	ssyncset.done $0x0  }
0x13d: {  	[sflag:s29] =	ssyncadd.s32 $0xFFFFFF80  }
0x13e: {  	_ =	swait.ge [sflag:s29], $0x80  }
0x13f: {  	[sflag:s29] =	ssyncset.done $0x0  }
0x140: {  	[sflag:s29] =	ssyncadd.s32 $0xFFFFFF80  }
0x141: {  	_ =	swait.ge [sflag:s29], $0x80  }
0x142: {  	[sflag:s29] =	ssyncset.done $0x0  }
0x143: {  	[sflag:s29] =	ssyncadd.s32 $0xFFFFFF80  }
0x144: {  	_ =	swait.ge [sflag:s29], $0x80  }
0x145: {  	[sflag:s29] =	ssyncset.done $0x0  }
0x146: {  	[sflag:s29] =	ssyncadd.s32 $0xFFFFFF80  }
0x147: {  	_ =	swait.ge [sflag:s29], $0x80  }
0x148: {  	[sflag:s29] =	ssyncset.done $0x0  }
0x149: {  	[sflag:s29] =	ssyncadd.s32 $0xFFFFFF80  }
0x14a: {  	_ =	swait.ge [sflag:s29], $0x80  }
0x14b: {  	[sflag:s29] =	ssyncset.done $0x0  }
0x14c: {  	[sflag:s29] =	ssyncadd.s32 $0xFFFFFF80  }
0x14d: {  	_ =	swait.ge [sflag:s29], $0x80  }
0x14e: {  	[sflag:s29] =	ssyncset.done $0x0  }
0x14f: {  	[sflag:s29] =	ssyncadd.s32 $0xFFFFFF80  }
0x150: {  	_ =	swait.ge [sflag:s29], $0x80  }
0x151: {  	[sflag:s29] =	ssyncset.done $0x0  }
0x152: {  	[sflag:s29] =	ssyncadd.s32 $0xFFFFFF80  }
0x153: {  	_ =	swait.ge [sflag:s29], $0x80  }
0x154: {  	[sflag:s29] =	ssyncset.done $0x0  }
0x155: {  	[sflag:s29] =	ssyncadd.s32 $0xFFFFFF80  }
0x156: {  	_ =	swait.ge [sflag:s29], $0x80  }
0x157: {  	[sflag:s29] =	ssyncset.done $0x0  }
0x158: {  	[sflag:s29] =	ssyncadd.s32 $0xFFFFFF80  }
0x159: {  	_ =	swait.ge [sflag:s29], $0x80  }
0x15a: {  	[sflag:s29] =	ssyncset.done $0x0  }
0x15b: {  	[sflag:s29] =	ssyncadd.s32 $0xFFFFFF80  }
0x15c: {  	_ =	swait.ge [sflag:s29], $0x80  }
0x15d: {  	[sflag:s29] =	ssyncset.done $0x0  }
0x15e: {  	[sflag:s29] =	ssyncadd.s32 $0xFFFFFF80  }
0x15f: {  	_ =	swait.ge [sflag:s29], $0x80  }
0x160: {  	[sflag:s29] =	ssyncset.done $0x0  }
0x161: {  	[sflag:s29] =	ssyncadd.s32 $0xFFFFFF80  }
0x162: {  	_ =	swait.ge [sflag:s29], $0x80  }
0x163: {  	[sflag:s29] =	ssyncset.done $0x0  }
0x164: {  	[sflag:s29] =	ssyncadd.s32 $0xFFFFFF80  }
0x165: {  	_ =	swait.ge [sflag:s29], $0x80  }
0x166: {  	[sflag:s29] =	ssyncset.done $0x0  }
0x167: {  	[sflag:s29] =	ssyncadd.s32 $0xFFFFFF80  }
0x168: {  	_ =	swait.ge [sflag:s29], $0x80  }
0x169: {  	[sflag:s29] =	ssyncset.done $0x0  }
0x16a: {  	[sflag:s29] =	ssyncadd.s32 $0xFFFFFF80  }
0x16b: {  	_ =	swait.ge [sflag:s29], $0x80  }
0x16c: {  	[sflag:s29] =	ssyncset.done $0x0  }
0x16d: {  	[sflag:s29] =	ssyncadd.s32 $0xFFFFFF80  }
0x16e: {  	_ =	swait.ge [sflag:s29], $0x80  }
0x16f: {  	[sflag:s29] =	ssyncset.done $0x0  }
0x170: {  	[sflag:s29] =	ssyncadd.s32 $0xFFFFFF80  }
0x171: {  	_ =	swait.ge [sflag:s29], $0x80  }
0x172: {  	[sflag:s29] =	ssyncset.done $0x0  }
0x173: {  	[sflag:s29] =	ssyncadd.s32 $0xFFFFFF80  }
0x174: {  	_ =	swait.ge [sflag:s29], $0x80  }
0x175: {  	[sflag:s29] =	ssyncset.done $0x0  }
0x176: {  	[sflag:s29] =	ssyncadd.s32 $0xFFFFFF80  }
0x177: {  	_ =	swait.ge [sflag:s29], $0x80  }
0x178: {  	[sflag:s29] =	ssyncset.done $0x0  }
0x179: {  	[sflag:s29] =	ssyncadd.s32 $0xFFFFFF80  }
0x17a: {  	_ =	swait.ge [sflag:s29], $0x80  }
0x17b: {  	[sflag:s29] =	ssyncset.done $0x0  }
0x17c: {  	[sflag:s29] =	ssyncadd.s32 $0xFFFFFF80  }
0x17d: {  	_ =	swait.ge [sflag:s29], $0x80  }
0x17e: {  	[sflag:s29] =	ssyncset.done $0x0  }
0x17f: {  	[sflag:s29] =	ssyncadd.s32 $0xFFFFFF80  }
0x180: {  	_ =	swait.ge [sflag:s29], $0x80  }
0x181: {  	[sflag:s29] =	ssyncset.done $0x0  }
0x182: {  	[sflag:s29] =	ssyncadd.s32 $0xFFFFFF80  }
0x183: {  	_ =	swait.ge [sflag:s29], $0x80  }
0x184: {  	[sflag:s29] =	ssyncset.done $0x0  }
0x185: {  	[sflag:s29] =	ssyncadd.s32 $0xFFFFFF80  }
0x186: {  	_ =	swait.ge [sflag:s29], $0x80  }
0x187: {  	[sflag:s29] =	ssyncset.done $0x0  }
0x188: {  	[sflag:s29] =	ssyncadd.s32 $0xFFFFFF80  }
0x189: {  	_ =	swait.ge [sflag:s29], $0x80  }
0x18a: {  	[sflag:s29] =	ssyncset.done $0x0  }
0x18b: {  	[sflag:s29] =	ssyncadd.s32 $0xFFFFFF80  }
0x18c: {  	_ =	swait.ge [sflag:s29], $0x80  }
0x18d: {  	[sflag:s29] =	ssyncset.done $0x0  }
0x18e: {  	[sflag:s29] =	ssyncadd.s32 $0xFFFFFF80  }
0x18f: {  	_ =	swait.ge [sflag:s29], $0x80  }
0x190: {  	[sflag:s29] =	ssyncset.done $0x0  }
0x191: {  	[sflag:s29] =	ssyncadd.s32 $0xFFFFFF80  }
0x192: {  	_ =	swait.ge [sflag:s29], $0x80  }
0x193: {  	[sflag:s29] =	ssyncset.done $0x0  }
0x194: {  	[sflag:s29] =	ssyncadd.s32 $0xFFFFFF80  }
0x195: {  	_ =	swait.ge [sflag:s29], $0x80  }
0x196: {  	[sflag:s29] =	ssyncset.done $0x0  }
0x197: {  	[sflag:s29] =	ssyncadd.s32 $0xFFFFFF80  }
0x198: {  	_ =	swait.ge [sflag:s29], $0x80  }
0x199: {  	[sflag:s29] =	ssyncset.done $0x0  }
0x19a: {  	[sflag:s29] =	ssyncadd.s32 $0xFFFFFF80  }
0x19b: {  	_ =	swait.ge [sflag:s29], $0x80  }
0x19c: {  	[sflag:s29] =	ssyncset.done $0x0  }
0x19d: {  	[sflag:s29] =	ssyncadd.s32 $0xFFFFFF80  }
0x19e: {  	_ =	swait.ge [sflag:s29], $0x80  }
0x19f: {  	[sflag:s29] =	ssyncset.done $0x0  }
0x1a0: {  	[sflag:s29] =	ssyncadd.s32 $0xFFFFFF80  }
0x1a1: {  	_ =	swait.ge [sflag:s29], $0x80  }
0x1a2: {  	[sflag:s29] =	ssyncset.done $0x0  }
0x1a3: {  	[sflag:s29] =	ssyncadd.s32 $0xFFFFFF80  }
0x1a4: {  	_ =	swait.ge [sflag:s29], $0x80  }
0x1a5: {  	[sflag:s29] =	ssyncset.done $0x0  }
0x1a6: {  	[sflag:s29] =	ssyncadd.s32 $0xFFFFFF80  }
0x1a7: {  	_ =	swait.ge [sflag:s29], $0x80  }
0x1a8: {  	[sflag:s29] =	ssyncset.done $0x0  }
0x1a9: {  	[sflag:s29] =	ssyncadd.s32 $0xFFFFFF80  }
0x1aa: {  	_ =	swait.ge [sflag:s29], $0x80  }
0x1ab: {  	[sflag:s29] =	ssyncset.done $0x0  }
0x1ac: {  	[sflag:s29] =	ssyncadd.s32 $0xFFFFFF80  }
0x1ad: {  	_ =	swait.ge [sflag:s29], $0x80  }
0x1ae: {  	[sflag:s29] =	ssyncset.done $0x0  }
0x1af: {  	[sflag:s29] =	ssyncadd.s32 $0xFFFFFF80  }
0x1b0: {  	_ =	swait.ge [sflag:s29], $0x80  }
0x1b1: {  	[sflag:s29] =	ssyncset.done $0x0  }
0x1b2: {  	[sflag:s29] =	ssyncadd.s32 $0xFFFFFF80  }
0x1b3: {  	_ =	swait.ge [sflag:s29], $0x80  }
0x1b4: {  	[sflag:s29] =	ssyncset.done $0x0  }
0x1b5: {  	[sflag:s29] =	ssyncadd.s32 $0xFFFFFF80  }
0x1b6: {  	_ =	swait.ge [sflag:s29], $0x80  }
0x1b7: {  	[sflag:s29] =	ssyncset.done $0x0  }
0x1b8: {  	[sflag:s29] =	ssyncadd.s32 $0xFFFFFF80  }
0x1b9: {  	_ =	swait.ge [sflag:s29], $0x80  }
0x1ba: {  	[sflag:s29] =	ssyncset.done $0x0  }
0x1bb: {  	[sflag:s29] =	ssyncadd.s32 $0xFFFFFF80  }
0x1bc: {  	_ =	swait.ge [sflag:s29], $0x80  }
0x1bd: {  	[sflag:s29] =	ssyncset.done $0x0  }
0x1be: {  	[sflag:s29] =	ssyncadd.s32 $0xFFFFFF80  }
0x1bf: {  	_ =	swait.ge [sflag:s29], $0x80  }
0x1c0: {  	[sflag:s29] =	ssyncset.done $0x0  }
0x1c1: {  	[sflag:s29] =	ssyncadd.s32 $0xFFFFFF80  }
0x1c2: {  	_ =	swait.ge [sflag:s29], $0x80  }
0x1c3: {  	[sflag:s29] =	ssyncset.done $0x0  }
0x1c4: {  	[sflag:s29] =	ssyncadd.s32 $0xFFFFFF80  }
0x1c5: {  	_ =	swait.ge [sflag:s29], $0x80  }
0x1c6: {  	[sflag:s29] =	ssyncset.done $0x0  }
0x1c7: {  	[sflag:s29] =	ssyncadd.s32 $0xFFFFFF80  }
0x1c8: {  	_ =	swait.ge [sflag:s29], $0x80  }
0x1c9: {  	[sflag:s29] =	ssyncset.done $0x0  }
0x1ca: {  	[sflag:s29] =	ssyncadd.s32 $0xFFFFFF80  }
0x1cb: {  	_ =	swait.ge [sflag:s29], $0x80  }
0x1cc: {  	[sflag:s29] =	ssyncset.done $0x0  }
0x1cd: {  	[sflag:s29] =	ssyncadd.s32 $0xFFFFFF80  }
0x1ce: {  	_ =	swait.ge [sflag:s29], $0x80  }
0x1cf: {  	[sflag:s29] =	ssyncset.done $0x0  }
0x1d0: {  	[sflag:s29] =	ssyncadd.s32 $0xFFFFFF80  }
0x1d1: {  	_ =	swait.ge [sflag:s29], $0x80  }
0x1d2: {  	[sflag:s29] =	ssyncset.done $0x0  }
0x1d3: {  	[sflag:s29] =	ssyncadd.s32 $0xFFFFFF80  }
0x1d4: {  	_ =	swait.ge [sflag:s29], $0x80  }
0x1d5: {  	[sflag:s29] =	ssyncset.done $0x0  }
0x1d6: {  	[sflag:s29] =	ssyncadd.s32 $0xFFFFFF80  }
0x1d7: {  	_ =	swait.ge [sflag:s29], $0x80  }
0x1d8: {  	[sflag:s29] =	ssyncset.done $0x0  }
0x1d9: {  	[sflag:s29] =	ssyncadd.s32 $0xFFFFFF80  }
0x1da: {  	_ =	swait.ge [sflag:s29], $0x80  }
0x1db: {  	[sflag:s29] =	ssyncset.done $0x0  }
0x1dc: {  	[sflag:s29] =	ssyncadd.s32 $0xFFFFFF80  }
0x1dd: {  	_ =	swait.ge [sflag:s29], $0x80  }
0x1de: {  	s31 =	sld [smem:$0x7D2];
	_ =	sdelay $0x1  }
0x1df: {  	p0 =	sne.s32 s0, $0x30;
	[sflag:s29] =	ssyncset.done $0x0  }
.Ltmp0:
0x1e0: {  	[sflag:s29] =	ssyncadd.s32 $0xFFFFFF80;
	s2 =	sadd.s32 s0, s31;
	(pc) =	sbr.rel @p0 .LBB2_2-.Ltmp0, $4  }
0x1e1: {  	[hbm4b:s2+s5] =	stream.strided.scatter [tilespmem:s5], [sflag:$0x2], $0x2000, s30, s5, $0x38;
	[tilespmem:$0x2080] =	vst v63  }
0x1e2: {  	_ =	swait.ge [sflag:s4], $0x2000  }
0x1e3: {  	[sflag:s4] =	ssyncset.done $0x0  }
0x1e4: {  	s0 =	sadd.s32 $0x10, s0;
	[sflag:s4] =	ssyncadd.s32 $0xFFFFE000  }
0x1e5: {  	s2 =	sld [smem:$0x7AE]  }
0x1e6: {  	s0 =	sld [smem:$0x7FA];
	_ =	sdelay $0x1  }
0x1e7: {  	s2 =	sadd.s32 $0x1, s2  }
0x1e8: {  	p0 =	sne.s32 s2, s0  }
.Ltmp1:
0x1e9: {  	_ = 	snop;
	(pc) =	sbr.rel @p0 .LBB2_1-.Ltmp1, $1  }
0x1ea: {  	_ =	sdelay $0x3  }
0x1eb: {  	_ =	sfence.sel $0x180000  }
0x1ec: {  	[bflag:$0x0] =	sbarrier.arrive $0xFFFF  }
0x1ed: {  	_ =	strace $0x90000047  }
0x1ee: {  	s0 =	stileid.u32;
	[bflag:$0x2] =	sbarrier.arrive $0xFFFF  }
0x1ef: {  	p0 =	sne.s32 s0, $0x0;
	s0 =	rddreg [dreg:$0x2]  }
0x1f0: {  	s0 =	sadd.s32 @!p0 $0x100000, s0  }
0x1f1: {  	[sflag:s0] =	ssyncadd.tile.s32 @!p0 $0x1;
	_ =	shalt  }
.Lfunc_end2:
_tile_overlayer_lowered:
.L_overlay_start_2:
0x1f2: {  	(tag) =	ssettag $0x2  }
0x1f3: {  	s0 =	rddreg [dreg:$0x0];
	s2 =	stileid.u32  }
0x1f4: {  	s1 =	rddreg [dreg:$0x1];
	p0 =	sne.s32 s2, $0x0  }
0x1f5: {  	s3 =	rddreg [dreg:$0x2];
	[bflag:$0x3] =	sbarrier.arrive $0xFFFF;
	s2 =	simm.s32 @!p0 $0x1C02  }
0x1f6: {  	[timem:s3], [sflag:s2] =	dma.local @!p0 [hbm:s0], s1  }
0x1f7: {  	s0 =	simm.s32 @!p0 $0x2  }
0x1f8: {  	_ =	swait.ge @!p0 [sflag:s0], s1  }
0x1f9: {  	s1 =	ssub.s32 @!p0 $0x0, s1;
	[sflag:s0] =	ssyncset.done @!p0 $0x0  }
0x1fa: {  	[sflag:s0] =	ssyncadd.s32 @!p0 s1  }
0x1fb: {  	[bflag:$0x3] =	sbarrier.arrive $0xFFFF  }
0x1fc: {  	_ =	shalt  }

</sc_bundles>
